<compile_context>
chip_gen: v7x
topology: tpu7x:2x2x1
jax: 0.10.2.dev20260603
libtpu: 0.0.44.dev20260713+nightly
codegen_flags: <defaults>
</compile_context>

<pallas_src>
import functools

import jax
import jax.numpy as jnp
from jax import lax
from jax.experimental import pallas as pl
from jax.experimental.pallas import tpu as pltpu
from jax.experimental.pallas import tpu_sc as plsc

N = 5000
R = 5
E = 64000
D_IN = 128
M = 64
OUT = 128
NC = 2
NS = 16

E_PAD = 65536
EW = E_PAD // NS
CW = 4
NCHUNK = EW // (CW * 128)
TAB = R * N
NPASS = 3
AGG_ROWS = 10240
TRASH = 10000
PER_W = AGG_ROWS // NS
ZROWS = 128
HIST_N = 10240
HIST_PW = HIST_N // NS

def _sc_mesh():
    return plsc.VectorSubcoreMesh(core_axis_name="c", subcore_axis_name="s")


def _deg_body(sidx_hbm, out_hbm, idx_v, ones_v, zb_v, hist_s):
    cid = lax.axis_index("c")
    sid = lax.axis_index("s")

    def _fill_z(i, _):
        zb_v[pl.ds(i * 16, 16)] = jnp.zeros((16,), jnp.float32)
        return 0

    lax.fori_loop(0, HIST_PW // 16, _fill_z, 0)

    def _fill_o(i, _):
        ones_v[pl.ds(i * 16, 16)] = jnp.ones((16,), jnp.float32)
        return 0

    lax.fori_loop(0, (CW * 128) // 16, _fill_o, 0)

    pltpu.sync_copy(zb_v, hist_s.at[pl.ds(sid * HIST_PW, HIST_PW)])
    plsc.subcore_barrier()

    for r in range(R):
        pltpu.sync_copy(sidx_hbm.at[cid, r, sid], idx_v)
        for c in range(NCHUNK):
            pltpu.sync_copy(ones_v, hist_s.at[idx_v.at[c]], add=True)

    plsc.subcore_barrier()
    pltpu.sync_copy(hist_s.at[pl.ds(sid * HIST_PW, HIST_PW)], zb_v)
    pltpu.sync_copy(zb_v, out_hbm.at[pl.ds(cid * HIST_N + sid * HIST_PW, HIST_PW)])


@functools.cache
def _deg_kernel():
    return pl.kernel(
        _deg_body,
        out_type=jax.ShapeDtypeStruct((NC * HIST_N,), jnp.float32),
        mesh=_sc_mesh(),
        compiler_params=pltpu.CompilerParams(use_tc_tiling_on_sc=False),
        scratch_types=[
            pltpu.VMEM((NCHUNK, CW * 128), jnp.int32),
            pltpu.VMEM((CW * 128,), jnp.float32),
            pltpu.VMEM((HIST_PW,), jnp.float32),
            pltpu.VMEM_SHARED((HIST_N,), jnp.float32),
        ],
    )


NTOT = R * NCHUNK


def _agg_body(tab_hbm, gidx_hbm, sidx_hbm, out_hbm,
              gi_v, si_v, rows_a, rows_b, zb_v, db_v, agg_s, sem_a, sem_b, gsem):
    cid = lax.axis_index("c")
    sid = lax.axis_index("s")

    def _fill_z(i, _):
        zb_v[i // 4, pl.ds((i % 4) * 16, 16)] = jnp.zeros((16,), jnp.float32)
        return 0

    lax.fori_loop(0, ZROWS * 4, _fill_z, 0)

    for p in range(NPASS):
        for c in range(PER_W // ZROWS):
            pltpu.sync_copy(zb_v, agg_s.at[pl.ds(sid * PER_W + c * ZROWS, ZROWS)])
        plsc.subcore_barrier()

        for r in range(2 * p, min(2 * p + 2, R)):
            pltpu.sync_copy(gidx_hbm.at[cid, r, sid], gi_v)
            pltpu.sync_copy(sidx_hbm.at[cid, r, sid], si_v)

            bufs = (rows_a, rows_b)
            sems = (sem_a, sem_b)
            pend = [None, None]
            for j in range(NCHUNK):
                b = j % 2
                if pend[b] is not None:
                    pend[b].wait()
                pltpu.async_copy(tab_hbm.at[gi_v.at[j]], bufs[b], gsem).wait()
                pend[b] = pltpu.async_copy(bufs[b], agg_s.at[si_v.at[j]],
                                           sems[b], add=True)
            pend[0].wait()
            pend[1].wait()

        plsc.subcore_barrier()
        for c in range(PER_W // ZROWS):
            row = sid * PER_W + c * ZROWS
            pltpu.sync_copy(agg_s.at[pl.ds(row, ZROWS)], db_v)
            pltpu.sync_copy(
                db_v,
                out_hbm.at[pl.ds((cid * NPASS + p) * AGG_ROWS + row, ZROWS)])
        if p < NPASS - 1:
            plsc.subcore_barrier()


@functools.cache
def _agg_kernel():
    return pl.kernel(
        _agg_body,
        out_type=jax.ShapeDtypeStruct((NC * NPASS * AGG_ROWS, M), jnp.float32),
        mesh=_sc_mesh(),
        compiler_params=pltpu.CompilerParams(use_tc_tiling_on_sc=False),
        scratch_types=[
            pltpu.VMEM((NCHUNK, CW * 128), jnp.int32),
            pltpu.VMEM((NCHUNK, CW * 128), jnp.int32),
            pltpu.VMEM((CW * 128, M), jnp.float32),
            pltpu.VMEM((CW * 128, M), jnp.float32),
            pltpu.VMEM((ZROWS, M), jnp.float32),
            pltpu.VMEM((ZROWS, M), jnp.float32),
            pltpu.VMEM_SHARED((AGG_ROWS, M), jnp.float32),
            pltpu.SemaphoreType.DMA,
            pltpu.SemaphoreType.DMA,
            pltpu.SemaphoreType.DMA,
        ],
    )


def _proj_body(feats_ref, w_ref, deg_ref, out_ref):
    d = deg_ref[0, 0, :N] + deg_ref[0, 0, N:2 * N]
    c = lax.rsqrt(jnp.maximum(d, 1.0))
    out_ref[0] = (
        jnp.dot(feats_ref[0], w_ref[0], preferred_element_type=jnp.float32)
        * c[:, None]
    )


def _project(feats_s, w_all, deg_sw):
    return pl.pallas_call(
        _proj_body,
        grid=(2, R),
        in_specs=[
            pl.BlockSpec((1, N, D_IN), lambda d, r: (d, 0, 0)),
            pl.BlockSpec((1, D_IN, M), lambda d, r: (r, 0, 0)),
            pl.BlockSpec((1, 1, HIST_N), lambda d, r: (d, 0, 0)),
        ],
        out_specs=pl.BlockSpec((1, N, M), lambda d, r: (d * R + r, 0, 0)),
        out_shape=jax.ShapeDtypeStruct((2 * R, N, M), jnp.float32),
    )(feats_s, w_all, deg_sw)


def _out_body(agg_ref, deg_ref, fcw_ref, fcb_ref, out_ref):
    r = pl.program_id(1)
    d = deg_ref[0, 0, :N] + deg_ref[0, 0, N:2 * N]
    c = lax.rsqrt(jnp.maximum(d, 1.0))
    x = jnp.maximum(agg_ref[0, 0] * c[:, None], 0.0)
    y = jnp.dot(x, fcw_ref[...], preferred_element_type=jnp.float32)

    @pl.when(r == 0)
    def _():
        out_ref[0] = y + fcb_ref[...]

    @pl.when(r > 0)
    def _():
        out_ref[0] += y


def _fc_out(agg, deg, fc_W, fc_b):
    return pl.pallas_call(
        _out_body,
        grid=(2, R),
        in_specs=[
            pl.BlockSpec((1, 1, N, M), lambda d, r: (d, r // 2, r % 2, 0)),
            pl.BlockSpec((1, 1, HIST_N), lambda d, r: (d, 0, 0)),
            pl.BlockSpec((M, OUT), lambda d, r: (r, 0)),
            pl.BlockSpec((1, OUT), lambda d, r: (0, 0)),
        ],
        out_specs=pl.BlockSpec((1, N, OUT), lambda d, r: (d, 0, 0)),
        out_shape=jax.ShapeDtypeStruct((2, N, OUT), jnp.float32),
    )(agg, deg, fc_W, fc_b.reshape(1, OUT))


def kernel(user_feat, item_feat, edge_index, W_r, fc_W, fc_b):
    src = edge_index[:, 0, :].astype(jnp.int32)
    dst = edge_index[:, 1, :].astype(jnp.int32)

    npad = E_PAD - E
    lane = jnp.arange(npad, dtype=jnp.int32)
    pad_gath = jnp.broadcast_to(lane % 64, (R, npad))
    pad_scat = jnp.broadcast_to(TRASH + (lane % 16), (R, npad))

    roff = (jnp.arange(R, dtype=jnp.int32) * N)[:, None]
    soff = ((jnp.arange(R, dtype=jnp.int32) % 2) * N)[:, None]
    g0 = jnp.concatenate([dst + roff, pad_gath], axis=1)
    s0 = jnp.concatenate([src + soff, pad_scat], axis=1)
    g1 = jnp.concatenate([src + roff + TAB, pad_gath], axis=1)
    s1 = jnp.concatenate([dst + soff, pad_scat], axis=1)
    gidx = jnp.stack([g0, g1]).reshape(NC, R, NS, NCHUNK, CW * 128)
    sidx = jnp.stack([s0, s1]).reshape(NC, R, NS, NCHUNK, CW * 128)

    deg = _deg_kernel()(sidx).reshape(NC, HIST_N)

    feats_s = jnp.stack([item_feat, user_feat])
    deg_sw = deg[::-1]
    tab = _project(feats_s, W_r, deg_sw.reshape(NC, 1, HIST_N)).reshape(2 * TAB, M)

    agg = _agg_kernel()(tab, gidx, sidx).reshape(NC, NPASS, AGG_ROWS, M)

    out = _fc_out(agg, deg.reshape(NC, 1, HIST_N), fc_W, fc_b)
    return out[0], out[1]

# --- scband reference (transcript-rebuilt; emitter-appended) ---
"""Pipeline reference for scband-gcmclayer-223338299479 (READ-ONLY COPY).

The authoritative reference and input builder live on the scoring server;
editing this copy changes nothing except your own understanding.
"""

import jax, jax.numpy as jnp
import numpy as np

N_USERS = 5000
N_ITEMS = 5000
R = 5
E_PER_R = 64000
D_IN = 128
MSG_PER_R = 64  # msg_units=320 with agg='stack' over 5 ratings -> 320//5 = 64
OUT_UNITS = 128


def setup_inputs(seed: int = 0) -> dict:
    key = jax.random.key(seed)
    k_u, k_i, k_e, k_w, k_fcw, k_fcb = [jax.random.fold_in(key, i) for i in range(6)]
    user_feat = jax.random.normal(k_u, (N_USERS, D_IN), dtype=jnp.float32)
    item_feat = jax.random.normal(k_i, (N_ITEMS, D_IN), dtype=jnp.float32)
    # edge_index[r, 0, :] = src user ids, edge_index[r, 1, :] = dst item ids for rating r
    edge_index = jax.random.randint(k_e, (R, 2, E_PER_R), 0, N_USERS, dtype=jnp.int64)
    # shared per-rating projection weights (share_user_item_param=True, W_r[rev-r] = W_r[r])
    xav = np.sqrt(6.0 / (D_IN + MSG_PER_R))
    W_r = jax.random.uniform(k_w, (R, D_IN, MSG_PER_R), dtype=jnp.float32, minval=-xav, maxval=xav)
    xav2 = np.sqrt(6.0 / (R * MSG_PER_R + OUT_UNITS))
    fc_W = jax.random.uniform(k_fcw, (R * MSG_PER_R, OUT_UNITS), dtype=jnp.float32, minval=-xav2, maxval=xav2)
    fc_b = jnp.zeros((OUT_UNITS,), dtype=jnp.float32)
    return {"user_feat": user_feat, "item_feat": item_feat, "edge_index": edge_index,
            "W_r": W_r, "fc_W": fc_W, "fc_b": fc_b}


def reference(user_feat, item_feat, edge_index, W_r, fc_W, fc_b):
    n_users = user_feat.shape[0]
    n_items = item_feat.shape[0]
    src = edge_index[:, 0, :]  # [R, E] user ids
    dst = edge_index[:, 1, :]  # [R, E] item ids
    # symmetric GCMC norms: c = 1/sqrt(deg) computed over all rating edge types
    deg_u = jnp.zeros((n_users,), dtype=jnp.float32).at[src.reshape(-1)].add(1.0)
    deg_i = jnp.zeros((n_items,), dtype=jnp.float32).at[dst.reshape(-1)].add(1.0)
    cu = 1.0 / jnp.sqrt(jnp.maximum(deg_u, 1.0))
    ci = 1.0 / jnp.sqrt(jnp.maximum(deg_i, 1.0))
    item_outs = []
    user_outs = []
    for r in range(R):
        W = W_r[r]
        # rating etype: user -> item
        hu = (user_feat @ W) * cu[:, None]          # project then scale by src norm cj
        msgs = jnp.take(hu, src[r], axis=0)          # gather per edge
        agg_i = jnp.zeros((n_items, MSG_PER_R), dtype=jnp.float32).at[dst[r]].add(msgs)
        agg_i = agg_i * ci[:, None]                  # dst norm ci
        item_outs.append(agg_i)
        # rev-rating etype: item -> user (shared weight)
        hi = (item_feat @ W) * ci[:, None]
        msgs2 = jnp.take(hi, dst[r], axis=0)
        agg_u = jnp.zeros((n_users, MSG_PER_R), dtype=jnp.float32).at[src[r]].add(msgs2)
        agg_u = agg_u * cu[:, None]
        user_outs.append(agg_u)
    # HeteroGraphConv aggregate='stack': [N, R, msg] -> view -> [N, R*msg]
    uf = jnp.stack(user_outs, axis=1).reshape(n_users, -1)
    itf = jnp.stack(item_outs, axis=1).reshape(n_items, -1)
    uf = jax.nn.relu(uf)
    itf = jax.nn.relu(itf)
    # dropout_rate=0 -> identity; shared FC (ifc = ufc since share_user_item_param=True)
    uf = uf @ fc_W + fc_b
    itf = itf @ fc_W + fc_b
    # out_act=None -> identity
    return uf, itf

if __name__ == "__main__":
    import jax
    _d = setup_inputs()
    print(jax.jit(kernel)(*tuple(_d.values())))

</pallas_src>

<mosaic_0001>
#map = affine_map<(d0, d1) -> (0, 0, 0, 0, 0)>
#map1 = affine_map<(d0, d1) -> (0)>
module attributes {stable_mosaic.version = 14 : i64} {
  func.func @_deg_body(%arg0: i32, %arg1: i32, %arg2: memref<2x5x16x8x512xi32, #tpu.memory_space<hbm>>, %arg3: memref<20480xf32, #tpu.memory_space<hbm>>, %arg4: memref<8x512xi32, #tpu.memory_space<vmem>>, %arg5: memref<512xf32, #tpu.memory_space<vmem>>, %arg6: memref<640xf32, #tpu.memory_space<vmem>>, %arg7: memref<10240xf32, #tpu.memory_space<vmem_shared>>) attributes {dimension_semantics = [#tpu.dimension_semantics<core_parallel>, #tpu.dimension_semantics<subcore_parallel>], iteration_bounds = array<i64: 2, 16>, scalar_prefetch = 0 : i64, scratch_operands = 4 : i64, tpu.core_type = #tpu.core_type<sc_vector_subcore>, window_params = [{transform_indices = #map}, {transform_indices = #map1}]} {
    %scan3A = arith.constant 0 : i32
    %scan3A_0 = arith.constant 0 : i32
    %scan3A_1 = arith.constant 40 : i32
    %scan3A_2 = arith.addi %scan3A_0, %scan3A_1 : i32
    %scan3A_3 = arith.constant 1 : i32
    %scan3A_4 = scf.for %scan3A_65 = %scan3A_0 to %scan3A_2 step %scan3A_3 iter_args(%scan3A_66 = %scan3A) -> (i32)  : i32 {
      %broadcast_in_dim3A = arith.constant 0.000000e+00 : f32
      %broadcast_in_dim3A_67 = vector.broadcast %broadcast_in_dim3A : f32 to vector<16xf32>
      %mul3A_68 = arith.constant 16 : i32
      %mul3A_69 = arith.muli %scan3A_65, %mul3A_68 : i32
      %swap3A = arith.index_cast %mul3A_69 : i32 to index
      %swap3A_70 = tpu.vector_load %arg6[%swap3A] {strides = array<i32>} : memref<640xf32, #tpu.memory_space<vmem>>, vector<16xf32>,
      %swap3A_71 = vector.shape_cast %swap3A_70 : vector<16xf32> to vector<16xf32>
      %swap3A_72 = vector.shape_cast %broadcast_in_dim3A_67 : vector<16xf32> to vector<16xf32>
      tpu.vector_store %arg6[%swap3A], %swap3A_72 {strides = array<i32>} : memref<640xf32, #tpu.memory_space<vmem>>, vector<16xf32>,
      %scan3A_73 = arith.constant 0 : i32
      scf.yield %scan3A_73 : i32
    }
    %scan3A_5 = arith.constant 40 : i32
    %scan3A_6 = arith.constant 0 : i32
    %scan3A_7 = arith.constant 0 : i32
    %scan3A_8 = arith.constant 32 : i32
    %scan3A_9 = arith.addi %scan3A_7, %scan3A_8 : i32
    %scan3A_10 = arith.constant 1 : i32
    %scan3A_11 = scf.for %scan3A_65 = %scan3A_7 to %scan3A_9 step %scan3A_10 iter_args(%scan3A_66 = %scan3A_6) -> (i32)  : i32 {
      %broadcast_in_dim3A = arith.constant 1.000000e+00 : f32
      %broadcast_in_dim3A_67 = vector.broadcast %broadcast_in_dim3A : f32 to vector<16xf32>
      %mul3A_68 = arith.constant 16 : i32
      %mul3A_69 = arith.muli %scan3A_65, %mul3A_68 : i32
      %swap3A = arith.index_cast %mul3A_69 : i32 to index
      %swap3A_70 = tpu.vector_load %arg5[%swap3A] {strides = array<i32>} : memref<512xf32, #tpu.memory_space<vmem>>, vector<16xf32>,
      %swap3A_71 = vector.shape_cast %swap3A_70 : vector<16xf32> to vector<16xf32>
      %swap3A_72 = vector.shape_cast %broadcast_in_dim3A_67 : vector<16xf32> to vector<16xf32>
      tpu.vector_store %arg5[%swap3A], %swap3A_72 {strides = array<i32>} : memref<512xf32, #tpu.memory_space<vmem>>, vector<16xf32>,
      %scan3A_73 = arith.constant 0 : i32
      scf.yield %scan3A_73 : i32
    }
    %scan3A_12 = arith.constant 32 : i32
    %mul3A = arith.constant 640 : i32
    %mul3A_13 = arith.muli %arg1, %mul3A : i32
    "tpu.region"() ({
      %run_scoped3A_65 = tpu.sem_alloc : memref<!tpu.dma_semaphore, #tpu.memory_space<semaphore_mem>>
      %dma_start3A = tpu.memref_slice %arg7[%mul3A_13] : memref<10240xf32, #tpu.memory_space<vmem_shared>> -> memref<640xf32, #tpu.memory_space<vmem_shared>>
      %dma_start3A_66 = tpu.memref_slice %arg7[%mul3A_13] : memref<10240xf32, #tpu.memory_space<vmem_shared>> -> memref<640xf32, #tpu.memory_space<vmem_shared>>
      tpu.enqueue_dma source(%arg6 : memref<640xf32, #tpu.memory_space<vmem>>) target(%dma_start3A_66 : memref<640xf32, #tpu.memory_space<vmem_shared>>) target_semaphore(%run_scoped3A_65 : memref<!tpu.dma_semaphore, #tpu.memory_space<semaphore_mem>>)
      %dma_wait3A = tpu.memref_slice %arg7[%mul3A_13] : memref<10240xf32, #tpu.memory_space<vmem_shared>> -> memref<640xf32, #tpu.memory_space<vmem_shared>>
      %dma_wait3A_67 = tpu.memref_slice %arg7[%mul3A_13] : memref<10240xf32, #tpu.memory_space<vmem_shared>> -> memref<640xf32, #tpu.memory_space<vmem_shared>>
      tpu.wait_dma2 semaphore(%run_scoped3A_65 : memref<!tpu.dma_semaphore, #tpu.memory_space<semaphore_mem>>) src(%arg6 : memref<640xf32, #tpu.memory_space<vmem>>) dst(%dma_wait3A_67 : memref<640xf32, #tpu.memory_space<vmem_shared>>)
      tpu.yield
    }) : () -> ()
    %barrier3A = arith.constant 0 : index
    tpu.barrier barrier_id(%barrier3A)
    %run_scoped3A = arith.constant 0 : i32
    "tpu.region"() ({
      %run_scoped3A_65 = tpu.sem_alloc : memref<!tpu.dma_semaphore, #tpu.memory_space<semaphore_mem>>
      %dma_start3A = arith.constant 0 : i32
      %dma_start3A_66 = arith.constant 0 : i32
      %dma_start3A_67 = tpu.memref_slice %arg2[%arg0, %run_scoped3A, %arg1, %dma_start3A, %dma_start3A_66] : memref<2x5x16x8x512xi32, #tpu.memory_space<hbm>> -> memref<1x1x1x8x512xi32, #tpu.memory_space<hbm>>
      %dma_start3A_68 = tpu.memref_squeeze %dma_start3A_67 : memref<1x1x1x8x512xi32, #tpu.memory_space<hbm>> -> memref<8x512xi32, #tpu.memory_space<hbm>>
      %dma_start3A_69 = arith.constant 0 : i32
      %dma_start3A_70 = arith.constant 0 : i32
      %dma_start3A_71 = tpu.memref_slice %arg2[%arg0, %run_scoped3A, %arg1, %dma_start3A_69, %dma_start3A_70] : memref<2x5x16x8x512xi32, #tpu.memory_space<hbm>> -> memref<1x1x1x8x512xi32, #tpu.memory_space<hbm>>
      %dma_start3A_72 = tpu.memref_squeeze %dma_start3A_71 : memref<1x1x1x8x512xi32, #tpu.memory_space<hbm>> -> memref<8x512xi32, #tpu.memory_space<hbm>>
      tpu.enqueue_dma source(%dma_start3A_72 : memref<8x512xi32, #tpu.memory_space<hbm>>) target(%arg4 : memref<8x512xi32, #tpu.memory_space<vmem>>) target_semaphore(%run_scoped3A_65 : memref<!tpu.dma_semaphore, #tpu.memory_space<semaphore_mem>>)
      %dma_wait3A = arith.constant 0 : i32
      %dma_wait3A_73 = arith.constant 0 : i32
      %dma_wait3A_74 = tpu.memref_slice %arg2[%arg0, %run_scoped3A, %arg1, %dma_wait3A, %dma_wait3A_73] : memref<2x5x16x8x512xi32, #tpu.memory_space<hbm>> -> memref<1x1x1x8x512xi32, #tpu.memory_space<hbm>>
      %dma_wait3A_75 = tpu.memref_squeeze %dma_wait3A_74 : memref<1x1x1x8x512xi32, #tpu.memory_space<hbm>> -> memref<8x512xi32, #tpu.memory_space<hbm>>
      %dma_wait3A_76 = arith.constant 0 : i32
      %dma_wait3A_77 = arith.constant 0 : i32
      %dma_wait3A_78 = tpu.memref_slice %arg2[%arg0, %run_scoped3A, %arg1, %dma_wait3A_76, %dma_wait3A_77] : memref<2x5x16x8x512xi32, #tpu.memory_space<hbm>> -> memref<1x1x1x8x512xi32, #tpu.memory_space<hbm>>
      %dma_wait3A_79 = tpu.memref_squeeze %dma_wait3A_78 : memref<1x1x1x8x512xi32, #tpu.memory_space<hbm>> -> memref<8x512xi32, #tpu.memory_space<hbm>>
      tpu.wait_dma2 semaphore(%run_scoped3A_65 : memref<!tpu.dma_semaphore, #tpu.memory_space<semaphore_mem>>) src(%dma_wait3A_79 : memref<8x512xi32, #tpu.memory_space<hbm>>) dst(%arg4 : memref<8x512xi32, #tpu.memory_space<vmem>>)
      tpu.yield
    }) : () -> ()
    %run_scoped3A_14 = arith.constant 0 : i32
    "tpu.region"() ({
      %run_scoped3A_65 = tpu.sem_alloc : memref<!tpu.dma_semaphore, #tpu.memory_space<semaphore_mem>>
      %dma_start3A = arith.constant 0 : i32
      %dma_start3A_66 = tpu.memref_slice %arg4[%run_scoped3A_14, %dma_start3A] : memref<8x512xi32, #tpu.memory_space<vmem>> -> memref<1x512xi32, #tpu.memory_space<vmem>>
      %dma_start3A_67 = tpu.memref_squeeze %dma_start3A_66 : memref<1x512xi32, #tpu.memory_space<vmem>> -> memref<512xi32, #tpu.memory_space<vmem>>
      %dma_start3A_68 = arith.constant 0 : i32
      %dma_start3A_69 = tpu.memref_slice %arg7[%dma_start3A_68] : memref<10240xf32, #tpu.memory_space<vmem_shared>> -> memref<10240xf32, #tpu.memory_space<vmem_shared>>
      tpu.enqueue_indirect_dma source(%arg5 : memref<512xf32, #tpu.memory_space<vmem>>) target(%dma_start3A_69 : memref<10240xf32, #tpu.memory_space<vmem_shared>>) offsets(%dma_start3A_67 : memref<512xi32, #tpu.memory_space<vmem>>) semaphore(%run_scoped3A_65 : memref<!tpu.dma_semaphore, #tpu.memory_space<semaphore_mem>>) {add = true}
      %dma_wait3A = arith.constant 0 : i32
      %dma_wait3A_70 = tpu.memref_slice %arg4[%run_scoped3A_14, %dma_wait3A] : memref<8x512xi32, #tpu.memory_space<vmem>> -> memref<1x512xi32, #tpu.memory_space<vmem>>
      %dma_wait3A_71 = tpu.memref_squeeze %dma_wait3A_70 : memref<1x512xi32, #tpu.memory_space<vmem>> -> memref<512xi32, #tpu.memory_space<vmem>>
      %dma_wait3A_72 = arith.constant 0 : i32
      %dma_wait3A_73 = tpu.memref_slice %arg7[%dma_wait3A_72] : memref<10240xf32, #tpu.memory_space<vmem_shared>> -> memref<10240xf32, #tpu.memory_space<vmem_shared>>
      tpu.wait_indirect_dma semaphore(%run_scoped3A_65 : memref<!tpu.dma_semaphore, #tpu.memory_space<semaphore_mem>>) src(%arg5 : memref<512xf32, #tpu.memory_space<vmem>>) dst(%dma_wait3A_73 : memref<10240xf32, #tpu.memory_space<vmem_shared>>)
      tpu.yield
    }) : () -> ()
    %run_scoped3A_15 = arith.constant 1 : i32
    "tpu.region"() ({
      %run_scoped3A_65 = tpu.sem_alloc : memref<!tpu.dma_semaphore, #tpu.memory_space<semaphore_mem>>
      %dma_start3A = arith.constant 0 : i32
      %dma_start3A_66 = tpu.memref_slice %arg4[%run_scoped3A_15, %dma_start3A] : memref<8x512xi32, #tpu.memory_space<vmem>> -> memref<1x512xi32, #tpu.memory_space<vmem>>
      %dma_start3A_67 = tpu.memref_squeeze %dma_start3A_66 : memref<1x512xi32, #tpu.memory_space<vmem>> -> memref<512xi32, #tpu.memory_space<vmem>>
      %dma_start3A_68 = arith.constant 0 : i32
      %dma_start3A_69 = tpu.memref_slice %arg7[%dma_start3A_68] : memref<10240xf32, #tpu.memory_space<vmem_shared>> -> memref<10240xf32, #tpu.memory_space<vmem_shared>>
      tpu.enqueue_indirect_dma source(%arg5 : memref<512xf32, #tpu.memory_space<vmem>>) target(%dma_start3A_69 : memref<10240xf32, #tpu.memory_space<vmem_shared>>) offsets(%dma_start3A_67 : memref<512xi32, #tpu.memory_space<vmem>>) semaphore(%run_scoped3A_65 : memref<!tpu.dma_semaphore, #tpu.memory_space<semaphore_mem>>) {add = true}
      %dma_wait3A = arith.constant 0 : i32
      %dma_wait3A_70 = tpu.memref_slice %arg4[%run_scoped3A_15, %dma_wait3A] : memref<8x512xi32, #tpu.memory_space<vmem>> -> memref<1x512xi32, #tpu.memory_space<vmem>>
      %dma_wait3A_71 = tpu.memref_squeeze %dma_wait3A_70 : memref<1x512xi32, #tpu.memory_space<vmem>> -> memref<512xi32, #tpu.memory_space<vmem>>
      %dma_wait3A_72 = arith.constant 0 : i32
      %dma_wait3A_73 = tpu.memref_slice %arg7[%dma_wait3A_72] : memref<10240xf32, #tpu.memory_space<vmem_shared>> -> memref<10240xf32, #tpu.memory_space<vmem_shared>>
      tpu.wait_indirect_dma semaphore(%run_scoped3A_65 : memref<!tpu.dma_semaphore, #tpu.memory_space<semaphore_mem>>) src(%arg5 : memref<512xf32, #tpu.memory_space<vmem>>) dst(%dma_wait3A_73 : memref<10240xf32, #tpu.memory_space<vmem_shared>>)
      tpu.yield
    }) : () -> ()
    %run_scoped3A_16 = arith.constant 2 : i32
    "tpu.region"() ({
      %run_scoped3A_65 = tpu.sem_alloc : memref<!tpu.dma_semaphore, #tpu.memory_space<semaphore_mem>>
      %dma_start3A = arith.constant 0 : i32
      %dma_start3A_66 = tpu.memref_slice %arg4[%run_scoped3A_16, %dma_start3A] : memref<8x512xi32, #tpu.memory_space<vmem>> -> memref<1x512xi32, #tpu.memory_space<vmem>>
      %dma_start3A_67 = tpu.memref_squeeze %dma_start3A_66 : memref<1x512xi32, #tpu.memory_space<vmem>> -> memref<512xi32, #tpu.memory_space<vmem>>
      %dma_start3A_68 = arith.constant 0 : i32
      %dma_start3A_69 = tpu.memref_slice %arg7[%dma_start3A_68] : memref<10240xf32, #tpu.memory_space<vmem_shared>> -> memref<10240xf32, #tpu.memory_space<vmem_shared>>
      tpu.enqueue_indirect_dma source(%arg5 : memref<512xf32, #tpu.memory_space<vmem>>) target(%dma_start3A_69 : memref<10240xf32, #tpu.memory_space<vmem_shared>>) offsets(%dma_start3A_67 : memref<512xi32, #tpu.memory_space<vmem>>) semaphore(%run_scoped3A_65 : memref<!tpu.dma_semaphore, #tpu.memory_space<semaphore_mem>>) {add = true}
      %dma_wait3A = arith.constant 0 : i32
      %dma_wait3A_70 = tpu.memref_slice %arg4[%run_scoped3A_16, %dma_wait3A] : memref<8x512xi32, #tpu.memory_space<vmem>> -> memref<1x512xi32, #tpu.memory_space<vmem>>
      %dma_wait3A_71 = tpu.memref_squeeze %dma_wait3A_70 : memref<1x512xi32, #tpu.memory_space<vmem>> -> memref<512xi32, #tpu.memory_space<vmem>>
      %dma_wait3A_72 = arith.constant 0 : i32
      %dma_wait3A_73 = tpu.memref_slice %arg7[%dma_wait3A_72] : memref<10240xf32, #tpu.memory_space<vmem_shared>> -> memref<10240xf32, #tpu.memory_space<vmem_shared>>
      tpu.wait_indirect_dma semaphore(%run_scoped3A_65 : memref<!tpu.dma_semaphore, #tpu.memory_space<semaphore_mem>>) src(%arg5 : memref<512xf32, #tpu.memory_space<vmem>>) dst(%dma_wait3A_73 : memref<10240xf32, #tpu.memory_space<vmem_shared>>)
      tpu.yield
    }) : () -> ()
    %run_scoped3A_17 = arith.constant 3 : i32
    "tpu.region"() ({
      %run_scoped3A_65 = tpu.sem_alloc : memref<!tpu.dma_semaphore, #tpu.memory_space<semaphore_mem>>
      %dma_start3A = arith.constant 0 : i32
      %dma_start3A_66 = tpu.memref_slice %arg4[%run_scoped3A_17, %dma_start3A] : memref<8x512xi32, #tpu.memory_space<vmem>> -> memref<1x512xi32, #tpu.memory_space<vmem>>
      %dma_start3A_67 = tpu.memref_squeeze %dma_start3A_66 : memref<1x512xi32, #tpu.memory_space<vmem>> -> memref<512xi32, #tpu.memory_space<vmem>>
      %dma_start3A_68 = arith.constant 0 : i32
      %dma_start3A_69 = tpu.memref_slice %arg7[%dma_start3A_68] : memref<10240xf32, #tpu.memory_space<vmem_shared>> -> memref<10240xf32, #tpu.memory_space<vmem_shared>>
      tpu.enqueue_indirect_dma source(%arg5 : memref<512xf32, #tpu.memory_space<vmem>>) target(%dma_start3A_69 : memref<10240xf32, #tpu.memory_space<vmem_shared>>) offsets(%dma_start3A_67 : memref<512xi32, #tpu.memory_space<vmem>>) semaphore(%run_scoped3A_65 : memref<!tpu.dma_semaphore, #tpu.memory_space<semaphore_mem>>) {add = true}
      %dma_wait3A = arith.constant 0 : i32
      %dma_wait3A_70 = tpu.memref_slice %arg4[%run_scoped3A_17, %dma_wait3A] : memref<8x512xi32, #tpu.memory_space<vmem>> -> memref<1x512xi32, #tpu.memory_space<vmem>>
      %dma_wait3A_71 = tpu.memref_squeeze %dma_wait3A_70 : memref<1x512xi32, #tpu.memory_space<vmem>> -> memref<512xi32, #tpu.memory_space<vmem>>
      %dma_wait3A_72 = arith.constant 0 : i32
      %dma_wait3A_73 = tpu.memref_slice %arg7[%dma_wait3A_72] : memref<10240xf32, #tpu.memory_space<vmem_shared>> -> memref<10240xf32, #tpu.memory_space<vmem_shared>>
      tpu.wait_indirect_dma semaphore(%run_scoped3A_65 : memref<!tpu.dma_semaphore, #tpu.memory_space<semaphore_mem>>) src(%arg5 : memref<512xf32, #tpu.memory_space<vmem>>) dst(%dma_wait3A_73 : memref<10240xf32, #tpu.memory_space<vmem_shared>>)
      tpu.yield
    }) : () -> ()
    %run_scoped3A_18 = arith.constant 4 : i32
    "tpu.region"() ({
      %run_scoped3A_65 = tpu.sem_alloc : memref<!tpu.dma_semaphore, #tpu.memory_space<semaphore_mem>>
      %dma_start3A = arith.constant 0 : i32
      %dma_start3A_66 = tpu.memref_slice %arg4[%run_scoped3A_18, %dma_start3A] : memref<8x512xi32, #tpu.memory_space<vmem>> -> memref<1x512xi32, #tpu.memory_space<vmem>>
      %dma_start3A_67 = tpu.memref_squeeze %dma_start3A_66 : memref<1x512xi32, #tpu.memory_space<vmem>> -> memref<512xi32, #tpu.memory_space<vmem>>
      %dma_start3A_68 = arith.constant 0 : i32
      %dma_start3A_69 = tpu.memref_slice %arg7[%dma_start3A_68] : memref<10240xf32, #tpu.memory_space<vmem_shared>> -> memref<10240xf32, #tpu.memory_space<vmem_shared>>
      tpu.enqueue_indirect_dma source(%arg5 : memref<512xf32, #tpu.memory_space<vmem>>) target(%dma_start3A_69 : memref<10240xf32, #tpu.memory_space<vmem_shared>>) offsets(%dma_start3A_67 : memref<512xi32, #tpu.memory_space<vmem>>) semaphore(%run_scoped3A_65 : memref<!tpu.dma_semaphore, #tpu.memory_space<semaphore_mem>>) {add = true}
      %dma_wait3A = arith.constant 0 : i32
      %dma_wait3A_70 = tpu.memref_slice %arg4[%run_scoped3A_18, %dma_wait3A] : memref<8x512xi32, #tpu.memory_space<vmem>> -> memref<1x512xi32, #tpu.memory_space<vmem>>
      %dma_wait3A_71 = tpu.memref_squeeze %dma_wait3A_70 : memref<1x512xi32, #tpu.memory_space<vmem>> -> memref<512xi32, #tpu.memory_space<vmem>>
      %dma_wait3A_72 = arith.constant 0 : i32
      %dma_wait3A_73 = tpu.memref_slice %arg7[%dma_wait3A_72] : memref<10240xf32, #tpu.memory_space<vmem_shared>> -> memref<10240xf32, #tpu.memory_space<vmem_shared>>
      tpu.wait_indirect_dma semaphore(%run_scoped3A_65 : memref<!tpu.dma_semaphore, #tpu.memory_space<semaphore_mem>>) src(%arg5 : memref<512xf32, #tpu.memory_space<vmem>>) dst(%dma_wait3A_73 : memref<10240xf32, #tpu.memory_space<vmem_shared>>)
      tpu.yield
    }) : () -> ()
    %run_scoped3A_19 = arith.constant 5 : i32
    "tpu.region"() ({
      %run_scoped3A_65 = tpu.sem_alloc : memref<!tpu.dma_semaphore, #tpu.memory_space<semaphore_mem>>
      %dma_start3A = arith.constant 0 : i32
      %dma_start3A_66 = tpu.memref_slice %arg4[%run_scoped3A_19, %dma_start3A] : memref<8x512xi32, #tpu.memory_space<vmem>> -> memref<1x512xi32, #tpu.memory_space<vmem>>
      %dma_start3A_67 = tpu.memref_squeeze %dma_start3A_66 : memref<1x512xi32, #tpu.memory_space<vmem>> -> memref<512xi32, #tpu.memory_space<vmem>>
      %dma_start3A_68 = arith.constant 0 : i32
      %dma_start3A_69 = tpu.memref_slice %arg7[%dma_start3A_68] : memref<10240xf32, #tpu.memory_space<vmem_shared>> -> memref<10240xf32, #tpu.memory_space<vmem_shared>>
      tpu.enqueue_indirect_dma source(%arg5 : memref<512xf32, #tpu.memory_space<vmem>>) target(%dma_start3A_69 : memref<10240xf32, #tpu.memory_space<vmem_shared>>) offsets(%dma_start3A_67 : memref<512xi32, #tpu.memory_space<vmem>>) semaphore(%run_scoped3A_65 : memref<!tpu.dma_semaphore, #tpu.memory_space<semaphore_mem>>) {add = true}
      %dma_wait3A = arith.constant 0 : i32
      %dma_wait3A_70 = tpu.memref_slice %arg4[%run_scoped3A_19, %dma_wait3A] : memref<8x512xi32, #tpu.memory_space<vmem>> -> memref<1x512xi32, #tpu.memory_space<vmem>>
      %dma_wait3A_71 = tpu.memref_squeeze %dma_wait3A_70 : memref<1x512xi32, #tpu.memory_space<vmem>> -> memref<512xi32, #tpu.memory_space<vmem>>
      %dma_wait3A_72 = arith.constant 0 : i32
      %dma_wait3A_73 = tpu.memref_slice %arg7[%dma_wait3A_72] : memref<10240xf32, #tpu.memory_space<vmem_shared>> -> memref<10240xf32, #tpu.memory_space<vmem_shared>>
      tpu.wait_indirect_dma semaphore(%run_scoped3A_65 : memref<!tpu.dma_semaphore, #tpu.memory_space<semaphore_mem>>) src(%arg5 : memref<512xf32, #tpu.memory_space<vmem>>) dst(%dma_wait3A_73 : memref<10240xf32, #tpu.memory_space<vmem_shared>>)
      tpu.yield
    }) : () -> ()
    %run_scoped3A_20 = arith.constant 6 : i32
    "tpu.region"() ({
      %run_scoped3A_65 = tpu.sem_alloc : memref<!tpu.dma_semaphore, #tpu.memory_space<semaphore_mem>>
      %dma_start3A = arith.constant 0 : i32
      %dma_start3A_66 = tpu.memref_slice %arg4[%run_scoped3A_20, %dma_start3A] : memref<8x512xi32, #tpu.memory_space<vmem>> -> memref<1x512xi32, #tpu.memory_space<vmem>>
      %dma_start3A_67 = tpu.memref_squeeze %dma_start3A_66 : memref<1x512xi32, #tpu.memory_space<vmem>> -> memref<512xi32, #tpu.memory_space<vmem>>
      %dma_start3A_68 = arith.constant 0 : i32
      %dma_start3A_69 = tpu.memref_slice %arg7[%dma_start3A_68] : memref<10240xf32, #tpu.memory_space<vmem_shared>> -> memref<10240xf32, #tpu.memory_space<vmem_shared>>
      tpu.enqueue_indirect_dma source(%arg5 : memref<512xf32, #tpu.memory_space<vmem>>) target(%dma_start3A_69 : memref<10240xf32, #tpu.memory_space<vmem_shared>>) offsets(%dma_start3A_67 : memref<512xi32, #tpu.memory_space<vmem>>) semaphore(%run_scoped3A_65 : memref<!tpu.dma_semaphore, #tpu.memory_space<semaphore_mem>>) {add = true}
      %dma_wait3A = arith.constant 0 : i32
      %dma_wait3A_70 = tpu.memref_slice %arg4[%run_scoped3A_20, %dma_wait3A] : memref<8x512xi32, #tpu.memory_space<vmem>> -> memref<1x512xi32, #tpu.memory_space<vmem>>
      %dma_wait3A_71 = tpu.memref_squeeze %dma_wait3A_70 : memref<1x512xi32, #tpu.memory_space<vmem>> -> memref<512xi32, #tpu.memory_space<vmem>>
      %dma_wait3A_72 = arith.constant 0 : i32
      %dma_wait3A_73 = tpu.memref_slice %arg7[%dma_wait3A_72] : memref<10240xf32, #tpu.memory_space<vmem_shared>> -> memref<10240xf32, #tpu.memory_space<vmem_shared>>
      tpu.wait_indirect_dma semaphore(%run_scoped3A_65 : memref<!tpu.dma_semaphore, #tpu.memory_space<semaphore_mem>>) src(%arg5 : memref<512xf32, #tpu.memory_space<vmem>>) dst(%dma_wait3A_73 : memref<10240xf32, #tpu.memory_space<vmem_shared>>)
      tpu.yield
    }) : () -> ()
    %run_scoped3A_21 = arith.constant 7 : i32
    "tpu.region"() ({
      %run_scoped3A_65 = tpu.sem_alloc : memref<!tpu.dma_semaphore, #tpu.memory_space<semaphore_mem>>
      %dma_start3A = arith.constant 0 : i32
      %dma_start3A_66 = tpu.memref_slice %arg4[%run_scoped3A_21, %dma_start3A] : memref<8x512xi32, #tpu.memory_space<vmem>> -> memref<1x512xi32, #tpu.memory_space<vmem>>
      %dma_start3A_67 = tpu.memref_squeeze %dma_start3A_66 : memref<1x512xi32, #tpu.memory_space<vmem>> -> memref<512xi32, #tpu.memory_space<vmem>>
      %dma_start3A_68 = arith.constant 0 : i32
      %dma_start3A_69 = tpu.memref_slice %arg7[%dma_start3A_68] : memref<10240xf32, #tpu.memory_space<vmem_shared>> -> memref<10240xf32, #tpu.memory_space<vmem_shared>>
      tpu.enqueue_indirect_dma source(%arg5 : memref<512xf32, #tpu.memory_space<vmem>>) target(%dma_start3A_69 : memref<10240xf32, #tpu.memory_space<vmem_shared>>) offsets(%dma_start3A_67 : memref<512xi32, #tpu.memory_space<vmem>>) semaphore(%run_scoped3A_65 : memref<!tpu.dma_semaphore, #tpu.memory_space<semaphore_mem>>) {add = true}
      %dma_wait3A = arith.constant 0 : i32
      %dma_wait3A_70 = tpu.memref_slice %arg4[%run_scoped3A_21, %dma_wait3A] : memref<8x512xi32, #tpu.memory_space<vmem>> -> memref<1x512xi32, #tpu.memory_space<vmem>>
      %dma_wait3A_71 = tpu.memref_squeeze %dma_wait3A_70 : memref<1x512xi32, #tpu.memory_space<vmem>> -> memref<512xi32, #tpu.memory_space<vmem>>
      %dma_wait3A_72 = arith.constant 0 : i32
      %dma_wait3A_73 = tpu.memref_slice %arg7[%dma_wait3A_72] : memref<10240xf32, #tpu.memory_space<vmem_shared>> -> memref<10240xf32, #tpu.memory_space<vmem_shared>>
      tpu.wait_indirect_dma semaphore(%run_scoped3A_65 : memref<!tpu.dma_semaphore, #tpu.memory_space<semaphore_mem>>) src(%arg5 : memref<512xf32, #tpu.memory_space<vmem>>) dst(%dma_wait3A_73 : memref<10240xf32, #tpu.memory_space<vmem_shared>>)
      tpu.yield
    }) : () -> ()
    %run_scoped3A_22 = arith.constant 1 : i32
    "tpu.region"() ({
      %run_scoped3A_65 = tpu.sem_alloc : memref<!tpu.dma_semaphore, #tpu.memory_space<semaphore_mem>>
      %dma_start3A = arith.constant 0 : i32
      %dma_start3A_66 = arith.constant 0 : i32
      %dma_start3A_67 = tpu.memref_slice %arg2[%arg0, %run_scoped3A_22, %arg1, %dma_start3A, %dma_start3A_66] : memref<2x5x16x8x512xi32, #tpu.memory_space<hbm>> -> memref<1x1x1x8x512xi32, #tpu.memory_space<hbm>>
      %dma_start3A_68 = tpu.memref_squeeze %dma_start3A_67 : memref<1x1x1x8x512xi32, #tpu.memory_space<hbm>> -> memref<8x512xi32, #tpu.memory_space<hbm>>
      %dma_start3A_69 = arith.constant 0 : i32
      %dma_start3A_70 = arith.constant 0 : i32
      %dma_start3A_71 = tpu.memref_slice %arg2[%arg0, %run_scoped3A_22, %arg1, %dma_start3A_69, %dma_start3A_70] : memref<2x5x16x8x512xi32, #tpu.memory_space<hbm>> -> memref<1x1x1x8x512xi32, #tpu.memory_space<hbm>>
      %dma_start3A_72 = tpu.memref_squeeze %dma_start3A_71 : memref<1x1x1x8x512xi32, #tpu.memory_space<hbm>> -> memref<8x512xi32, #tpu.memory_space<hbm>>
      tpu.enqueue_dma source(%dma_start3A_72 : memref<8x512xi32, #tpu.memory_space<hbm>>) target(%arg4 : memref<8x512xi32, #tpu.memory_space<vmem>>) target_semaphore(%run_scoped3A_65 : memref<!tpu.dma_semaphore, #tpu.memory_space<semaphore_mem>>)
      %dma_wait3A = arith.constant 0 : i32
      %dma_wait3A_73 = arith.constant 0 : i32
      %dma_wait3A_74 = tpu.memref_slice %arg2[%arg0, %run_scoped3A_22, %arg1, %dma_wait3A, %dma_wait3A_73] : memref<2x5x16x8x512xi32, #tpu.memory_space<hbm>> -> memref<1x1x1x8x512xi32, #tpu.memory_space<hbm>>
      %dma_wait3A_75 = tpu.memref_squeeze %dma_wait3A_74 : memref<1x1x1x8x512xi32, #tpu.memory_space<hbm>> -> memref<8x512xi32, #tpu.memory_space<hbm>>
      %dma_wait3A_76 = arith.constant 0 : i32
      %dma_wait3A_77 = arith.constant 0 : i32
      %dma_wait3A_78 = tpu.memref_slice %arg2[%arg0, %run_scoped3A_22, %arg1, %dma_wait3A_76, %dma_wait3A_77] : memref<2x5x16x8x512xi32, #tpu.memory_space<hbm>> -> memref<1x1x1x8x512xi32, #tpu.memory_space<hbm>>
      %dma_wait3A_79 = tpu.memref_squeeze %dma_wait3A_78 : memref<1x1x1x8x512xi32, #tpu.memory_space<hbm>> -> memref<8x512xi32, #tpu.memory_space<hbm>>
      tpu.wait_dma2 semaphore(%run_scoped3A_65 : memref<!tpu.dma_semaphore, #tpu.memory_space<semaphore_mem>>) src(%dma_wait3A_79 : memref<8x512xi32, #tpu.memory_space<hbm>>) dst(%arg4 : memref<8x512xi32, #tpu.memory_space<vmem>>)
      tpu.yield
    }) : () -> ()
    %run_scoped3A_23 = arith.constant 0 : i32
    "tpu.region"() ({
      %run_scoped3A_65 = tpu.sem_alloc : memref<!tpu.dma_semaphore, #tpu.memory_space<semaphore_mem>>
      %dma_start3A = arith.constant 0 : i32
      %dma_start3A_66 = tpu.memref_slice %arg4[%run_scoped3A_23, %dma_start3A] : memref<8x512xi32, #tpu.memory_space<vmem>> -> memref<1x512xi32, #tpu.memory_space<vmem>>
      %dma_start3A_67 = tpu.memref_squeeze %dma_start3A_66 : memref<1x512xi32, #tpu.memory_space<vmem>> -> memref<512xi32, #tpu.memory_space<vmem>>
      %dma_start3A_68 = arith.constant 0 : i32
      %dma_start3A_69 = tpu.memref_slice %arg7[%dma_start3A_68] : memref<10240xf32, #tpu.memory_space<vmem_shared>> -> memref<10240xf32, #tpu.memory_space<vmem_shared>>
      tpu.enqueue_indirect_dma source(%arg5 : memref<512xf32, #tpu.memory_space<vmem>>) target(%dma_start3A_69 : memref<10240xf32, #tpu.memory_space<vmem_shared>>) offsets(%dma_start3A_67 : memref<512xi32, #tpu.memory_space<vmem>>) semaphore(%run_scoped3A_65 : memref<!tpu.dma_semaphore, #tpu.memory_space<semaphore_mem>>) {add = true}
      %dma_wait3A = arith.constant 0 : i32
      %dma_wait3A_70 = tpu.memref_slice %arg4[%run_scoped3A_23, %dma_wait3A] : memref<8x512xi32, #tpu.memory_space<vmem>> -> memref<1x512xi32, #tpu.memory_space<vmem>>
      %dma_wait3A_71 = tpu.memref_squeeze %dma_wait3A_70 : memref<1x512xi32, #tpu.memory_space<vmem>> -> memref<512xi32, #tpu.memory_space<vmem>>
      %dma_wait3A_72 = arith.constant 0 : i32
      %dma_wait3A_73 = tpu.memref_slice %arg7[%dma_wait3A_72] : memref<10240xf32, #tpu.memory_space<vmem_shared>> -> memref<10240xf32, #tpu.memory_space<vmem_shared>>
      tpu.wait_indirect_dma semaphore(%run_scoped3A_65 : memref<!tpu.dma_semaphore, #tpu.memory_space<semaphore_mem>>) src(%arg5 : memref<512xf32, #tpu.memory_space<vmem>>) dst(%dma_wait3A_73 : memref<10240xf32, #tpu.memory_space<vmem_shared>>)
      tpu.yield
    }) : () -> ()
    %run_scoped3A_24 = arith.constant 1 : i32
    "tpu.region"() ({
      %run_scoped3A_65 = tpu.sem_alloc : memref<!tpu.dma_semaphore, #tpu.memory_space<semaphore_mem>>
      %dma_start3A = arith.constant 0 : i32
      %dma_start3A_66 = tpu.memref_slice %arg4[%run_scoped3A_24, %dma_start3A] : memref<8x512xi32, #tpu.memory_space<vmem>> -> memref<1x512xi32, #tpu.memory_space<vmem>>
      %dma_start3A_67 = tpu.memref_squeeze %dma_start3A_66 : memref<1x512xi32, #tpu.memory_space<vmem>> -> memref<512xi32, #tpu.memory_space<vmem>>
      %dma_start3A_68 = arith.constant 0 : i32
      %dma_start3A_69 = tpu.memref_slice %arg7[%dma_start3A_68] : memref<10240xf32, #tpu.memory_space<vmem_shared>> -> memref<10240xf32, #tpu.memory_space<vmem_shared>>
      tpu.enqueue_indirect_dma source(%arg5 : memref<512xf32, #tpu.memory_space<vmem>>) target(%dma_start3A_69 : memref<10240xf32, #tpu.memory_space<vmem_shared>>) offsets(%dma_start3A_67 : memref<512xi32, #tpu.memory_space<vmem>>) semaphore(%run_scoped3A_65 : memref<!tpu.dma_semaphore, #tpu.memory_space<semaphore_mem>>) {add = true}
      %dma_wait3A = arith.constant 0 : i32
      %dma_wait3A_70 = tpu.memref_slice %arg4[%run_scoped3A_24, %dma_wait3A] : memref<8x512xi32, #tpu.memory_space<vmem>> -> memref<1x512xi32, #tpu.memory_space<vmem>>
      %dma_wait3A_71 = tpu.memref_squeeze %dma_wait3A_70 : memref<1x512xi32, #tpu.memory_space<vmem>> -> memref<512xi32, #tpu.memory_space<vmem>>
      %dma_wait3A_72 = arith.constant 0 : i32
      %dma_wait3A_73 = tpu.memref_slice %arg7[%dma_wait3A_72] : memref<10240xf32, #tpu.memory_space<vmem_shared>> -> memref<10240xf32, #tpu.memory_space<vmem_shared>>
      tpu.wait_indirect_dma semaphore(%run_scoped3A_65 : memref<!tpu.dma_semaphore, #tpu.memory_space<semaphore_mem>>) src(%arg5 : memref<512xf32, #tpu.memory_space<vmem>>) dst(%dma_wait3A_73 : memref<10240xf32, #tpu.memory_space<vmem_shared>>)
      tpu.yield
    }) : () -> ()
    %run_scoped3A_25 = arith.constant 2 : i32
    "tpu.region"() ({
      %run_scoped3A_65 = tpu.sem_alloc : memref<!tpu.dma_semaphore, #tpu.memory_space<semaphore_mem>>
      %dma_start3A = arith.constant 0 : i32
      %dma_start3A_66 = tpu.memref_slice %arg4[%run_scoped3A_25, %dma_start3A] : memref<8x512xi32, #tpu.memory_space<vmem>> -> memref<1x512xi32, #tpu.memory_space<vmem>>
      %dma_start3A_67 = tpu.memref_squeeze %dma_start3A_66 : memref<1x512xi32, #tpu.memory_space<vmem>> -> memref<512xi32, #tpu.memory_space<vmem>>
      %dma_start3A_68 = arith.constant 0 : i32
      %dma_start3A_69 = tpu.memref_slice %arg7[%dma_start3A_68] : memref<10240xf32, #tpu.memory_space<vmem_shared>> -> memref<10240xf32, #tpu.memory_space<vmem_shared>>
      tpu.enqueue_indirect_dma source(%arg5 : memref<512xf32, #tpu.memory_space<vmem>>) target(%dma_start3A_69 : memref<10240xf32, #tpu.memory_space<vmem_shared>>) offsets(%dma_start3A_67 : memref<512xi32, #tpu.memory_space<vmem>>) semaphore(%run_scoped3A_65 : memref<!tpu.dma_semaphore, #tpu.memory_space<semaphore_mem>>) {add = true}
      %dma_wait3A = arith.constant 0 : i32
      %dma_wait3A_70 = tpu.memref_slice %arg4[%run_scoped3A_25, %dma_wait3A] : memref<8x512xi32, #tpu.memory_space<vmem>> -> memref<1x512xi32, #tpu.memory_space<vmem>>
      %dma_wait3A_71 = tpu.memref_squeeze %dma_wait3A_70 : memref<1x512xi32, #tpu.memory_space<vmem>> -> memref<512xi32, #tpu.memory_space<vmem>>
      %dma_wait3A_72 = arith.constant 0 : i32
      %dma_wait3A_73 = tpu.memref_slice %arg7[%dma_wait3A_72] : memref<10240xf32, #tpu.memory_space<vmem_shared>> -> memref<10240xf32, #tpu.memory_space<vmem_shared>>
      tpu.wait_indirect_dma semaphore(%run_scoped3A_65 : memref<!tpu.dma_semaphore, #tpu.memory_space<semaphore_mem>>) src(%arg5 : memref<512xf32, #tpu.memory_space<vmem>>) dst(%dma_wait3A_73 : memref<10240xf32, #tpu.memory_space<vmem_shared>>)
      tpu.yield
    }) : () -> ()
    %run_scoped3A_26 = arith.constant 3 : i32
    "tpu.region"() ({
      %run_scoped3A_65 = tpu.sem_alloc : memref<!tpu.dma_semaphore, #tpu.memory_space<semaphore_mem>>
      %dma_start3A = arith.constant 0 : i32
      %dma_start3A_66 = tpu.memref_slice %arg4[%run_scoped3A_26, %dma_start3A] : memref<8x512xi32, #tpu.memory_space<vmem>> -> memref<1x512xi32, #tpu.memory_space<vmem>>
      %dma_start3A_67 = tpu.memref_squeeze %dma_start3A_66 : memref<1x512xi32, #tpu.memory_space<vmem>> -> memref<512xi32, #tpu.memory_space<vmem>>
      %dma_start3A_68 = arith.constant 0 : i32
      %dma_start3A_69 = tpu.memref_slice %arg7[%dma_start3A_68] : memref<10240xf32, #tpu.memory_space<vmem_shared>> -> memref<10240xf32, #tpu.memory_space<vmem_shared>>
      tpu.enqueue_indirect_dma source(%arg5 : memref<512xf32, #tpu.memory_space<vmem>>) target(%dma_start3A_69 : memref<10240xf32, #tpu.memory_space<vmem_shared>>) offsets(%dma_start3A_67 : memref<512xi32, #tpu.memory_space<vmem>>) semaphore(%run_scoped3A_65 : memref<!tpu.dma_semaphore, #tpu.memory_space<semaphore_mem>>) {add = true}
      %dma_wait3A = arith.constant 0 : i32
      %dma_wait3A_70 = tpu.memref_slice %arg4[%run_scoped3A_26, %dma_wait3A] : memref<8x512xi32, #tpu.memory_space<vmem>> -> memref<1x512xi32, #tpu.memory_space<vmem>>
      %dma_wait3A_71 = tpu.memref_squeeze %dma_wait3A_70 : memref<1x512xi32, #tpu.memory_space<vmem>> -> memref<512xi32, #tpu.memory_space<vmem>>
      %dma_wait3A_72 = arith.constant 0 : i32
      %dma_wait3A_73 = tpu.memref_slice %arg7[%dma_wait3A_72] : memref<10240xf32, #tpu.memory_space<vmem_shared>> -> memref<10240xf32, #tpu.memory_space<vmem_shared>>
      tpu.wait_indirect_dma semaphore(%run_scoped3A_65 : memref<!tpu.dma_semaphore, #tpu.memory_space<semaphore_mem>>) src(%arg5 : memref<512xf32, #tpu.memory_space<vmem>>) dst(%dma_wait3A_73 : memref<10240xf32, #tpu.memory_space<vmem_shared>>)
      tpu.yield
    }) : () -> ()
    %run_scoped3A_27 = arith.constant 4 : i32
    "tpu.region"() ({
      %run_scoped3A_65 = tpu.sem_alloc : memref<!tpu.dma_semaphore, #tpu.memory_space<semaphore_mem>>
      %dma_start3A = arith.constant 0 : i32
      %dma_start3A_66 = tpu.memref_slice %arg4[%run_scoped3A_27, %dma_start3A] : memref<8x512xi32, #tpu.memory_space<vmem>> -> memref<1x512xi32, #tpu.memory_space<vmem>>
      %dma_start3A_67 = tpu.memref_squeeze %dma_start3A_66 : memref<1x512xi32, #tpu.memory_space<vmem>> -> memref<512xi32, #tpu.memory_space<vmem>>
      %dma_start3A_68 = arith.constant 0 : i32
      %dma_start3A_69 = tpu.memref_slice %arg7[%dma_start3A_68] : memref<10240xf32, #tpu.memory_space<vmem_shared>> -> memref<10240xf32, #tpu.memory_space<vmem_shared>>
      tpu.enqueue_indirect_dma source(%arg5 : memref<512xf32, #tpu.memory_space<vmem>>) target(%dma_start3A_69 : memref<10240xf32, #tpu.memory_space<vmem_shared>>) offsets(%dma_start3A_67 : memref<512xi32, #tpu.memory_space<vmem>>) semaphore(%run_scoped3A_65 : memref<!tpu.dma_semaphore, #tpu.memory_space<semaphore_mem>>) {add = true}
      %dma_wait3A = arith.constant 0 : i32
      %dma_wait3A_70 = tpu.memref_slice %arg4[%run_scoped3A_27, %dma_wait3A] : memref<8x512xi32, #tpu.memory_space<vmem>> -> memref<1x512xi32, #tpu.memory_space<vmem>>
      %dma_wait3A_71 = tpu.memref_squeeze %dma_wait3A_70 : memref<1x512xi32, #tpu.memory_space<vmem>> -> memref<512xi32, #tpu.memory_space<vmem>>
      %dma_wait3A_72 = arith.constant 0 : i32
      %dma_wait3A_73 = tpu.memref_slice %arg7[%dma_wait3A_72] : memref<10240xf32, #tpu.memory_space<vmem_shared>> -> memref<10240xf32, #tpu.memory_space<vmem_shared>>
      tpu.wait_indirect_dma semaphore(%run_scoped3A_65 : memref<!tpu.dma_semaphore, #tpu.memory_space<semaphore_mem>>) src(%arg5 : memref<512xf32, #tpu.memory_space<vmem>>) dst(%dma_wait3A_73 : memref<10240xf32, #tpu.memory_space<vmem_shared>>)
      tpu.yield
    }) : () -> ()
    %run_scoped3A_28 = arith.constant 5 : i32
    "tpu.region"() ({
      %run_scoped3A_65 = tpu.sem_alloc : memref<!tpu.dma_semaphore, #tpu.memory_space<semaphore_mem>>
      %dma_start3A = arith.constant 0 : i32
      %dma_start3A_66 = tpu.memref_slice %arg4[%run_scoped3A_28, %dma_start3A] : memref<8x512xi32, #tpu.memory_space<vmem>> -> memref<1x512xi32, #tpu.memory_space<vmem>>
      %dma_start3A_67 = tpu.memref_squeeze %dma_start3A_66 : memref<1x512xi32, #tpu.memory_space<vmem>> -> memref<512xi32, #tpu.memory_space<vmem>>
      %dma_start3A_68 = arith.constant 0 : i32
      %dma_start3A_69 = tpu.memref_slice %arg7[%dma_start3A_68] : memref<10240xf32, #tpu.memory_space<vmem_shared>> -> memref<10240xf32, #tpu.memory_space<vmem_shared>>
      tpu.enqueue_indirect_dma source(%arg5 : memref<512xf32, #tpu.memory_space<vmem>>) target(%dma_start3A_69 : memref<10240xf32, #tpu.memory_space<vmem_shared>>) offsets(%dma_start3A_67 : memref<512xi32, #tpu.memory_space<vmem>>) semaphore(%run_scoped3A_65 : memref<!tpu.dma_semaphore, #tpu.memory_space<semaphore_mem>>) {add = true}
      %dma_wait3A = arith.constant 0 : i32
      %dma_wait3A_70 = tpu.memref_slice %arg4[%run_scoped3A_28, %dma_wait3A] : memref<8x512xi32, #tpu.memory_space<vmem>> -> memref<1x512xi32, #tpu.memory_space<vmem>>
      %dma_wait3A_71 = tpu.memref_squeeze %dma_wait3A_70 : memref<1x512xi32, #tpu.memory_space<vmem>> -> memref<512xi32, #tpu.memory_space<vmem>>
      %dma_wait3A_72 = arith.constant 0 : i32
      %dma_wait3A_73 = tpu.memref_slice %arg7[%dma_wait3A_72] : memref<10240xf32, #tpu.memory_space<vmem_shared>> -> memref<10240xf32, #tpu.memory_space<vmem_shared>>
      tpu.wait_indirect_dma semaphore(%run_scoped3A_65 : memref<!tpu.dma_semaphore, #tpu.memory_space<semaphore_mem>>) src(%arg5 : memref<512xf32, #tpu.memory_space<vmem>>) dst(%dma_wait3A_73 : memref<10240xf32, #tpu.memory_space<vmem_shared>>)
      tpu.yield
    }) : () -> ()
    %run_scoped3A_29 = arith.constant 6 : i32
    "tpu.region"() ({
      %run_scoped3A_65 = tpu.sem_alloc : memref<!tpu.dma_semaphore, #tpu.memory_space<semaphore_mem>>
      %dma_start3A = arith.constant 0 : i32
      %dma_start3A_66 = tpu.memref_slice %arg4[%run_scoped3A_29, %dma_start3A] : memref<8x512xi32, #tpu.memory_space<vmem>> -> memref<1x512xi32, #tpu.memory_space<vmem>>
      %dma_start3A_67 = tpu.memref_squeeze %dma_start3A_66 : memref<1x512xi32, #tpu.memory_space<vmem>> -> memref<512xi32, #tpu.memory_space<vmem>>
      %dma_start3A_68 = arith.constant 0 : i32
      %dma_start3A_69 = tpu.memref_slice %arg7[%dma_start3A_68] : memref<10240xf32, #tpu.memory_space<vmem_shared>> -> memref<10240xf32, #tpu.memory_space<vmem_shared>>
      tpu.enqueue_indirect_dma source(%arg5 : memref<512xf32, #tpu.memory_space<vmem>>) target(%dma_start3A_69 : memref<10240xf32, #tpu.memory_space<vmem_shared>>) offsets(%dma_start3A_67 : memref<512xi32, #tpu.memory_space<vmem>>) semaphore(%run_scoped3A_65 : memref<!tpu.dma_semaphore, #tpu.memory_space<semaphore_mem>>) {add = true}
      %dma_wait3A = arith.constant 0 : i32
      %dma_wait3A_70 = tpu.memref_slice %arg4[%run_scoped3A_29, %dma_wait3A] : memref<8x512xi32, #tpu.memory_space<vmem>> -> memref<1x512xi32, #tpu.memory_space<vmem>>
      %dma_wait3A_71 = tpu.memref_squeeze %dma_wait3A_70 : memref<1x512xi32, #tpu.memory_space<vmem>> -> memref<512xi32, #tpu.memory_space<vmem>>
      %dma_wait3A_72 = arith.constant 0 : i32
      %dma_wait3A_73 = tpu.memref_slice %arg7[%dma_wait3A_72] : memref<10240xf32, #tpu.memory_space<vmem_shared>> -> memref<10240xf32, #tpu.memory_space<vmem_shared>>
      tpu.wait_indirect_dma semaphore(%run_scoped3A_65 : memref<!tpu.dma_semaphore, #tpu.memory_space<semaphore_mem>>) src(%arg5 : memref<512xf32, #tpu.memory_space<vmem>>) dst(%dma_wait3A_73 : memref<10240xf32, #tpu.memory_space<vmem_shared>>)
      tpu.yield
    }) : () -> ()
    %run_scoped3A_30 = arith.constant 7 : i32
    "tpu.region"() ({
      %run_scoped3A_65 = tpu.sem_alloc : memref<!tpu.dma_semaphore, #tpu.memory_space<semaphore_mem>>
      %dma_start3A = arith.constant 0 : i32
      %dma_start3A_66 = tpu.memref_slice %arg4[%run_scoped3A_30, %dma_start3A] : memref<8x512xi32, #tpu.memory_space<vmem>> -> memref<1x512xi32, #tpu.memory_space<vmem>>
      %dma_start3A_67 = tpu.memref_squeeze %dma_start3A_66 : memref<1x512xi32, #tpu.memory_space<vmem>> -> memref<512xi32, #tpu.memory_space<vmem>>
      %dma_start3A_68 = arith.constant 0 : i32
      %dma_start3A_69 = tpu.memref_slice %arg7[%dma_start3A_68] : memref<10240xf32, #tpu.memory_space<vmem_shared>> -> memref<10240xf32, #tpu.memory_space<vmem_shared>>
      tpu.enqueue_indirect_dma source(%arg5 : memref<512xf32, #tpu.memory_space<vmem>>) target(%dma_start3A_69 : memref<10240xf32, #tpu.memory_space<vmem_shared>>) offsets(%dma_start3A_67 : memref<512xi32, #tpu.memory_space<vmem>>) semaphore(%run_scoped3A_65 : memref<!tpu.dma_semaphore, #tpu.memory_space<semaphore_mem>>) {add = true}
      %dma_wait3A = arith.constant 0 : i32
      %dma_wait3A_70 = tpu.memref_slice %arg4[%run_scoped3A_30, %dma_wait3A] : memref<8x512xi32, #tpu.memory_space<vmem>> -> memref<1x512xi32, #tpu.memory_space<vmem>>
      %dma_wait3A_71 = tpu.memref_squeeze %dma_wait3A_70 : memref<1x512xi32, #tpu.memory_space<vmem>> -> memref<512xi32, #tpu.memory_space<vmem>>
      %dma_wait3A_72 = arith.constant 0 : i32
      %dma_wait3A_73 = tpu.memref_slice %arg7[%dma_wait3A_72] : memref<10240xf32, #tpu.memory_space<vmem_shared>> -> memref<10240xf32, #tpu.memory_space<vmem_shared>>
      tpu.wait_indirect_dma semaphore(%run_scoped3A_65 : memref<!tpu.dma_semaphore, #tpu.memory_space<semaphore_mem>>) src(%arg5 : memref<512xf32, #tpu.memory_space<vmem>>) dst(%dma_wait3A_73 : memref<10240xf32, #tpu.memory_space<vmem_shared>>)
      tpu.yield
    }) : () -> ()
    %run_scoped3A_31 = arith.constant 2 : i32
    "tpu.region"() ({
      %run_scoped3A_65 = tpu.sem_alloc : memref<!tpu.dma_semaphore, #tpu.memory_space<semaphore_mem>>
      %dma_start3A = arith.constant 0 : i32
      %dma_start3A_66 = arith.constant 0 : i32
      %dma_start3A_67 = tpu.memref_slice %arg2[%arg0, %run_scoped3A_31, %arg1, %dma_start3A, %dma_start3A_66] : memref<2x5x16x8x512xi32, #tpu.memory_space<hbm>> -> memref<1x1x1x8x512xi32, #tpu.memory_space<hbm>>
      %dma_start3A_68 = tpu.memref_squeeze %dma_start3A_67 : memref<1x1x1x8x512xi32, #tpu.memory_space<hbm>> -> memref<8x512xi32, #tpu.memory_space<hbm>>
      %dma_start3A_69 = arith.constant 0 : i32
      %dma_start3A_70 = arith.constant 0 : i32
      %dma_start3A_71 = tpu.memref_slice %arg2[%arg0, %run_scoped3A_31, %arg1, %dma_start3A_69, %dma_start3A_70] : memref<2x5x16x8x512xi32, #tpu.memory_space<hbm>> -> memref<1x1x1x8x512xi32, #tpu.memory_space<hbm>>
      %dma_start3A_72 = tpu.memref_squeeze %dma_start3A_71 : memref<1x1x1x8x512xi32, #tpu.memory_space<hbm>> -> memref<8x512xi32, #tpu.memory_space<hbm>>
      tpu.enqueue_dma source(%dma_start3A_72 : memref<8x512xi32, #tpu.memory_space<hbm>>) target(%arg4 : memref<8x512xi32, #tpu.memory_space<vmem>>) target_semaphore(%run_scoped3A_65 : memref<!tpu.dma_semaphore, #tpu.memory_space<semaphore_mem>>)
      %dma_wait3A = arith.constant 0 : i32
      %dma_wait3A_73 = arith.constant 0 : i32
      %dma_wait3A_74 = tpu.memref_slice %arg2[%arg0, %run_scoped3A_31, %arg1, %dma_wait3A, %dma_wait3A_73] : memref<2x5x16x8x512xi32, #tpu.memory_space<hbm>> -> memref<1x1x1x8x512xi32, #tpu.memory_space<hbm>>
      %dma_wait3A_75 = tpu.memref_squeeze %dma_wait3A_74 : memref<1x1x1x8x512xi32, #tpu.memory_space<hbm>> -> memref<8x512xi32, #tpu.memory_space<hbm>>
      %dma_wait3A_76 = arith.constant 0 : i32
      %dma_wait3A_77 = arith.constant 0 : i32
      %dma_wait3A_78 = tpu.memref_slice %arg2[%arg0, %run_scoped3A_31, %arg1, %dma_wait3A_76, %dma_wait3A_77] : memref<2x5x16x8x512xi32, #tpu.memory_space<hbm>> -> memref<1x1x1x8x512xi32, #tpu.memory_space<hbm>>
      %dma_wait3A_79 = tpu.memref_squeeze %dma_wait3A_78 : memref<1x1x1x8x512xi32, #tpu.memory_space<hbm>> -> memref<8x512xi32, #tpu.memory_space<hbm>>
      tpu.wait_dma2 semaphore(%run_scoped3A_65 : memref<!tpu.dma_semaphore, #tpu.memory_space<semaphore_mem>>) src(%dma_wait3A_79 : memref<8x512xi32, #tpu.memory_space<hbm>>) dst(%arg4 : memref<8x512xi32, #tpu.memory_space<vmem>>)
      tpu.yield
    }) : () -> ()
    %run_scoped3A_32 = arith.constant 0 : i32
    "tpu.region"() ({
      %run_scoped3A_65 = tpu.sem_alloc : memref<!tpu.dma_semaphore, #tpu.memory_space<semaphore_mem>>
      %dma_start3A = arith.constant 0 : i32
      %dma_start3A_66 = tpu.memref_slice %arg4[%run_scoped3A_32, %dma_start3A] : memref<8x512xi32, #tpu.memory_space<vmem>> -> memref<1x512xi32, #tpu.memory_space<vmem>>
      %dma_start3A_67 = tpu.memref_squeeze %dma_start3A_66 : memref<1x512xi32, #tpu.memory_space<vmem>> -> memref<512xi32, #tpu.memory_space<vmem>>
      %dma_start3A_68 = arith.constant 0 : i32
      %dma_start3A_69 = tpu.memref_slice %arg7[%dma_start3A_68] : memref<10240xf32, #tpu.memory_space<vmem_shared>> -> memref<10240xf32, #tpu.memory_space<vmem_shared>>
      tpu.enqueue_indirect_dma source(%arg5 : memref<512xf32, #tpu.memory_space<vmem>>) target(%dma_start3A_69 : memref<10240xf32, #tpu.memory_space<vmem_shared>>) offsets(%dma_start3A_67 : memref<512xi32, #tpu.memory_space<vmem>>) semaphore(%run_scoped3A_65 : memref<!tpu.dma_semaphore, #tpu.memory_space<semaphore_mem>>) {add = true}
      %dma_wait3A = arith.constant 0 : i32
      %dma_wait3A_70 = tpu.memref_slice %arg4[%run_scoped3A_32, %dma_wait3A] : memref<8x512xi32, #tpu.memory_space<vmem>> -> memref<1x512xi32, #tpu.memory_space<vmem>>
      %dma_wait3A_71 = tpu.memref_squeeze %dma_wait3A_70 : memref<1x512xi32, #tpu.memory_space<vmem>> -> memref<512xi32, #tpu.memory_space<vmem>>
      %dma_wait3A_72 = arith.constant 0 : i32
      %dma_wait3A_73 = tpu.memref_slice %arg7[%dma_wait3A_72] : memref<10240xf32, #tpu.memory_space<vmem_shared>> -> memref<10240xf32, #tpu.memory_space<vmem_shared>>
      tpu.wait_indirect_dma semaphore(%run_scoped3A_65 : memref<!tpu.dma_semaphore, #tpu.memory_space<semaphore_mem>>) src(%arg5 : memref<512xf32, #tpu.memory_space<vmem>>) dst(%dma_wait3A_73 : memref<10240xf32, #tpu.memory_space<vmem_shared>>)
      tpu.yield
    }) : () -> ()
    %run_scoped3A_33 = arith.constant 1 : i32
    "tpu.region"() ({
      %run_scoped3A_65 = tpu.sem_alloc : memref<!tpu.dma_semaphore, #tpu.memory_space<semaphore_mem>>
      %dma_start3A = arith.constant 0 : i32
      %dma_start3A_66 = tpu.memref_slice %arg4[%run_scoped3A_33, %dma_start3A] : memref<8x512xi32, #tpu.memory_space<vmem>> -> memref<1x512xi32, #tpu.memory_space<vmem>>
      %dma_start3A_67 = tpu.memref_squeeze %dma_start3A_66 : memref<1x512xi32, #tpu.memory_space<vmem>> -> memref<512xi32, #tpu.memory_space<vmem>>
      %dma_start3A_68 = arith.constant 0 : i32
      %dma_start3A_69 = tpu.memref_slice %arg7[%dma_start3A_68] : memref<10240xf32, #tpu.memory_space<vmem_shared>> -> memref<10240xf32, #tpu.memory_space<vmem_shared>>
      tpu.enqueue_indirect_dma source(%arg5 : memref<512xf32, #tpu.memory_space<vmem>>) target(%dma_start3A_69 : memref<10240xf32, #tpu.memory_space<vmem_shared>>) offsets(%dma_start3A_67 : memref<512xi32, #tpu.memory_space<vmem>>) semaphore(%run_scoped3A_65 : memref<!tpu.dma_semaphore, #tpu.memory_space<semaphore_mem>>) {add = true}
      %dma_wait3A = arith.constant 0 : i32
      %dma_wait3A_70 = tpu.memref_slice %arg4[%run_scoped3A_33, %dma_wait3A] : memref<8x512xi32, #tpu.memory_space<vmem>> -> memref<1x512xi32, #tpu.memory_space<vmem>>
      %dma_wait3A_71 = tpu.memref_squeeze %dma_wait3A_70 : memref<1x512xi32, #tpu.memory_space<vmem>> -> memref<512xi32, #tpu.memory_space<vmem>>
      %dma_wait3A_72 = arith.constant 0 : i32
      %dma_wait3A_73 = tpu.memref_slice %arg7[%dma_wait3A_72] : memref<10240xf32, #tpu.memory_space<vmem_shared>> -> memref<10240xf32, #tpu.memory_space<vmem_shared>>
      tpu.wait_indirect_dma semaphore(%run_scoped3A_65 : memref<!tpu.dma_semaphore, #tpu.memory_space<semaphore_mem>>) src(%arg5 : memref<512xf32, #tpu.memory_space<vmem>>) dst(%dma_wait3A_73 : memref<10240xf32, #tpu.memory_space<vmem_shared>>)
      tpu.yield
    }) : () -> ()
    %run_scoped3A_34 = arith.constant 2 : i32
    "tpu.region"() ({
      %run_scoped3A_65 = tpu.sem_alloc : memref<!tpu.dma_semaphore, #tpu.memory_space<semaphore_mem>>
      %dma_start3A = arith.constant 0 : i32
      %dma_start3A_66 = tpu.memref_slice %arg4[%run_scoped3A_34, %dma_start3A] : memref<8x512xi32, #tpu.memory_space<vmem>> -> memref<1x512xi32, #tpu.memory_space<vmem>>
      %dma_start3A_67 = tpu.memref_squeeze %dma_start3A_66 : memref<1x512xi32, #tpu.memory_space<vmem>> -> memref<512xi32, #tpu.memory_space<vmem>>
      %dma_start3A_68 = arith.constant 0 : i32
      %dma_start3A_69 = tpu.memref_slice %arg7[%dma_start3A_68] : memref<10240xf32, #tpu.memory_space<vmem_shared>> -> memref<10240xf32, #tpu.memory_space<vmem_shared>>
      tpu.enqueue_indirect_dma source(%arg5 : memref<512xf32, #tpu.memory_space<vmem>>) target(%dma_start3A_69 : memref<10240xf32, #tpu.memory_space<vmem_shared>>) offsets(%dma_start3A_67 : memref<512xi32, #tpu.memory_space<vmem>>) semaphore(%run_scoped3A_65 : memref<!tpu.dma_semaphore, #tpu.memory_space<semaphore_mem>>) {add = true}
      %dma_wait3A = arith.constant 0 : i32
      %dma_wait3A_70 = tpu.memref_slice %arg4[%run_scoped3A_34, %dma_wait3A] : memref<8x512xi32, #tpu.memory_space<vmem>> -> memref<1x512xi32, #tpu.memory_space<vmem>>
      %dma_wait3A_71 = tpu.memref_squeeze %dma_wait3A_70 : memref<1x512xi32, #tpu.memory_space<vmem>> -> memref<512xi32, #tpu.memory_space<vmem>>
      %dma_wait3A_72 = arith.constant 0 : i32
      %dma_wait3A_73 = tpu.memref_slice %arg7[%dma_wait3A_72] : memref<10240xf32, #tpu.memory_space<vmem_shared>> -> memref<10240xf32, #tpu.memory_space<vmem_shared>>
      tpu.wait_indirect_dma semaphore(%run_scoped3A_65 : memref<!tpu.dma_semaphore, #tpu.memory_space<semaphore_mem>>) src(%arg5 : memref<512xf32, #tpu.memory_space<vmem>>) dst(%dma_wait3A_73 : memref<10240xf32, #tpu.memory_space<vmem_shared>>)
      tpu.yield
    }) : () -> ()
    %run_scoped3A_35 = arith.constant 3 : i32
    "tpu.region"() ({
      %run_scoped3A_65 = tpu.sem_alloc : memref<!tpu.dma_semaphore, #tpu.memory_space<semaphore_mem>>
      %dma_start3A = arith.constant 0 : i32
      %dma_start3A_66 = tpu.memref_slice %arg4[%run_scoped3A_35, %dma_start3A] : memref<8x512xi32, #tpu.memory_space<vmem>> -> memref<1x512xi32, #tpu.memory_space<vmem>>
      %dma_start3A_67 = tpu.memref_squeeze %dma_start3A_66 : memref<1x512xi32, #tpu.memory_space<vmem>> -> memref<512xi32, #tpu.memory_space<vmem>>
      %dma_start3A_68 = arith.constant 0 : i32
      %dma_start3A_69 = tpu.memref_slice %arg7[%dma_start3A_68] : memref<10240xf32, #tpu.memory_space<vmem_shared>> -> memref<10240xf32, #tpu.memory_space<vmem_shared>>
      tpu.enqueue_indirect_dma source(%arg5 : memref<512xf32, #tpu.memory_space<vmem>>) target(%dma_start3A_69 : memref<10240xf32, #tpu.memory_space<vmem_shared>>) offsets(%dma_start3A_67 : memref<512xi32, #tpu.memory_space<vmem>>) semaphore(%run_scoped3A_65 : memref<!tpu.dma_semaphore, #tpu.memory_space<semaphore_mem>>) {add = true}
      %dma_wait3A = arith.constant 0 : i32
      %dma_wait3A_70 = tpu.memref_slice %arg4[%run_scoped3A_35, %dma_wait3A] : memref<8x512xi32, #tpu.memory_space<vmem>> -> memref<1x512xi32, #tpu.memory_space<vmem>>
      %dma_wait3A_71 = tpu.memref_squeeze %dma_wait3A_70 : memref<1x512xi32, #tpu.memory_space<vmem>> -> memref<512xi32, #tpu.memory_space<vmem>>
      %dma_wait3A_72 = arith.constant 0 : i32
      %dma_wait3A_73 = tpu.memref_slice %arg7[%dma_wait3A_72] : memref<10240xf32, #tpu.memory_space<vmem_shared>> -> memref<10240xf32, #tpu.memory_space<vmem_shared>>
      tpu.wait_indirect_dma semaphore(%run_scoped3A_65 : memref<!tpu.dma_semaphore, #tpu.memory_space<semaphore_mem>>) src(%arg5 : memref<512xf32, #tpu.memory_space<vmem>>) dst(%dma_wait3A_73 : memref<10240xf32, #tpu.memory_space<vmem_shared>>)
      tpu.yield
    }) : () -> ()
    %run_scoped3A_36 = arith.constant 4 : i32
    "tpu.region"() ({
      %run_scoped3A_65 = tpu.sem_alloc : memref<!tpu.dma_semaphore, #tpu.memory_space<semaphore_mem>>
      %dma_start3A = arith.constant 0 : i32
      %dma_start3A_66 = tpu.memref_slice %arg4[%run_scoped3A_36, %dma_start3A] : memref<8x512xi32, #tpu.memory_space<vmem>> -> memref<1x512xi32, #tpu.memory_space<vmem>>
      %dma_start3A_67 = tpu.memref_squeeze %dma_start3A_66 : memref<1x512xi32, #tpu.memory_space<vmem>> -> memref<512xi32, #tpu.memory_space<vmem>>
      %dma_start3A_68 = arith.constant 0 : i32
      %dma_start3A_69 = tpu.memref_slice %arg7[%dma_start3A_68] : memref<10240xf32, #tpu.memory_space<vmem_shared>> -> memref<10240xf32, #tpu.memory_space<vmem_shared>>
      tpu.enqueue_indirect_dma source(%arg5 : memref<512xf32, #tpu.memory_space<vmem>>) target(%dma_start3A_69 : memref<10240xf32, #tpu.memory_space<vmem_shared>>) offsets(%dma_start3A_67 : memref<512xi32, #tpu.memory_space<vmem>>) semaphore(%run_scoped3A_65 : memref<!tpu.dma_semaphore, #tpu.memory_space<semaphore_mem>>) {add = true}
      %dma_wait3A = arith.constant 0 : i32
      %dma_wait3A_70 = tpu.memref_slice %arg4[%run_scoped3A_36, %dma_wait3A] : memref<8x512xi32, #tpu.memory_space<vmem>> -> memref<1x512xi32, #tpu.memory_space<vmem>>
      %dma_wait3A_71 = tpu.memref_squeeze %dma_wait3A_70 : memref<1x512xi32, #tpu.memory_space<vmem>> -> memref<512xi32, #tpu.memory_space<vmem>>
      %dma_wait3A_72 = arith.constant 0 : i32
      %dma_wait3A_73 = tpu.memref_slice %arg7[%dma_wait3A_72] : memref<10240xf32, #tpu.memory_space<vmem_shared>> -> memref<10240xf32, #tpu.memory_space<vmem_shared>>
      tpu.wait_indirect_dma semaphore(%run_scoped3A_65 : memref<!tpu.dma_semaphore, #tpu.memory_space<semaphore_mem>>) src(%arg5 : memref<512xf32, #tpu.memory_space<vmem>>) dst(%dma_wait3A_73 : memref<10240xf32, #tpu.memory_space<vmem_shared>>)
      tpu.yield
    }) : () -> ()
    %run_scoped3A_37 = arith.constant 5 : i32
    "tpu.region"() ({
      %run_scoped3A_65 = tpu.sem_alloc : memref<!tpu.dma_semaphore, #tpu.memory_space<semaphore_mem>>
      %dma_start3A = arith.constant 0 : i32
      %dma_start3A_66 = tpu.memref_slice %arg4[%run_scoped3A_37, %dma_start3A] : memref<8x512xi32, #tpu.memory_space<vmem>> -> memref<1x512xi32, #tpu.memory_space<vmem>>
      %dma_start3A_67 = tpu.memref_squeeze %dma_start3A_66 : memref<1x512xi32, #tpu.memory_space<vmem>> -> memref<512xi32, #tpu.memory_space<vmem>>
      %dma_start3A_68 = arith.constant 0 : i32
      %dma_start3A_69 = tpu.memref_slice %arg7[%dma_start3A_68] : memref<10240xf32, #tpu.memory_space<vmem_shared>> -> memref<10240xf32, #tpu.memory_space<vmem_shared>>
      tpu.enqueue_indirect_dma source(%arg5 : memref<512xf32, #tpu.memory_space<vmem>>) target(%dma_start3A_69 : memref<10240xf32, #tpu.memory_space<vmem_shared>>) offsets(%dma_start3A_67 : memref<512xi32, #tpu.memory_space<vmem>>) semaphore(%run_scoped3A_65 : memref<!tpu.dma_semaphore, #tpu.memory_space<semaphore_mem>>) {add = true}
      %dma_wait3A = arith.constant 0 : i32
      %dma_wait3A_70 = tpu.memref_slice %arg4[%run_scoped3A_37, %dma_wait3A] : memref<8x512xi32, #tpu.memory_space<vmem>> -> memref<1x512xi32, #tpu.memory_space<vmem>>
      %dma_wait3A_71 = tpu.memref_squeeze %dma_wait3A_70 : memref<1x512xi32, #tpu.memory_space<vmem>> -> memref<512xi32, #tpu.memory_space<vmem>>
      %dma_wait3A_72 = arith.constant 0 : i32
      %dma_wait3A_73 = tpu.memref_slice %arg7[%dma_wait3A_72] : memref<10240xf32, #tpu.memory_space<vmem_shared>> -> memref<10240xf32, #tpu.memory_space<vmem_shared>>
      tpu.wait_indirect_dma semaphore(%run_scoped3A_65 : memref<!tpu.dma_semaphore, #tpu.memory_space<semaphore_mem>>) src(%arg5 : memref<512xf32, #tpu.memory_space<vmem>>) dst(%dma_wait3A_73 : memref<10240xf32, #tpu.memory_space<vmem_shared>>)
      tpu.yield
    }) : () -> ()
    %run_scoped3A_38 = arith.constant 6 : i32
    "tpu.region"() ({
      %run_scoped3A_65 = tpu.sem_alloc : memref<!tpu.dma_semaphore, #tpu.memory_space<semaphore_mem>>
      %dma_start3A = arith.constant 0 : i32
      %dma_start3A_66 = tpu.memref_slice %arg4[%run_scoped3A_38, %dma_start3A] : memref<8x512xi32, #tpu.memory_space<vmem>> -> memref<1x512xi32, #tpu.memory_space<vmem>>
      %dma_start3A_67 = tpu.memref_squeeze %dma_start3A_66 : memref<1x512xi32, #tpu.memory_space<vmem>> -> memref<512xi32, #tpu.memory_space<vmem>>
      %dma_start3A_68 = arith.constant 0 : i32
      %dma_start3A_69 = tpu.memref_slice %arg7[%dma_start3A_68] : memref<10240xf32, #tpu.memory_space<vmem_shared>> -> memref<10240xf32, #tpu.memory_space<vmem_shared>>
      tpu.enqueue_indirect_dma source(%arg5 : memref<512xf32, #tpu.memory_space<vmem>>) target(%dma_start3A_69 : memref<10240xf32, #tpu.memory_space<vmem_shared>>) offsets(%dma_start3A_67 : memref<512xi32, #tpu.memory_space<vmem>>) semaphore(%run_scoped3A_65 : memref<!tpu.dma_semaphore, #tpu.memory_space<semaphore_mem>>) {add = true}
      %dma_wait3A = arith.constant 0 : i32
      %dma_wait3A_70 = tpu.memref_slice %arg4[%run_scoped3A_38, %dma_wait3A] : memref<8x512xi32, #tpu.memory_space<vmem>> -> memref<1x512xi32, #tpu.memory_space<vmem>>
      %dma_wait3A_71 = tpu.memref_squeeze %dma_wait3A_70 : memref<1x512xi32, #tpu.memory_space<vmem>> -> memref<512xi32, #tpu.memory_space<vmem>>
      %dma_wait3A_72 = arith.constant 0 : i32
      %dma_wait3A_73 = tpu.memref_slice %arg7[%dma_wait3A_72] : memref<10240xf32, #tpu.memory_space<vmem_shared>> -> memref<10240xf32, #tpu.memory_space<vmem_shared>>
      tpu.wait_indirect_dma semaphore(%run_scoped3A_65 : memref<!tpu.dma_semaphore, #tpu.memory_space<semaphore_mem>>) src(%arg5 : memref<512xf32, #tpu.memory_space<vmem>>) dst(%dma_wait3A_73 : memref<10240xf32, #tpu.memory_space<vmem_shared>>)
      tpu.yield
    }) : () -> ()
    %run_scoped3A_39 = arith.constant 7 : i32
    "tpu.region"() ({
      %run_scoped3A_65 = tpu.sem_alloc : memref<!tpu.dma_semaphore, #tpu.memory_space<semaphore_mem>>
      %dma_start3A = arith.constant 0 : i32
      %dma_start3A_66 = tpu.memref_slice %arg4[%run_scoped3A_39, %dma_start3A] : memref<8x512xi32, #tpu.memory_space<vmem>> -> memref<1x512xi32, #tpu.memory_space<vmem>>
      %dma_start3A_67 = tpu.memref_squeeze %dma_start3A_66 : memref<1x512xi32, #tpu.memory_space<vmem>> -> memref<512xi32, #tpu.memory_space<vmem>>
      %dma_start3A_68 = arith.constant 0 : i32
      %dma_start3A_69 = tpu.memref_slice %arg7[%dma_start3A_68] : memref<10240xf32, #tpu.memory_space<vmem_shared>> -> memref<10240xf32, #tpu.memory_space<vmem_shared>>
      tpu.enqueue_indirect_dma source(%arg5 : memref<512xf32, #tpu.memory_space<vmem>>) target(%dma_start3A_69 : memref<10240xf32, #tpu.memory_space<vmem_shared>>) offsets(%dma_start3A_67 : memref<512xi32, #tpu.memory_space<vmem>>) semaphore(%run_scoped3A_65 : memref<!tpu.dma_semaphore, #tpu.memory_space<semaphore_mem>>) {add = true}
      %dma_wait3A = arith.constant 0 : i32
      %dma_wait3A_70 = tpu.memref_slice %arg4[%run_scoped3A_39, %dma_wait3A] : memref<8x512xi32, #tpu.memory_space<vmem>> -> memref<1x512xi32, #tpu.memory_space<vmem>>
      %dma_wait3A_71 = tpu.memref_squeeze %dma_wait3A_70 : memref<1x512xi32, #tpu.memory_space<vmem>> -> memref<512xi32, #tpu.memory_space<vmem>>
      %dma_wait3A_72 = arith.constant 0 : i32
      %dma_wait3A_73 = tpu.memref_slice %arg7[%dma_wait3A_72] : memref<10240xf32, #tpu.memory_space<vmem_shared>> -> memref<10240xf32, #tpu.memory_space<vmem_shared>>
      tpu.wait_indirect_dma semaphore(%run_scoped3A_65 : memref<!tpu.dma_semaphore, #tpu.memory_space<semaphore_mem>>) src(%arg5 : memref<512xf32, #tpu.memory_space<vmem>>) dst(%dma_wait3A_73 : memref<10240xf32, #tpu.memory_space<vmem_shared>>)
      tpu.yield
    }) : () -> ()
    %run_scoped3A_40 = arith.constant 3 : i32
    "tpu.region"() ({
      %run_scoped3A_65 = tpu.sem_alloc : memref<!tpu.dma_semaphore, #tpu.memory_space<semaphore_mem>>
      %dma_start3A = arith.constant 0 : i32
      %dma_start3A_66 = arith.constant 0 : i32
      %dma_start3A_67 = tpu.memref_slice %arg2[%arg0, %run_scoped3A_40, %arg1, %dma_start3A, %dma_start3A_66] : memref<2x5x16x8x512xi32, #tpu.memory_space<hbm>> -> memref<1x1x1x8x512xi32, #tpu.memory_space<hbm>>
      %dma_start3A_68 = tpu.memref_squeeze %dma_start3A_67 : memref<1x1x1x8x512xi32, #tpu.memory_space<hbm>> -> memref<8x512xi32, #tpu.memory_space<hbm>>
      %dma_start3A_69 = arith.constant 0 : i32
      %dma_start3A_70 = arith.constant 0 : i32
      %dma_start3A_71 = tpu.memref_slice %arg2[%arg0, %run_scoped3A_40, %arg1, %dma_start3A_69, %dma_start3A_70] : memref<2x5x16x8x512xi32, #tpu.memory_space<hbm>> -> memref<1x1x1x8x512xi32, #tpu.memory_space<hbm>>
      %dma_start3A_72 = tpu.memref_squeeze %dma_start3A_71 : memref<1x1x1x8x512xi32, #tpu.memory_space<hbm>> -> memref<8x512xi32, #tpu.memory_space<hbm>>
      tpu.enqueue_dma source(%dma_start3A_72 : memref<8x512xi32, #tpu.memory_space<hbm>>) target(%arg4 : memref<8x512xi32, #tpu.memory_space<vmem>>) target_semaphore(%run_scoped3A_65 : memref<!tpu.dma_semaphore, #tpu.memory_space<semaphore_mem>>)
      %dma_wait3A = arith.constant 0 : i32
      %dma_wait3A_73 = arith.constant 0 : i32
      %dma_wait3A_74 = tpu.memref_slice %arg2[%arg0, %run_scoped3A_40, %arg1, %dma_wait3A, %dma_wait3A_73] : memref<2x5x16x8x512xi32, #tpu.memory_space<hbm>> -> memref<1x1x1x8x512xi32, #tpu.memory_space<hbm>>
      %dma_wait3A_75 = tpu.memref_squeeze %dma_wait3A_74 : memref<1x1x1x8x512xi32, #tpu.memory_space<hbm>> -> memref<8x512xi32, #tpu.memory_space<hbm>>
      %dma_wait3A_76 = arith.constant 0 : i32
      %dma_wait3A_77 = arith.constant 0 : i32
      %dma_wait3A_78 = tpu.memref_slice %arg2[%arg0, %run_scoped3A_40, %arg1, %dma_wait3A_76, %dma_wait3A_77] : memref<2x5x16x8x512xi32, #tpu.memory_space<hbm>> -> memref<1x1x1x8x512xi32, #tpu.memory_space<hbm>>
      %dma_wait3A_79 = tpu.memref_squeeze %dma_wait3A_78 : memref<1x1x1x8x512xi32, #tpu.memory_space<hbm>> -> memref<8x512xi32, #tpu.memory_space<hbm>>
      tpu.wait_dma2 semaphore(%run_scoped3A_65 : memref<!tpu.dma_semaphore, #tpu.memory_space<semaphore_mem>>) src(%dma_wait3A_79 : memref<8x512xi32, #tpu.memory_space<hbm>>) dst(%arg4 : memref<8x512xi32, #tpu.memory_space<vmem>>)
      tpu.yield
    }) : () -> ()
    %run_scoped3A_41 = arith.constant 0 : i32
    "tpu.region"() ({
      %run_scoped3A_65 = tpu.sem_alloc : memref<!tpu.dma_semaphore, #tpu.memory_space<semaphore_mem>>
      %dma_start3A = arith.constant 0 : i32
      %dma_start3A_66 = tpu.memref_slice %arg4[%run_scoped3A_41, %dma_start3A] : memref<8x512xi32, #tpu.memory_space<vmem>> -> memref<1x512xi32, #tpu.memory_space<vmem>>
      %dma_start3A_67 = tpu.memref_squeeze %dma_start3A_66 : memref<1x512xi32, #tpu.memory_space<vmem>> -> memref<512xi32, #tpu.memory_space<vmem>>
      %dma_start3A_68 = arith.constant 0 : i32
      %dma_start3A_69 = tpu.memref_slice %arg7[%dma_start3A_68] : memref<10240xf32, #tpu.memory_space<vmem_shared>> -> memref<10240xf32, #tpu.memory_space<vmem_shared>>
      tpu.enqueue_indirect_dma source(%arg5 : memref<512xf32, #tpu.memory_space<vmem>>) target(%dma_start3A_69 : memref<10240xf32, #tpu.memory_space<vmem_shared>>) offsets(%dma_start3A_67 : memref<512xi32, #tpu.memory_space<vmem>>) semaphore(%run_scoped3A_65 : memref<!tpu.dma_semaphore, #tpu.memory_space<semaphore_mem>>) {add = true}
      %dma_wait3A = arith.constant 0 : i32
      %dma_wait3A_70 = tpu.memref_slice %arg4[%run_scoped3A_41, %dma_wait3A] : memref<8x512xi32, #tpu.memory_space<vmem>> -> memref<1x512xi32, #tpu.memory_space<vmem>>
      %dma_wait3A_71 = tpu.memref_squeeze %dma_wait3A_70 : memref<1x512xi32, #tpu.memory_space<vmem>> -> memref<512xi32, #tpu.memory_space<vmem>>
      %dma_wait3A_72 = arith.constant 0 : i32
      %dma_wait3A_73 = tpu.memref_slice %arg7[%dma_wait3A_72] : memref<10240xf32, #tpu.memory_space<vmem_shared>> -> memref<10240xf32, #tpu.memory_space<vmem_shared>>
      tpu.wait_indirect_dma semaphore(%run_scoped3A_65 : memref<!tpu.dma_semaphore, #tpu.memory_space<semaphore_mem>>) src(%arg5 : memref<512xf32, #tpu.memory_space<vmem>>) dst(%dma_wait3A_73 : memref<10240xf32, #tpu.memory_space<vmem_shared>>)
      tpu.yield
    }) : () -> ()
    %run_scoped3A_42 = arith.constant 1 : i32
    "tpu.region"() ({
      %run_scoped3A_65 = tpu.sem_alloc : memref<!tpu.dma_semaphore, #tpu.memory_space<semaphore_mem>>
      %dma_start3A = arith.constant 0 : i32
      %dma_start3A_66 = tpu.memref_slice %arg4[%run_scoped3A_42, %dma_start3A] : memref<8x512xi32, #tpu.memory_space<vmem>> -> memref<1x512xi32, #tpu.memory_space<vmem>>
      %dma_start3A_67 = tpu.memref_squeeze %dma_start3A_66 : memref<1x512xi32, #tpu.memory_space<vmem>> -> memref<512xi32, #tpu.memory_space<vmem>>
      %dma_start3A_68 = arith.constant 0 : i32
      %dma_start3A_69 = tpu.memref_slice %arg7[%dma_start3A_68] : memref<10240xf32, #tpu.memory_space<vmem_shared>> -> memref<10240xf32, #tpu.memory_space<vmem_shared>>
      tpu.enqueue_indirect_dma source(%arg5 : memref<512xf32, #tpu.memory_space<vmem>>) target(%dma_start3A_69 : memref<10240xf32, #tpu.memory_space<vmem_shared>>) offsets(%dma_start3A_67 : memref<512xi32, #tpu.memory_space<vmem>>) semaphore(%run_scoped3A_65 : memref<!tpu.dma_semaphore, #tpu.memory_space<semaphore_mem>>) {add = true}
      %dma_wait3A = arith.constant 0 : i32
      %dma_wait3A_70 = tpu.memref_slice %arg4[%run_scoped3A_42, %dma_wait3A] : memref<8x512xi32, #tpu.memory_space<vmem>> -> memref<1x512xi32, #tpu.memory_space<vmem>>
      %dma_wait3A_71 = tpu.memref_squeeze %dma_wait3A_70 : memref<1x512xi32, #tpu.memory_space<vmem>> -> memref<512xi32, #tpu.memory_space<vmem>>
      %dma_wait3A_72 = arith.constant 0 : i32
      %dma_wait3A_73 = tpu.memref_slice %arg7[%dma_wait3A_72] : memref<10240xf32, #tpu.memory_space<vmem_shared>> -> memref<10240xf32, #tpu.memory_space<vmem_shared>>
      tpu.wait_indirect_dma semaphore(%run_scoped3A_65 : memref<!tpu.dma_semaphore, #tpu.memory_space<semaphore_mem>>) src(%arg5 : memref<512xf32, #tpu.memory_space<vmem>>) dst(%dma_wait3A_73 : memref<10240xf32, #tpu.memory_space<vmem_shared>>)
      tpu.yield
    }) : () -> ()
    %run_scoped3A_43 = arith.constant 2 : i32
    "tpu.region"() ({
      %run_scoped3A_65 = tpu.sem_alloc : memref<!tpu.dma_semaphore, #tpu.memory_space<semaphore_mem>>
      %dma_start3A = arith.constant 0 : i32
      %dma_start3A_66 = tpu.memref_slice %arg4[%run_scoped3A_43, %dma_start3A] : memref<8x512xi32, #tpu.memory_space<vmem>> -> memref<1x512xi32, #tpu.memory_space<vmem>>
      %dma_start3A_67 = tpu.memref_squeeze %dma_start3A_66 : memref<1x512xi32, #tpu.memory_space<vmem>> -> memref<512xi32, #tpu.memory_space<vmem>>
      %dma_start3A_68 = arith.constant 0 : i32
      %dma_start3A_69 = tpu.memref_slice %arg7[%dma_start3A_68] : memref<10240xf32, #tpu.memory_space<vmem_shared>> -> memref<10240xf32, #tpu.memory_space<vmem_shared>>
      tpu.enqueue_indirect_dma source(%arg5 : memref<512xf32, #tpu.memory_space<vmem>>) target(%dma_start3A_69 : memref<10240xf32, #tpu.memory_space<vmem_shared>>) offsets(%dma_start3A_67 : memref<512xi32, #tpu.memory_space<vmem>>) semaphore(%run_scoped3A_65 : memref<!tpu.dma_semaphore, #tpu.memory_space<semaphore_mem>>) {add = true}
      %dma_wait3A = arith.constant 0 : i32
      %dma_wait3A_70 = tpu.memref_slice %arg4[%run_scoped3A_43, %dma_wait3A] : memref<8x512xi32, #tpu.memory_space<vmem>> -> memref<1x512xi32, #tpu.memory_space<vmem>>
      %dma_wait3A_71 = tpu.memref_squeeze %dma_wait3A_70 : memref<1x512xi32, #tpu.memory_space<vmem>> -> memref<512xi32, #tpu.memory_space<vmem>>
      %dma_wait3A_72 = arith.constant 0 : i32
      %dma_wait3A_73 = tpu.memref_slice %arg7[%dma_wait3A_72] : memref<10240xf32, #tpu.memory_space<vmem_shared>> -> memref<10240xf32, #tpu.memory_space<vmem_shared>>
      tpu.wait_indirect_dma semaphore(%run_scoped3A_65 : memref<!tpu.dma_semaphore, #tpu.memory_space<semaphore_mem>>) src(%arg5 : memref<512xf32, #tpu.memory_space<vmem>>) dst(%dma_wait3A_73 : memref<10240xf32, #tpu.memory_space<vmem_shared>>)
      tpu.yield
    }) : () -> ()
    %run_scoped3A_44 = arith.constant 3 : i32
    "tpu.region"() ({
      %run_scoped3A_65 = tpu.sem_alloc : memref<!tpu.dma_semaphore, #tpu.memory_space<semaphore_mem>>
      %dma_start3A = arith.constant 0 : i32
      %dma_start3A_66 = tpu.memref_slice %arg4[%run_scoped3A_44, %dma_start3A] : memref<8x512xi32, #tpu.memory_space<vmem>> -> memref<1x512xi32, #tpu.memory_space<vmem>>
      %dma_start3A_67 = tpu.memref_squeeze %dma_start3A_66 : memref<1x512xi32, #tpu.memory_space<vmem>> -> memref<512xi32, #tpu.memory_space<vmem>>
      %dma_start3A_68 = arith.constant 0 : i32
      %dma_start3A_69 = tpu.memref_slice %arg7[%dma_start3A_68] : memref<10240xf32, #tpu.memory_space<vmem_shared>> -> memref<10240xf32, #tpu.memory_space<vmem_shared>>
      tpu.enqueue_indirect_dma source(%arg5 : memref<512xf32, #tpu.memory_space<vmem>>) target(%dma_start3A_69 : memref<10240xf32, #tpu.memory_space<vmem_shared>>) offsets(%dma_start3A_67 : memref<512xi32, #tpu.memory_space<vmem>>) semaphore(%run_scoped3A_65 : memref<!tpu.dma_semaphore, #tpu.memory_space<semaphore_mem>>) {add = true}
      %dma_wait3A = arith.constant 0 : i32
      %dma_wait3A_70 = tpu.memref_slice %arg4[%run_scoped3A_44, %dma_wait3A] : memref<8x512xi32, #tpu.memory_space<vmem>> -> memref<1x512xi32, #tpu.memory_space<vmem>>
      %dma_wait3A_71 = tpu.memref_squeeze %dma_wait3A_70 : memref<1x512xi32, #tpu.memory_space<vmem>> -> memref<512xi32, #tpu.memory_space<vmem>>
      %dma_wait3A_72 = arith.constant 0 : i32
      %dma_wait3A_73 = tpu.memref_slice %arg7[%dma_wait3A_72] : memref<10240xf32, #tpu.memory_space<vmem_shared>> -> memref<10240xf32, #tpu.memory_space<vmem_shared>>
      tpu.wait_indirect_dma semaphore(%run_scoped3A_65 : memref<!tpu.dma_semaphore, #tpu.memory_space<semaphore_mem>>) src(%arg5 : memref<512xf32, #tpu.memory_space<vmem>>) dst(%dma_wait3A_73 : memref<10240xf32, #tpu.memory_space<vmem_shared>>)
      tpu.yield
    }) : () -> ()
    %run_scoped3A_45 = arith.constant 4 : i32
    "tpu.region"() ({
      %run_scoped3A_65 = tpu.sem_alloc : memref<!tpu.dma_semaphore, #tpu.memory_space<semaphore_mem>>
      %dma_start3A = arith.constant 0 : i32
      %dma_start3A_66 = tpu.memref_slice %arg4[%run_scoped3A_45, %dma_start3A] : memref<8x512xi32, #tpu.memory_space<vmem>> -> memref<1x512xi32, #tpu.memory_space<vmem>>
      %dma_start3A_67 = tpu.memref_squeeze %dma_start3A_66 : memref<1x512xi32, #tpu.memory_space<vmem>> -> memref<512xi32, #tpu.memory_space<vmem>>
      %dma_start3A_68 = arith.constant 0 : i32
      %dma_start3A_69 = tpu.memref_slice %arg7[%dma_start3A_68] : memref<10240xf32, #tpu.memory_space<vmem_shared>> -> memref<10240xf32, #tpu.memory_space<vmem_shared>>
      tpu.enqueue_indirect_dma source(%arg5 : memref<512xf32, #tpu.memory_space<vmem>>) target(%dma_start3A_69 : memref<10240xf32, #tpu.memory_space<vmem_shared>>) offsets(%dma_start3A_67 : memref<512xi32, #tpu.memory_space<vmem>>) semaphore(%run_scoped3A_65 : memref<!tpu.dma_semaphore, #tpu.memory_space<semaphore_mem>>) {add = true}
      %dma_wait3A = arith.constant 0 : i32
      %dma_wait3A_70 = tpu.memref_slice %arg4[%run_scoped3A_45, %dma_wait3A] : memref<8x512xi32, #tpu.memory_space<vmem>> -> memref<1x512xi32, #tpu.memory_space<vmem>>
      %dma_wait3A_71 = tpu.memref_squeeze %dma_wait3A_70 : memref<1x512xi32, #tpu.memory_space<vmem>> -> memref<512xi32, #tpu.memory_space<vmem>>
      %dma_wait3A_72 = arith.constant 0 : i32
      %dma_wait3A_73 = tpu.memref_slice %arg7[%dma_wait3A_72] : memref<10240xf32, #tpu.memory_space<vmem_shared>> -> memref<10240xf32, #tpu.memory_space<vmem_shared>>
      tpu.wait_indirect_dma semaphore(%run_scoped3A_65 : memref<!tpu.dma_semaphore, #tpu.memory_space<semaphore_mem>>) src(%arg5 : memref<512xf32, #tpu.memory_space<vmem>>) dst(%dma_wait3A_73 : memref<10240xf32, #tpu.memory_space<vmem_shared>>)
      tpu.yield
    }) : () -> ()
    %run_scoped3A_46 = arith.constant 5 : i32
    "tpu.region"() ({
      %run_scoped3A_65 = tpu.sem_alloc : memref<!tpu.dma_semaphore, #tpu.memory_space<semaphore_mem>>
      %dma_start3A = arith.constant 0 : i32
      %dma_start3A_66 = tpu.memref_slice %arg4[%run_scoped3A_46, %dma_start3A] : memref<8x512xi32, #tpu.memory_space<vmem>> -> memref<1x512xi32, #tpu.memory_space<vmem>>
      %dma_start3A_67 = tpu.memref_squeeze %dma_start3A_66 : memref<1x512xi32, #tpu.memory_space<vmem>> -> memref<512xi32, #tpu.memory_space<vmem>>
      %dma_start3A_68 = arith.constant 0 : i32
      %dma_start3A_69 = tpu.memref_slice %arg7[%dma_start3A_68] : memref<10240xf32, #tpu.memory_space<vmem_shared>> -> memref<10240xf32, #tpu.memory_space<vmem_shared>>
      tpu.enqueue_indirect_dma source(%arg5 : memref<512xf32, #tpu.memory_space<vmem>>) target(%dma_start3A_69 : memref<10240xf32, #tpu.memory_space<vmem_shared>>) offsets(%dma_start3A_67 : memref<512xi32, #tpu.memory_space<vmem>>) semaphore(%run_scoped3A_65 : memref<!tpu.dma_semaphore, #tpu.memory_space<semaphore_mem>>) {add = true}
      %dma_wait3A = arith.constant 0 : i32
      %dma_wait3A_70 = tpu.memref_slice %arg4[%run_scoped3A_46, %dma_wait3A] : memref<8x512xi32, #tpu.memory_space<vmem>> -> memref<1x512xi32, #tpu.memory_space<vmem>>
      %dma_wait3A_71 = tpu.memref_squeeze %dma_wait3A_70 : memref<1x512xi32, #tpu.memory_space<vmem>> -> memref<512xi32, #tpu.memory_space<vmem>>
      %dma_wait3A_72 = arith.constant 0 : i32
      %dma_wait3A_73 = tpu.memref_slice %arg7[%dma_wait3A_72] : memref<10240xf32, #tpu.memory_space<vmem_shared>> -> memref<10240xf32, #tpu.memory_space<vmem_shared>>
      tpu.wait_indirect_dma semaphore(%run_scoped3A_65 : memref<!tpu.dma_semaphore, #tpu.memory_space<semaphore_mem>>) src(%arg5 : memref<512xf32, #tpu.memory_space<vmem>>) dst(%dma_wait3A_73 : memref<10240xf32, #tpu.memory_space<vmem_shared>>)
      tpu.yield
    }) : () -> ()
    %run_scoped3A_47 = arith.constant 6 : i32
    "tpu.region"() ({
      %run_scoped3A_65 = tpu.sem_alloc : memref<!tpu.dma_semaphore, #tpu.memory_space<semaphore_mem>>
      %dma_start3A = arith.constant 0 : i32
      %dma_start3A_66 = tpu.memref_slice %arg4[%run_scoped3A_47, %dma_start3A] : memref<8x512xi32, #tpu.memory_space<vmem>> -> memref<1x512xi32, #tpu.memory_space<vmem>>
      %dma_start3A_67 = tpu.memref_squeeze %dma_start3A_66 : memref<1x512xi32, #tpu.memory_space<vmem>> -> memref<512xi32, #tpu.memory_space<vmem>>
      %dma_start3A_68 = arith.constant 0 : i32
      %dma_start3A_69 = tpu.memref_slice %arg7[%dma_start3A_68] : memref<10240xf32, #tpu.memory_space<vmem_shared>> -> memref<10240xf32, #tpu.memory_space<vmem_shared>>
      tpu.enqueue_indirect_dma source(%arg5 : memref<512xf32, #tpu.memory_space<vmem>>) target(%dma_start3A_69 : memref<10240xf32, #tpu.memory_space<vmem_shared>>) offsets(%dma_start3A_67 : memref<512xi32, #tpu.memory_space<vmem>>) semaphore(%run_scoped3A_65 : memref<!tpu.dma_semaphore, #tpu.memory_space<semaphore_mem>>) {add = true}
      %dma_wait3A = arith.constant 0 : i32
      %dma_wait3A_70 = tpu.memref_slice %arg4[%run_scoped3A_47, %dma_wait3A] : memref<8x512xi32, #tpu.memory_space<vmem>> -> memref<1x512xi32, #tpu.memory_space<vmem>>
      %dma_wait3A_71 = tpu.memref_squeeze %dma_wait3A_70 : memref<1x512xi32, #tpu.memory_space<vmem>> -> memref<512xi32, #tpu.memory_space<vmem>>
      %dma_wait3A_72 = arith.constant 0 : i32
      %dma_wait3A_73 = tpu.memref_slice %arg7[%dma_wait3A_72] : memref<10240xf32, #tpu.memory_space<vmem_shared>> -> memref<10240xf32, #tpu.memory_space<vmem_shared>>
      tpu.wait_indirect_dma semaphore(%run_scoped3A_65 : memref<!tpu.dma_semaphore, #tpu.memory_space<semaphore_mem>>) src(%arg5 : memref<512xf32, #tpu.memory_space<vmem>>) dst(%dma_wait3A_73 : memref<10240xf32, #tpu.memory_space<vmem_shared>>)
      tpu.yield
    }) : () -> ()
    %run_scoped3A_48 = arith.constant 7 : i32
    "tpu.region"() ({
      %run_scoped3A_65 = tpu.sem_alloc : memref<!tpu.dma_semaphore, #tpu.memory_space<semaphore_mem>>
      %dma_start3A = arith.constant 0 : i32
      %dma_start3A_66 = tpu.memref_slice %arg4[%run_scoped3A_48, %dma_start3A] : memref<8x512xi32, #tpu.memory_space<vmem>> -> memref<1x512xi32, #tpu.memory_space<vmem>>
      %dma_start3A_67 = tpu.memref_squeeze %dma_start3A_66 : memref<1x512xi32, #tpu.memory_space<vmem>> -> memref<512xi32, #tpu.memory_space<vmem>>
      %dma_start3A_68 = arith.constant 0 : i32
      %dma_start3A_69 = tpu.memref_slice %arg7[%dma_start3A_68] : memref<10240xf32, #tpu.memory_space<vmem_shared>> -> memref<10240xf32, #tpu.memory_space<vmem_shared>>
      tpu.enqueue_indirect_dma source(%arg5 : memref<512xf32, #tpu.memory_space<vmem>>) target(%dma_start3A_69 : memref<10240xf32, #tpu.memory_space<vmem_shared>>) offsets(%dma_start3A_67 : memref<512xi32, #tpu.memory_space<vmem>>) semaphore(%run_scoped3A_65 : memref<!tpu.dma_semaphore, #tpu.memory_space<semaphore_mem>>) {add = true}
      %dma_wait3A = arith.constant 0 : i32
      %dma_wait3A_70 = tpu.memref_slice %arg4[%run_scoped3A_48, %dma_wait3A] : memref<8x512xi32, #tpu.memory_space<vmem>> -> memref<1x512xi32, #tpu.memory_space<vmem>>
      %dma_wait3A_71 = tpu.memref_squeeze %dma_wait3A_70 : memref<1x512xi32, #tpu.memory_space<vmem>> -> memref<512xi32, #tpu.memory_space<vmem>>
      %dma_wait3A_72 = arith.constant 0 : i32
      %dma_wait3A_73 = tpu.memref_slice %arg7[%dma_wait3A_72] : memref<10240xf32, #tpu.memory_space<vmem_shared>> -> memref<10240xf32, #tpu.memory_space<vmem_shared>>
      tpu.wait_indirect_dma semaphore(%run_scoped3A_65 : memref<!tpu.dma_semaphore, #tpu.memory_space<semaphore_mem>>) src(%arg5 : memref<512xf32, #tpu.memory_space<vmem>>) dst(%dma_wait3A_73 : memref<10240xf32, #tpu.memory_space<vmem_shared>>)
      tpu.yield
    }) : () -> ()
    %run_scoped3A_49 = arith.constant 4 : i32
    "tpu.region"() ({
      %run_scoped3A_65 = tpu.sem_alloc : memref<!tpu.dma_semaphore, #tpu.memory_space<semaphore_mem>>
      %dma_start3A = arith.constant 0 : i32
      %dma_start3A_66 = arith.constant 0 : i32
      %dma_start3A_67 = tpu.memref_slice %arg2[%arg0, %run_scoped3A_49, %arg1, %dma_start3A, %dma_start3A_66] : memref<2x5x16x8x512xi32, #tpu.memory_space<hbm>> -> memref<1x1x1x8x512xi32, #tpu.memory_space<hbm>>
      %dma_start3A_68 = tpu.memref_squeeze %dma_start3A_67 : memref<1x1x1x8x512xi32, #tpu.memory_space<hbm>> -> memref<8x512xi32, #tpu.memory_space<hbm>>
      %dma_start3A_69 = arith.constant 0 : i32
      %dma_start3A_70 = arith.constant 0 : i32
      %dma_start3A_71 = tpu.memref_slice %arg2[%arg0, %run_scoped3A_49, %arg1, %dma_start3A_69, %dma_start3A_70] : memref<2x5x16x8x512xi32, #tpu.memory_space<hbm>> -> memref<1x1x1x8x512xi32, #tpu.memory_space<hbm>>
      %dma_start3A_72 = tpu.memref_squeeze %dma_start3A_71 : memref<1x1x1x8x512xi32, #tpu.memory_space<hbm>> -> memref<8x512xi32, #tpu.memory_space<hbm>>
      tpu.enqueue_dma source(%dma_start3A_72 : memref<8x512xi32, #tpu.memory_space<hbm>>) target(%arg4 : memref<8x512xi32, #tpu.memory_space<vmem>>) target_semaphore(%run_scoped3A_65 : memref<!tpu.dma_semaphore, #tpu.memory_space<semaphore_mem>>)
      %dma_wait3A = arith.constant 0 : i32
      %dma_wait3A_73 = arith.constant 0 : i32
      %dma_wait3A_74 = tpu.memref_slice %arg2[%arg0, %run_scoped3A_49, %arg1, %dma_wait3A, %dma_wait3A_73] : memref<2x5x16x8x512xi32, #tpu.memory_space<hbm>> -> memref<1x1x1x8x512xi32, #tpu.memory_space<hbm>>
      %dma_wait3A_75 = tpu.memref_squeeze %dma_wait3A_74 : memref<1x1x1x8x512xi32, #tpu.memory_space<hbm>> -> memref<8x512xi32, #tpu.memory_space<hbm>>
      %dma_wait3A_76 = arith.constant 0 : i32
      %dma_wait3A_77 = arith.constant 0 : i32
      %dma_wait3A_78 = tpu.memref_slice %arg2[%arg0, %run_scoped3A_49, %arg1, %dma_wait3A_76, %dma_wait3A_77] : memref<2x5x16x8x512xi32, #tpu.memory_space<hbm>> -> memref<1x1x1x8x512xi32, #tpu.memory_space<hbm>>
      %dma_wait3A_79 = tpu.memref_squeeze %dma_wait3A_78 : memref<1x1x1x8x512xi32, #tpu.memory_space<hbm>> -> memref<8x512xi32, #tpu.memory_space<hbm>>
      tpu.wait_dma2 semaphore(%run_scoped3A_65 : memref<!tpu.dma_semaphore, #tpu.memory_space<semaphore_mem>>) src(%dma_wait3A_79 : memref<8x512xi32, #tpu.memory_space<hbm>>) dst(%arg4 : memref<8x512xi32, #tpu.memory_space<vmem>>)
      tpu.yield
    }) : () -> ()
    %run_scoped3A_50 = arith.constant 0 : i32
    "tpu.region"() ({
      %run_scoped3A_65 = tpu.sem_alloc : memref<!tpu.dma_semaphore, #tpu.memory_space<semaphore_mem>>
      %dma_start3A = arith.constant 0 : i32
      %dma_start3A_66 = tpu.memref_slice %arg4[%run_scoped3A_50, %dma_start3A] : memref<8x512xi32, #tpu.memory_space<vmem>> -> memref<1x512xi32, #tpu.memory_space<vmem>>
      %dma_start3A_67 = tpu.memref_squeeze %dma_start3A_66 : memref<1x512xi32, #tpu.memory_space<vmem>> -> memref<512xi32, #tpu.memory_space<vmem>>
      %dma_start3A_68 = arith.constant 0 : i32
      %dma_start3A_69 = tpu.memref_slice %arg7[%dma_start3A_68] : memref<10240xf32, #tpu.memory_space<vmem_shared>> -> memref<10240xf32, #tpu.memory_space<vmem_shared>>
      tpu.enqueue_indirect_dma source(%arg5 : memref<512xf32, #tpu.memory_space<vmem>>) target(%dma_start3A_69 : memref<10240xf32, #tpu.memory_space<vmem_shared>>) offsets(%dma_start3A_67 : memref<512xi32, #tpu.memory_space<vmem>>) semaphore(%run_scoped3A_65 : memref<!tpu.dma_semaphore, #tpu.memory_space<semaphore_mem>>) {add = true}
      %dma_wait3A = arith.constant 0 : i32
      %dma_wait3A_70 = tpu.memref_slice %arg4[%run_scoped3A_50, %dma_wait3A] : memref<8x512xi32, #tpu.memory_space<vmem>> -> memref<1x512xi32, #tpu.memory_space<vmem>>
      %dma_wait3A_71 = tpu.memref_squeeze %dma_wait3A_70 : memref<1x512xi32, #tpu.memory_space<vmem>> -> memref<512xi32, #tpu.memory_space<vmem>>
      %dma_wait3A_72 = arith.constant 0 : i32
      %dma_wait3A_73 = tpu.memref_slice %arg7[%dma_wait3A_72] : memref<10240xf32, #tpu.memory_space<vmem_shared>> -> memref<10240xf32, #tpu.memory_space<vmem_shared>>
      tpu.wait_indirect_dma semaphore(%run_scoped3A_65 : memref<!tpu.dma_semaphore, #tpu.memory_space<semaphore_mem>>) src(%arg5 : memref<512xf32, #tpu.memory_space<vmem>>) dst(%dma_wait3A_73 : memref<10240xf32, #tpu.memory_space<vmem_shared>>)
      tpu.yield
    }) : () -> ()
    %run_scoped3A_51 = arith.constant 1 : i32
    "tpu.region"() ({
      %run_scoped3A_65 = tpu.sem_alloc : memref<!tpu.dma_semaphore, #tpu.memory_space<semaphore_mem>>
      %dma_start3A = arith.constant 0 : i32
      %dma_start3A_66 = tpu.memref_slice %arg4[%run_scoped3A_51, %dma_start3A] : memref<8x512xi32, #tpu.memory_space<vmem>> -> memref<1x512xi32, #tpu.memory_space<vmem>>
      %dma_start3A_67 = tpu.memref_squeeze %dma_start3A_66 : memref<1x512xi32, #tpu.memory_space<vmem>> -> memref<512xi32, #tpu.memory_space<vmem>>
      %dma_start3A_68 = arith.constant 0 : i32
      %dma_start3A_69 = tpu.memref_slice %arg7[%dma_start3A_68] : memref<10240xf32, #tpu.memory_space<vmem_shared>> -> memref<10240xf32, #tpu.memory_space<vmem_shared>>
      tpu.enqueue_indirect_dma source(%arg5 : memref<512xf32, #tpu.memory_space<vmem>>) target(%dma_start3A_69 : memref<10240xf32, #tpu.memory_space<vmem_shared>>) offsets(%dma_start3A_67 : memref<512xi32, #tpu.memory_space<vmem>>) semaphore(%run_scoped3A_65 : memref<!tpu.dma_semaphore, #tpu.memory_space<semaphore_mem>>) {add = true}
      %dma_wait3A = arith.constant 0 : i32
      %dma_wait3A_70 = tpu.memref_slice %arg4[%run_scoped3A_51, %dma_wait3A] : memref<8x512xi32, #tpu.memory_space<vmem>> -> memref<1x512xi32, #tpu.memory_space<vmem>>
      %dma_wait3A_71 = tpu.memref_squeeze %dma_wait3A_70 : memref<1x512xi32, #tpu.memory_space<vmem>> -> memref<512xi32, #tpu.memory_space<vmem>>
      %dma_wait3A_72 = arith.constant 0 : i32
      %dma_wait3A_73 = tpu.memref_slice %arg7[%dma_wait3A_72] : memref<10240xf32, #tpu.memory_space<vmem_shared>> -> memref<10240xf32, #tpu.memory_space<vmem_shared>>
      tpu.wait_indirect_dma semaphore(%run_scoped3A_65 : memref<!tpu.dma_semaphore, #tpu.memory_space<semaphore_mem>>) src(%arg5 : memref<512xf32, #tpu.memory_space<vmem>>) dst(%dma_wait3A_73 : memref<10240xf32, #tpu.memory_space<vmem_shared>>)
      tpu.yield
    }) : () -> ()
    %run_scoped3A_52 = arith.constant 2 : i32
    "tpu.region"() ({
      %run_scoped3A_65 = tpu.sem_alloc : memref<!tpu.dma_semaphore, #tpu.memory_space<semaphore_mem>>
      %dma_start3A = arith.constant 0 : i32
      %dma_start3A_66 = tpu.memref_slice %arg4[%run_scoped3A_52, %dma_start3A] : memref<8x512xi32, #tpu.memory_space<vmem>> -> memref<1x512xi32, #tpu.memory_space<vmem>>
      %dma_start3A_67 = tpu.memref_squeeze %dma_start3A_66 : memref<1x512xi32, #tpu.memory_space<vmem>> -> memref<512xi32, #tpu.memory_space<vmem>>
      %dma_start3A_68 = arith.constant 0 : i32
      %dma_start3A_69 = tpu.memref_slice %arg7[%dma_start3A_68] : memref<10240xf32, #tpu.memory_space<vmem_shared>> -> memref<10240xf32, #tpu.memory_space<vmem_shared>>
      tpu.enqueue_indirect_dma source(%arg5 : memref<512xf32, #tpu.memory_space<vmem>>) target(%dma_start3A_69 : memref<10240xf32, #tpu.memory_space<vmem_shared>>) offsets(%dma_start3A_67 : memref<512xi32, #tpu.memory_space<vmem>>) semaphore(%run_scoped3A_65 : memref<!tpu.dma_semaphore, #tpu.memory_space<semaphore_mem>>) {add = true}
      %dma_wait3A = arith.constant 0 : i32
      %dma_wait3A_70 = tpu.memref_slice %arg4[%run_scoped3A_52, %dma_wait3A] : memref<8x512xi32, #tpu.memory_space<vmem>> -> memref<1x512xi32, #tpu.memory_space<vmem>>
      %dma_wait3A_71 = tpu.memref_squeeze %dma_wait3A_70 : memref<1x512xi32, #tpu.memory_space<vmem>> -> memref<512xi32, #tpu.memory_space<vmem>>
      %dma_wait3A_72 = arith.constant 0 : i32
      %dma_wait3A_73 = tpu.memref_slice %arg7[%dma_wait3A_72] : memref<10240xf32, #tpu.memory_space<vmem_shared>> -> memref<10240xf32, #tpu.memory_space<vmem_shared>>
      tpu.wait_indirect_dma semaphore(%run_scoped3A_65 : memref<!tpu.dma_semaphore, #tpu.memory_space<semaphore_mem>>) src(%arg5 : memref<512xf32, #tpu.memory_space<vmem>>) dst(%dma_wait3A_73 : memref<10240xf32, #tpu.memory_space<vmem_shared>>)
      tpu.yield
    }) : () -> ()
    %run_scoped3A_53 = arith.constant 3 : i32
    "tpu.region"() ({
      %run_scoped3A_65 = tpu.sem_alloc : memref<!tpu.dma_semaphore, #tpu.memory_space<semaphore_mem>>
      %dma_start3A = arith.constant 0 : i32
      %dma_start3A_66 = tpu.memref_slice %arg4[%run_scoped3A_53, %dma_start3A] : memref<8x512xi32, #tpu.memory_space<vmem>> -> memref<1x512xi32, #tpu.memory_space<vmem>>
      %dma_start3A_67 = tpu.memref_squeeze %dma_start3A_66 : memref<1x512xi32, #tpu.memory_space<vmem>> -> memref<512xi32, #tpu.memory_space<vmem>>
      %dma_start3A_68 = arith.constant 0 : i32
      %dma_start3A_69 = tpu.memref_slice %arg7[%dma_start3A_68] : memref<10240xf32, #tpu.memory_space<vmem_shared>> -> memref<10240xf32, #tpu.memory_space<vmem_shared>>
      tpu.enqueue_indirect_dma source(%arg5 : memref<512xf32, #tpu.memory_space<vmem>>) target(%dma_start3A_69 : memref<10240xf32, #tpu.memory_space<vmem_shared>>) offsets(%dma_start3A_67 : memref<512xi32, #tpu.memory_space<vmem>>) semaphore(%run_scoped3A_65 : memref<!tpu.dma_semaphore, #tpu.memory_space<semaphore_mem>>) {add = true}
      %dma_wait3A = arith.constant 0 : i32
      %dma_wait3A_70 = tpu.memref_slice %arg4[%run_scoped3A_53, %dma_wait3A] : memref<8x512xi32, #tpu.memory_space<vmem>> -> memref<1x512xi32, #tpu.memory_space<vmem>>
      %dma_wait3A_71 = tpu.memref_squeeze %dma_wait3A_70 : memref<1x512xi32, #tpu.memory_space<vmem>> -> memref<512xi32, #tpu.memory_space<vmem>>
      %dma_wait3A_72 = arith.constant 0 : i32
      %dma_wait3A_73 = tpu.memref_slice %arg7[%dma_wait3A_72] : memref<10240xf32, #tpu.memory_space<vmem_shared>> -> memref<10240xf32, #tpu.memory_space<vmem_shared>>
      tpu.wait_indirect_dma semaphore(%run_scoped3A_65 : memref<!tpu.dma_semaphore, #tpu.memory_space<semaphore_mem>>) src(%arg5 : memref<512xf32, #tpu.memory_space<vmem>>) dst(%dma_wait3A_73 : memref<10240xf32, #tpu.memory_space<vmem_shared>>)
      tpu.yield
    }) : () -> ()
    %run_scoped3A_54 = arith.constant 4 : i32
    "tpu.region"() ({
      %run_scoped3A_65 = tpu.sem_alloc : memref<!tpu.dma_semaphore, #tpu.memory_space<semaphore_mem>>
      %dma_start3A = arith.constant 0 : i32
      %dma_start3A_66 = tpu.memref_slice %arg4[%run_scoped3A_54, %dma_start3A] : memref<8x512xi32, #tpu.memory_space<vmem>> -> memref<1x512xi32, #tpu.memory_space<vmem>>
      %dma_start3A_67 = tpu.memref_squeeze %dma_start3A_66 : memref<1x512xi32, #tpu.memory_space<vmem>> -> memref<512xi32, #tpu.memory_space<vmem>>
      %dma_start3A_68 = arith.constant 0 : i32
      %dma_start3A_69 = tpu.memref_slice %arg7[%dma_start3A_68] : memref<10240xf32, #tpu.memory_space<vmem_shared>> -> memref<10240xf32, #tpu.memory_space<vmem_shared>>
      tpu.enqueue_indirect_dma source(%arg5 : memref<512xf32, #tpu.memory_space<vmem>>) target(%dma_start3A_69 : memref<10240xf32, #tpu.memory_space<vmem_shared>>) offsets(%dma_start3A_67 : memref<512xi32, #tpu.memory_space<vmem>>) semaphore(%run_scoped3A_65 : memref<!tpu.dma_semaphore, #tpu.memory_space<semaphore_mem>>) {add = true}
      %dma_wait3A = arith.constant 0 : i32
      %dma_wait3A_70 = tpu.memref_slice %arg4[%run_scoped3A_54, %dma_wait3A] : memref<8x512xi32, #tpu.memory_space<vmem>> -> memref<1x512xi32, #tpu.memory_space<vmem>>
      %dma_wait3A_71 = tpu.memref_squeeze %dma_wait3A_70 : memref<1x512xi32, #tpu.memory_space<vmem>> -> memref<512xi32, #tpu.memory_space<vmem>>
      %dma_wait3A_72 = arith.constant 0 : i32
      %dma_wait3A_73 = tpu.memref_slice %arg7[%dma_wait3A_72] : memref<10240xf32, #tpu.memory_space<vmem_shared>> -> memref<10240xf32, #tpu.memory_space<vmem_shared>>
      tpu.wait_indirect_dma semaphore(%run_scoped3A_65 : memref<!tpu.dma_semaphore, #tpu.memory_space<semaphore_mem>>) src(%arg5 : memref<512xf32, #tpu.memory_space<vmem>>) dst(%dma_wait3A_73 : memref<10240xf32, #tpu.memory_space<vmem_shared>>)
      tpu.yield
    }) : () -> ()
    %run_scoped3A_55 = arith.constant 5 : i32
    "tpu.region"() ({
      %run_scoped3A_65 = tpu.sem_alloc : memref<!tpu.dma_semaphore, #tpu.memory_space<semaphore_mem>>
      %dma_start3A = arith.constant 0 : i32
      %dma_start3A_66 = tpu.memref_slice %arg4[%run_scoped3A_55, %dma_start3A] : memref<8x512xi32, #tpu.memory_space<vmem>> -> memref<1x512xi32, #tpu.memory_space<vmem>>
      %dma_start3A_67 = tpu.memref_squeeze %dma_start3A_66 : memref<1x512xi32, #tpu.memory_space<vmem>> -> memref<512xi32, #tpu.memory_space<vmem>>
      %dma_start3A_68 = arith.constant 0 : i32
      %dma_start3A_69 = tpu.memref_slice %arg7[%dma_start3A_68] : memref<10240xf32, #tpu.memory_space<vmem_shared>> -> memref<10240xf32, #tpu.memory_space<vmem_shared>>
      tpu.enqueue_indirect_dma source(%arg5 : memref<512xf32, #tpu.memory_space<vmem>>) target(%dma_start3A_69 : memref<10240xf32, #tpu.memory_space<vmem_shared>>) offsets(%dma_start3A_67 : memref<512xi32, #tpu.memory_space<vmem>>) semaphore(%run_scoped3A_65 : memref<!tpu.dma_semaphore, #tpu.memory_space<semaphore_mem>>) {add = true}
      %dma_wait3A = arith.constant 0 : i32
      %dma_wait3A_70 = tpu.memref_slice %arg4[%run_scoped3A_55, %dma_wait3A] : memref<8x512xi32, #tpu.memory_space<vmem>> -> memref<1x512xi32, #tpu.memory_space<vmem>>
      %dma_wait3A_71 = tpu.memref_squeeze %dma_wait3A_70 : memref<1x512xi32, #tpu.memory_space<vmem>> -> memref<512xi32, #tpu.memory_space<vmem>>
      %dma_wait3A_72 = arith.constant 0 : i32
      %dma_wait3A_73 = tpu.memref_slice %arg7[%dma_wait3A_72] : memref<10240xf32, #tpu.memory_space<vmem_shared>> -> memref<10240xf32, #tpu.memory_space<vmem_shared>>
      tpu.wait_indirect_dma semaphore(%run_scoped3A_65 : memref<!tpu.dma_semaphore, #tpu.memory_space<semaphore_mem>>) src(%arg5 : memref<512xf32, #tpu.memory_space<vmem>>) dst(%dma_wait3A_73 : memref<10240xf32, #tpu.memory_space<vmem_shared>>)
      tpu.yield
    }) : () -> ()
    %run_scoped3A_56 = arith.constant 6 : i32
    "tpu.region"() ({
      %run_scoped3A_65 = tpu.sem_alloc : memref<!tpu.dma_semaphore, #tpu.memory_space<semaphore_mem>>
      %dma_start3A = arith.constant 0 : i32
      %dma_start3A_66 = tpu.memref_slice %arg4[%run_scoped3A_56, %dma_start3A] : memref<8x512xi32, #tpu.memory_space<vmem>> -> memref<1x512xi32, #tpu.memory_space<vmem>>
      %dma_start3A_67 = tpu.memref_squeeze %dma_start3A_66 : memref<1x512xi32, #tpu.memory_space<vmem>> -> memref<512xi32, #tpu.memory_space<vmem>>
      %dma_start3A_68 = arith.constant 0 : i32
      %dma_start3A_69 = tpu.memref_slice %arg7[%dma_start3A_68] : memref<10240xf32, #tpu.memory_space<vmem_shared>> -> memref<10240xf32, #tpu.memory_space<vmem_shared>>
      tpu.enqueue_indirect_dma source(%arg5 : memref<512xf32, #tpu.memory_space<vmem>>) target(%dma_start3A_69 : memref<10240xf32, #tpu.memory_space<vmem_shared>>) offsets(%dma_start3A_67 : memref<512xi32, #tpu.memory_space<vmem>>) semaphore(%run_scoped3A_65 : memref<!tpu.dma_semaphore, #tpu.memory_space<semaphore_mem>>) {add = true}
      %dma_wait3A = arith.constant 0 : i32
      %dma_wait3A_70 = tpu.memref_slice %arg4[%run_scoped3A_56, %dma_wait3A] : memref<8x512xi32, #tpu.memory_space<vmem>> -> memref<1x512xi32, #tpu.memory_space<vmem>>
      %dma_wait3A_71 = tpu.memref_squeeze %dma_wait3A_70 : memref<1x512xi32, #tpu.memory_space<vmem>> -> memref<512xi32, #tpu.memory_space<vmem>>
      %dma_wait3A_72 = arith.constant 0 : i32
      %dma_wait3A_73 = tpu.memref_slice %arg7[%dma_wait3A_72] : memref<10240xf32, #tpu.memory_space<vmem_shared>> -> memref<10240xf32, #tpu.memory_space<vmem_shared>>
      tpu.wait_indirect_dma semaphore(%run_scoped3A_65 : memref<!tpu.dma_semaphore, #tpu.memory_space<semaphore_mem>>) src(%arg5 : memref<512xf32, #tpu.memory_space<vmem>>) dst(%dma_wait3A_73 : memref<10240xf32, #tpu.memory_space<vmem_shared>>)
      tpu.yield
    }) : () -> ()
    %run_scoped3A_57 = arith.constant 7 : i32
    "tpu.region"() ({
      %run_scoped3A_65 = tpu.sem_alloc : memref<!tpu.dma_semaphore, #tpu.memory_space<semaphore_mem>>
      %dma_start3A = arith.constant 0 : i32
      %dma_start3A_66 = tpu.memref_slice %arg4[%run_scoped3A_57, %dma_start3A] : memref<8x512xi32, #tpu.memory_space<vmem>> -> memref<1x512xi32, #tpu.memory_space<vmem>>
      %dma_start3A_67 = tpu.memref_squeeze %dma_start3A_66 : memref<1x512xi32, #tpu.memory_space<vmem>> -> memref<512xi32, #tpu.memory_space<vmem>>
      %dma_start3A_68 = arith.constant 0 : i32
      %dma_start3A_69 = tpu.memref_slice %arg7[%dma_start3A_68] : memref<10240xf32, #tpu.memory_space<vmem_shared>> -> memref<10240xf32, #tpu.memory_space<vmem_shared>>
      tpu.enqueue_indirect_dma source(%arg5 : memref<512xf32, #tpu.memory_space<vmem>>) target(%dma_start3A_69 : memref<10240xf32, #tpu.memory_space<vmem_shared>>) offsets(%dma_start3A_67 : memref<512xi32, #tpu.memory_space<vmem>>) semaphore(%run_scoped3A_65 : memref<!tpu.dma_semaphore, #tpu.memory_space<semaphore_mem>>) {add = true}
      %dma_wait3A = arith.constant 0 : i32
      %dma_wait3A_70 = tpu.memref_slice %arg4[%run_scoped3A_57, %dma_wait3A] : memref<8x512xi32, #tpu.memory_space<vmem>> -> memref<1x512xi32, #tpu.memory_space<vmem>>
      %dma_wait3A_71 = tpu.memref_squeeze %dma_wait3A_70 : memref<1x512xi32, #tpu.memory_space<vmem>> -> memref<512xi32, #tpu.memory_space<vmem>>
      %dma_wait3A_72 = arith.constant 0 : i32
      %dma_wait3A_73 = tpu.memref_slice %arg7[%dma_wait3A_72] : memref<10240xf32, #tpu.memory_space<vmem_shared>> -> memref<10240xf32, #tpu.memory_space<vmem_shared>>
      tpu.wait_indirect_dma semaphore(%run_scoped3A_65 : memref<!tpu.dma_semaphore, #tpu.memory_space<semaphore_mem>>) src(%arg5 : memref<512xf32, #tpu.memory_space<vmem>>) dst(%dma_wait3A_73 : memref<10240xf32, #tpu.memory_space<vmem_shared>>)
      tpu.yield
    }) : () -> ()
    %barrier3A_58 = arith.constant 0 : index
    tpu.barrier barrier_id(%barrier3A_58)
    %mul3A_59 = arith.constant 640 : i32
    %mul3A_60 = arith.muli %arg1, %mul3A_59 : i32
    "tpu.region"() ({
      %run_scoped3A_65 = tpu.sem_alloc : memref<!tpu.dma_semaphore, #tpu.memory_space<semaphore_mem>>
      %dma_start3A = tpu.memref_slice %arg7[%mul3A_60] : memref<10240xf32, #tpu.memory_space<vmem_shared>> -> memref<640xf32, #tpu.memory_space<vmem_shared>>
      %dma_start3A_66 = tpu.memref_slice %arg7[%mul3A_60] : memref<10240xf32, #tpu.memory_space<vmem_shared>> -> memref<640xf32, #tpu.memory_space<vmem_shared>>
      tpu.enqueue_dma source(%dma_start3A_66 : memref<640xf32, #tpu.memory_space<vmem_shared>>) target(%arg6 : memref<640xf32, #tpu.memory_space<vmem>>) target_semaphore(%run_scoped3A_65 : memref<!tpu.dma_semaphore, #tpu.memory_space<semaphore_mem>>)
      %dma_wait3A = tpu.memref_slice %arg7[%mul3A_60] : memref<10240xf32, #tpu.memory_space<vmem_shared>> -> memref<640xf32, #tpu.memory_space<vmem_shared>>
      %dma_wait3A_67 = tpu.memref_slice %arg7[%mul3A_60] : memref<10240xf32, #tpu.memory_space<vmem_shared>> -> memref<640xf32, #tpu.memory_space<vmem_shared>>
      tpu.wait_dma2 semaphore(%run_scoped3A_65 : memref<!tpu.dma_semaphore, #tpu.memory_space<semaphore_mem>>) src(%dma_wait3A_67 : memref<640xf32, #tpu.memory_space<vmem_shared>>) dst(%arg6 : memref<640xf32, #tpu.memory_space<vmem>>)
      tpu.yield
    }) : () -> ()
    %mul3A_61 = arith.constant 10240 : i32
    %mul3A_62 = arith.muli %arg0, %mul3A_61 : i32
    %mul3A_63 = arith.constant 640 : i32
    %mul3A_64 = arith.muli %arg1, %mul3A_63 : i32
    %add3A = arith.addi %mul3A_62, %mul3A_64 : i32
    "tpu.region"() ({
      %run_scoped3A_65 = tpu.sem_alloc : memref<!tpu.dma_semaphore, #tpu.memory_space<semaphore_mem>>
      %dma_start3A = tpu.memref_slice %arg3[%add3A] : memref<20480xf32, #tpu.memory_space<hbm>> -> memref<640xf32, #tpu.memory_space<hbm>>
      %dma_start3A_66 = tpu.memref_slice %arg3[%add3A] : memref<20480xf32, #tpu.memory_space<hbm>> -> memref<640xf32, #tpu.memory_space<hbm>>
      tpu.enqueue_dma source(%arg6 : memref<640xf32, #tpu.memory_space<vmem>>) target(%dma_start3A_66 : memref<640xf32, #tpu.memory_space<hbm>>) target_semaphore(%run_scoped3A_65 : memref<!tpu.dma_semaphore, #tpu.memory_space<semaphore_mem>>)
      %dma_wait3A = tpu.memref_slice %arg3[%add3A] : memref<20480xf32, #tpu.memory_space<hbm>> -> memref<640xf32, #tpu.memory_space<hbm>>
      %dma_wait3A_67 = tpu.memref_slice %arg3[%add3A] : memref<20480xf32, #tpu.memory_space<hbm>> -> memref<640xf32, #tpu.memory_space<hbm>>
      tpu.wait_dma2 semaphore(%run_scoped3A_65 : memref<!tpu.dma_semaphore, #tpu.memory_space<semaphore_mem>>) src(%arg6 : memref<640xf32, #tpu.memory_space<vmem>>) dst(%dma_wait3A_67 : memref<640xf32, #tpu.memory_space<hbm>>)
      tpu.yield
    }) : () -> ()
    return
  }
}

#map = affine_map<(d0, d1) -> (0, 0)>
#map1 = affine_map<(d0, d1) -> (0, 0, 0, 0, 0)>
module attributes {stable_mosaic.version = 14 : i64} {
  func.func @_agg_body(%arg0: i32, %arg1: i32, %arg2: memref<50000x64xf32, #tpu.memory_space<hbm>>, %arg3: memref<2x5x16x8x512xi32, #tpu.memory_space<hbm>>, %arg4: memref<2x5x16x8x512xi32, #tpu.memory_space<hbm>>, %arg5: memref<61440x64xf32, #tpu.memory_space<hbm>>, %arg6: memref<8x512xi32, #tpu.memory_space<vmem>>, %arg7: memref<8x512xi32, #tpu.memory_space<vmem>>, %arg8: memref<512x64xf32, #tpu.memory_space<vmem>>, %arg9: memref<512x64xf32, #tpu.memory_space<vmem>>, %arg10: memref<128x64xf32, #tpu.memory_space<vmem>>, %arg11: memref<128x64xf32, #tpu.memory_space<vmem>>, %arg12: memref<10240x64xf32, #tpu.memory_space<vmem_shared>>, %arg13: memref<!tpu.dma_semaphore, #tpu.memory_space<semaphore_mem>>, %arg14: memref<!tpu.dma_semaphore, #tpu.memory_space<semaphore_mem>>, %arg15: memref<!tpu.dma_semaphore, #tpu.memory_space<semaphore_mem>>) attributes {dimension_semantics = [#tpu.dimension_semantics<core_parallel>, #tpu.dimension_semantics<subcore_parallel>], iteration_bounds = array<i64: 2, 16>, scalar_prefetch = 0 : i64, scratch_operands = 10 : i64, tpu.core_type = #tpu.core_type<sc_vector_subcore>, window_params = [{transform_indices = #map}, {transform_indices = #map1}, {transform_indices = #map1}, {transform_indices = #map}]} {
    %scan3A = arith.constant 0 : i32
    %scan3A_0 = arith.constant 0 : i32
    %scan3A_1 = arith.constant 512 : i32
    %scan3A_2 = arith.addi %scan3A_0, %scan3A_1 : i32
    %scan3A_3 = arith.constant 1 : i32
    %scan3A_4 = scf.for %scan3A_1363 = %scan3A_0 to %scan3A_2 step %scan3A_3 iter_args(%scan3A_1364 = %scan3A) -> (i32)  : i32 {
      %broadcast_in_dim3A = arith.constant 0.000000e+00 : f32
      %broadcast_in_dim3A_1365 = vector.broadcast %broadcast_in_dim3A : f32 to vector<16xf32>
      %jit3A = arith.constant 4 : i32
      %div3A = arith.divsi %scan3A_1363, %jit3A : i32
      %sign3A = arith.constant 0 : i32
      %sign3A_1366 = arith.cmpi sgt, %scan3A_1363, %sign3A : i32
      %sign3A_1367 = arith.extui %sign3A_1366 : i1 to i32
      %sign3A_1368 = arith.constant 0 : i32
      %sign3A_1369 = arith.cmpi slt, %scan3A_1363, %sign3A_1368 : i32
      %sign3A_1370 = arith.extui %sign3A_1369 : i1 to i32
      %sign3A_1371 = arith.subi %sign3A_1367, %sign3A_1370 : i32
      %sign3A_1372 = arith.constant 0 : i32
      %sign3A_1373 = arith.cmpi sgt, %jit3A, %sign3A_1372 : i32
      %sign3A_1374 = arith.extui %sign3A_1373 : i1 to i32
      %sign3A_1375 = arith.constant 0 : i32
      %sign3A_1376 = arith.cmpi slt, %jit3A, %sign3A_1375 : i32
      %sign3A_1377 = arith.extui %sign3A_1376 : i1 to i32
      %sign3A_1378 = arith.subi %sign3A_1374, %sign3A_1377 : i32
      %ne3A = arith.cmpi ne, %sign3A_1371, %sign3A_1378 : i32
      %rem3A = arith.remsi %scan3A_1363, %jit3A : i32
      %ne3A_1379 = arith.constant 0 : i32
      %ne3A_1380 = arith.cmpi ne, %rem3A, %ne3A_1379 : i32
      %and3A = arith.andi %ne3A, %ne3A_1380 : i1
      %sub3A = arith.constant 1 : i32
      %sub3A_1381 = arith.subi %div3A, %sub3A : i32
      %select_n3A = arith.select %and3A, %sub3A_1381, %div3A : i32
      %jit3A_1382 = arith.constant 4 : i32
      %eq3A = arith.constant 0 : i32
      %eq3A_1383 = arith.cmpi eq, %jit3A_1382, %eq3A : i32
      %jit3A_1384 = arith.constant 1 : i32
      %select_n3A_1385 = arith.select %eq3A_1383, %jit3A_1384, %jit3A_1382 : i32
      %rem3A_1386 = arith.remsi %scan3A_1363, %select_n3A_1385 : i32
      %ne3A_1387 = arith.constant 0 : i32
      %ne3A_1388 = arith.cmpi ne, %rem3A_1386, %ne3A_1387 : i32
      %lt3A = arith.constant 0 : i32
      %lt3A_1389 = arith.cmpi slt, %rem3A_1386, %lt3A : i32
      %lt3A_1390 = arith.constant 0 : i32
      %lt3A_1391 = arith.cmpi slt, %select_n3A_1385, %lt3A_1390 : i32
      %ne3A_1392 = arith.xori %lt3A_1389, %lt3A_1391 : i1
      %and3A_1393 = arith.andi %ne3A_1392, %ne3A_1388 : i1
      %add3A_1394 = arith.addi %rem3A_1386, %select_n3A_1385 : i32
      %select_n3A_1395 = arith.select %and3A_1393, %add3A_1394, %rem3A_1386 : i32
      %mul3A_1396 = arith.constant 16 : i32
      %mul3A_1397 = arith.muli %select_n3A_1395, %mul3A_1396 : i32
      %swap3A = arith.index_cast %select_n3A : i32 to index
      %swap3A_1398 = arith.index_cast %mul3A_1397 : i32 to index
      %swap3A_1399 = tpu.vector_load %arg10[%swap3A, %swap3A_1398] {strides = array<i32>} : memref<128x64xf32, #tpu.memory_space<vmem>>, vector<1x16xf32>,
      %swap3A_1400 = vector.shape_cast %swap3A_1399 : vector<1x16xf32> to vector<16xf32>
      %swap3A_1401 = vector.shape_cast %broadcast_in_dim3A_1365 : vector<16xf32> to vector<1x16xf32>
      tpu.vector_store %arg10[%swap3A, %swap3A_1398], %swap3A_1401 {strides = array<i32>} : memref<128x64xf32, #tpu.memory_space<vmem>>, vector<1x16xf32>,
      %scan3A_1402 = arith.constant 0 : i32
      scf.yield %scan3A_1402 : i32
    }
    %scan3A_5 = arith.constant 512 : i32
    %mul3A = arith.constant 640 : i32
    %mul3A_6 = arith.muli %arg1, %mul3A : i32
    %add3A = arith.constant 0 : i32
    %add3A_7 = arith.addi %mul3A_6, %add3A : i32
    "tpu.region"() ({
      %run_scoped3A_1363 = tpu.sem_alloc : memref<!tpu.dma_semaphore, #tpu.memory_space<semaphore_mem>>
      %dma_start3A_1364 = arith.constant 0 : i32
      %dma_start3A_1365 = tpu.memref_slice %arg12[%add3A_7, %dma_start3A_1364] : memref<10240x64xf32, #tpu.memory_space<vmem_shared>> -> memref<128x64xf32, #tpu.memory_space<vmem_shared>>
      %dma_start3A_1366 = arith.constant 0 : i32
      %dma_start3A_1367 = tpu.memref_slice %arg12[%add3A_7, %dma_start3A_1366] : memref<10240x64xf32, #tpu.memory_space<vmem_shared>> -> memref<128x64xf32, #tpu.memory_space<vmem_shared>>
      tpu.enqueue_dma source(%arg10 : memref<128x64xf32, #tpu.memory_space<vmem>>) target(%dma_start3A_1367 : memref<128x64xf32, #tpu.memory_space<vmem_shared>>) target_semaphore(%run_scoped3A_1363 : memref<!tpu.dma_semaphore, #tpu.memory_space<semaphore_mem>>)
      %dma_wait3A_1368 = arith.constant 0 : i32
      %dma_wait3A_1369 = tpu.memref_slice %arg12[%add3A_7, %dma_wait3A_1368] : memref<10240x64xf32, #tpu.memory_space<vmem_shared>> -> memref<128x64xf32, #tpu.memory_space<vmem_shared>>
      %dma_wait3A_1370 = arith.constant 0 : i32
      %dma_wait3A_1371 = tpu.memref_slice %arg12[%add3A_7, %dma_wait3A_1370] : memref<10240x64xf32, #tpu.memory_space<vmem_shared>> -> memref<128x64xf32, #tpu.memory_space<vmem_shared>>
      tpu.wait_dma2 semaphore(%run_scoped3A_1363 : memref<!tpu.dma_semaphore, #tpu.memory_space<semaphore_mem>>) src(%arg10 : memref<128x64xf32, #tpu.memory_space<vmem>>) dst(%dma_wait3A_1371 : memref<128x64xf32, #tpu.memory_space<vmem_shared>>)
      tpu.yield
    }) : () -> ()
    %mul3A_8 = arith.constant 640 : i32
    %mul3A_9 = arith.muli %arg1, %mul3A_8 : i32
    %add3A_10 = arith.constant 128 : i32
    %add3A_11 = arith.addi %mul3A_9, %add3A_10 : i32
    "tpu.region"() ({
      %run_scoped3A_1363 = tpu.sem_alloc : memref<!tpu.dma_semaphore, #tpu.memory_space<semaphore_mem>>
      %dma_start3A_1364 = arith.constant 0 : i32
      %dma_start3A_1365 = tpu.memref_slice %arg12[%add3A_11, %dma_start3A_1364] : memref<10240x64xf32, #tpu.memory_space<vmem_shared>> -> memref<128x64xf32, #tpu.memory_space<vmem_shared>>
      %dma_start3A_1366 = arith.constant 0 : i32
      %dma_start3A_1367 = tpu.memref_slice %arg12[%add3A_11, %dma_start3A_1366] : memref<10240x64xf32, #tpu.memory_space<vmem_shared>> -> memref<128x64xf32, #tpu.memory_space<vmem_shared>>
      tpu.enqueue_dma source(%arg10 : memref<128x64xf32, #tpu.memory_space<vmem>>) target(%dma_start3A_1367 : memref<128x64xf32, #tpu.memory_space<vmem_shared>>) target_semaphore(%run_scoped3A_1363 : memref<!tpu.dma_semaphore, #tpu.memory_space<semaphore_mem>>)
      %dma_wait3A_1368 = arith.constant 0 : i32
      %dma_wait3A_1369 = tpu.memref_slice %arg12[%add3A_11, %dma_wait3A_1368] : memref<10240x64xf32, #tpu.memory_space<vmem_shared>> -> memref<128x64xf32, #tpu.memory_space<vmem_shared>>
      %dma_wait3A_1370 = arith.constant 0 : i32
      %dma_wait3A_1371 = tpu.memref_slice %arg12[%add3A_11, %dma_wait3A_1370] : memref<10240x64xf32, #tpu.memory_space<vmem_shared>> -> memref<128x64xf32, #tpu.memory_space<vmem_shared>>
      tpu.wait_dma2 semaphore(%run_scoped3A_1363 : memref<!tpu.dma_semaphore, #tpu.memory_space<semaphore_mem>>) src(%arg10 : memref<128x64xf32, #tpu.memory_space<vmem>>) dst(%dma_wait3A_1371 : memref<128x64xf32, #tpu.memory_space<vmem_shared>>)
      tpu.yield
    }) : () -> ()
    %mul3A_12 = arith.constant 640 : i32
    %mul3A_13 = arith.muli %arg1, %mul3A_12 : i32
    %add3A_14 = arith.constant 256 : i32
    %add3A_15 = arith.addi %mul3A_13, %add3A_14 : i32
    "tpu.region"() ({
      %run_scoped3A_1363 = tpu.sem_alloc : memref<!tpu.dma_semaphore, #tpu.memory_space<semaphore_mem>>
      %dma_start3A_1364 = arith.constant 0 : i32
      %dma_start3A_1365 = tpu.memref_slice %arg12[%add3A_15, %dma_start3A_1364] : memref<10240x64xf32, #tpu.memory_space<vmem_shared>> -> memref<128x64xf32, #tpu.memory_space<vmem_shared>>
      %dma_start3A_1366 = arith.constant 0 : i32
      %dma_start3A_1367 = tpu.memref_slice %arg12[%add3A_15, %dma_start3A_1366] : memref<10240x64xf32, #tpu.memory_space<vmem_shared>> -> memref<128x64xf32, #tpu.memory_space<vmem_shared>>
      tpu.enqueue_dma source(%arg10 : memref<128x64xf32, #tpu.memory_space<vmem>>) target(%dma_start3A_1367 : memref<128x64xf32, #tpu.memory_space<vmem_shared>>) target_semaphore(%run_scoped3A_1363 : memref<!tpu.dma_semaphore, #tpu.memory_space<semaphore_mem>>)
      %dma_wait3A_1368 = arith.constant 0 : i32
      %dma_wait3A_1369 = tpu.memref_slice %arg12[%add3A_15, %dma_wait3A_1368] : memref<10240x64xf32, #tpu.memory_space<vmem_shared>> -> memref<128x64xf32, #tpu.memory_space<vmem_shared>>
      %dma_wait3A_1370 = arith.constant 0 : i32
      %dma_wait3A_1371 = tpu.memref_slice %arg12[%add3A_15, %dma_wait3A_1370] : memref<10240x64xf32, #tpu.memory_space<vmem_shared>> -> memref<128x64xf32, #tpu.memory_space<vmem_shared>>
      tpu.wait_dma2 semaphore(%run_scoped3A_1363 : memref<!tpu.dma_semaphore, #tpu.memory_space<semaphore_mem>>) src(%arg10 : memref<128x64xf32, #tpu.memory_space<vmem>>) dst(%dma_wait3A_1371 : memref<128x64xf32, #tpu.memory_space<vmem_shared>>)
      tpu.yield
    }) : () -> ()
    %mul3A_16 = arith.constant 640 : i32
    %mul3A_17 = arith.muli %arg1, %mul3A_16 : i32
    %add3A_18 = arith.constant 384 : i32
    %add3A_19 = arith.addi %mul3A_17, %add3A_18 : i32
    "tpu.region"() ({
      %run_scoped3A_1363 = tpu.sem_alloc : memref<!tpu.dma_semaphore, #tpu.memory_space<semaphore_mem>>
      %dma_start3A_1364 = arith.constant 0 : i32
      %dma_start3A_1365 = tpu.memref_slice %arg12[%add3A_19, %dma_start3A_1364] : memref<10240x64xf32, #tpu.memory_space<vmem_shared>> -> memref<128x64xf32, #tpu.memory_space<vmem_shared>>
      %dma_start3A_1366 = arith.constant 0 : i32
      %dma_start3A_1367 = tpu.memref_slice %arg12[%add3A_19, %dma_start3A_1366] : memref<10240x64xf32, #tpu.memory_space<vmem_shared>> -> memref<128x64xf32, #tpu.memory_space<vmem_shared>>
      tpu.enqueue_dma source(%arg10 : memref<128x64xf32, #tpu.memory_space<vmem>>) target(%dma_start3A_1367 : memref<128x64xf32, #tpu.memory_space<vmem_shared>>) target_semaphore(%run_scoped3A_1363 : memref<!tpu.dma_semaphore, #tpu.memory_space<semaphore_mem>>)
      %dma_wait3A_1368 = arith.constant 0 : i32
      %dma_wait3A_1369 = tpu.memref_slice %arg12[%add3A_19, %dma_wait3A_1368] : memref<10240x64xf32, #tpu.memory_space<vmem_shared>> -> memref<128x64xf32, #tpu.memory_space<vmem_shared>>
      %dma_wait3A_1370 = arith.constant 0 : i32
      %dma_wait3A_1371 = tpu.memref_slice %arg12[%add3A_19, %dma_wait3A_1370] : memref<10240x64xf32, #tpu.memory_space<vmem_shared>> -> memref<128x64xf32, #tpu.memory_space<vmem_shared>>
      tpu.wait_dma2 semaphore(%run_scoped3A_1363 : memref<!tpu.dma_semaphore, #tpu.memory_space<semaphore_mem>>) src(%arg10 : memref<128x64xf32, #tpu.memory_space<vmem>>) dst(%dma_wait3A_1371 : memref<128x64xf32, #tpu.memory_space<vmem_shared>>)
      tpu.yield
    }) : () -> ()
    %mul3A_20 = arith.constant 640 : i32
    %mul3A_21 = arith.muli %arg1, %mul3A_20 : i32
    %add3A_22 = arith.constant 512 : i32
    %add3A_23 = arith.addi %mul3A_21, %add3A_22 : i32
    "tpu.region"() ({
      %run_scoped3A_1363 = tpu.sem_alloc : memref<!tpu.dma_semaphore, #tpu.memory_space<semaphore_mem>>
      %dma_start3A_1364 = arith.constant 0 : i32
      %dma_start3A_1365 = tpu.memref_slice %arg12[%add3A_23, %dma_start3A_1364] : memref<10240x64xf32, #tpu.memory_space<vmem_shared>> -> memref<128x64xf32, #tpu.memory_space<vmem_shared>>
      %dma_start3A_1366 = arith.constant 0 : i32
      %dma_start3A_1367 = tpu.memref_slice %arg12[%add3A_23, %dma_start3A_1366] : memref<10240x64xf32, #tpu.memory_space<vmem_shared>> -> memref<128x64xf32, #tpu.memory_space<vmem_shared>>
      tpu.enqueue_dma source(%arg10 : memref<128x64xf32, #tpu.memory_space<vmem>>) target(%dma_start3A_1367 : memref<128x64xf32, #tpu.memory_space<vmem_shared>>) target_semaphore(%run_scoped3A_1363 : memref<!tpu.dma_semaphore, #tpu.memory_space<semaphore_mem>>)
      %dma_wait3A_1368 = arith.constant 0 : i32
      %dma_wait3A_1369 = tpu.memref_slice %arg12[%add3A_23, %dma_wait3A_1368] : memref<10240x64xf32, #tpu.memory_space<vmem_shared>> -> memref<128x64xf32, #tpu.memory_space<vmem_shared>>
      %dma_wait3A_1370 = arith.constant 0 : i32
      %dma_wait3A_1371 = tpu.memref_slice %arg12[%add3A_23, %dma_wait3A_1370] : memref<10240x64xf32, #tpu.memory_space<vmem_shared>> -> memref<128x64xf32, #tpu.memory_space<vmem_shared>>
      tpu.wait_dma2 semaphore(%run_scoped3A_1363 : memref<!tpu.dma_semaphore, #tpu.memory_space<semaphore_mem>>) src(%arg10 : memref<128x64xf32, #tpu.memory_space<vmem>>) dst(%dma_wait3A_1371 : memref<128x64xf32, #tpu.memory_space<vmem_shared>>)
      tpu.yield
    }) : () -> ()
    %barrier3A = arith.constant 0 : index
    tpu.barrier barrier_id(%barrier3A)
    %run_scoped3A = arith.constant 0 : i32
    "tpu.region"() ({
      %run_scoped3A_1363 = tpu.sem_alloc : memref<!tpu.dma_semaphore, #tpu.memory_space<semaphore_mem>>
      %dma_start3A_1364 = arith.constant 0 : i32
      %dma_start3A_1365 = arith.constant 0 : i32
      %dma_start3A_1366 = tpu.memref_slice %arg3[%arg0, %run_scoped3A, %arg1, %dma_start3A_1364, %dma_start3A_1365] : memref<2x5x16x8x512xi32, #tpu.memory_space<hbm>> -> memref<1x1x1x8x512xi32, #tpu.memory_space<hbm>>
      %dma_start3A_1367 = tpu.memref_squeeze %dma_start3A_1366 : memref<1x1x1x8x512xi32, #tpu.memory_space<hbm>> -> memref<8x512xi32, #tpu.memory_space<hbm>>
      %dma_start3A_1368 = arith.constant 0 : i32
      %dma_start3A_1369 = arith.constant 0 : i32
      %dma_start3A_1370 = tpu.memref_slice %arg3[%arg0, %run_scoped3A, %arg1, %dma_start3A_1368, %dma_start3A_1369] : memref<2x5x16x8x512xi32, #tpu.memory_space<hbm>> -> memref<1x1x1x8x512xi32, #tpu.memory_space<hbm>>
      %dma_start3A_1371 = tpu.memref_squeeze %dma_start3A_1370 : memref<1x1x1x8x512xi32, #tpu.memory_space<hbm>> -> memref<8x512xi32, #tpu.memory_space<hbm>>
      tpu.enqueue_dma source(%dma_start3A_1371 : memref<8x512xi32, #tpu.memory_space<hbm>>) target(%arg6 : memref<8x512xi32, #tpu.memory_space<vmem>>) target_semaphore(%run_scoped3A_1363 : memref<!tpu.dma_semaphore, #tpu.memory_space<semaphore_mem>>)
      %dma_wait3A_1372 = arith.constant 0 : i32
      %dma_wait3A_1373 = arith.constant 0 : i32
      %dma_wait3A_1374 = tpu.memref_slice %arg3[%arg0, %run_scoped3A, %arg1, %dma_wait3A_1372, %dma_wait3A_1373] : memref<2x5x16x8x512xi32, #tpu.memory_space<hbm>> -> memref<1x1x1x8x512xi32, #tpu.memory_space<hbm>>
      %dma_wait3A_1375 = tpu.memref_squeeze %dma_wait3A_1374 : memref<1x1x1x8x512xi32, #tpu.memory_space<hbm>> -> memref<8x512xi32, #tpu.memory_space<hbm>>
      %dma_wait3A_1376 = arith.constant 0 : i32
      %dma_wait3A_1377 = arith.constant 0 : i32
      %dma_wait3A_1378 = tpu.memref_slice %arg3[%arg0, %run_scoped3A, %arg1, %dma_wait3A_1376, %dma_wait3A_1377] : memref<2x5x16x8x512xi32, #tpu.memory_space<hbm>> -> memref<1x1x1x8x512xi32, #tpu.memory_space<hbm>>
      %dma_wait3A_1379 = tpu.memref_squeeze %dma_wait3A_1378 : memref<1x1x1x8x512xi32, #tpu.memory_space<hbm>> -> memref<8x512xi32, #tpu.memory_space<hbm>>
      tpu.wait_dma2 semaphore(%run_scoped3A_1363 : memref<!tpu.dma_semaphore, #tpu.memory_space<semaphore_mem>>) src(%dma_wait3A_1379 : memref<8x512xi32, #tpu.memory_space<hbm>>) dst(%arg6 : memref<8x512xi32, #tpu.memory_space<vmem>>)
      tpu.yield
    }) : () -> ()
    %run_scoped3A_24 = arith.constant 0 : i32
    "tpu.region"() ({
      %run_scoped3A_1363 = tpu.sem_alloc : memref<!tpu.dma_semaphore, #tpu.memory_space<semaphore_mem>>
      %dma_start3A_1364 = arith.constant 0 : i32
      %dma_start3A_1365 = arith.constant 0 : i32
      %dma_start3A_1366 = tpu.memref_slice %arg4[%arg0, %run_scoped3A_24, %arg1, %dma_start3A_1364, %dma_start3A_1365] : memref<2x5x16x8x512xi32, #tpu.memory_space<hbm>> -> memref<1x1x1x8x512xi32, #tpu.memory_space<hbm>>
      %dma_start3A_1367 = tpu.memref_squeeze %dma_start3A_1366 : memref<1x1x1x8x512xi32, #tpu.memory_space<hbm>> -> memref<8x512xi32, #tpu.memory_space<hbm>>
      %dma_start3A_1368 = arith.constant 0 : i32
      %dma_start3A_1369 = arith.constant 0 : i32
      %dma_start3A_1370 = tpu.memref_slice %arg4[%arg0, %run_scoped3A_24, %arg1, %dma_start3A_1368, %dma_start3A_1369] : memref<2x5x16x8x512xi32, #tpu.memory_space<hbm>> -> memref<1x1x1x8x512xi32, #tpu.memory_space<hbm>>
      %dma_start3A_1371 = tpu.memref_squeeze %dma_start3A_1370 : memref<1x1x1x8x512xi32, #tpu.memory_space<hbm>> -> memref<8x512xi32, #tpu.memory_space<hbm>>
      tpu.enqueue_dma source(%dma_start3A_1371 : memref<8x512xi32, #tpu.memory_space<hbm>>) target(%arg7 : memref<8x512xi32, #tpu.memory_space<vmem>>) target_semaphore(%run_scoped3A_1363 : memref<!tpu.dma_semaphore, #tpu.memory_space<semaphore_mem>>)
      %dma_wait3A_1372 = arith.constant 0 : i32
      %dma_wait3A_1373 = arith.constant 0 : i32
      %dma_wait3A_1374 = tpu.memref_slice %arg4[%arg0, %run_scoped3A_24, %arg1, %dma_wait3A_1372, %dma_wait3A_1373] : memref<2x5x16x8x512xi32, #tpu.memory_space<hbm>> -> memref<1x1x1x8x512xi32, #tpu.memory_space<hbm>>
      %dma_wait3A_1375 = tpu.memref_squeeze %dma_wait3A_1374 : memref<1x1x1x8x512xi32, #tpu.memory_space<hbm>> -> memref<8x512xi32, #tpu.memory_space<hbm>>
      %dma_wait3A_1376 = arith.constant 0 : i32
      %dma_wait3A_1377 = arith.constant 0 : i32
      %dma_wait3A_1378 = tpu.memref_slice %arg4[%arg0, %run_scoped3A_24, %arg1, %dma_wait3A_1376, %dma_wait3A_1377] : memref<2x5x16x8x512xi32, #tpu.memory_space<hbm>> -> memref<1x1x1x8x512xi32, #tpu.memory_space<hbm>>
      %dma_wait3A_1379 = tpu.memref_squeeze %dma_wait3A_1378 : memref<1x1x1x8x512xi32, #tpu.memory_space<hbm>> -> memref<8x512xi32, #tpu.memory_space<hbm>>
      tpu.wait_dma2 semaphore(%run_scoped3A_1363 : memref<!tpu.dma_semaphore, #tpu.memory_space<semaphore_mem>>) src(%dma_wait3A_1379 : memref<8x512xi32, #tpu.memory_space<hbm>>) dst(%arg7 : memref<8x512xi32, #tpu.memory_space<vmem>>)
      tpu.yield
    }) : () -> ()
    %dma_start3A = arith.constant 0 : i32
    %dma_start3A_25 = arith.constant 0 : i32
    %dma_start3A_26 = tpu.memref_slice %arg6[%dma_start3A, %dma_start3A_25] : memref<8x512xi32, #tpu.memory_space<vmem>> -> memref<1x512xi32, #tpu.memory_space<vmem>>
    %dma_start3A_27 = tpu.memref_squeeze %dma_start3A_26 : memref<1x512xi32, #tpu.memory_space<vmem>> -> memref<512xi32, #tpu.memory_space<vmem>>
    %dma_start3A_28 = arith.constant 0 : i32
    %dma_start3A_29 = arith.constant 0 : i32
    %dma_start3A_30 = tpu.memref_slice %arg2[%dma_start3A_28, %dma_start3A_29] : memref<50000x64xf32, #tpu.memory_space<hbm>> -> memref<50000x64xf32, #tpu.memory_space<hbm>>
    tpu.enqueue_indirect_dma source(%dma_start3A_30 : memref<50000x64xf32, #tpu.memory_space<hbm>>) target(%arg8 : memref<512x64xf32, #tpu.memory_space<vmem>>) offsets(%dma_start3A_27 : memref<512xi32, #tpu.memory_space<vmem>>) semaphore(%arg15 : memref<!tpu.dma_semaphore, #tpu.memory_space<semaphore_mem>>)
    %dma_wait3A = arith.constant 0 : i32
    %dma_wait3A_31 = arith.constant 0 : i32
    %dma_wait3A_32 = tpu.memref_slice %arg6[%dma_wait3A, %dma_wait3A_31] : memref<8x512xi32, #tpu.memory_space<vmem>> -> memref<1x512xi32, #tpu.memory_space<vmem>>
    %dma_wait3A_33 = tpu.memref_squeeze %dma_wait3A_32 : memref<1x512xi32, #tpu.memory_space<vmem>> -> memref<512xi32, #tpu.memory_space<vmem>>
    %dma_wait3A_34 = arith.constant 0 : i32
    %dma_wait3A_35 = arith.constant 0 : i32
    %dma_wait3A_36 = tpu.memref_slice %arg2[%dma_wait3A_34, %dma_wait3A_35] : memref<50000x64xf32, #tpu.memory_space<hbm>> -> memref<50000x64xf32, #tpu.memory_space<hbm>>
    tpu.wait_indirect_dma semaphore(%arg15 : memref<!tpu.dma_semaphore, #tpu.memory_space<semaphore_mem>>) src(%dma_wait3A_36 : memref<50000x64xf32, #tpu.memory_space<hbm>>) dst(%arg8 : memref<512x64xf32, #tpu.memory_space<vmem>>)
    %dma_start3A_37 = arith.constant 0 : i32
    %dma_start3A_38 = arith.constant 0 : i32
    %dma_start3A_39 = tpu.memref_slice %arg7[%dma_start3A_37, %dma_start3A_38] : memref<8x512xi32, #tpu.memory_space<vmem>> -> memref<1x512xi32, #tpu.memory_space<vmem>>
    %dma_start3A_40 = tpu.memref_squeeze %dma_start3A_39 : memref<1x512xi32, #tpu.memory_space<vmem>> -> memref<512xi32, #tpu.memory_space<vmem>>
    %dma_start3A_41 = arith.constant 0 : i32
    %dma_start3A_42 = arith.constant 0 : i32
    %dma_start3A_43 = tpu.memref_slice %arg12[%dma_start3A_41, %dma_start3A_42] : memref<10240x64xf32, #tpu.memory_space<vmem_shared>> -> memref<10240x64xf32, #tpu.memory_space<vmem_shared>>
    tpu.enqueue_indirect_dma source(%arg8 : memref<512x64xf32, #tpu.memory_space<vmem>>) target(%dma_start3A_43 : memref<10240x64xf32, #tpu.memory_space<vmem_shared>>) offsets(%dma_start3A_40 : memref<512xi32, #tpu.memory_space<vmem>>) semaphore(%arg13 : memref<!tpu.dma_semaphore, #tpu.memory_space<semaphore_mem>>) {add = true}
    %dma_start3A_44 = arith.constant 1 : i32
    %dma_start3A_45 = arith.constant 0 : i32
    %dma_start3A_46 = tpu.memref_slice %arg6[%dma_start3A_44, %dma_start3A_45] : memref<8x512xi32, #tpu.memory_space<vmem>> -> memref<1x512xi32, #tpu.memory_space<vmem>>
    %dma_start3A_47 = tpu.memref_squeeze %dma_start3A_46 : memref<1x512xi32, #tpu.memory_space<vmem>> -> memref<512xi32, #tpu.memory_space<vmem>>
    %dma_start3A_48 = arith.constant 0 : i32
    %dma_start3A_49 = arith.constant 0 : i32
    %dma_start3A_50 = tpu.memref_slice %arg2[%dma_start3A_48, %dma_start3A_49] : memref<50000x64xf32, #tpu.memory_space<hbm>> -> memref<50000x64xf32, #tpu.memory_space<hbm>>
    tpu.enqueue_indirect_dma source(%dma_start3A_50 : memref<50000x64xf32, #tpu.memory_space<hbm>>) target(%arg9 : memref<512x64xf32, #tpu.memory_space<vmem>>) offsets(%dma_start3A_47 : memref<512xi32, #tpu.memory_space<vmem>>) semaphore(%arg15 : memref<!tpu.dma_semaphore, #tpu.memory_space<semaphore_mem>>)
    %dma_wait3A_51 = arith.constant 1 : i32
    %dma_wait3A_52 = arith.constant 0 : i32
    %dma_wait3A_53 = tpu.memref_slice %arg6[%dma_wait3A_51, %dma_wait3A_52] : memref<8x512xi32, #tpu.memory_space<vmem>> -> memref<1x512xi32, #tpu.memory_space<vmem>>
    %dma_wait3A_54 = tpu.memref_squeeze %dma_wait3A_53 : memref<1x512xi32, #tpu.memory_space<vmem>> -> memref<512xi32, #tpu.memory_space<vmem>>
    %dma_wait3A_55 = arith.constant 0 : i32
    %dma_wait3A_56 = arith.constant 0 : i32
    %dma_wait3A_57 = tpu.memref_slice %arg2[%dma_wait3A_55, %dma_wait3A_56] : memref<50000x64xf32, #tpu.memory_space<hbm>> -> memref<50000x64xf32, #tpu.memory_space<hbm>>
    tpu.wait_indirect_dma semaphore(%arg15 : memref<!tpu.dma_semaphore, #tpu.memory_space<semaphore_mem>>) src(%dma_wait3A_57 : memref<50000x64xf32, #tpu.memory_space<hbm>>) dst(%arg9 : memref<512x64xf32, #tpu.memory_space<vmem>>)
    %dma_start3A_58 = arith.constant 1 : i32
    %dma_start3A_59 = arith.constant 0 : i32
    %dma_start3A_60 = tpu.memref_slice %arg7[%dma_start3A_58, %dma_start3A_59] : memref<8x512xi32, #tpu.memory_space<vmem>> -> memref<1x512xi32, #tpu.memory_space<vmem>>
    %dma_start3A_61 = tpu.memref_squeeze %dma_start3A_60 : memref<1x512xi32, #tpu.memory_space<vmem>> -> memref<512xi32, #tpu.memory_space<vmem>>
    %dma_start3A_62 = arith.constant 0 : i32
    %dma_start3A_63 = arith.constant 0 : i32
    %dma_start3A_64 = tpu.memref_slice %arg12[%dma_start3A_62, %dma_start3A_63] : memref<10240x64xf32, #tpu.memory_space<vmem_shared>> -> memref<10240x64xf32, #tpu.memory_space<vmem_shared>>
    tpu.enqueue_indirect_dma source(%arg9 : memref<512x64xf32, #tpu.memory_space<vmem>>) target(%dma_start3A_64 : memref<10240x64xf32, #tpu.memory_space<vmem_shared>>) offsets(%dma_start3A_61 : memref<512xi32, #tpu.memory_space<vmem>>) semaphore(%arg14 : memref<!tpu.dma_semaphore, #tpu.memory_space<semaphore_mem>>) {add = true}
    %dma_wait3A_65 = arith.constant 0 : i32
    %dma_wait3A_66 = arith.constant 0 : i32
    %dma_wait3A_67 = tpu.memref_slice %arg7[%dma_wait3A_65, %dma_wait3A_66] : memref<8x512xi32, #tpu.memory_space<vmem>> -> memref<1x512xi32, #tpu.memory_space<vmem>>
    %dma_wait3A_68 = tpu.memref_squeeze %dma_wait3A_67 : memref<1x512xi32, #tpu.memory_space<vmem>> -> memref<512xi32, #tpu.memory_space<vmem>>
    %dma_wait3A_69 = arith.constant 0 : i32
    %dma_wait3A_70 = arith.constant 0 : i32
    %dma_wait3A_71 = tpu.memref_slice %arg12[%dma_wait3A_69, %dma_wait3A_70] : memref<10240x64xf32, #tpu.memory_space<vmem_shared>> -> memref<10240x64xf32, #tpu.memory_space<vmem_shared>>
    tpu.wait_indirect_dma semaphore(%arg13 : memref<!tpu.dma_semaphore, #tpu.memory_space<semaphore_mem>>) src(%arg8 : memref<512x64xf32, #tpu.memory_space<vmem>>) dst(%dma_wait3A_71 : memref<10240x64xf32, #tpu.memory_space<vmem_shared>>)
    %dma_start3A_72 = arith.constant 2 : i32
    %dma_start3A_73 = arith.constant 0 : i32
    %dma_start3A_74 = tpu.memref_slice %arg6[%dma_start3A_72, %dma_start3A_73] : memref<8x512xi32, #tpu.memory_space<vmem>> -> memref<1x512xi32, #tpu.memory_space<vmem>>
    %dma_start3A_75 = tpu.memref_squeeze %dma_start3A_74 : memref<1x512xi32, #tpu.memory_space<vmem>> -> memref<512xi32, #tpu.memory_space<vmem>>
    %dma_start3A_76 = arith.constant 0 : i32
    %dma_start3A_77 = arith.constant 0 : i32
    %dma_start3A_78 = tpu.memref_slice %arg2[%dma_start3A_76, %dma_start3A_77] : memref<50000x64xf32, #tpu.memory_space<hbm>> -> memref<50000x64xf32, #tpu.memory_space<hbm>>
    tpu.enqueue_indirect_dma source(%dma_start3A_78 : memref<50000x64xf32, #tpu.memory_space<hbm>>) target(%arg8 : memref<512x64xf32, #tpu.memory_space<vmem>>) offsets(%dma_start3A_75 : memref<512xi32, #tpu.memory_space<vmem>>) semaphore(%arg15 : memref<!tpu.dma_semaphore, #tpu.memory_space<semaphore_mem>>)
    %dma_wait3A_79 = arith.constant 2 : i32
    %dma_wait3A_80 = arith.constant 0 : i32
    %dma_wait3A_81 = tpu.memref_slice %arg6[%dma_wait3A_79, %dma_wait3A_80] : memref<8x512xi32, #tpu.memory_space<vmem>> -> memref<1x512xi32, #tpu.memory_space<vmem>>
    %dma_wait3A_82 = tpu.memref_squeeze %dma_wait3A_81 : memref<1x512xi32, #tpu.memory_space<vmem>> -> memref<512xi32, #tpu.memory_space<vmem>>
    %dma_wait3A_83 = arith.constant 0 : i32
    %dma_wait3A_84 = arith.constant 0 : i32
    %dma_wait3A_85 = tpu.memref_slice %arg2[%dma_wait3A_83, %dma_wait3A_84] : memref<50000x64xf32, #tpu.memory_space<hbm>> -> memref<50000x64xf32, #tpu.memory_space<hbm>>
    tpu.wait_indirect_dma semaphore(%arg15 : memref<!tpu.dma_semaphore, #tpu.memory_space<semaphore_mem>>) src(%dma_wait3A_85 : memref<50000x64xf32, #tpu.memory_space<hbm>>) dst(%arg8 : memref<512x64xf32, #tpu.memory_space<vmem>>)
    %dma_start3A_86 = arith.constant 2 : i32
    %dma_start3A_87 = arith.constant 0 : i32
    %dma_start3A_88 = tpu.memref_slice %arg7[%dma_start3A_86, %dma_start3A_87] : memref<8x512xi32, #tpu.memory_space<vmem>> -> memref<1x512xi32, #tpu.memory_space<vmem>>
    %dma_start3A_89 = tpu.memref_squeeze %dma_start3A_88 : memref<1x512xi32, #tpu.memory_space<vmem>> -> memref<512xi32, #tpu.memory_space<vmem>>
    %dma_start3A_90 = arith.constant 0 : i32
    %dma_start3A_91 = arith.constant 0 : i32
    %dma_start3A_92 = tpu.memref_slice %arg12[%dma_start3A_90, %dma_start3A_91] : memref<10240x64xf32, #tpu.memory_space<vmem_shared>> -> memref<10240x64xf32, #tpu.memory_space<vmem_shared>>
    tpu.enqueue_indirect_dma source(%arg8 : memref<512x64xf32, #tpu.memory_space<vmem>>) target(%dma_start3A_92 : memref<10240x64xf32, #tpu.memory_space<vmem_shared>>) offsets(%dma_start3A_89 : memref<512xi32, #tpu.memory_space<vmem>>) semaphore(%arg13 : memref<!tpu.dma_semaphore, #tpu.memory_space<semaphore_mem>>) {add = true}
    %dma_wait3A_93 = arith.constant 1 : i32
    %dma_wait3A_94 = arith.constant 0 : i32
    %dma_wait3A_95 = tpu.memref_slice %arg7[%dma_wait3A_93, %dma_wait3A_94] : memref<8x512xi32, #tpu.memory_space<vmem>> -> memref<1x512xi32, #tpu.memory_space<vmem>>
    %dma_wait3A_96 = tpu.memref_squeeze %dma_wait3A_95 : memref<1x512xi32, #tpu.memory_space<vmem>> -> memref<512xi32, #tpu.memory_space<vmem>>
    %dma_wait3A_97 = arith.constant 0 : i32
    %dma_wait3A_98 = arith.constant 0 : i32
    %dma_wait3A_99 = tpu.memref_slice %arg12[%dma_wait3A_97, %dma_wait3A_98] : memref<10240x64xf32, #tpu.memory_space<vmem_shared>> -> memref<10240x64xf32, #tpu.memory_space<vmem_shared>>
    tpu.wait_indirect_dma semaphore(%arg14 : memref<!tpu.dma_semaphore, #tpu.memory_space<semaphore_mem>>) src(%arg9 : memref<512x64xf32, #tpu.memory_space<vmem>>) dst(%dma_wait3A_99 : memref<10240x64xf32, #tpu.memory_space<vmem_shared>>)
    %dma_start3A_100 = arith.constant 3 : i32
    %dma_start3A_101 = arith.constant 0 : i32
    %dma_start3A_102 = tpu.memref_slice %arg6[%dma_start3A_100, %dma_start3A_101] : memref<8x512xi32, #tpu.memory_space<vmem>> -> memref<1x512xi32, #tpu.memory_space<vmem>>
    %dma_start3A_103 = tpu.memref_squeeze %dma_start3A_102 : memref<1x512xi32, #tpu.memory_space<vmem>> -> memref<512xi32, #tpu.memory_space<vmem>>
    %dma_start3A_104 = arith.constant 0 : i32
    %dma_start3A_105 = arith.constant 0 : i32
    %dma_start3A_106 = tpu.memref_slice %arg2[%dma_start3A_104, %dma_start3A_105] : memref<50000x64xf32, #tpu.memory_space<hbm>> -> memref<50000x64xf32, #tpu.memory_space<hbm>>
    tpu.enqueue_indirect_dma source(%dma_start3A_106 : memref<50000x64xf32, #tpu.memory_space<hbm>>) target(%arg9 : memref<512x64xf32, #tpu.memory_space<vmem>>) offsets(%dma_start3A_103 : memref<512xi32, #tpu.memory_space<vmem>>) semaphore(%arg15 : memref<!tpu.dma_semaphore, #tpu.memory_space<semaphore_mem>>)
    %dma_wait3A_107 = arith.constant 3 : i32
    %dma_wait3A_108 = arith.constant 0 : i32
    %dma_wait3A_109 = tpu.memref_slice %arg6[%dma_wait3A_107, %dma_wait3A_108] : memref<8x512xi32, #tpu.memory_space<vmem>> -> memref<1x512xi32, #tpu.memory_space<vmem>>
    %dma_wait3A_110 = tpu.memref_squeeze %dma_wait3A_109 : memref<1x512xi32, #tpu.memory_space<vmem>> -> memref<512xi32, #tpu.memory_space<vmem>>
    %dma_wait3A_111 = arith.constant 0 : i32
    %dma_wait3A_112 = arith.constant 0 : i32
    %dma_wait3A_113 = tpu.memref_slice %arg2[%dma_wait3A_111, %dma_wait3A_112] : memref<50000x64xf32, #tpu.memory_space<hbm>> -> memref<50000x64xf32, #tpu.memory_space<hbm>>
    tpu.wait_indirect_dma semaphore(%arg15 : memref<!tpu.dma_semaphore, #tpu.memory_space<semaphore_mem>>) src(%dma_wait3A_113 : memref<50000x64xf32, #tpu.memory_space<hbm>>) dst(%arg9 : memref<512x64xf32, #tpu.memory_space<vmem>>)
    %dma_start3A_114 = arith.constant 3 : i32
    %dma_start3A_115 = arith.constant 0 : i32
    %dma_start3A_116 = tpu.memref_slice %arg7[%dma_start3A_114, %dma_start3A_115] : memref<8x512xi32, #tpu.memory_space<vmem>> -> memref<1x512xi32, #tpu.memory_space<vmem>>
    %dma_start3A_117 = tpu.memref_squeeze %dma_start3A_116 : memref<1x512xi32, #tpu.memory_space<vmem>> -> memref<512xi32, #tpu.memory_space<vmem>>
    %dma_start3A_118 = arith.constant 0 : i32
    %dma_start3A_119 = arith.constant 0 : i32
    %dma_start3A_120 = tpu.memref_slice %arg12[%dma_start3A_118, %dma_start3A_119] : memref<10240x64xf32, #tpu.memory_space<vmem_shared>> -> memref<10240x64xf32, #tpu.memory_space<vmem_shared>>
    tpu.enqueue_indirect_dma source(%arg9 : memref<512x64xf32, #tpu.memory_space<vmem>>) target(%dma_start3A_120 : memref<10240x64xf32, #tpu.memory_space<vmem_shared>>) offsets(%dma_start3A_117 : memref<512xi32, #tpu.memory_space<vmem>>) semaphore(%arg14 : memref<!tpu.dma_semaphore, #tpu.memory_space<semaphore_mem>>) {add = true}
    %dma_wait3A_121 = arith.constant 2 : i32
    %dma_wait3A_122 = arith.constant 0 : i32
    %dma_wait3A_123 = tpu.memref_slice %arg7[%dma_wait3A_121, %dma_wait3A_122] : memref<8x512xi32, #tpu.memory_space<vmem>> -> memref<1x512xi32, #tpu.memory_space<vmem>>
    %dma_wait3A_124 = tpu.memref_squeeze %dma_wait3A_123 : memref<1x512xi32, #tpu.memory_space<vmem>> -> memref<512xi32, #tpu.memory_space<vmem>>
    %dma_wait3A_125 = arith.constant 0 : i32
    %dma_wait3A_126 = arith.constant 0 : i32
    %dma_wait3A_127 = tpu.memref_slice %arg12[%dma_wait3A_125, %dma_wait3A_126] : memref<10240x64xf32, #tpu.memory_space<vmem_shared>> -> memref<10240x64xf32, #tpu.memory_space<vmem_shared>>
    tpu.wait_indirect_dma semaphore(%arg13 : memref<!tpu.dma_semaphore, #tpu.memory_space<semaphore_mem>>) src(%arg8 : memref<512x64xf32, #tpu.memory_space<vmem>>) dst(%dma_wait3A_127 : memref<10240x64xf32, #tpu.memory_space<vmem_shared>>)
    %dma_start3A_128 = arith.constant 4 : i32
    %dma_start3A_129 = arith.constant 0 : i32
    %dma_start3A_130 = tpu.memref_slice %arg6[%dma_start3A_128, %dma_start3A_129] : memref<8x512xi32, #tpu.memory_space<vmem>> -> memref<1x512xi32, #tpu.memory_space<vmem>>
    %dma_start3A_131 = tpu.memref_squeeze %dma_start3A_130 : memref<1x512xi32, #tpu.memory_space<vmem>> -> memref<512xi32, #tpu.memory_space<vmem>>
    %dma_start3A_132 = arith.constant 0 : i32
    %dma_start3A_133 = arith.constant 0 : i32
    %dma_start3A_134 = tpu.memref_slice %arg2[%dma_start3A_132, %dma_start3A_133] : memref<50000x64xf32, #tpu.memory_space<hbm>> -> memref<50000x64xf32, #tpu.memory_space<hbm>>
    tpu.enqueue_indirect_dma source(%dma_start3A_134 : memref<50000x64xf32, #tpu.memory_space<hbm>>) target(%arg8 : memref<512x64xf32, #tpu.memory_space<vmem>>) offsets(%dma_start3A_131 : memref<512xi32, #tpu.memory_space<vmem>>) semaphore(%arg15 : memref<!tpu.dma_semaphore, #tpu.memory_space<semaphore_mem>>)
    %dma_wait3A_135 = arith.constant 4 : i32
    %dma_wait3A_136 = arith.constant 0 : i32
    %dma_wait3A_137 = tpu.memref_slice %arg6[%dma_wait3A_135, %dma_wait3A_136] : memref<8x512xi32, #tpu.memory_space<vmem>> -> memref<1x512xi32, #tpu.memory_space<vmem>>
    %dma_wait3A_138 = tpu.memref_squeeze %dma_wait3A_137 : memref<1x512xi32, #tpu.memory_space<vmem>> -> memref<512xi32, #tpu.memory_space<vmem>>
    %dma_wait3A_139 = arith.constant 0 : i32
    %dma_wait3A_140 = arith.constant 0 : i32
    %dma_wait3A_141 = tpu.memref_slice %arg2[%dma_wait3A_139, %dma_wait3A_140] : memref<50000x64xf32, #tpu.memory_space<hbm>> -> memref<50000x64xf32, #tpu.memory_space<hbm>>
    tpu.wait_indirect_dma semaphore(%arg15 : memref<!tpu.dma_semaphore, #tpu.memory_space<semaphore_mem>>) src(%dma_wait3A_141 : memref<50000x64xf32, #tpu.memory_space<hbm>>) dst(%arg8 : memref<512x64xf32, #tpu.memory_space<vmem>>)
    %dma_start3A_142 = arith.constant 4 : i32
    %dma_start3A_143 = arith.constant 0 : i32
    %dma_start3A_144 = tpu.memref_slice %arg7[%dma_start3A_142, %dma_start3A_143] : memref<8x512xi32, #tpu.memory_space<vmem>> -> memref<1x512xi32, #tpu.memory_space<vmem>>
    %dma_start3A_145 = tpu.memref_squeeze %dma_start3A_144 : memref<1x512xi32, #tpu.memory_space<vmem>> -> memref<512xi32, #tpu.memory_space<vmem>>
    %dma_start3A_146 = arith.constant 0 : i32
    %dma_start3A_147 = arith.constant 0 : i32
    %dma_start3A_148 = tpu.memref_slice %arg12[%dma_start3A_146, %dma_start3A_147] : memref<10240x64xf32, #tpu.memory_space<vmem_shared>> -> memref<10240x64xf32, #tpu.memory_space<vmem_shared>>
    tpu.enqueue_indirect_dma source(%arg8 : memref<512x64xf32, #tpu.memory_space<vmem>>) target(%dma_start3A_148 : memref<10240x64xf32, #tpu.memory_space<vmem_shared>>) offsets(%dma_start3A_145 : memref<512xi32, #tpu.memory_space<vmem>>) semaphore(%arg13 : memref<!tpu.dma_semaphore, #tpu.memory_space<semaphore_mem>>) {add = true}
    %dma_wait3A_149 = arith.constant 3 : i32
    %dma_wait3A_150 = arith.constant 0 : i32
    %dma_wait3A_151 = tpu.memref_slice %arg7[%dma_wait3A_149, %dma_wait3A_150] : memref<8x512xi32, #tpu.memory_space<vmem>> -> memref<1x512xi32, #tpu.memory_space<vmem>>
    %dma_wait3A_152 = tpu.memref_squeeze %dma_wait3A_151 : memref<1x512xi32, #tpu.memory_space<vmem>> -> memref<512xi32, #tpu.memory_space<vmem>>
    %dma_wait3A_153 = arith.constant 0 : i32
    %dma_wait3A_154 = arith.constant 0 : i32
    %dma_wait3A_155 = tpu.memref_slice %arg12[%dma_wait3A_153, %dma_wait3A_154] : memref<10240x64xf32, #tpu.memory_space<vmem_shared>> -> memref<10240x64xf32, #tpu.memory_space<vmem_shared>>
    tpu.wait_indirect_dma semaphore(%arg14 : memref<!tpu.dma_semaphore, #tpu.memory_space<semaphore_mem>>) src(%arg9 : memref<512x64xf32, #tpu.memory_space<vmem>>) dst(%dma_wait3A_155 : memref<10240x64xf32, #tpu.memory_space<vmem_shared>>)
    %dma_start3A_156 = arith.constant 5 : i32
    %dma_start3A_157 = arith.constant 0 : i32
    %dma_start3A_158 = tpu.memref_slice %arg6[%dma_start3A_156, %dma_start3A_157] : memref<8x512xi32, #tpu.memory_space<vmem>> -> memref<1x512xi32, #tpu.memory_space<vmem>>
    %dma_start3A_159 = tpu.memref_squeeze %dma_start3A_158 : memref<1x512xi32, #tpu.memory_space<vmem>> -> memref<512xi32, #tpu.memory_space<vmem>>
    %dma_start3A_160 = arith.constant 0 : i32
    %dma_start3A_161 = arith.constant 0 : i32
    %dma_start3A_162 = tpu.memref_slice %arg2[%dma_start3A_160, %dma_start3A_161] : memref<50000x64xf32, #tpu.memory_space<hbm>> -> memref<50000x64xf32, #tpu.memory_space<hbm>>
    tpu.enqueue_indirect_dma source(%dma_start3A_162 : memref<50000x64xf32, #tpu.memory_space<hbm>>) target(%arg9 : memref<512x64xf32, #tpu.memory_space<vmem>>) offsets(%dma_start3A_159 : memref<512xi32, #tpu.memory_space<vmem>>) semaphore(%arg15 : memref<!tpu.dma_semaphore, #tpu.memory_space<semaphore_mem>>)
    %dma_wait3A_163 = arith.constant 5 : i32
    %dma_wait3A_164 = arith.constant 0 : i32
    %dma_wait3A_165 = tpu.memref_slice %arg6[%dma_wait3A_163, %dma_wait3A_164] : memref<8x512xi32, #tpu.memory_space<vmem>> -> memref<1x512xi32, #tpu.memory_space<vmem>>
    %dma_wait3A_166 = tpu.memref_squeeze %dma_wait3A_165 : memref<1x512xi32, #tpu.memory_space<vmem>> -> memref<512xi32, #tpu.memory_space<vmem>>
    %dma_wait3A_167 = arith.constant 0 : i32
    %dma_wait3A_168 = arith.constant 0 : i32
    %dma_wait3A_169 = tpu.memref_slice %arg2[%dma_wait3A_167, %dma_wait3A_168] : memref<50000x64xf32, #tpu.memory_space<hbm>> -> memref<50000x64xf32, #tpu.memory_space<hbm>>
    tpu.wait_indirect_dma semaphore(%arg15 : memref<!tpu.dma_semaphore, #tpu.memory_space<semaphore_mem>>) src(%dma_wait3A_169 : memref<50000x64xf32, #tpu.memory_space<hbm>>) dst(%arg9 : memref<512x64xf32, #tpu.memory_space<vmem>>)
    %dma_start3A_170 = arith.constant 5 : i32
    %dma_start3A_171 = arith.constant 0 : i32
    %dma_start3A_172 = tpu.memref_slice %arg7[%dma_start3A_170, %dma_start3A_171] : memref<8x512xi32, #tpu.memory_space<vmem>> -> memref<1x512xi32, #tpu.memory_space<vmem>>
    %dma_start3A_173 = tpu.memref_squeeze %dma_start3A_172 : memref<1x512xi32, #tpu.memory_space<vmem>> -> memref<512xi32, #tpu.memory_space<vmem>>
    %dma_start3A_174 = arith.constant 0 : i32
    %dma_start3A_175 = arith.constant 0 : i32
    %dma_start3A_176 = tpu.memref_slice %arg12[%dma_start3A_174, %dma_start3A_175] : memref<10240x64xf32, #tpu.memory_space<vmem_shared>> -> memref<10240x64xf32, #tpu.memory_space<vmem_shared>>
    tpu.enqueue_indirect_dma source(%arg9 : memref<512x64xf32, #tpu.memory_space<vmem>>) target(%dma_start3A_176 : memref<10240x64xf32, #tpu.memory_space<vmem_shared>>) offsets(%dma_start3A_173 : memref<512xi32, #tpu.memory_space<vmem>>) semaphore(%arg14 : memref<!tpu.dma_semaphore, #tpu.memory_space<semaphore_mem>>) {add = true}
    %dma_wait3A_177 = arith.constant 4 : i32
    %dma_wait3A_178 = arith.constant 0 : i32
    %dma_wait3A_179 = tpu.memref_slice %arg7[%dma_wait3A_177, %dma_wait3A_178] : memref<8x512xi32, #tpu.memory_space<vmem>> -> memref<1x512xi32, #tpu.memory_space<vmem>>
    %dma_wait3A_180 = tpu.memref_squeeze %dma_wait3A_179 : memref<1x512xi32, #tpu.memory_space<vmem>> -> memref<512xi32, #tpu.memory_space<vmem>>
    %dma_wait3A_181 = arith.constant 0 : i32
    %dma_wait3A_182 = arith.constant 0 : i32
    %dma_wait3A_183 = tpu.memref_slice %arg12[%dma_wait3A_181, %dma_wait3A_182] : memref<10240x64xf32, #tpu.memory_space<vmem_shared>> -> memref<10240x64xf32, #tpu.memory_space<vmem_shared>>
    tpu.wait_indirect_dma semaphore(%arg13 : memref<!tpu.dma_semaphore, #tpu.memory_space<semaphore_mem>>) src(%arg8 : memref<512x64xf32, #tpu.memory_space<vmem>>) dst(%dma_wait3A_183 : memref<10240x64xf32, #tpu.memory_space<vmem_shared>>)
    %dma_start3A_184 = arith.constant 6 : i32
    %dma_start3A_185 = arith.constant 0 : i32
    %dma_start3A_186 = tpu.memref_slice %arg6[%dma_start3A_184, %dma_start3A_185] : memref<8x512xi32, #tpu.memory_space<vmem>> -> memref<1x512xi32, #tpu.memory_space<vmem>>
    %dma_start3A_187 = tpu.memref_squeeze %dma_start3A_186 : memref<1x512xi32, #tpu.memory_space<vmem>> -> memref<512xi32, #tpu.memory_space<vmem>>
    %dma_start3A_188 = arith.constant 0 : i32
    %dma_start3A_189 = arith.constant 0 : i32
    %dma_start3A_190 = tpu.memref_slice %arg2[%dma_start3A_188, %dma_start3A_189] : memref<50000x64xf32, #tpu.memory_space<hbm>> -> memref<50000x64xf32, #tpu.memory_space<hbm>>
    tpu.enqueue_indirect_dma source(%dma_start3A_190 : memref<50000x64xf32, #tpu.memory_space<hbm>>) target(%arg8 : memref<512x64xf32, #tpu.memory_space<vmem>>) offsets(%dma_start3A_187 : memref<512xi32, #tpu.memory_space<vmem>>) semaphore(%arg15 : memref<!tpu.dma_semaphore, #tpu.memory_space<semaphore_mem>>)
    %dma_wait3A_191 = arith.constant 6 : i32
    %dma_wait3A_192 = arith.constant 0 : i32
    %dma_wait3A_193 = tpu.memref_slice %arg6[%dma_wait3A_191, %dma_wait3A_192] : memref<8x512xi32, #tpu.memory_space<vmem>> -> memref<1x512xi32, #tpu.memory_space<vmem>>
    %dma_wait3A_194 = tpu.memref_squeeze %dma_wait3A_193 : memref<1x512xi32, #tpu.memory_space<vmem>> -> memref<512xi32, #tpu.memory_space<vmem>>
    %dma_wait3A_195 = arith.constant 0 : i32
    %dma_wait3A_196 = arith.constant 0 : i32
    %dma_wait3A_197 = tpu.memref_slice %arg2[%dma_wait3A_195, %dma_wait3A_196] : memref<50000x64xf32, #tpu.memory_space<hbm>> -> memref<50000x64xf32, #tpu.memory_space<hbm>>
    tpu.wait_indirect_dma semaphore(%arg15 : memref<!tpu.dma_semaphore, #tpu.memory_space<semaphore_mem>>) src(%dma_wait3A_197 : memref<50000x64xf32, #tpu.memory_space<hbm>>) dst(%arg8 : memref<512x64xf32, #tpu.memory_space<vmem>>)
    %dma_start3A_198 = arith.constant 6 : i32
    %dma_start3A_199 = arith.constant 0 : i32
    %dma_start3A_200 = tpu.memref_slice %arg7[%dma_start3A_198, %dma_start3A_199] : memref<8x512xi32, #tpu.memory_space<vmem>> -> memref<1x512xi32, #tpu.memory_space<vmem>>
    %dma_start3A_201 = tpu.memref_squeeze %dma_start3A_200 : memref<1x512xi32, #tpu.memory_space<vmem>> -> memref<512xi32, #tpu.memory_space<vmem>>
    %dma_start3A_202 = arith.constant 0 : i32
    %dma_start3A_203 = arith.constant 0 : i32
    %dma_start3A_204 = tpu.memref_slice %arg12[%dma_start3A_202, %dma_start3A_203] : memref<10240x64xf32, #tpu.memory_space<vmem_shared>> -> memref<10240x64xf32, #tpu.memory_space<vmem_shared>>
    tpu.enqueue_indirect_dma source(%arg8 : memref<512x64xf32, #tpu.memory_space<vmem>>) target(%dma_start3A_204 : memref<10240x64xf32, #tpu.memory_space<vmem_shared>>) offsets(%dma_start3A_201 : memref<512xi32, #tpu.memory_space<vmem>>) semaphore(%arg13 : memref<!tpu.dma_semaphore, #tpu.memory_space<semaphore_mem>>) {add = true}
    %dma_wait3A_205 = arith.constant 5 : i32
    %dma_wait3A_206 = arith.constant 0 : i32
    %dma_wait3A_207 = tpu.memref_slice %arg7[%dma_wait3A_205, %dma_wait3A_206] : memref<8x512xi32, #tpu.memory_space<vmem>> -> memref<1x512xi32, #tpu.memory_space<vmem>>
    %dma_wait3A_208 = tpu.memref_squeeze %dma_wait3A_207 : memref<1x512xi32, #tpu.memory_space<vmem>> -> memref<512xi32, #tpu.memory_space<vmem>>
    %dma_wait3A_209 = arith.constant 0 : i32
    %dma_wait3A_210 = arith.constant 0 : i32
    %dma_wait3A_211 = tpu.memref_slice %arg12[%dma_wait3A_209, %dma_wait3A_210] : memref<10240x64xf32, #tpu.memory_space<vmem_shared>> -> memref<10240x64xf32, #tpu.memory_space<vmem_shared>>
    tpu.wait_indirect_dma semaphore(%arg14 : memref<!tpu.dma_semaphore, #tpu.memory_space<semaphore_mem>>) src(%arg9 : memref<512x64xf32, #tpu.memory_space<vmem>>) dst(%dma_wait3A_211 : memref<10240x64xf32, #tpu.memory_space<vmem_shared>>)
    %dma_start3A_212 = arith.constant 7 : i32
    %dma_start3A_213 = arith.constant 0 : i32
    %dma_start3A_214 = tpu.memref_slice %arg6[%dma_start3A_212, %dma_start3A_213] : memref<8x512xi32, #tpu.memory_space<vmem>> -> memref<1x512xi32, #tpu.memory_space<vmem>>
    %dma_start3A_215 = tpu.memref_squeeze %dma_start3A_214 : memref<1x512xi32, #tpu.memory_space<vmem>> -> memref<512xi32, #tpu.memory_space<vmem>>
    %dma_start3A_216 = arith.constant 0 : i32
    %dma_start3A_217 = arith.constant 0 : i32
    %dma_start3A_218 = tpu.memref_slice %arg2[%dma_start3A_216, %dma_start3A_217] : memref<50000x64xf32, #tpu.memory_space<hbm>> -> memref<50000x64xf32, #tpu.memory_space<hbm>>
    tpu.enqueue_indirect_dma source(%dma_start3A_218 : memref<50000x64xf32, #tpu.memory_space<hbm>>) target(%arg9 : memref<512x64xf32, #tpu.memory_space<vmem>>) offsets(%dma_start3A_215 : memref<512xi32, #tpu.memory_space<vmem>>) semaphore(%arg15 : memref<!tpu.dma_semaphore, #tpu.memory_space<semaphore_mem>>)
    %dma_wait3A_219 = arith.constant 7 : i32
    %dma_wait3A_220 = arith.constant 0 : i32
    %dma_wait3A_221 = tpu.memref_slice %arg6[%dma_wait3A_219, %dma_wait3A_220] : memref<8x512xi32, #tpu.memory_space<vmem>> -> memref<1x512xi32, #tpu.memory_space<vmem>>
    %dma_wait3A_222 = tpu.memref_squeeze %dma_wait3A_221 : memref<1x512xi32, #tpu.memory_space<vmem>> -> memref<512xi32, #tpu.memory_space<vmem>>
    %dma_wait3A_223 = arith.constant 0 : i32
    %dma_wait3A_224 = arith.constant 0 : i32
    %dma_wait3A_225 = tpu.memref_slice %arg2[%dma_wait3A_223, %dma_wait3A_224] : memref<50000x64xf32, #tpu.memory_space<hbm>> -> memref<50000x64xf32, #tpu.memory_space<hbm>>
    tpu.wait_indirect_dma semaphore(%arg15 : memref<!tpu.dma_semaphore, #tpu.memory_space<semaphore_mem>>) src(%dma_wait3A_225 : memref<50000x64xf32, #tpu.memory_space<hbm>>) dst(%arg9 : memref<512x64xf32, #tpu.memory_space<vmem>>)
    %dma_start3A_226 = arith.constant 7 : i32
    %dma_start3A_227 = arith.constant 0 : i32
    %dma_start3A_228 = tpu.memref_slice %arg7[%dma_start3A_226, %dma_start3A_227] : memref<8x512xi32, #tpu.memory_space<vmem>> -> memref<1x512xi32, #tpu.memory_space<vmem>>
    %dma_start3A_229 = tpu.memref_squeeze %dma_start3A_228 : memref<1x512xi32, #tpu.memory_space<vmem>> -> memref<512xi32, #tpu.memory_space<vmem>>
    %dma_start3A_230 = arith.constant 0 : i32
    %dma_start3A_231 = arith.constant 0 : i32
    %dma_start3A_232 = tpu.memref_slice %arg12[%dma_start3A_230, %dma_start3A_231] : memref<10240x64xf32, #tpu.memory_space<vmem_shared>> -> memref<10240x64xf32, #tpu.memory_space<vmem_shared>>
    tpu.enqueue_indirect_dma source(%arg9 : memref<512x64xf32, #tpu.memory_space<vmem>>) target(%dma_start3A_232 : memref<10240x64xf32, #tpu.memory_space<vmem_shared>>) offsets(%dma_start3A_229 : memref<512xi32, #tpu.memory_space<vmem>>) semaphore(%arg14 : memref<!tpu.dma_semaphore, #tpu.memory_space<semaphore_mem>>) {add = true}
    %dma_wait3A_233 = arith.constant 6 : i32
    %dma_wait3A_234 = arith.constant 0 : i32
    %dma_wait3A_235 = tpu.memref_slice %arg7[%dma_wait3A_233, %dma_wait3A_234] : memref<8x512xi32, #tpu.memory_space<vmem>> -> memref<1x512xi32, #tpu.memory_space<vmem>>
    %dma_wait3A_236 = tpu.memref_squeeze %dma_wait3A_235 : memref<1x512xi32, #tpu.memory_space<vmem>> -> memref<512xi32, #tpu.memory_space<vmem>>
    %dma_wait3A_237 = arith.constant 0 : i32
    %dma_wait3A_238 = arith.constant 0 : i32
    %dma_wait3A_239 = tpu.memref_slice %arg12[%dma_wait3A_237, %dma_wait3A_238] : memref<10240x64xf32, #tpu.memory_space<vmem_shared>> -> memref<10240x64xf32, #tpu.memory_space<vmem_shared>>
    tpu.wait_indirect_dma semaphore(%arg13 : memref<!tpu.dma_semaphore, #tpu.memory_space<semaphore_mem>>) src(%arg8 : memref<512x64xf32, #tpu.memory_space<vmem>>) dst(%dma_wait3A_239 : memref<10240x64xf32, #tpu.memory_space<vmem_shared>>)
    %dma_wait3A_240 = arith.constant 7 : i32
    %dma_wait3A_241 = arith.constant 0 : i32
    %dma_wait3A_242 = tpu.memref_slice %arg7[%dma_wait3A_240, %dma_wait3A_241] : memref<8x512xi32, #tpu.memory_space<vmem>> -> memref<1x512xi32, #tpu.memory_space<vmem>>
    %dma_wait3A_243 = tpu.memref_squeeze %dma_wait3A_242 : memref<1x512xi32, #tpu.memory_space<vmem>> -> memref<512xi32, #tpu.memory_space<vmem>>
    %dma_wait3A_244 = arith.constant 0 : i32
    %dma_wait3A_245 = arith.constant 0 : i32
    %dma_wait3A_246 = tpu.memref_slice %arg12[%dma_wait3A_244, %dma_wait3A_245] : memref<10240x64xf32, #tpu.memory_space<vmem_shared>> -> memref<10240x64xf32, #tpu.memory_space<vmem_shared>>
    tpu.wait_indirect_dma semaphore(%arg14 : memref<!tpu.dma_semaphore, #tpu.memory_space<semaphore_mem>>) src(%arg9 : memref<512x64xf32, #tpu.memory_space<vmem>>) dst(%dma_wait3A_246 : memref<10240x64xf32, #tpu.memory_space<vmem_shared>>)
    %run_scoped3A_247 = arith.constant 1 : i32
    "tpu.region"() ({
      %run_scoped3A_1363 = tpu.sem_alloc : memref<!tpu.dma_semaphore, #tpu.memory_space<semaphore_mem>>
      %dma_start3A_1364 = arith.constant 0 : i32
      %dma_start3A_1365 = arith.constant 0 : i32
      %dma_start3A_1366 = tpu.memref_slice %arg3[%arg0, %run_scoped3A_247, %arg1, %dma_start3A_1364, %dma_start3A_1365] : memref<2x5x16x8x512xi32, #tpu.memory_space<hbm>> -> memref<1x1x1x8x512xi32, #tpu.memory_space<hbm>>
      %dma_start3A_1367 = tpu.memref_squeeze %dma_start3A_1366 : memref<1x1x1x8x512xi32, #tpu.memory_space<hbm>> -> memref<8x512xi32, #tpu.memory_space<hbm>>
      %dma_start3A_1368 = arith.constant 0 : i32
      %dma_start3A_1369 = arith.constant 0 : i32
      %dma_start3A_1370 = tpu.memref_slice %arg3[%arg0, %run_scoped3A_247, %arg1, %dma_start3A_1368, %dma_start3A_1369] : memref<2x5x16x8x512xi32, #tpu.memory_space<hbm>> -> memref<1x1x1x8x512xi32, #tpu.memory_space<hbm>>
      %dma_start3A_1371 = tpu.memref_squeeze %dma_start3A_1370 : memref<1x1x1x8x512xi32, #tpu.memory_space<hbm>> -> memref<8x512xi32, #tpu.memory_space<hbm>>
      tpu.enqueue_dma source(%dma_start3A_1371 : memref<8x512xi32, #tpu.memory_space<hbm>>) target(%arg6 : memref<8x512xi32, #tpu.memory_space<vmem>>) target_semaphore(%run_scoped3A_1363 : memref<!tpu.dma_semaphore, #tpu.memory_space<semaphore_mem>>)
      %dma_wait3A_1372 = arith.constant 0 : i32
      %dma_wait3A_1373 = arith.constant 0 : i32
      %dma_wait3A_1374 = tpu.memref_slice %arg3[%arg0, %run_scoped3A_247, %arg1, %dma_wait3A_1372, %dma_wait3A_1373] : memref<2x5x16x8x512xi32, #tpu.memory_space<hbm>> -> memref<1x1x1x8x512xi32, #tpu.memory_space<hbm>>
      %dma_wait3A_1375 = tpu.memref_squeeze %dma_wait3A_1374 : memref<1x1x1x8x512xi32, #tpu.memory_space<hbm>> -> memref<8x512xi32, #tpu.memory_space<hbm>>
      %dma_wait3A_1376 = arith.constant 0 : i32
      %dma_wait3A_1377 = arith.constant 0 : i32
      %dma_wait3A_1378 = tpu.memref_slice %arg3[%arg0, %run_scoped3A_247, %arg1, %dma_wait3A_1376, %dma_wait3A_1377] : memref<2x5x16x8x512xi32, #tpu.memory_space<hbm>> -> memref<1x1x1x8x512xi32, #tpu.memory_space<hbm>>
      %dma_wait3A_1379 = tpu.memref_squeeze %dma_wait3A_1378 : memref<1x1x1x8x512xi32, #tpu.memory_space<hbm>> -> memref<8x512xi32, #tpu.memory_space<hbm>>
      tpu.wait_dma2 semaphore(%run_scoped3A_1363 : memref<!tpu.dma_semaphore, #tpu.memory_space<semaphore_mem>>) src(%dma_wait3A_1379 : memref<8x512xi32, #tpu.memory_space<hbm>>) dst(%arg6 : memref<8x512xi32, #tpu.memory_space<vmem>>)
      tpu.yield
    }) : () -> ()
    %run_scoped3A_248 = arith.constant 1 : i32
    "tpu.region"() ({
      %run_scoped3A_1363 = tpu.sem_alloc : memref<!tpu.dma_semaphore, #tpu.memory_space<semaphore_mem>>
      %dma_start3A_1364 = arith.constant 0 : i32
      %dma_start3A_1365 = arith.constant 0 : i32
      %dma_start3A_1366 = tpu.memref_slice %arg4[%arg0, %run_scoped3A_248, %arg1, %dma_start3A_1364, %dma_start3A_1365] : memref<2x5x16x8x512xi32, #tpu.memory_space<hbm>> -> memref<1x1x1x8x512xi32, #tpu.memory_space<hbm>>
      %dma_start3A_1367 = tpu.memref_squeeze %dma_start3A_1366 : memref<1x1x1x8x512xi32, #tpu.memory_space<hbm>> -> memref<8x512xi32, #tpu.memory_space<hbm>>
      %dma_start3A_1368 = arith.constant 0 : i32
      %dma_start3A_1369 = arith.constant 0 : i32
      %dma_start3A_1370 = tpu.memref_slice %arg4[%arg0, %run_scoped3A_248, %arg1, %dma_start3A_1368, %dma_start3A_1369] : memref<2x5x16x8x512xi32, #tpu.memory_space<hbm>> -> memref<1x1x1x8x512xi32, #tpu.memory_space<hbm>>
      %dma_start3A_1371 = tpu.memref_squeeze %dma_start3A_1370 : memref<1x1x1x8x512xi32, #tpu.memory_space<hbm>> -> memref<8x512xi32, #tpu.memory_space<hbm>>
      tpu.enqueue_dma source(%dma_start3A_1371 : memref<8x512xi32, #tpu.memory_space<hbm>>) target(%arg7 : memref<8x512xi32, #tpu.memory_space<vmem>>) target_semaphore(%run_scoped3A_1363 : memref<!tpu.dma_semaphore, #tpu.memory_space<semaphore_mem>>)
      %dma_wait3A_1372 = arith.constant 0 : i32
      %dma_wait3A_1373 = arith.constant 0 : i32
      %dma_wait3A_1374 = tpu.memref_slice %arg4[%arg0, %run_scoped3A_248, %arg1, %dma_wait3A_1372, %dma_wait3A_1373] : memref<2x5x16x8x512xi32, #tpu.memory_space<hbm>> -> memref<1x1x1x8x512xi32, #tpu.memory_space<hbm>>
      %dma_wait3A_1375 = tpu.memref_squeeze %dma_wait3A_1374 : memref<1x1x1x8x512xi32, #tpu.memory_space<hbm>> -> memref<8x512xi32, #tpu.memory_space<hbm>>
      %dma_wait3A_1376 = arith.constant 0 : i32
      %dma_wait3A_1377 = arith.constant 0 : i32
      %dma_wait3A_1378 = tpu.memref_slice %arg4[%arg0, %run_scoped3A_248, %arg1, %dma_wait3A_1376, %dma_wait3A_1377] : memref<2x5x16x8x512xi32, #tpu.memory_space<hbm>> -> memref<1x1x1x8x512xi32, #tpu.memory_space<hbm>>
      %dma_wait3A_1379 = tpu.memref_squeeze %dma_wait3A_1378 : memref<1x1x1x8x512xi32, #tpu.memory_space<hbm>> -> memref<8x512xi32, #tpu.memory_space<hbm>>
      tpu.wait_dma2 semaphore(%run_scoped3A_1363 : memref<!tpu.dma_semaphore, #tpu.memory_space<semaphore_mem>>) src(%dma_wait3A_1379 : memref<8x512xi32, #tpu.memory_space<hbm>>) dst(%arg7 : memref<8x512xi32, #tpu.memory_space<vmem>>)
      tpu.yield
    }) : () -> ()
    %dma_start3A_249 = arith.constant 0 : i32
    %dma_start3A_250 = arith.constant 0 : i32
    %dma_start3A_251 = tpu.memref_slice %arg6[%dma_start3A_249, %dma_start3A_250] : memref<8x512xi32, #tpu.memory_space<vmem>> -> memref<1x512xi32, #tpu.memory_space<vmem>>
    %dma_start3A_252 = tpu.memref_squeeze %dma_start3A_251 : memref<1x512xi32, #tpu.memory_space<vmem>> -> memref<512xi32, #tpu.memory_space<vmem>>
    %dma_start3A_253 = arith.constant 0 : i32
    %dma_start3A_254 = arith.constant 0 : i32
    %dma_start3A_255 = tpu.memref_slice %arg2[%dma_start3A_253, %dma_start3A_254] : memref<50000x64xf32, #tpu.memory_space<hbm>> -> memref<50000x64xf32, #tpu.memory_space<hbm>>
    tpu.enqueue_indirect_dma source(%dma_start3A_255 : memref<50000x64xf32, #tpu.memory_space<hbm>>) target(%arg8 : memref<512x64xf32, #tpu.memory_space<vmem>>) offsets(%dma_start3A_252 : memref<512xi32, #tpu.memory_space<vmem>>) semaphore(%arg15 : memref<!tpu.dma_semaphore, #tpu.memory_space<semaphore_mem>>)
    %dma_wait3A_256 = arith.constant 0 : i32
    %dma_wait3A_257 = arith.constant 0 : i32
    %dma_wait3A_258 = tpu.memref_slice %arg6[%dma_wait3A_256, %dma_wait3A_257] : memref<8x512xi32, #tpu.memory_space<vmem>> -> memref<1x512xi32, #tpu.memory_space<vmem>>
    %dma_wait3A_259 = tpu.memref_squeeze %dma_wait3A_258 : memref<1x512xi32, #tpu.memory_space<vmem>> -> memref<512xi32, #tpu.memory_space<vmem>>
    %dma_wait3A_260 = arith.constant 0 : i32
    %dma_wait3A_261 = arith.constant 0 : i32
    %dma_wait3A_262 = tpu.memref_slice %arg2[%dma_wait3A_260, %dma_wait3A_261] : memref<50000x64xf32, #tpu.memory_space<hbm>> -> memref<50000x64xf32, #tpu.memory_space<hbm>>
    tpu.wait_indirect_dma semaphore(%arg15 : memref<!tpu.dma_semaphore, #tpu.memory_space<semaphore_mem>>) src(%dma_wait3A_262 : memref<50000x64xf32, #tpu.memory_space<hbm>>) dst(%arg8 : memref<512x64xf32, #tpu.memory_space<vmem>>)
    %dma_start3A_263 = arith.constant 0 : i32
    %dma_start3A_264 = arith.constant 0 : i32
    %dma_start3A_265 = tpu.memref_slice %arg7[%dma_start3A_263, %dma_start3A_264] : memref<8x512xi32, #tpu.memory_space<vmem>> -> memref<1x512xi32, #tpu.memory_space<vmem>>
    %dma_start3A_266 = tpu.memref_squeeze %dma_start3A_265 : memref<1x512xi32, #tpu.memory_space<vmem>> -> memref<512xi32, #tpu.memory_space<vmem>>
    %dma_start3A_267 = arith.constant 0 : i32
    %dma_start3A_268 = arith.constant 0 : i32
    %dma_start3A_269 = tpu.memref_slice %arg12[%dma_start3A_267, %dma_start3A_268] : memref<10240x64xf32, #tpu.memory_space<vmem_shared>> -> memref<10240x64xf32, #tpu.memory_space<vmem_shared>>
    tpu.enqueue_indirect_dma source(%arg8 : memref<512x64xf32, #tpu.memory_space<vmem>>) target(%dma_start3A_269 : memref<10240x64xf32, #tpu.memory_space<vmem_shared>>) offsets(%dma_start3A_266 : memref<512xi32, #tpu.memory_space<vmem>>) semaphore(%arg13 : memref<!tpu.dma_semaphore, #tpu.memory_space<semaphore_mem>>) {add = true}
    %dma_start3A_270 = arith.constant 1 : i32
    %dma_start3A_271 = arith.constant 0 : i32
    %dma_start3A_272 = tpu.memref_slice %arg6[%dma_start3A_270, %dma_start3A_271] : memref<8x512xi32, #tpu.memory_space<vmem>> -> memref<1x512xi32, #tpu.memory_space<vmem>>
    %dma_start3A_273 = tpu.memref_squeeze %dma_start3A_272 : memref<1x512xi32, #tpu.memory_space<vmem>> -> memref<512xi32, #tpu.memory_space<vmem>>
    %dma_start3A_274 = arith.constant 0 : i32
    %dma_start3A_275 = arith.constant 0 : i32
    %dma_start3A_276 = tpu.memref_slice %arg2[%dma_start3A_274, %dma_start3A_275] : memref<50000x64xf32, #tpu.memory_space<hbm>> -> memref<50000x64xf32, #tpu.memory_space<hbm>>
    tpu.enqueue_indirect_dma source(%dma_start3A_276 : memref<50000x64xf32, #tpu.memory_space<hbm>>) target(%arg9 : memref<512x64xf32, #tpu.memory_space<vmem>>) offsets(%dma_start3A_273 : memref<512xi32, #tpu.memory_space<vmem>>) semaphore(%arg15 : memref<!tpu.dma_semaphore, #tpu.memory_space<semaphore_mem>>)
    %dma_wait3A_277 = arith.constant 1 : i32
    %dma_wait3A_278 = arith.constant 0 : i32
    %dma_wait3A_279 = tpu.memref_slice %arg6[%dma_wait3A_277, %dma_wait3A_278] : memref<8x512xi32, #tpu.memory_space<vmem>> -> memref<1x512xi32, #tpu.memory_space<vmem>>
    %dma_wait3A_280 = tpu.memref_squeeze %dma_wait3A_279 : memref<1x512xi32, #tpu.memory_space<vmem>> -> memref<512xi32, #tpu.memory_space<vmem>>
    %dma_wait3A_281 = arith.constant 0 : i32
    %dma_wait3A_282 = arith.constant 0 : i32
    %dma_wait3A_283 = tpu.memref_slice %arg2[%dma_wait3A_281, %dma_wait3A_282] : memref<50000x64xf32, #tpu.memory_space<hbm>> -> memref<50000x64xf32, #tpu.memory_space<hbm>>
    tpu.wait_indirect_dma semaphore(%arg15 : memref<!tpu.dma_semaphore, #tpu.memory_space<semaphore_mem>>) src(%dma_wait3A_283 : memref<50000x64xf32, #tpu.memory_space<hbm>>) dst(%arg9 : memref<512x64xf32, #tpu.memory_space<vmem>>)
    %dma_start3A_284 = arith.constant 1 : i32
    %dma_start3A_285 = arith.constant 0 : i32
    %dma_start3A_286 = tpu.memref_slice %arg7[%dma_start3A_284, %dma_start3A_285] : memref<8x512xi32, #tpu.memory_space<vmem>> -> memref<1x512xi32, #tpu.memory_space<vmem>>
    %dma_start3A_287 = tpu.memref_squeeze %dma_start3A_286 : memref<1x512xi32, #tpu.memory_space<vmem>> -> memref<512xi32, #tpu.memory_space<vmem>>
    %dma_start3A_288 = arith.constant 0 : i32
    %dma_start3A_289 = arith.constant 0 : i32
    %dma_start3A_290 = tpu.memref_slice %arg12[%dma_start3A_288, %dma_start3A_289] : memref<10240x64xf32, #tpu.memory_space<vmem_shared>> -> memref<10240x64xf32, #tpu.memory_space<vmem_shared>>
    tpu.enqueue_indirect_dma source(%arg9 : memref<512x64xf32, #tpu.memory_space<vmem>>) target(%dma_start3A_290 : memref<10240x64xf32, #tpu.memory_space<vmem_shared>>) offsets(%dma_start3A_287 : memref<512xi32, #tpu.memory_space<vmem>>) semaphore(%arg14 : memref<!tpu.dma_semaphore, #tpu.memory_space<semaphore_mem>>) {add = true}
    %dma_wait3A_291 = arith.constant 0 : i32
    %dma_wait3A_292 = arith.constant 0 : i32
    %dma_wait3A_293 = tpu.memref_slice %arg7[%dma_wait3A_291, %dma_wait3A_292] : memref<8x512xi32, #tpu.memory_space<vmem>> -> memref<1x512xi32, #tpu.memory_space<vmem>>
    %dma_wait3A_294 = tpu.memref_squeeze %dma_wait3A_293 : memref<1x512xi32, #tpu.memory_space<vmem>> -> memref<512xi32, #tpu.memory_space<vmem>>
    %dma_wait3A_295 = arith.constant 0 : i32
    %dma_wait3A_296 = arith.constant 0 : i32
    %dma_wait3A_297 = tpu.memref_slice %arg12[%dma_wait3A_295, %dma_wait3A_296] : memref<10240x64xf32, #tpu.memory_space<vmem_shared>> -> memref<10240x64xf32, #tpu.memory_space<vmem_shared>>
    tpu.wait_indirect_dma semaphore(%arg13 : memref<!tpu.dma_semaphore, #tpu.memory_space<semaphore_mem>>) src(%arg8 : memref<512x64xf32, #tpu.memory_space<vmem>>) dst(%dma_wait3A_297 : memref<10240x64xf32, #tpu.memory_space<vmem_shared>>)
    %dma_start3A_298 = arith.constant 2 : i32
    %dma_start3A_299 = arith.constant 0 : i32
    %dma_start3A_300 = tpu.memref_slice %arg6[%dma_start3A_298, %dma_start3A_299] : memref<8x512xi32, #tpu.memory_space<vmem>> -> memref<1x512xi32, #tpu.memory_space<vmem>>
    %dma_start3A_301 = tpu.memref_squeeze %dma_start3A_300 : memref<1x512xi32, #tpu.memory_space<vmem>> -> memref<512xi32, #tpu.memory_space<vmem>>
    %dma_start3A_302 = arith.constant 0 : i32
    %dma_start3A_303 = arith.constant 0 : i32
    %dma_start3A_304 = tpu.memref_slice %arg2[%dma_start3A_302, %dma_start3A_303] : memref<50000x64xf32, #tpu.memory_space<hbm>> -> memref<50000x64xf32, #tpu.memory_space<hbm>>
    tpu.enqueue_indirect_dma source(%dma_start3A_304 : memref<50000x64xf32, #tpu.memory_space<hbm>>) target(%arg8 : memref<512x64xf32, #tpu.memory_space<vmem>>) offsets(%dma_start3A_301 : memref<512xi32, #tpu.memory_space<vmem>>) semaphore(%arg15 : memref<!tpu.dma_semaphore, #tpu.memory_space<semaphore_mem>>)
    %dma_wait3A_305 = arith.constant 2 : i32
    %dma_wait3A_306 = arith.constant 0 : i32
    %dma_wait3A_307 = tpu.memref_slice %arg6[%dma_wait3A_305, %dma_wait3A_306] : memref<8x512xi32, #tpu.memory_space<vmem>> -> memref<1x512xi32, #tpu.memory_space<vmem>>
    %dma_wait3A_308 = tpu.memref_squeeze %dma_wait3A_307 : memref<1x512xi32, #tpu.memory_space<vmem>> -> memref<512xi32, #tpu.memory_space<vmem>>
    %dma_wait3A_309 = arith.constant 0 : i32
    %dma_wait3A_310 = arith.constant 0 : i32
    %dma_wait3A_311 = tpu.memref_slice %arg2[%dma_wait3A_309, %dma_wait3A_310] : memref<50000x64xf32, #tpu.memory_space<hbm>> -> memref<50000x64xf32, #tpu.memory_space<hbm>>
    tpu.wait_indirect_dma semaphore(%arg15 : memref<!tpu.dma_semaphore, #tpu.memory_space<semaphore_mem>>) src(%dma_wait3A_311 : memref<50000x64xf32, #tpu.memory_space<hbm>>) dst(%arg8 : memref<512x64xf32, #tpu.memory_space<vmem>>)
    %dma_start3A_312 = arith.constant 2 : i32
    %dma_start3A_313 = arith.constant 0 : i32
    %dma_start3A_314 = tpu.memref_slice %arg7[%dma_start3A_312, %dma_start3A_313] : memref<8x512xi32, #tpu.memory_space<vmem>> -> memref<1x512xi32, #tpu.memory_space<vmem>>
    %dma_start3A_315 = tpu.memref_squeeze %dma_start3A_314 : memref<1x512xi32, #tpu.memory_space<vmem>> -> memref<512xi32, #tpu.memory_space<vmem>>
    %dma_start3A_316 = arith.constant 0 : i32
    %dma_start3A_317 = arith.constant 0 : i32
    %dma_start3A_318 = tpu.memref_slice %arg12[%dma_start3A_316, %dma_start3A_317] : memref<10240x64xf32, #tpu.memory_space<vmem_shared>> -> memref<10240x64xf32, #tpu.memory_space<vmem_shared>>
    tpu.enqueue_indirect_dma source(%arg8 : memref<512x64xf32, #tpu.memory_space<vmem>>) target(%dma_start3A_318 : memref<10240x64xf32, #tpu.memory_space<vmem_shared>>) offsets(%dma_start3A_315 : memref<512xi32, #tpu.memory_space<vmem>>) semaphore(%arg13 : memref<!tpu.dma_semaphore, #tpu.memory_space<semaphore_mem>>) {add = true}
    %dma_wait3A_319 = arith.constant 1 : i32
    %dma_wait3A_320 = arith.constant 0 : i32
    %dma_wait3A_321 = tpu.memref_slice %arg7[%dma_wait3A_319, %dma_wait3A_320] : memref<8x512xi32, #tpu.memory_space<vmem>> -> memref<1x512xi32, #tpu.memory_space<vmem>>
    %dma_wait3A_322 = tpu.memref_squeeze %dma_wait3A_321 : memref<1x512xi32, #tpu.memory_space<vmem>> -> memref<512xi32, #tpu.memory_space<vmem>>
    %dma_wait3A_323 = arith.constant 0 : i32
    %dma_wait3A_324 = arith.constant 0 : i32
    %dma_wait3A_325 = tpu.memref_slice %arg12[%dma_wait3A_323, %dma_wait3A_324] : memref<10240x64xf32, #tpu.memory_space<vmem_shared>> -> memref<10240x64xf32, #tpu.memory_space<vmem_shared>>
    tpu.wait_indirect_dma semaphore(%arg14 : memref<!tpu.dma_semaphore, #tpu.memory_space<semaphore_mem>>) src(%arg9 : memref<512x64xf32, #tpu.memory_space<vmem>>) dst(%dma_wait3A_325 : memref<10240x64xf32, #tpu.memory_space<vmem_shared>>)
    %dma_start3A_326 = arith.constant 3 : i32
    %dma_start3A_327 = arith.constant 0 : i32
    %dma_start3A_328 = tpu.memref_slice %arg6[%dma_start3A_326, %dma_start3A_327] : memref<8x512xi32, #tpu.memory_space<vmem>> -> memref<1x512xi32, #tpu.memory_space<vmem>>
    %dma_start3A_329 = tpu.memref_squeeze %dma_start3A_328 : memref<1x512xi32, #tpu.memory_space<vmem>> -> memref<512xi32, #tpu.memory_space<vmem>>
    %dma_start3A_330 = arith.constant 0 : i32
    %dma_start3A_331 = arith.constant 0 : i32
    %dma_start3A_332 = tpu.memref_slice %arg2[%dma_start3A_330, %dma_start3A_331] : memref<50000x64xf32, #tpu.memory_space<hbm>> -> memref<50000x64xf32, #tpu.memory_space<hbm>>
    tpu.enqueue_indirect_dma source(%dma_start3A_332 : memref<50000x64xf32, #tpu.memory_space<hbm>>) target(%arg9 : memref<512x64xf32, #tpu.memory_space<vmem>>) offsets(%dma_start3A_329 : memref<512xi32, #tpu.memory_space<vmem>>) semaphore(%arg15 : memref<!tpu.dma_semaphore, #tpu.memory_space<semaphore_mem>>)
    %dma_wait3A_333 = arith.constant 3 : i32
    %dma_wait3A_334 = arith.constant 0 : i32
    %dma_wait3A_335 = tpu.memref_slice %arg6[%dma_wait3A_333, %dma_wait3A_334] : memref<8x512xi32, #tpu.memory_space<vmem>> -> memref<1x512xi32, #tpu.memory_space<vmem>>
    %dma_wait3A_336 = tpu.memref_squeeze %dma_wait3A_335 : memref<1x512xi32, #tpu.memory_space<vmem>> -> memref<512xi32, #tpu.memory_space<vmem>>
    %dma_wait3A_337 = arith.constant 0 : i32
    %dma_wait3A_338 = arith.constant 0 : i32
    %dma_wait3A_339 = tpu.memref_slice %arg2[%dma_wait3A_337, %dma_wait3A_338] : memref<50000x64xf32, #tpu.memory_space<hbm>> -> memref<50000x64xf32, #tpu.memory_space<hbm>>
    tpu.wait_indirect_dma semaphore(%arg15 : memref<!tpu.dma_semaphore, #tpu.memory_space<semaphore_mem>>) src(%dma_wait3A_339 : memref<50000x64xf32, #tpu.memory_space<hbm>>) dst(%arg9 : memref<512x64xf32, #tpu.memory_space<vmem>>)
    %dma_start3A_340 = arith.constant 3 : i32
    %dma_start3A_341 = arith.constant 0 : i32
    %dma_start3A_342 = tpu.memref_slice %arg7[%dma_start3A_340, %dma_start3A_341] : memref<8x512xi32, #tpu.memory_space<vmem>> -> memref<1x512xi32, #tpu.memory_space<vmem>>
    %dma_start3A_343 = tpu.memref_squeeze %dma_start3A_342 : memref<1x512xi32, #tpu.memory_space<vmem>> -> memref<512xi32, #tpu.memory_space<vmem>>
    %dma_start3A_344 = arith.constant 0 : i32
    %dma_start3A_345 = arith.constant 0 : i32
    %dma_start3A_346 = tpu.memref_slice %arg12[%dma_start3A_344, %dma_start3A_345] : memref<10240x64xf32, #tpu.memory_space<vmem_shared>> -> memref<10240x64xf32, #tpu.memory_space<vmem_shared>>
    tpu.enqueue_indirect_dma source(%arg9 : memref<512x64xf32, #tpu.memory_space<vmem>>) target(%dma_start3A_346 : memref<10240x64xf32, #tpu.memory_space<vmem_shared>>) offsets(%dma_start3A_343 : memref<512xi32, #tpu.memory_space<vmem>>) semaphore(%arg14 : memref<!tpu.dma_semaphore, #tpu.memory_space<semaphore_mem>>) {add = true}
    %dma_wait3A_347 = arith.constant 2 : i32
    %dma_wait3A_348 = arith.constant 0 : i32
    %dma_wait3A_349 = tpu.memref_slice %arg7[%dma_wait3A_347, %dma_wait3A_348] : memref<8x512xi32, #tpu.memory_space<vmem>> -> memref<1x512xi32, #tpu.memory_space<vmem>>
    %dma_wait3A_350 = tpu.memref_squeeze %dma_wait3A_349 : memref<1x512xi32, #tpu.memory_space<vmem>> -> memref<512xi32, #tpu.memory_space<vmem>>
    %dma_wait3A_351 = arith.constant 0 : i32
    %dma_wait3A_352 = arith.constant 0 : i32
    %dma_wait3A_353 = tpu.memref_slice %arg12[%dma_wait3A_351, %dma_wait3A_352] : memref<10240x64xf32, #tpu.memory_space<vmem_shared>> -> memref<10240x64xf32, #tpu.memory_space<vmem_shared>>
    tpu.wait_indirect_dma semaphore(%arg13 : memref<!tpu.dma_semaphore, #tpu.memory_space<semaphore_mem>>) src(%arg8 : memref<512x64xf32, #tpu.memory_space<vmem>>) dst(%dma_wait3A_353 : memref<10240x64xf32, #tpu.memory_space<vmem_shared>>)
    %dma_start3A_354 = arith.constant 4 : i32
    %dma_start3A_355 = arith.constant 0 : i32
    %dma_start3A_356 = tpu.memref_slice %arg6[%dma_start3A_354, %dma_start3A_355] : memref<8x512xi32, #tpu.memory_space<vmem>> -> memref<1x512xi32, #tpu.memory_space<vmem>>
    %dma_start3A_357 = tpu.memref_squeeze %dma_start3A_356 : memref<1x512xi32, #tpu.memory_space<vmem>> -> memref<512xi32, #tpu.memory_space<vmem>>
    %dma_start3A_358 = arith.constant 0 : i32
    %dma_start3A_359 = arith.constant 0 : i32
    %dma_start3A_360 = tpu.memref_slice %arg2[%dma_start3A_358, %dma_start3A_359] : memref<50000x64xf32, #tpu.memory_space<hbm>> -> memref<50000x64xf32, #tpu.memory_space<hbm>>
    tpu.enqueue_indirect_dma source(%dma_start3A_360 : memref<50000x64xf32, #tpu.memory_space<hbm>>) target(%arg8 : memref<512x64xf32, #tpu.memory_space<vmem>>) offsets(%dma_start3A_357 : memref<512xi32, #tpu.memory_space<vmem>>) semaphore(%arg15 : memref<!tpu.dma_semaphore, #tpu.memory_space<semaphore_mem>>)
    %dma_wait3A_361 = arith.constant 4 : i32
    %dma_wait3A_362 = arith.constant 0 : i32
    %dma_wait3A_363 = tpu.memref_slice %arg6[%dma_wait3A_361, %dma_wait3A_362] : memref<8x512xi32, #tpu.memory_space<vmem>> -> memref<1x512xi32, #tpu.memory_space<vmem>>
    %dma_wait3A_364 = tpu.memref_squeeze %dma_wait3A_363 : memref<1x512xi32, #tpu.memory_space<vmem>> -> memref<512xi32, #tpu.memory_space<vmem>>
    %dma_wait3A_365 = arith.constant 0 : i32
    %dma_wait3A_366 = arith.constant 0 : i32
    %dma_wait3A_367 = tpu.memref_slice %arg2[%dma_wait3A_365, %dma_wait3A_366] : memref<50000x64xf32, #tpu.memory_space<hbm>> -> memref<50000x64xf32, #tpu.memory_space<hbm>>
    tpu.wait_indirect_dma semaphore(%arg15 : memref<!tpu.dma_semaphore, #tpu.memory_space<semaphore_mem>>) src(%dma_wait3A_367 : memref<50000x64xf32, #tpu.memory_space<hbm>>) dst(%arg8 : memref<512x64xf32, #tpu.memory_space<vmem>>)
    %dma_start3A_368 = arith.constant 4 : i32
    %dma_start3A_369 = arith.constant 0 : i32
    %dma_start3A_370 = tpu.memref_slice %arg7[%dma_start3A_368, %dma_start3A_369] : memref<8x512xi32, #tpu.memory_space<vmem>> -> memref<1x512xi32, #tpu.memory_space<vmem>>
    %dma_start3A_371 = tpu.memref_squeeze %dma_start3A_370 : memref<1x512xi32, #tpu.memory_space<vmem>> -> memref<512xi32, #tpu.memory_space<vmem>>
    %dma_start3A_372 = arith.constant 0 : i32
    %dma_start3A_373 = arith.constant 0 : i32
    %dma_start3A_374 = tpu.memref_slice %arg12[%dma_start3A_372, %dma_start3A_373] : memref<10240x64xf32, #tpu.memory_space<vmem_shared>> -> memref<10240x64xf32, #tpu.memory_space<vmem_shared>>
    tpu.enqueue_indirect_dma source(%arg8 : memref<512x64xf32, #tpu.memory_space<vmem>>) target(%dma_start3A_374 : memref<10240x64xf32, #tpu.memory_space<vmem_shared>>) offsets(%dma_start3A_371 : memref<512xi32, #tpu.memory_space<vmem>>) semaphore(%arg13 : memref<!tpu.dma_semaphore, #tpu.memory_space<semaphore_mem>>) {add = true}
    %dma_wait3A_375 = arith.constant 3 : i32
    %dma_wait3A_376 = arith.constant 0 : i32
    %dma_wait3A_377 = tpu.memref_slice %arg7[%dma_wait3A_375, %dma_wait3A_376] : memref<8x512xi32, #tpu.memory_space<vmem>> -> memref<1x512xi32, #tpu.memory_space<vmem>>
    %dma_wait3A_378 = tpu.memref_squeeze %dma_wait3A_377 : memref<1x512xi32, #tpu.memory_space<vmem>> -> memref<512xi32, #tpu.memory_space<vmem>>
    %dma_wait3A_379 = arith.constant 0 : i32
    %dma_wait3A_380 = arith.constant 0 : i32
    %dma_wait3A_381 = tpu.memref_slice %arg12[%dma_wait3A_379, %dma_wait3A_380] : memref<10240x64xf32, #tpu.memory_space<vmem_shared>> -> memref<10240x64xf32, #tpu.memory_space<vmem_shared>>
    tpu.wait_indirect_dma semaphore(%arg14 : memref<!tpu.dma_semaphore, #tpu.memory_space<semaphore_mem>>) src(%arg9 : memref<512x64xf32, #tpu.memory_space<vmem>>) dst(%dma_wait3A_381 : memref<10240x64xf32, #tpu.memory_space<vmem_shared>>)
    %dma_start3A_382 = arith.constant 5 : i32
    %dma_start3A_383 = arith.constant 0 : i32
    %dma_start3A_384 = tpu.memref_slice %arg6[%dma_start3A_382, %dma_start3A_383] : memref<8x512xi32, #tpu.memory_space<vmem>> -> memref<1x512xi32, #tpu.memory_space<vmem>>
    %dma_start3A_385 = tpu.memref_squeeze %dma_start3A_384 : memref<1x512xi32, #tpu.memory_space<vmem>> -> memref<512xi32, #tpu.memory_space<vmem>>
    %dma_start3A_386 = arith.constant 0 : i32
    %dma_start3A_387 = arith.constant 0 : i32
    %dma_start3A_388 = tpu.memref_slice %arg2[%dma_start3A_386, %dma_start3A_387] : memref<50000x64xf32, #tpu.memory_space<hbm>> -> memref<50000x64xf32, #tpu.memory_space<hbm>>
    tpu.enqueue_indirect_dma source(%dma_start3A_388 : memref<50000x64xf32, #tpu.memory_space<hbm>>) target(%arg9 : memref<512x64xf32, #tpu.memory_space<vmem>>) offsets(%dma_start3A_385 : memref<512xi32, #tpu.memory_space<vmem>>) semaphore(%arg15 : memref<!tpu.dma_semaphore, #tpu.memory_space<semaphore_mem>>)
    %dma_wait3A_389 = arith.constant 5 : i32
    %dma_wait3A_390 = arith.constant 0 : i32
    %dma_wait3A_391 = tpu.memref_slice %arg6[%dma_wait3A_389, %dma_wait3A_390] : memref<8x512xi32, #tpu.memory_space<vmem>> -> memref<1x512xi32, #tpu.memory_space<vmem>>
    %dma_wait3A_392 = tpu.memref_squeeze %dma_wait3A_391 : memref<1x512xi32, #tpu.memory_space<vmem>> -> memref<512xi32, #tpu.memory_space<vmem>>
    %dma_wait3A_393 = arith.constant 0 : i32
    %dma_wait3A_394 = arith.constant 0 : i32
    %dma_wait3A_395 = tpu.memref_slice %arg2[%dma_wait3A_393, %dma_wait3A_394] : memref<50000x64xf32, #tpu.memory_space<hbm>> -> memref<50000x64xf32, #tpu.memory_space<hbm>>
    tpu.wait_indirect_dma semaphore(%arg15 : memref<!tpu.dma_semaphore, #tpu.memory_space<semaphore_mem>>) src(%dma_wait3A_395 : memref<50000x64xf32, #tpu.memory_space<hbm>>) dst(%arg9 : memref<512x64xf32, #tpu.memory_space<vmem>>)
    %dma_start3A_396 = arith.constant 5 : i32
    %dma_start3A_397 = arith.constant 0 : i32
    %dma_start3A_398 = tpu.memref_slice %arg7[%dma_start3A_396, %dma_start3A_397] : memref<8x512xi32, #tpu.memory_space<vmem>> -> memref<1x512xi32, #tpu.memory_space<vmem>>
    %dma_start3A_399 = tpu.memref_squeeze %dma_start3A_398 : memref<1x512xi32, #tpu.memory_space<vmem>> -> memref<512xi32, #tpu.memory_space<vmem>>
    %dma_start3A_400 = arith.constant 0 : i32
    %dma_start3A_401 = arith.constant 0 : i32
    %dma_start3A_402 = tpu.memref_slice %arg12[%dma_start3A_400, %dma_start3A_401] : memref<10240x64xf32, #tpu.memory_space<vmem_shared>> -> memref<10240x64xf32, #tpu.memory_space<vmem_shared>>
    tpu.enqueue_indirect_dma source(%arg9 : memref<512x64xf32, #tpu.memory_space<vmem>>) target(%dma_start3A_402 : memref<10240x64xf32, #tpu.memory_space<vmem_shared>>) offsets(%dma_start3A_399 : memref<512xi32, #tpu.memory_space<vmem>>) semaphore(%arg14 : memref<!tpu.dma_semaphore, #tpu.memory_space<semaphore_mem>>) {add = true}
    %dma_wait3A_403 = arith.constant 4 : i32
    %dma_wait3A_404 = arith.constant 0 : i32
    %dma_wait3A_405 = tpu.memref_slice %arg7[%dma_wait3A_403, %dma_wait3A_404] : memref<8x512xi32, #tpu.memory_space<vmem>> -> memref<1x512xi32, #tpu.memory_space<vmem>>
    %dma_wait3A_406 = tpu.memref_squeeze %dma_wait3A_405 : memref<1x512xi32, #tpu.memory_space<vmem>> -> memref<512xi32, #tpu.memory_space<vmem>>
    %dma_wait3A_407 = arith.constant 0 : i32
    %dma_wait3A_408 = arith.constant 0 : i32
    %dma_wait3A_409 = tpu.memref_slice %arg12[%dma_wait3A_407, %dma_wait3A_408] : memref<10240x64xf32, #tpu.memory_space<vmem_shared>> -> memref<10240x64xf32, #tpu.memory_space<vmem_shared>>
    tpu.wait_indirect_dma semaphore(%arg13 : memref<!tpu.dma_semaphore, #tpu.memory_space<semaphore_mem>>) src(%arg8 : memref<512x64xf32, #tpu.memory_space<vmem>>) dst(%dma_wait3A_409 : memref<10240x64xf32, #tpu.memory_space<vmem_shared>>)
    %dma_start3A_410 = arith.constant 6 : i32
    %dma_start3A_411 = arith.constant 0 : i32
    %dma_start3A_412 = tpu.memref_slice %arg6[%dma_start3A_410, %dma_start3A_411] : memref<8x512xi32, #tpu.memory_space<vmem>> -> memref<1x512xi32, #tpu.memory_space<vmem>>
    %dma_start3A_413 = tpu.memref_squeeze %dma_start3A_412 : memref<1x512xi32, #tpu.memory_space<vmem>> -> memref<512xi32, #tpu.memory_space<vmem>>
    %dma_start3A_414 = arith.constant 0 : i32
    %dma_start3A_415 = arith.constant 0 : i32
    %dma_start3A_416 = tpu.memref_slice %arg2[%dma_start3A_414, %dma_start3A_415] : memref<50000x64xf32, #tpu.memory_space<hbm>> -> memref<50000x64xf32, #tpu.memory_space<hbm>>
    tpu.enqueue_indirect_dma source(%dma_start3A_416 : memref<50000x64xf32, #tpu.memory_space<hbm>>) target(%arg8 : memref<512x64xf32, #tpu.memory_space<vmem>>) offsets(%dma_start3A_413 : memref<512xi32, #tpu.memory_space<vmem>>) semaphore(%arg15 : memref<!tpu.dma_semaphore, #tpu.memory_space<semaphore_mem>>)
    %dma_wait3A_417 = arith.constant 6 : i32
    %dma_wait3A_418 = arith.constant 0 : i32
    %dma_wait3A_419 = tpu.memref_slice %arg6[%dma_wait3A_417, %dma_wait3A_418] : memref<8x512xi32, #tpu.memory_space<vmem>> -> memref<1x512xi32, #tpu.memory_space<vmem>>
    %dma_wait3A_420 = tpu.memref_squeeze %dma_wait3A_419 : memref<1x512xi32, #tpu.memory_space<vmem>> -> memref<512xi32, #tpu.memory_space<vmem>>
    %dma_wait3A_421 = arith.constant 0 : i32
    %dma_wait3A_422 = arith.constant 0 : i32
    %dma_wait3A_423 = tpu.memref_slice %arg2[%dma_wait3A_421, %dma_wait3A_422] : memref<50000x64xf32, #tpu.memory_space<hbm>> -> memref<50000x64xf32, #tpu.memory_space<hbm>>
    tpu.wait_indirect_dma semaphore(%arg15 : memref<!tpu.dma_semaphore, #tpu.memory_space<semaphore_mem>>) src(%dma_wait3A_423 : memref<50000x64xf32, #tpu.memory_space<hbm>>) dst(%arg8 : memref<512x64xf32, #tpu.memory_space<vmem>>)
    %dma_start3A_424 = arith.constant 6 : i32
    %dma_start3A_425 = arith.constant 0 : i32
    %dma_start3A_426 = tpu.memref_slice %arg7[%dma_start3A_424, %dma_start3A_425] : memref<8x512xi32, #tpu.memory_space<vmem>> -> memref<1x512xi32, #tpu.memory_space<vmem>>
    %dma_start3A_427 = tpu.memref_squeeze %dma_start3A_426 : memref<1x512xi32, #tpu.memory_space<vmem>> -> memref<512xi32, #tpu.memory_space<vmem>>
    %dma_start3A_428 = arith.constant 0 : i32
    %dma_start3A_429 = arith.constant 0 : i32
    %dma_start3A_430 = tpu.memref_slice %arg12[%dma_start3A_428, %dma_start3A_429] : memref<10240x64xf32, #tpu.memory_space<vmem_shared>> -> memref<10240x64xf32, #tpu.memory_space<vmem_shared>>
    tpu.enqueue_indirect_dma source(%arg8 : memref<512x64xf32, #tpu.memory_space<vmem>>) target(%dma_start3A_430 : memref<10240x64xf32, #tpu.memory_space<vmem_shared>>) offsets(%dma_start3A_427 : memref<512xi32, #tpu.memory_space<vmem>>) semaphore(%arg13 : memref<!tpu.dma_semaphore, #tpu.memory_space<semaphore_mem>>) {add = true}
    %dma_wait3A_431 = arith.constant 5 : i32
    %dma_wait3A_432 = arith.constant 0 : i32
    %dma_wait3A_433 = tpu.memref_slice %arg7[%dma_wait3A_431, %dma_wait3A_432] : memref<8x512xi32, #tpu.memory_space<vmem>> -> memref<1x512xi32, #tpu.memory_space<vmem>>
    %dma_wait3A_434 = tpu.memref_squeeze %dma_wait3A_433 : memref<1x512xi32, #tpu.memory_space<vmem>> -> memref<512xi32, #tpu.memory_space<vmem>>
    %dma_wait3A_435 = arith.constant 0 : i32
    %dma_wait3A_436 = arith.constant 0 : i32
    %dma_wait3A_437 = tpu.memref_slice %arg12[%dma_wait3A_435, %dma_wait3A_436] : memref<10240x64xf32, #tpu.memory_space<vmem_shared>> -> memref<10240x64xf32, #tpu.memory_space<vmem_shared>>
    tpu.wait_indirect_dma semaphore(%arg14 : memref<!tpu.dma_semaphore, #tpu.memory_space<semaphore_mem>>) src(%arg9 : memref<512x64xf32, #tpu.memory_space<vmem>>) dst(%dma_wait3A_437 : memref<10240x64xf32, #tpu.memory_space<vmem_shared>>)
    %dma_start3A_438 = arith.constant 7 : i32
    %dma_start3A_439 = arith.constant 0 : i32
    %dma_start3A_440 = tpu.memref_slice %arg6[%dma_start3A_438, %dma_start3A_439] : memref<8x512xi32, #tpu.memory_space<vmem>> -> memref<1x512xi32, #tpu.memory_space<vmem>>
    %dma_start3A_441 = tpu.memref_squeeze %dma_start3A_440 : memref<1x512xi32, #tpu.memory_space<vmem>> -> memref<512xi32, #tpu.memory_space<vmem>>
    %dma_start3A_442 = arith.constant 0 : i32
    %dma_start3A_443 = arith.constant 0 : i32
    %dma_start3A_444 = tpu.memref_slice %arg2[%dma_start3A_442, %dma_start3A_443] : memref<50000x64xf32, #tpu.memory_space<hbm>> -> memref<50000x64xf32, #tpu.memory_space<hbm>>
    tpu.enqueue_indirect_dma source(%dma_start3A_444 : memref<50000x64xf32, #tpu.memory_space<hbm>>) target(%arg9 : memref<512x64xf32, #tpu.memory_space<vmem>>) offsets(%dma_start3A_441 : memref<512xi32, #tpu.memory_space<vmem>>) semaphore(%arg15 : memref<!tpu.dma_semaphore, #tpu.memory_space<semaphore_mem>>)
    %dma_wait3A_445 = arith.constant 7 : i32
    %dma_wait3A_446 = arith.constant 0 : i32
    %dma_wait3A_447 = tpu.memref_slice %arg6[%dma_wait3A_445, %dma_wait3A_446] : memref<8x512xi32, #tpu.memory_space<vmem>> -> memref<1x512xi32, #tpu.memory_space<vmem>>
    %dma_wait3A_448 = tpu.memref_squeeze %dma_wait3A_447 : memref<1x512xi32, #tpu.memory_space<vmem>> -> memref<512xi32, #tpu.memory_space<vmem>>
    %dma_wait3A_449 = arith.constant 0 : i32
    %dma_wait3A_450 = arith.constant 0 : i32
    %dma_wait3A_451 = tpu.memref_slice %arg2[%dma_wait3A_449, %dma_wait3A_450] : memref<50000x64xf32, #tpu.memory_space<hbm>> -> memref<50000x64xf32, #tpu.memory_space<hbm>>
    tpu.wait_indirect_dma semaphore(%arg15 : memref<!tpu.dma_semaphore, #tpu.memory_space<semaphore_mem>>) src(%dma_wait3A_451 : memref<50000x64xf32, #tpu.memory_space<hbm>>) dst(%arg9 : memref<512x64xf32, #tpu.memory_space<vmem>>)
    %dma_start3A_452 = arith.constant 7 : i32
    %dma_start3A_453 = arith.constant 0 : i32
    %dma_start3A_454 = tpu.memref_slice %arg7[%dma_start3A_452, %dma_start3A_453] : memref<8x512xi32, #tpu.memory_space<vmem>> -> memref<1x512xi32, #tpu.memory_space<vmem>>
    %dma_start3A_455 = tpu.memref_squeeze %dma_start3A_454 : memref<1x512xi32, #tpu.memory_space<vmem>> -> memref<512xi32, #tpu.memory_space<vmem>>
    %dma_start3A_456 = arith.constant 0 : i32
    %dma_start3A_457 = arith.constant 0 : i32
    %dma_start3A_458 = tpu.memref_slice %arg12[%dma_start3A_456, %dma_start3A_457] : memref<10240x64xf32, #tpu.memory_space<vmem_shared>> -> memref<10240x64xf32, #tpu.memory_space<vmem_shared>>
    tpu.enqueue_indirect_dma source(%arg9 : memref<512x64xf32, #tpu.memory_space<vmem>>) target(%dma_start3A_458 : memref<10240x64xf32, #tpu.memory_space<vmem_shared>>) offsets(%dma_start3A_455 : memref<512xi32, #tpu.memory_space<vmem>>) semaphore(%arg14 : memref<!tpu.dma_semaphore, #tpu.memory_space<semaphore_mem>>) {add = true}
    %dma_wait3A_459 = arith.constant 6 : i32
    %dma_wait3A_460 = arith.constant 0 : i32
    %dma_wait3A_461 = tpu.memref_slice %arg7[%dma_wait3A_459, %dma_wait3A_460] : memref<8x512xi32, #tpu.memory_space<vmem>> -> memref<1x512xi32, #tpu.memory_space<vmem>>
    %dma_wait3A_462 = tpu.memref_squeeze %dma_wait3A_461 : memref<1x512xi32, #tpu.memory_space<vmem>> -> memref<512xi32, #tpu.memory_space<vmem>>
    %dma_wait3A_463 = arith.constant 0 : i32
    %dma_wait3A_464 = arith.constant 0 : i32
    %dma_wait3A_465 = tpu.memref_slice %arg12[%dma_wait3A_463, %dma_wait3A_464] : memref<10240x64xf32, #tpu.memory_space<vmem_shared>> -> memref<10240x64xf32, #tpu.memory_space<vmem_shared>>
    tpu.wait_indirect_dma semaphore(%arg13 : memref<!tpu.dma_semaphore, #tpu.memory_space<semaphore_mem>>) src(%arg8 : memref<512x64xf32, #tpu.memory_space<vmem>>) dst(%dma_wait3A_465 : memref<10240x64xf32, #tpu.memory_space<vmem_shared>>)
    %dma_wait3A_466 = arith.constant 7 : i32
    %dma_wait3A_467 = arith.constant 0 : i32
    %dma_wait3A_468 = tpu.memref_slice %arg7[%dma_wait3A_466, %dma_wait3A_467] : memref<8x512xi32, #tpu.memory_space<vmem>> -> memref<1x512xi32, #tpu.memory_space<vmem>>
    %dma_wait3A_469 = tpu.memref_squeeze %dma_wait3A_468 : memref<1x512xi32, #tpu.memory_space<vmem>> -> memref<512xi32, #tpu.memory_space<vmem>>
    %dma_wait3A_470 = arith.constant 0 : i32
    %dma_wait3A_471 = arith.constant 0 : i32
    %dma_wait3A_472 = tpu.memref_slice %arg12[%dma_wait3A_470, %dma_wait3A_471] : memref<10240x64xf32, #tpu.memory_space<vmem_shared>> -> memref<10240x64xf32, #tpu.memory_space<vmem_shared>>
    tpu.wait_indirect_dma semaphore(%arg14 : memref<!tpu.dma_semaphore, #tpu.memory_space<semaphore_mem>>) src(%arg9 : memref<512x64xf32, #tpu.memory_space<vmem>>) dst(%dma_wait3A_472 : memref<10240x64xf32, #tpu.memory_space<vmem_shared>>)
    %barrier3A_473 = arith.constant 0 : index
    tpu.barrier barrier_id(%barrier3A_473)
    %mul3A_474 = arith.constant 640 : i32
    %mul3A_475 = arith.muli %arg1, %mul3A_474 : i32
    %add3A_476 = arith.constant 0 : i32
    %add3A_477 = arith.addi %mul3A_475, %add3A_476 : i32
    "tpu.region"() ({
      %run_scoped3A_1363 = tpu.sem_alloc : memref<!tpu.dma_semaphore, #tpu.memory_space<semaphore_mem>>
      %dma_start3A_1364 = arith.constant 0 : i32
      %dma_start3A_1365 = tpu.memref_slice %arg12[%add3A_477, %dma_start3A_1364] : memref<10240x64xf32, #tpu.memory_space<vmem_shared>> -> memref<128x64xf32, #tpu.memory_space<vmem_shared>>
      %dma_start3A_1366 = arith.constant 0 : i32
      %dma_start3A_1367 = tpu.memref_slice %arg12[%add3A_477, %dma_start3A_1366] : memref<10240x64xf32, #tpu.memory_space<vmem_shared>> -> memref<128x64xf32, #tpu.memory_space<vmem_shared>>
      tpu.enqueue_dma source(%dma_start3A_1367 : memref<128x64xf32, #tpu.memory_space<vmem_shared>>) target(%arg11 : memref<128x64xf32, #tpu.memory_space<vmem>>) target_semaphore(%run_scoped3A_1363 : memref<!tpu.dma_semaphore, #tpu.memory_space<semaphore_mem>>)
      %dma_wait3A_1368 = arith.constant 0 : i32
      %dma_wait3A_1369 = tpu.memref_slice %arg12[%add3A_477, %dma_wait3A_1368] : memref<10240x64xf32, #tpu.memory_space<vmem_shared>> -> memref<128x64xf32, #tpu.memory_space<vmem_shared>>
      %dma_wait3A_1370 = arith.constant 0 : i32
      %dma_wait3A_1371 = tpu.memref_slice %arg12[%add3A_477, %dma_wait3A_1370] : memref<10240x64xf32, #tpu.memory_space<vmem_shared>> -> memref<128x64xf32, #tpu.memory_space<vmem_shared>>
      tpu.wait_dma2 semaphore(%run_scoped3A_1363 : memref<!tpu.dma_semaphore, #tpu.memory_space<semaphore_mem>>) src(%dma_wait3A_1371 : memref<128x64xf32, #tpu.memory_space<vmem_shared>>) dst(%arg11 : memref<128x64xf32, #tpu.memory_space<vmem>>)
      tpu.yield
    }) : () -> ()
    %mul3A_478 = arith.constant 3 : i32
    %mul3A_479 = arith.muli %arg0, %mul3A_478 : i32
    %add3A_480 = arith.constant 0 : i32
    %add3A_481 = arith.addi %mul3A_479, %add3A_480 : i32
    %mul3A_482 = arith.constant 10240 : i32
    %mul3A_483 = arith.muli %add3A_481, %mul3A_482 : i32
    %add3A_484 = arith.addi %mul3A_483, %add3A_477 : i32
    "tpu.region"() ({
      %run_scoped3A_1363 = tpu.sem_alloc : memref<!tpu.dma_semaphore, #tpu.memory_space<semaphore_mem>>
      %dma_start3A_1364 = arith.constant 0 : i32
      %dma_start3A_1365 = tpu.memref_slice %arg5[%add3A_484, %dma_start3A_1364] : memref<61440x64xf32, #tpu.memory_space<hbm>> -> memref<128x64xf32, #tpu.memory_space<hbm>>
      %dma_start3A_1366 = arith.constant 0 : i32
      %dma_start3A_1367 = tpu.memref_slice %arg5[%add3A_484, %dma_start3A_1366] : memref<61440x64xf32, #tpu.memory_space<hbm>> -> memref<128x64xf32, #tpu.memory_space<hbm>>
      tpu.enqueue_dma source(%arg11 : memref<128x64xf32, #tpu.memory_space<vmem>>) target(%dma_start3A_1367 : memref<128x64xf32, #tpu.memory_space<hbm>>) target_semaphore(%run_scoped3A_1363 : memref<!tpu.dma_semaphore, #tpu.memory_space<semaphore_mem>>)
      %dma_wait3A_1368 = arith.constant 0 : i32
      %dma_wait3A_1369 = tpu.memref_slice %arg5[%add3A_484, %dma_wait3A_1368] : memref<61440x64xf32, #tpu.memory_space<hbm>> -> memref<128x64xf32, #tpu.memory_space<hbm>>
      %dma_wait3A_1370 = arith.constant 0 : i32
      %dma_wait3A_1371 = tpu.memref_slice %arg5[%add3A_484, %dma_wait3A_1370] : memref<61440x64xf32, #tpu.memory_space<hbm>> -> memref<128x64xf32, #tpu.memory_space<hbm>>
      tpu.wait_dma2 semaphore(%run_scoped3A_1363 : memref<!tpu.dma_semaphore, #tpu.memory_space<semaphore_mem>>) src(%arg11 : memref<128x64xf32, #tpu.memory_space<vmem>>) dst(%dma_wait3A_1371 : memref<128x64xf32, #tpu.memory_space<hbm>>)
      tpu.yield
    }) : () -> ()
    %mul3A_485 = arith.constant 640 : i32
    %mul3A_486 = arith.muli %arg1, %mul3A_485 : i32
    %add3A_487 = arith.constant 128 : i32
    %add3A_488 = arith.addi %mul3A_486, %add3A_487 : i32
    "tpu.region"() ({
      %run_scoped3A_1363 = tpu.sem_alloc : memref<!tpu.dma_semaphore, #tpu.memory_space<semaphore_mem>>
      %dma_start3A_1364 = arith.constant 0 : i32
      %dma_start3A_1365 = tpu.memref_slice %arg12[%add3A_488, %dma_start3A_1364] : memref<10240x64xf32, #tpu.memory_space<vmem_shared>> -> memref<128x64xf32, #tpu.memory_space<vmem_shared>>
      %dma_start3A_1366 = arith.constant 0 : i32
      %dma_start3A_1367 = tpu.memref_slice %arg12[%add3A_488, %dma_start3A_1366] : memref<10240x64xf32, #tpu.memory_space<vmem_shared>> -> memref<128x64xf32, #tpu.memory_space<vmem_shared>>
      tpu.enqueue_dma source(%dma_start3A_1367 : memref<128x64xf32, #tpu.memory_space<vmem_shared>>) target(%arg11 : memref<128x64xf32, #tpu.memory_space<vmem>>) target_semaphore(%run_scoped3A_1363 : memref<!tpu.dma_semaphore, #tpu.memory_space<semaphore_mem>>)
      %dma_wait3A_1368 = arith.constant 0 : i32
      %dma_wait3A_1369 = tpu.memref_slice %arg12[%add3A_488, %dma_wait3A_1368] : memref<10240x64xf32, #tpu.memory_space<vmem_shared>> -> memref<128x64xf32, #tpu.memory_space<vmem_shared>>
      %dma_wait3A_1370 = arith.constant 0 : i32
      %dma_wait3A_1371 = tpu.memref_slice %arg12[%add3A_488, %dma_wait3A_1370] : memref<10240x64xf32, #tpu.memory_space<vmem_shared>> -> memref<128x64xf32, #tpu.memory_space<vmem_shared>>
      tpu.wait_dma2 semaphore(%run_scoped3A_1363 : memref<!tpu.dma_semaphore, #tpu.memory_space<semaphore_mem>>) src(%dma_wait3A_1371 : memref<128x64xf32, #tpu.memory_space<vmem_shared>>) dst(%arg11 : memref<128x64xf32, #tpu.memory_space<vmem>>)
      tpu.yield
    }) : () -> ()
    %mul3A_489 = arith.constant 3 : i32
    %mul3A_490 = arith.muli %arg0, %mul3A_489 : i32
    %add3A_491 = arith.constant 0 : i32
    %add3A_492 = arith.addi %mul3A_490, %add3A_491 : i32
    %mul3A_493 = arith.constant 10240 : i32
    %mul3A_494 = arith.muli %add3A_492, %mul3A_493 : i32
    %add3A_495 = arith.addi %mul3A_494, %add3A_488 : i32
    "tpu.region"() ({
      %run_scoped3A_1363 = tpu.sem_alloc : memref<!tpu.dma_semaphore, #tpu.memory_space<semaphore_mem>>
      %dma_start3A_1364 = arith.constant 0 : i32
      %dma_start3A_1365 = tpu.memref_slice %arg5[%add3A_495, %dma_start3A_1364] : memref<61440x64xf32, #tpu.memory_space<hbm>> -> memref<128x64xf32, #tpu.memory_space<hbm>>
      %dma_start3A_1366 = arith.constant 0 : i32
      %dma_start3A_1367 = tpu.memref_slice %arg5[%add3A_495, %dma_start3A_1366] : memref<61440x64xf32, #tpu.memory_space<hbm>> -> memref<128x64xf32, #tpu.memory_space<hbm>>
      tpu.enqueue_dma source(%arg11 : memref<128x64xf32, #tpu.memory_space<vmem>>) target(%dma_start3A_1367 : memref<128x64xf32, #tpu.memory_space<hbm>>) target_semaphore(%run_scoped3A_1363 : memref<!tpu.dma_semaphore, #tpu.memory_space<semaphore_mem>>)
      %dma_wait3A_1368 = arith.constant 0 : i32
      %dma_wait3A_1369 = tpu.memref_slice %arg5[%add3A_495, %dma_wait3A_1368] : memref<61440x64xf32, #tpu.memory_space<hbm>> -> memref<128x64xf32, #tpu.memory_space<hbm>>
      %dma_wait3A_1370 = arith.constant 0 : i32
      %dma_wait3A_1371 = tpu.memref_slice %arg5[%add3A_495, %dma_wait3A_1370] : memref<61440x64xf32, #tpu.memory_space<hbm>> -> memref<128x64xf32, #tpu.memory_space<hbm>>
      tpu.wait_dma2 semaphore(%run_scoped3A_1363 : memref<!tpu.dma_semaphore, #tpu.memory_space<semaphore_mem>>) src(%arg11 : memref<128x64xf32, #tpu.memory_space<vmem>>) dst(%dma_wait3A_1371 : memref<128x64xf32, #tpu.memory_space<hbm>>)
      tpu.yield
    }) : () -> ()
    %mul3A_496 = arith.constant 640 : i32
    %mul3A_497 = arith.muli %arg1, %mul3A_496 : i32
    %add3A_498 = arith.constant 256 : i32
    %add3A_499 = arith.addi %mul3A_497, %add3A_498 : i32
    "tpu.region"() ({
      %run_scoped3A_1363 = tpu.sem_alloc : memref<!tpu.dma_semaphore, #tpu.memory_space<semaphore_mem>>
      %dma_start3A_1364 = arith.constant 0 : i32
      %dma_start3A_1365 = tpu.memref_slice %arg12[%add3A_499, %dma_start3A_1364] : memref<10240x64xf32, #tpu.memory_space<vmem_shared>> -> memref<128x64xf32, #tpu.memory_space<vmem_shared>>
      %dma_start3A_1366 = arith.constant 0 : i32
      %dma_start3A_1367 = tpu.memref_slice %arg12[%add3A_499, %dma_start3A_1366] : memref<10240x64xf32, #tpu.memory_space<vmem_shared>> -> memref<128x64xf32, #tpu.memory_space<vmem_shared>>
      tpu.enqueue_dma source(%dma_start3A_1367 : memref<128x64xf32, #tpu.memory_space<vmem_shared>>) target(%arg11 : memref<128x64xf32, #tpu.memory_space<vmem>>) target_semaphore(%run_scoped3A_1363 : memref<!tpu.dma_semaphore, #tpu.memory_space<semaphore_mem>>)
      %dma_wait3A_1368 = arith.constant 0 : i32
      %dma_wait3A_1369 = tpu.memref_slice %arg12[%add3A_499, %dma_wait3A_1368] : memref<10240x64xf32, #tpu.memory_space<vmem_shared>> -> memref<128x64xf32, #tpu.memory_space<vmem_shared>>
      %dma_wait3A_1370 = arith.constant 0 : i32
      %dma_wait3A_1371 = tpu.memref_slice %arg12[%add3A_499, %dma_wait3A_1370] : memref<10240x64xf32, #tpu.memory_space<vmem_shared>> -> memref<128x64xf32, #tpu.memory_space<vmem_shared>>
      tpu.wait_dma2 semaphore(%run_scoped3A_1363 : memref<!tpu.dma_semaphore, #tpu.memory_space<semaphore_mem>>) src(%dma_wait3A_1371 : memref<128x64xf32, #tpu.memory_space<vmem_shared>>) dst(%arg11 : memref<128x64xf32, #tpu.memory_space<vmem>>)
      tpu.yield
    }) : () -> ()
    %mul3A_500 = arith.constant 3 : i32
    %mul3A_501 = arith.muli %arg0, %mul3A_500 : i32
    %add3A_502 = arith.constant 0 : i32
    %add3A_503 = arith.addi %mul3A_501, %add3A_502 : i32
    %mul3A_504 = arith.constant 10240 : i32
    %mul3A_505 = arith.muli %add3A_503, %mul3A_504 : i32
    %add3A_506 = arith.addi %mul3A_505, %add3A_499 : i32
    "tpu.region"() ({
      %run_scoped3A_1363 = tpu.sem_alloc : memref<!tpu.dma_semaphore, #tpu.memory_space<semaphore_mem>>
      %dma_start3A_1364 = arith.constant 0 : i32
      %dma_start3A_1365 = tpu.memref_slice %arg5[%add3A_506, %dma_start3A_1364] : memref<61440x64xf32, #tpu.memory_space<hbm>> -> memref<128x64xf32, #tpu.memory_space<hbm>>
      %dma_start3A_1366 = arith.constant 0 : i32
      %dma_start3A_1367 = tpu.memref_slice %arg5[%add3A_506, %dma_start3A_1366] : memref<61440x64xf32, #tpu.memory_space<hbm>> -> memref<128x64xf32, #tpu.memory_space<hbm>>
      tpu.enqueue_dma source(%arg11 : memref<128x64xf32, #tpu.memory_space<vmem>>) target(%dma_start3A_1367 : memref<128x64xf32, #tpu.memory_space<hbm>>) target_semaphore(%run_scoped3A_1363 : memref<!tpu.dma_semaphore, #tpu.memory_space<semaphore_mem>>)
      %dma_wait3A_1368 = arith.constant 0 : i32
      %dma_wait3A_1369 = tpu.memref_slice %arg5[%add3A_506, %dma_wait3A_1368] : memref<61440x64xf32, #tpu.memory_space<hbm>> -> memref<128x64xf32, #tpu.memory_space<hbm>>
      %dma_wait3A_1370 = arith.constant 0 : i32
      %dma_wait3A_1371 = tpu.memref_slice %arg5[%add3A_506, %dma_wait3A_1370] : memref<61440x64xf32, #tpu.memory_space<hbm>> -> memref<128x64xf32, #tpu.memory_space<hbm>>
      tpu.wait_dma2 semaphore(%run_scoped3A_1363 : memref<!tpu.dma_semaphore, #tpu.memory_space<semaphore_mem>>) src(%arg11 : memref<128x64xf32, #tpu.memory_space<vmem>>) dst(%dma_wait3A_1371 : memref<128x64xf32, #tpu.memory_space<hbm>>)
      tpu.yield
    }) : () -> ()
    %mul3A_507 = arith.constant 640 : i32
    %mul3A_508 = arith.muli %arg1, %mul3A_507 : i32
    %add3A_509 = arith.constant 384 : i32
    %add3A_510 = arith.addi %mul3A_508, %add3A_509 : i32
    "tpu.region"() ({
      %run_scoped3A_1363 = tpu.sem_alloc : memref<!tpu.dma_semaphore, #tpu.memory_space<semaphore_mem>>
      %dma_start3A_1364 = arith.constant 0 : i32
      %dma_start3A_1365 = tpu.memref_slice %arg12[%add3A_510, %dma_start3A_1364] : memref<10240x64xf32, #tpu.memory_space<vmem_shared>> -> memref<128x64xf32, #tpu.memory_space<vmem_shared>>
      %dma_start3A_1366 = arith.constant 0 : i32
      %dma_start3A_1367 = tpu.memref_slice %arg12[%add3A_510, %dma_start3A_1366] : memref<10240x64xf32, #tpu.memory_space<vmem_shared>> -> memref<128x64xf32, #tpu.memory_space<vmem_shared>>
      tpu.enqueue_dma source(%dma_start3A_1367 : memref<128x64xf32, #tpu.memory_space<vmem_shared>>) target(%arg11 : memref<128x64xf32, #tpu.memory_space<vmem>>) target_semaphore(%run_scoped3A_1363 : memref<!tpu.dma_semaphore, #tpu.memory_space<semaphore_mem>>)
      %dma_wait3A_1368 = arith.constant 0 : i32
      %dma_wait3A_1369 = tpu.memref_slice %arg12[%add3A_510, %dma_wait3A_1368] : memref<10240x64xf32, #tpu.memory_space<vmem_shared>> -> memref<128x64xf32, #tpu.memory_space<vmem_shared>>
      %dma_wait3A_1370 = arith.constant 0 : i32
      %dma_wait3A_1371 = tpu.memref_slice %arg12[%add3A_510, %dma_wait3A_1370] : memref<10240x64xf32, #tpu.memory_space<vmem_shared>> -> memref<128x64xf32, #tpu.memory_space<vmem_shared>>
      tpu.wait_dma2 semaphore(%run_scoped3A_1363 : memref<!tpu.dma_semaphore, #tpu.memory_space<semaphore_mem>>) src(%dma_wait3A_1371 : memref<128x64xf32, #tpu.memory_space<vmem_shared>>) dst(%arg11 : memref<128x64xf32, #tpu.memory_space<vmem>>)
      tpu.yield
    }) : () -> ()
    %mul3A_511 = arith.constant 3 : i32
    %mul3A_512 = arith.muli %arg0, %mul3A_511 : i32
    %add3A_513 = arith.constant 0 : i32
    %add3A_514 = arith.addi %mul3A_512, %add3A_513 : i32
    %mul3A_515 = arith.constant 10240 : i32
    %mul3A_516 = arith.muli %add3A_514, %mul3A_515 : i32
    %add3A_517 = arith.addi %mul3A_516, %add3A_510 : i32
    "tpu.region"() ({
      %run_scoped3A_1363 = tpu.sem_alloc : memref<!tpu.dma_semaphore, #tpu.memory_space<semaphore_mem>>
      %dma_start3A_1364 = arith.constant 0 : i32
      %dma_start3A_1365 = tpu.memref_slice %arg5[%add3A_517, %dma_start3A_1364] : memref<61440x64xf32, #tpu.memory_space<hbm>> -> memref<128x64xf32, #tpu.memory_space<hbm>>
      %dma_start3A_1366 = arith.constant 0 : i32
      %dma_start3A_1367 = tpu.memref_slice %arg5[%add3A_517, %dma_start3A_1366] : memref<61440x64xf32, #tpu.memory_space<hbm>> -> memref<128x64xf32, #tpu.memory_space<hbm>>
      tpu.enqueue_dma source(%arg11 : memref<128x64xf32, #tpu.memory_space<vmem>>) target(%dma_start3A_1367 : memref<128x64xf32, #tpu.memory_space<hbm>>) target_semaphore(%run_scoped3A_1363 : memref<!tpu.dma_semaphore, #tpu.memory_space<semaphore_mem>>)
      %dma_wait3A_1368 = arith.constant 0 : i32
      %dma_wait3A_1369 = tpu.memref_slice %arg5[%add3A_517, %dma_wait3A_1368] : memref<61440x64xf32, #tpu.memory_space<hbm>> -> memref<128x64xf32, #tpu.memory_space<hbm>>
      %dma_wait3A_1370 = arith.constant 0 : i32
      %dma_wait3A_1371 = tpu.memref_slice %arg5[%add3A_517, %dma_wait3A_1370] : memref<61440x64xf32, #tpu.memory_space<hbm>> -> memref<128x64xf32, #tpu.memory_space<hbm>>
      tpu.wait_dma2 semaphore(%run_scoped3A_1363 : memref<!tpu.dma_semaphore, #tpu.memory_space<semaphore_mem>>) src(%arg11 : memref<128x64xf32, #tpu.memory_space<vmem>>) dst(%dma_wait3A_1371 : memref<128x64xf32, #tpu.memory_space<hbm>>)
      tpu.yield
    }) : () -> ()
    %mul3A_518 = arith.constant 640 : i32
    %mul3A_519 = arith.muli %arg1, %mul3A_518 : i32
    %add3A_520 = arith.constant 512 : i32
    %add3A_521 = arith.addi %mul3A_519, %add3A_520 : i32
    "tpu.region"() ({
      %run_scoped3A_1363 = tpu.sem_alloc : memref<!tpu.dma_semaphore, #tpu.memory_space<semaphore_mem>>
      %dma_start3A_1364 = arith.constant 0 : i32
      %dma_start3A_1365 = tpu.memref_slice %arg12[%add3A_521, %dma_start3A_1364] : memref<10240x64xf32, #tpu.memory_space<vmem_shared>> -> memref<128x64xf32, #tpu.memory_space<vmem_shared>>
      %dma_start3A_1366 = arith.constant 0 : i32
      %dma_start3A_1367 = tpu.memref_slice %arg12[%add3A_521, %dma_start3A_1366] : memref<10240x64xf32, #tpu.memory_space<vmem_shared>> -> memref<128x64xf32, #tpu.memory_space<vmem_shared>>
      tpu.enqueue_dma source(%dma_start3A_1367 : memref<128x64xf32, #tpu.memory_space<vmem_shared>>) target(%arg11 : memref<128x64xf32, #tpu.memory_space<vmem>>) target_semaphore(%run_scoped3A_1363 : memref<!tpu.dma_semaphore, #tpu.memory_space<semaphore_mem>>)
      %dma_wait3A_1368 = arith.constant 0 : i32
      %dma_wait3A_1369 = tpu.memref_slice %arg12[%add3A_521, %dma_wait3A_1368] : memref<10240x64xf32, #tpu.memory_space<vmem_shared>> -> memref<128x64xf32, #tpu.memory_space<vmem_shared>>
      %dma_wait3A_1370 = arith.constant 0 : i32
      %dma_wait3A_1371 = tpu.memref_slice %arg12[%add3A_521, %dma_wait3A_1370] : memref<10240x64xf32, #tpu.memory_space<vmem_shared>> -> memref<128x64xf32, #tpu.memory_space<vmem_shared>>
      tpu.wait_dma2 semaphore(%run_scoped3A_1363 : memref<!tpu.dma_semaphore, #tpu.memory_space<semaphore_mem>>) src(%dma_wait3A_1371 : memref<128x64xf32, #tpu.memory_space<vmem_shared>>) dst(%arg11 : memref<128x64xf32, #tpu.memory_space<vmem>>)
      tpu.yield
    }) : () -> ()
    %mul3A_522 = arith.constant 3 : i32
    %mul3A_523 = arith.muli %arg0, %mul3A_522 : i32
    %add3A_524 = arith.constant 0 : i32
    %add3A_525 = arith.addi %mul3A_523, %add3A_524 : i32
    %mul3A_526 = arith.constant 10240 : i32
    %mul3A_527 = arith.muli %add3A_525, %mul3A_526 : i32
    %add3A_528 = arith.addi %mul3A_527, %add3A_521 : i32
    "tpu.region"() ({
      %run_scoped3A_1363 = tpu.sem_alloc : memref<!tpu.dma_semaphore, #tpu.memory_space<semaphore_mem>>
      %dma_start3A_1364 = arith.constant 0 : i32
      %dma_start3A_1365 = tpu.memref_slice %arg5[%add3A_528, %dma_start3A_1364] : memref<61440x64xf32, #tpu.memory_space<hbm>> -> memref<128x64xf32, #tpu.memory_space<hbm>>
      %dma_start3A_1366 = arith.constant 0 : i32
      %dma_start3A_1367 = tpu.memref_slice %arg5[%add3A_528, %dma_start3A_1366] : memref<61440x64xf32, #tpu.memory_space<hbm>> -> memref<128x64xf32, #tpu.memory_space<hbm>>
      tpu.enqueue_dma source(%arg11 : memref<128x64xf32, #tpu.memory_space<vmem>>) target(%dma_start3A_1367 : memref<128x64xf32, #tpu.memory_space<hbm>>) target_semaphore(%run_scoped3A_1363 : memref<!tpu.dma_semaphore, #tpu.memory_space<semaphore_mem>>)
      %dma_wait3A_1368 = arith.constant 0 : i32
      %dma_wait3A_1369 = tpu.memref_slice %arg5[%add3A_528, %dma_wait3A_1368] : memref<61440x64xf32, #tpu.memory_space<hbm>> -> memref<128x64xf32, #tpu.memory_space<hbm>>
      %dma_wait3A_1370 = arith.constant 0 : i32
      %dma_wait3A_1371 = tpu.memref_slice %arg5[%add3A_528, %dma_wait3A_1370] : memref<61440x64xf32, #tpu.memory_space<hbm>> -> memref<128x64xf32, #tpu.memory_space<hbm>>
      tpu.wait_dma2 semaphore(%run_scoped3A_1363 : memref<!tpu.dma_semaphore, #tpu.memory_space<semaphore_mem>>) src(%arg11 : memref<128x64xf32, #tpu.memory_space<vmem>>) dst(%dma_wait3A_1371 : memref<128x64xf32, #tpu.memory_space<hbm>>)
      tpu.yield
    }) : () -> ()
    %barrier3A_529 = arith.constant 0 : index
    tpu.barrier barrier_id(%barrier3A_529)
    %mul3A_530 = arith.constant 640 : i32
    %mul3A_531 = arith.muli %arg1, %mul3A_530 : i32
    %add3A_532 = arith.constant 0 : i32
    %add3A_533 = arith.addi %mul3A_531, %add3A_532 : i32
    "tpu.region"() ({
      %run_scoped3A_1363 = tpu.sem_alloc : memref<!tpu.dma_semaphore, #tpu.memory_space<semaphore_mem>>
      %dma_start3A_1364 = arith.constant 0 : i32
      %dma_start3A_1365 = tpu.memref_slice %arg12[%add3A_533, %dma_start3A_1364] : memref<10240x64xf32, #tpu.memory_space<vmem_shared>> -> memref<128x64xf32, #tpu.memory_space<vmem_shared>>
      %dma_start3A_1366 = arith.constant 0 : i32
      %dma_start3A_1367 = tpu.memref_slice %arg12[%add3A_533, %dma_start3A_1366] : memref<10240x64xf32, #tpu.memory_space<vmem_shared>> -> memref<128x64xf32, #tpu.memory_space<vmem_shared>>
      tpu.enqueue_dma source(%arg10 : memref<128x64xf32, #tpu.memory_space<vmem>>) target(%dma_start3A_1367 : memref<128x64xf32, #tpu.memory_space<vmem_shared>>) target_semaphore(%run_scoped3A_1363 : memref<!tpu.dma_semaphore, #tpu.memory_space<semaphore_mem>>)
      %dma_wait3A_1368 = arith.constant 0 : i32
      %dma_wait3A_1369 = tpu.memref_slice %arg12[%add3A_533, %dma_wait3A_1368] : memref<10240x64xf32, #tpu.memory_space<vmem_shared>> -> memref<128x64xf32, #tpu.memory_space<vmem_shared>>
      %dma_wait3A_1370 = arith.constant 0 : i32
      %dma_wait3A_1371 = tpu.memref_slice %arg12[%add3A_533, %dma_wait3A_1370] : memref<10240x64xf32, #tpu.memory_space<vmem_shared>> -> memref<128x64xf32, #tpu.memory_space<vmem_shared>>
      tpu.wait_dma2 semaphore(%run_scoped3A_1363 : memref<!tpu.dma_semaphore, #tpu.memory_space<semaphore_mem>>) src(%arg10 : memref<128x64xf32, #tpu.memory_space<vmem>>) dst(%dma_wait3A_1371 : memref<128x64xf32, #tpu.memory_space<vmem_shared>>)
      tpu.yield
    }) : () -> ()
    %mul3A_534 = arith.constant 640 : i32
    %mul3A_535 = arith.muli %arg1, %mul3A_534 : i32
    %add3A_536 = arith.constant 128 : i32
    %add3A_537 = arith.addi %mul3A_535, %add3A_536 : i32
    "tpu.region"() ({
      %run_scoped3A_1363 = tpu.sem_alloc : memref<!tpu.dma_semaphore, #tpu.memory_space<semaphore_mem>>
      %dma_start3A_1364 = arith.constant 0 : i32
      %dma_start3A_1365 = tpu.memref_slice %arg12[%add3A_537, %dma_start3A_1364] : memref<10240x64xf32, #tpu.memory_space<vmem_shared>> -> memref<128x64xf32, #tpu.memory_space<vmem_shared>>
      %dma_start3A_1366 = arith.constant 0 : i32
      %dma_start3A_1367 = tpu.memref_slice %arg12[%add3A_537, %dma_start3A_1366] : memref<10240x64xf32, #tpu.memory_space<vmem_shared>> -> memref<128x64xf32, #tpu.memory_space<vmem_shared>>
      tpu.enqueue_dma source(%arg10 : memref<128x64xf32, #tpu.memory_space<vmem>>) target(%dma_start3A_1367 : memref<128x64xf32, #tpu.memory_space<vmem_shared>>) target_semaphore(%run_scoped3A_1363 : memref<!tpu.dma_semaphore, #tpu.memory_space<semaphore_mem>>)
      %dma_wait3A_1368 = arith.constant 0 : i32
      %dma_wait3A_1369 = tpu.memref_slice %arg12[%add3A_537, %dma_wait3A_1368] : memref<10240x64xf32, #tpu.memory_space<vmem_shared>> -> memref<128x64xf32, #tpu.memory_space<vmem_shared>>
      %dma_wait3A_1370 = arith.constant 0 : i32
      %dma_wait3A_1371 = tpu.memref_slice %arg12[%add3A_537, %dma_wait3A_1370] : memref<10240x64xf32, #tpu.memory_space<vmem_shared>> -> memref<128x64xf32, #tpu.memory_space<vmem_shared>>
      tpu.wait_dma2 semaphore(%run_scoped3A_1363 : memref<!tpu.dma_semaphore, #tpu.memory_space<semaphore_mem>>) src(%arg10 : memref<128x64xf32, #tpu.memory_space<vmem>>) dst(%dma_wait3A_1371 : memref<128x64xf32, #tpu.memory_space<vmem_shared>>)
      tpu.yield
    }) : () -> ()
    %mul3A_538 = arith.constant 640 : i32
    %mul3A_539 = arith.muli %arg1, %mul3A_538 : i32
    %add3A_540 = arith.constant 256 : i32
    %add3A_541 = arith.addi %mul3A_539, %add3A_540 : i32
    "tpu.region"() ({
      %run_scoped3A_1363 = tpu.sem_alloc : memref<!tpu.dma_semaphore, #tpu.memory_space<semaphore_mem>>
      %dma_start3A_1364 = arith.constant 0 : i32
      %dma_start3A_1365 = tpu.memref_slice %arg12[%add3A_541, %dma_start3A_1364] : memref<10240x64xf32, #tpu.memory_space<vmem_shared>> -> memref<128x64xf32, #tpu.memory_space<vmem_shared>>
      %dma_start3A_1366 = arith.constant 0 : i32
      %dma_start3A_1367 = tpu.memref_slice %arg12[%add3A_541, %dma_start3A_1366] : memref<10240x64xf32, #tpu.memory_space<vmem_shared>> -> memref<128x64xf32, #tpu.memory_space<vmem_shared>>
      tpu.enqueue_dma source(%arg10 : memref<128x64xf32, #tpu.memory_space<vmem>>) target(%dma_start3A_1367 : memref<128x64xf32, #tpu.memory_space<vmem_shared>>) target_semaphore(%run_scoped3A_1363 : memref<!tpu.dma_semaphore, #tpu.memory_space<semaphore_mem>>)
      %dma_wait3A_1368 = arith.constant 0 : i32
      %dma_wait3A_1369 = tpu.memref_slice %arg12[%add3A_541, %dma_wait3A_1368] : memref<10240x64xf32, #tpu.memory_space<vmem_shared>> -> memref<128x64xf32, #tpu.memory_space<vmem_shared>>
      %dma_wait3A_1370 = arith.constant 0 : i32
      %dma_wait3A_1371 = tpu.memref_slice %arg12[%add3A_541, %dma_wait3A_1370] : memref<10240x64xf32, #tpu.memory_space<vmem_shared>> -> memref<128x64xf32, #tpu.memory_space<vmem_shared>>
      tpu.wait_dma2 semaphore(%run_scoped3A_1363 : memref<!tpu.dma_semaphore, #tpu.memory_space<semaphore_mem>>) src(%arg10 : memref<128x64xf32, #tpu.memory_space<vmem>>) dst(%dma_wait3A_1371 : memref<128x64xf32, #tpu.memory_space<vmem_shared>>)
      tpu.yield
    }) : () -> ()
    %mul3A_542 = arith.constant 640 : i32
    %mul3A_543 = arith.muli %arg1, %mul3A_542 : i32
    %add3A_544 = arith.constant 384 : i32
    %add3A_545 = arith.addi %mul3A_543, %add3A_544 : i32
    "tpu.region"() ({
      %run_scoped3A_1363 = tpu.sem_alloc : memref<!tpu.dma_semaphore, #tpu.memory_space<semaphore_mem>>
      %dma_start3A_1364 = arith.constant 0 : i32
      %dma_start3A_1365 = tpu.memref_slice %arg12[%add3A_545, %dma_start3A_1364] : memref<10240x64xf32, #tpu.memory_space<vmem_shared>> -> memref<128x64xf32, #tpu.memory_space<vmem_shared>>
      %dma_start3A_1366 = arith.constant 0 : i32
      %dma_start3A_1367 = tpu.memref_slice %arg12[%add3A_545, %dma_start3A_1366] : memref<10240x64xf32, #tpu.memory_space<vmem_shared>> -> memref<128x64xf32, #tpu.memory_space<vmem_shared>>
      tpu.enqueue_dma source(%arg10 : memref<128x64xf32, #tpu.memory_space<vmem>>) target(%dma_start3A_1367 : memref<128x64xf32, #tpu.memory_space<vmem_shared>>) target_semaphore(%run_scoped3A_1363 : memref<!tpu.dma_semaphore, #tpu.memory_space<semaphore_mem>>)
      %dma_wait3A_1368 = arith.constant 0 : i32
      %dma_wait3A_1369 = tpu.memref_slice %arg12[%add3A_545, %dma_wait3A_1368] : memref<10240x64xf32, #tpu.memory_space<vmem_shared>> -> memref<128x64xf32, #tpu.memory_space<vmem_shared>>
      %dma_wait3A_1370 = arith.constant 0 : i32
      %dma_wait3A_1371 = tpu.memref_slice %arg12[%add3A_545, %dma_wait3A_1370] : memref<10240x64xf32, #tpu.memory_space<vmem_shared>> -> memref<128x64xf32, #tpu.memory_space<vmem_shared>>
      tpu.wait_dma2 semaphore(%run_scoped3A_1363 : memref<!tpu.dma_semaphore, #tpu.memory_space<semaphore_mem>>) src(%arg10 : memref<128x64xf32, #tpu.memory_space<vmem>>) dst(%dma_wait3A_1371 : memref<128x64xf32, #tpu.memory_space<vmem_shared>>)
      tpu.yield
    }) : () -> ()
    %mul3A_546 = arith.constant 640 : i32
    %mul3A_547 = arith.muli %arg1, %mul3A_546 : i32
    %add3A_548 = arith.constant 512 : i32
    %add3A_549 = arith.addi %mul3A_547, %add3A_548 : i32
    "tpu.region"() ({
      %run_scoped3A_1363 = tpu.sem_alloc : memref<!tpu.dma_semaphore, #tpu.memory_space<semaphore_mem>>
      %dma_start3A_1364 = arith.constant 0 : i32
      %dma_start3A_1365 = tpu.memref_slice %arg12[%add3A_549, %dma_start3A_1364] : memref<10240x64xf32, #tpu.memory_space<vmem_shared>> -> memref<128x64xf32, #tpu.memory_space<vmem_shared>>
      %dma_start3A_1366 = arith.constant 0 : i32
      %dma_start3A_1367 = tpu.memref_slice %arg12[%add3A_549, %dma_start3A_1366] : memref<10240x64xf32, #tpu.memory_space<vmem_shared>> -> memref<128x64xf32, #tpu.memory_space<vmem_shared>>
      tpu.enqueue_dma source(%arg10 : memref<128x64xf32, #tpu.memory_space<vmem>>) target(%dma_start3A_1367 : memref<128x64xf32, #tpu.memory_space<vmem_shared>>) target_semaphore(%run_scoped3A_1363 : memref<!tpu.dma_semaphore, #tpu.memory_space<semaphore_mem>>)
      %dma_wait3A_1368 = arith.constant 0 : i32
      %dma_wait3A_1369 = tpu.memref_slice %arg12[%add3A_549, %dma_wait3A_1368] : memref<10240x64xf32, #tpu.memory_space<vmem_shared>> -> memref<128x64xf32, #tpu.memory_space<vmem_shared>>
      %dma_wait3A_1370 = arith.constant 0 : i32
      %dma_wait3A_1371 = tpu.memref_slice %arg12[%add3A_549, %dma_wait3A_1370] : memref<10240x64xf32, #tpu.memory_space<vmem_shared>> -> memref<128x64xf32, #tpu.memory_space<vmem_shared>>
      tpu.wait_dma2 semaphore(%run_scoped3A_1363 : memref<!tpu.dma_semaphore, #tpu.memory_space<semaphore_mem>>) src(%arg10 : memref<128x64xf32, #tpu.memory_space<vmem>>) dst(%dma_wait3A_1371 : memref<128x64xf32, #tpu.memory_space<vmem_shared>>)
      tpu.yield
    }) : () -> ()
    %barrier3A_550 = arith.constant 0 : index
    tpu.barrier barrier_id(%barrier3A_550)
    %run_scoped3A_551 = arith.constant 2 : i32
    "tpu.region"() ({
      %run_scoped3A_1363 = tpu.sem_alloc : memref<!tpu.dma_semaphore, #tpu.memory_space<semaphore_mem>>
      %dma_start3A_1364 = arith.constant 0 : i32
      %dma_start3A_1365 = arith.constant 0 : i32
      %dma_start3A_1366 = tpu.memref_slice %arg3[%arg0, %run_scoped3A_551, %arg1, %dma_start3A_1364, %dma_start3A_1365] : memref<2x5x16x8x512xi32, #tpu.memory_space<hbm>> -> memref<1x1x1x8x512xi32, #tpu.memory_space<hbm>>
      %dma_start3A_1367 = tpu.memref_squeeze %dma_start3A_1366 : memref<1x1x1x8x512xi32, #tpu.memory_space<hbm>> -> memref<8x512xi32, #tpu.memory_space<hbm>>
      %dma_start3A_1368 = arith.constant 0 : i32
      %dma_start3A_1369 = arith.constant 0 : i32
      %dma_start3A_1370 = tpu.memref_slice %arg3[%arg0, %run_scoped3A_551, %arg1, %dma_start3A_1368, %dma_start3A_1369] : memref<2x5x16x8x512xi32, #tpu.memory_space<hbm>> -> memref<1x1x1x8x512xi32, #tpu.memory_space<hbm>>
      %dma_start3A_1371 = tpu.memref_squeeze %dma_start3A_1370 : memref<1x1x1x8x512xi32, #tpu.memory_space<hbm>> -> memref<8x512xi32, #tpu.memory_space<hbm>>
      tpu.enqueue_dma source(%dma_start3A_1371 : memref<8x512xi32, #tpu.memory_space<hbm>>) target(%arg6 : memref<8x512xi32, #tpu.memory_space<vmem>>) target_semaphore(%run_scoped3A_1363 : memref<!tpu.dma_semaphore, #tpu.memory_space<semaphore_mem>>)
      %dma_wait3A_1372 = arith.constant 0 : i32
      %dma_wait3A_1373 = arith.constant 0 : i32
      %dma_wait3A_1374 = tpu.memref_slice %arg3[%arg0, %run_scoped3A_551, %arg1, %dma_wait3A_1372, %dma_wait3A_1373] : memref<2x5x16x8x512xi32, #tpu.memory_space<hbm>> -> memref<1x1x1x8x512xi32, #tpu.memory_space<hbm>>
      %dma_wait3A_1375 = tpu.memref_squeeze %dma_wait3A_1374 : memref<1x1x1x8x512xi32, #tpu.memory_space<hbm>> -> memref<8x512xi32, #tpu.memory_space<hbm>>
      %dma_wait3A_1376 = arith.constant 0 : i32
      %dma_wait3A_1377 = arith.constant 0 : i32
      %dma_wait3A_1378 = tpu.memref_slice %arg3[%arg0, %run_scoped3A_551, %arg1, %dma_wait3A_1376, %dma_wait3A_1377] : memref<2x5x16x8x512xi32, #tpu.memory_space<hbm>> -> memref<1x1x1x8x512xi32, #tpu.memory_space<hbm>>
      %dma_wait3A_1379 = tpu.memref_squeeze %dma_wait3A_1378 : memref<1x1x1x8x512xi32, #tpu.memory_space<hbm>> -> memref<8x512xi32, #tpu.memory_space<hbm>>
      tpu.wait_dma2 semaphore(%run_scoped3A_1363 : memref<!tpu.dma_semaphore, #tpu.memory_space<semaphore_mem>>) src(%dma_wait3A_1379 : memref<8x512xi32, #tpu.memory_space<hbm>>) dst(%arg6 : memref<8x512xi32, #tpu.memory_space<vmem>>)
      tpu.yield
    }) : () -> ()
    %run_scoped3A_552 = arith.constant 2 : i32
    "tpu.region"() ({
      %run_scoped3A_1363 = tpu.sem_alloc : memref<!tpu.dma_semaphore, #tpu.memory_space<semaphore_mem>>
      %dma_start3A_1364 = arith.constant 0 : i32
      %dma_start3A_1365 = arith.constant 0 : i32
      %dma_start3A_1366 = tpu.memref_slice %arg4[%arg0, %run_scoped3A_552, %arg1, %dma_start3A_1364, %dma_start3A_1365] : memref<2x5x16x8x512xi32, #tpu.memory_space<hbm>> -> memref<1x1x1x8x512xi32, #tpu.memory_space<hbm>>
      %dma_start3A_1367 = tpu.memref_squeeze %dma_start3A_1366 : memref<1x1x1x8x512xi32, #tpu.memory_space<hbm>> -> memref<8x512xi32, #tpu.memory_space<hbm>>
      %dma_start3A_1368 = arith.constant 0 : i32
      %dma_start3A_1369 = arith.constant 0 : i32
      %dma_start3A_1370 = tpu.memref_slice %arg4[%arg0, %run_scoped3A_552, %arg1, %dma_start3A_1368, %dma_start3A_1369] : memref<2x5x16x8x512xi32, #tpu.memory_space<hbm>> -> memref<1x1x1x8x512xi32, #tpu.memory_space<hbm>>
      %dma_start3A_1371 = tpu.memref_squeeze %dma_start3A_1370 : memref<1x1x1x8x512xi32, #tpu.memory_space<hbm>> -> memref<8x512xi32, #tpu.memory_space<hbm>>
      tpu.enqueue_dma source(%dma_start3A_1371 : memref<8x512xi32, #tpu.memory_space<hbm>>) target(%arg7 : memref<8x512xi32, #tpu.memory_space<vmem>>) target_semaphore(%run_scoped3A_1363 : memref<!tpu.dma_semaphore, #tpu.memory_space<semaphore_mem>>)
      %dma_wait3A_1372 = arith.constant 0 : i32
      %dma_wait3A_1373 = arith.constant 0 : i32
      %dma_wait3A_1374 = tpu.memref_slice %arg4[%arg0, %run_scoped3A_552, %arg1, %dma_wait3A_1372, %dma_wait3A_1373] : memref<2x5x16x8x512xi32, #tpu.memory_space<hbm>> -> memref<1x1x1x8x512xi32, #tpu.memory_space<hbm>>
      %dma_wait3A_1375 = tpu.memref_squeeze %dma_wait3A_1374 : memref<1x1x1x8x512xi32, #tpu.memory_space<hbm>> -> memref<8x512xi32, #tpu.memory_space<hbm>>
      %dma_wait3A_1376 = arith.constant 0 : i32
      %dma_wait3A_1377 = arith.constant 0 : i32
      %dma_wait3A_1378 = tpu.memref_slice %arg4[%arg0, %run_scoped3A_552, %arg1, %dma_wait3A_1376, %dma_wait3A_1377] : memref<2x5x16x8x512xi32, #tpu.memory_space<hbm>> -> memref<1x1x1x8x512xi32, #tpu.memory_space<hbm>>
      %dma_wait3A_1379 = tpu.memref_squeeze %dma_wait3A_1378 : memref<1x1x1x8x512xi32, #tpu.memory_space<hbm>> -> memref<8x512xi32, #tpu.memory_space<hbm>>
      tpu.wait_dma2 semaphore(%run_scoped3A_1363 : memref<!tpu.dma_semaphore, #tpu.memory_space<semaphore_mem>>) src(%dma_wait3A_1379 : memref<8x512xi32, #tpu.memory_space<hbm>>) dst(%arg7 : memref<8x512xi32, #tpu.memory_space<vmem>>)
      tpu.yield
    }) : () -> ()
    %dma_start3A_553 = arith.constant 0 : i32
    %dma_start3A_554 = arith.constant 0 : i32
    %dma_start3A_555 = tpu.memref_slice %arg6[%dma_start3A_553, %dma_start3A_554] : memref<8x512xi32, #tpu.memory_space<vmem>> -> memref<1x512xi32, #tpu.memory_space<vmem>>
    %dma_start3A_556 = tpu.memref_squeeze %dma_start3A_555 : memref<1x512xi32, #tpu.memory_space<vmem>> -> memref<512xi32, #tpu.memory_space<vmem>>
    %dma_start3A_557 = arith.constant 0 : i32
    %dma_start3A_558 = arith.constant 0 : i32
    %dma_start3A_559 = tpu.memref_slice %arg2[%dma_start3A_557, %dma_start3A_558] : memref<50000x64xf32, #tpu.memory_space<hbm>> -> memref<50000x64xf32, #tpu.memory_space<hbm>>
    tpu.enqueue_indirect_dma source(%dma_start3A_559 : memref<50000x64xf32, #tpu.memory_space<hbm>>) target(%arg8 : memref<512x64xf32, #tpu.memory_space<vmem>>) offsets(%dma_start3A_556 : memref<512xi32, #tpu.memory_space<vmem>>) semaphore(%arg15 : memref<!tpu.dma_semaphore, #tpu.memory_space<semaphore_mem>>)
    %dma_wait3A_560 = arith.constant 0 : i32
    %dma_wait3A_561 = arith.constant 0 : i32
    %dma_wait3A_562 = tpu.memref_slice %arg6[%dma_wait3A_560, %dma_wait3A_561] : memref<8x512xi32, #tpu.memory_space<vmem>> -> memref<1x512xi32, #tpu.memory_space<vmem>>
    %dma_wait3A_563 = tpu.memref_squeeze %dma_wait3A_562 : memref<1x512xi32, #tpu.memory_space<vmem>> -> memref<512xi32, #tpu.memory_space<vmem>>
    %dma_wait3A_564 = arith.constant 0 : i32
    %dma_wait3A_565 = arith.constant 0 : i32
    %dma_wait3A_566 = tpu.memref_slice %arg2[%dma_wait3A_564, %dma_wait3A_565] : memref<50000x64xf32, #tpu.memory_space<hbm>> -> memref<50000x64xf32, #tpu.memory_space<hbm>>
    tpu.wait_indirect_dma semaphore(%arg15 : memref<!tpu.dma_semaphore, #tpu.memory_space<semaphore_mem>>) src(%dma_wait3A_566 : memref<50000x64xf32, #tpu.memory_space<hbm>>) dst(%arg8 : memref<512x64xf32, #tpu.memory_space<vmem>>)
    %dma_start3A_567 = arith.constant 0 : i32
    %dma_start3A_568 = arith.constant 0 : i32
    %dma_start3A_569 = tpu.memref_slice %arg7[%dma_start3A_567, %dma_start3A_568] : memref<8x512xi32, #tpu.memory_space<vmem>> -> memref<1x512xi32, #tpu.memory_space<vmem>>
    %dma_start3A_570 = tpu.memref_squeeze %dma_start3A_569 : memref<1x512xi32, #tpu.memory_space<vmem>> -> memref<512xi32, #tpu.memory_space<vmem>>
    %dma_start3A_571 = arith.constant 0 : i32
    %dma_start3A_572 = arith.constant 0 : i32
    %dma_start3A_573 = tpu.memref_slice %arg12[%dma_start3A_571, %dma_start3A_572] : memref<10240x64xf32, #tpu.memory_space<vmem_shared>> -> memref<10240x64xf32, #tpu.memory_space<vmem_shared>>
    tpu.enqueue_indirect_dma source(%arg8 : memref<512x64xf32, #tpu.memory_space<vmem>>) target(%dma_start3A_573 : memref<10240x64xf32, #tpu.memory_space<vmem_shared>>) offsets(%dma_start3A_570 : memref<512xi32, #tpu.memory_space<vmem>>) semaphore(%arg13 : memref<!tpu.dma_semaphore, #tpu.memory_space<semaphore_mem>>) {add = true}
    %dma_start3A_574 = arith.constant 1 : i32
    %dma_start3A_575 = arith.constant 0 : i32
    %dma_start3A_576 = tpu.memref_slice %arg6[%dma_start3A_574, %dma_start3A_575] : memref<8x512xi32, #tpu.memory_space<vmem>> -> memref<1x512xi32, #tpu.memory_space<vmem>>
    %dma_start3A_577 = tpu.memref_squeeze %dma_start3A_576 : memref<1x512xi32, #tpu.memory_space<vmem>> -> memref<512xi32, #tpu.memory_space<vmem>>
    %dma_start3A_578 = arith.constant 0 : i32
    %dma_start3A_579 = arith.constant 0 : i32
    %dma_start3A_580 = tpu.memref_slice %arg2[%dma_start3A_578, %dma_start3A_579] : memref<50000x64xf32, #tpu.memory_space<hbm>> -> memref<50000x64xf32, #tpu.memory_space<hbm>>
    tpu.enqueue_indirect_dma source(%dma_start3A_580 : memref<50000x64xf32, #tpu.memory_space<hbm>>) target(%arg9 : memref<512x64xf32, #tpu.memory_space<vmem>>) offsets(%dma_start3A_577 : memref<512xi32, #tpu.memory_space<vmem>>) semaphore(%arg15 : memref<!tpu.dma_semaphore, #tpu.memory_space<semaphore_mem>>)
    %dma_wait3A_581 = arith.constant 1 : i32
    %dma_wait3A_582 = arith.constant 0 : i32
    %dma_wait3A_583 = tpu.memref_slice %arg6[%dma_wait3A_581, %dma_wait3A_582] : memref<8x512xi32, #tpu.memory_space<vmem>> -> memref<1x512xi32, #tpu.memory_space<vmem>>
    %dma_wait3A_584 = tpu.memref_squeeze %dma_wait3A_583 : memref<1x512xi32, #tpu.memory_space<vmem>> -> memref<512xi32, #tpu.memory_space<vmem>>
    %dma_wait3A_585 = arith.constant 0 : i32
    %dma_wait3A_586 = arith.constant 0 : i32
    %dma_wait3A_587 = tpu.memref_slice %arg2[%dma_wait3A_585, %dma_wait3A_586] : memref<50000x64xf32, #tpu.memory_space<hbm>> -> memref<50000x64xf32, #tpu.memory_space<hbm>>
    tpu.wait_indirect_dma semaphore(%arg15 : memref<!tpu.dma_semaphore, #tpu.memory_space<semaphore_mem>>) src(%dma_wait3A_587 : memref<50000x64xf32, #tpu.memory_space<hbm>>) dst(%arg9 : memref<512x64xf32, #tpu.memory_space<vmem>>)
    %dma_start3A_588 = arith.constant 1 : i32
    %dma_start3A_589 = arith.constant 0 : i32
    %dma_start3A_590 = tpu.memref_slice %arg7[%dma_start3A_588, %dma_start3A_589] : memref<8x512xi32, #tpu.memory_space<vmem>> -> memref<1x512xi32, #tpu.memory_space<vmem>>
    %dma_start3A_591 = tpu.memref_squeeze %dma_start3A_590 : memref<1x512xi32, #tpu.memory_space<vmem>> -> memref<512xi32, #tpu.memory_space<vmem>>
    %dma_start3A_592 = arith.constant 0 : i32
    %dma_start3A_593 = arith.constant 0 : i32
    %dma_start3A_594 = tpu.memref_slice %arg12[%dma_start3A_592, %dma_start3A_593] : memref<10240x64xf32, #tpu.memory_space<vmem_shared>> -> memref<10240x64xf32, #tpu.memory_space<vmem_shared>>
    tpu.enqueue_indirect_dma source(%arg9 : memref<512x64xf32, #tpu.memory_space<vmem>>) target(%dma_start3A_594 : memref<10240x64xf32, #tpu.memory_space<vmem_shared>>) offsets(%dma_start3A_591 : memref<512xi32, #tpu.memory_space<vmem>>) semaphore(%arg14 : memref<!tpu.dma_semaphore, #tpu.memory_space<semaphore_mem>>) {add = true}
    %dma_wait3A_595 = arith.constant 0 : i32
    %dma_wait3A_596 = arith.constant 0 : i32
    %dma_wait3A_597 = tpu.memref_slice %arg7[%dma_wait3A_595, %dma_wait3A_596] : memref<8x512xi32, #tpu.memory_space<vmem>> -> memref<1x512xi32, #tpu.memory_space<vmem>>
    %dma_wait3A_598 = tpu.memref_squeeze %dma_wait3A_597 : memref<1x512xi32, #tpu.memory_space<vmem>> -> memref<512xi32, #tpu.memory_space<vmem>>
    %dma_wait3A_599 = arith.constant 0 : i32
    %dma_wait3A_600 = arith.constant 0 : i32
    %dma_wait3A_601 = tpu.memref_slice %arg12[%dma_wait3A_599, %dma_wait3A_600] : memref<10240x64xf32, #tpu.memory_space<vmem_shared>> -> memref<10240x64xf32, #tpu.memory_space<vmem_shared>>
    tpu.wait_indirect_dma semaphore(%arg13 : memref<!tpu.dma_semaphore, #tpu.memory_space<semaphore_mem>>) src(%arg8 : memref<512x64xf32, #tpu.memory_space<vmem>>) dst(%dma_wait3A_601 : memref<10240x64xf32, #tpu.memory_space<vmem_shared>>)
    %dma_start3A_602 = arith.constant 2 : i32
    %dma_start3A_603 = arith.constant 0 : i32
    %dma_start3A_604 = tpu.memref_slice %arg6[%dma_start3A_602, %dma_start3A_603] : memref<8x512xi32, #tpu.memory_space<vmem>> -> memref<1x512xi32, #tpu.memory_space<vmem>>
    %dma_start3A_605 = tpu.memref_squeeze %dma_start3A_604 : memref<1x512xi32, #tpu.memory_space<vmem>> -> memref<512xi32, #tpu.memory_space<vmem>>
    %dma_start3A_606 = arith.constant 0 : i32
    %dma_start3A_607 = arith.constant 0 : i32
    %dma_start3A_608 = tpu.memref_slice %arg2[%dma_start3A_606, %dma_start3A_607] : memref<50000x64xf32, #tpu.memory_space<hbm>> -> memref<50000x64xf32, #tpu.memory_space<hbm>>
    tpu.enqueue_indirect_dma source(%dma_start3A_608 : memref<50000x64xf32, #tpu.memory_space<hbm>>) target(%arg8 : memref<512x64xf32, #tpu.memory_space<vmem>>) offsets(%dma_start3A_605 : memref<512xi32, #tpu.memory_space<vmem>>) semaphore(%arg15 : memref<!tpu.dma_semaphore, #tpu.memory_space<semaphore_mem>>)
    %dma_wait3A_609 = arith.constant 2 : i32
    %dma_wait3A_610 = arith.constant 0 : i32
    %dma_wait3A_611 = tpu.memref_slice %arg6[%dma_wait3A_609, %dma_wait3A_610] : memref<8x512xi32, #tpu.memory_space<vmem>> -> memref<1x512xi32, #tpu.memory_space<vmem>>
    %dma_wait3A_612 = tpu.memref_squeeze %dma_wait3A_611 : memref<1x512xi32, #tpu.memory_space<vmem>> -> memref<512xi32, #tpu.memory_space<vmem>>
    %dma_wait3A_613 = arith.constant 0 : i32
    %dma_wait3A_614 = arith.constant 0 : i32
    %dma_wait3A_615 = tpu.memref_slice %arg2[%dma_wait3A_613, %dma_wait3A_614] : memref<50000x64xf32, #tpu.memory_space<hbm>> -> memref<50000x64xf32, #tpu.memory_space<hbm>>
    tpu.wait_indirect_dma semaphore(%arg15 : memref<!tpu.dma_semaphore, #tpu.memory_space<semaphore_mem>>) src(%dma_wait3A_615 : memref<50000x64xf32, #tpu.memory_space<hbm>>) dst(%arg8 : memref<512x64xf32, #tpu.memory_space<vmem>>)
    %dma_start3A_616 = arith.constant 2 : i32
    %dma_start3A_617 = arith.constant 0 : i32
    %dma_start3A_618 = tpu.memref_slice %arg7[%dma_start3A_616, %dma_start3A_617] : memref<8x512xi32, #tpu.memory_space<vmem>> -> memref<1x512xi32, #tpu.memory_space<vmem>>
    %dma_start3A_619 = tpu.memref_squeeze %dma_start3A_618 : memref<1x512xi32, #tpu.memory_space<vmem>> -> memref<512xi32, #tpu.memory_space<vmem>>
    %dma_start3A_620 = arith.constant 0 : i32
    %dma_start3A_621 = arith.constant 0 : i32
    %dma_start3A_622 = tpu.memref_slice %arg12[%dma_start3A_620, %dma_start3A_621] : memref<10240x64xf32, #tpu.memory_space<vmem_shared>> -> memref<10240x64xf32, #tpu.memory_space<vmem_shared>>
    tpu.enqueue_indirect_dma source(%arg8 : memref<512x64xf32, #tpu.memory_space<vmem>>) target(%dma_start3A_622 : memref<10240x64xf32, #tpu.memory_space<vmem_shared>>) offsets(%dma_start3A_619 : memref<512xi32, #tpu.memory_space<vmem>>) semaphore(%arg13 : memref<!tpu.dma_semaphore, #tpu.memory_space<semaphore_mem>>) {add = true}
    %dma_wait3A_623 = arith.constant 1 : i32
    %dma_wait3A_624 = arith.constant 0 : i32
    %dma_wait3A_625 = tpu.memref_slice %arg7[%dma_wait3A_623, %dma_wait3A_624] : memref<8x512xi32, #tpu.memory_space<vmem>> -> memref<1x512xi32, #tpu.memory_space<vmem>>
    %dma_wait3A_626 = tpu.memref_squeeze %dma_wait3A_625 : memref<1x512xi32, #tpu.memory_space<vmem>> -> memref<512xi32, #tpu.memory_space<vmem>>
    %dma_wait3A_627 = arith.constant 0 : i32
    %dma_wait3A_628 = arith.constant 0 : i32
    %dma_wait3A_629 = tpu.memref_slice %arg12[%dma_wait3A_627, %dma_wait3A_628] : memref<10240x64xf32, #tpu.memory_space<vmem_shared>> -> memref<10240x64xf32, #tpu.memory_space<vmem_shared>>
    tpu.wait_indirect_dma semaphore(%arg14 : memref<!tpu.dma_semaphore, #tpu.memory_space<semaphore_mem>>) src(%arg9 : memref<512x64xf32, #tpu.memory_space<vmem>>) dst(%dma_wait3A_629 : memref<10240x64xf32, #tpu.memory_space<vmem_shared>>)
    %dma_start3A_630 = arith.constant 3 : i32
    %dma_start3A_631 = arith.constant 0 : i32
    %dma_start3A_632 = tpu.memref_slice %arg6[%dma_start3A_630, %dma_start3A_631] : memref<8x512xi32, #tpu.memory_space<vmem>> -> memref<1x512xi32, #tpu.memory_space<vmem>>
    %dma_start3A_633 = tpu.memref_squeeze %dma_start3A_632 : memref<1x512xi32, #tpu.memory_space<vmem>> -> memref<512xi32, #tpu.memory_space<vmem>>
    %dma_start3A_634 = arith.constant 0 : i32
    %dma_start3A_635 = arith.constant 0 : i32
    %dma_start3A_636 = tpu.memref_slice %arg2[%dma_start3A_634, %dma_start3A_635] : memref<50000x64xf32, #tpu.memory_space<hbm>> -> memref<50000x64xf32, #tpu.memory_space<hbm>>
    tpu.enqueue_indirect_dma source(%dma_start3A_636 : memref<50000x64xf32, #tpu.memory_space<hbm>>) target(%arg9 : memref<512x64xf32, #tpu.memory_space<vmem>>) offsets(%dma_start3A_633 : memref<512xi32, #tpu.memory_space<vmem>>) semaphore(%arg15 : memref<!tpu.dma_semaphore, #tpu.memory_space<semaphore_mem>>)
    %dma_wait3A_637 = arith.constant 3 : i32
    %dma_wait3A_638 = arith.constant 0 : i32
    %dma_wait3A_639 = tpu.memref_slice %arg6[%dma_wait3A_637, %dma_wait3A_638] : memref<8x512xi32, #tpu.memory_space<vmem>> -> memref<1x512xi32, #tpu.memory_space<vmem>>
    %dma_wait3A_640 = tpu.memref_squeeze %dma_wait3A_639 : memref<1x512xi32, #tpu.memory_space<vmem>> -> memref<512xi32, #tpu.memory_space<vmem>>
    %dma_wait3A_641 = arith.constant 0 : i32
    %dma_wait3A_642 = arith.constant 0 : i32
    %dma_wait3A_643 = tpu.memref_slice %arg2[%dma_wait3A_641, %dma_wait3A_642] : memref<50000x64xf32, #tpu.memory_space<hbm>> -> memref<50000x64xf32, #tpu.memory_space<hbm>>
    tpu.wait_indirect_dma semaphore(%arg15 : memref<!tpu.dma_semaphore, #tpu.memory_space<semaphore_mem>>) src(%dma_wait3A_643 : memref<50000x64xf32, #tpu.memory_space<hbm>>) dst(%arg9 : memref<512x64xf32, #tpu.memory_space<vmem>>)
    %dma_start3A_644 = arith.constant 3 : i32
    %dma_start3A_645 = arith.constant 0 : i32
    %dma_start3A_646 = tpu.memref_slice %arg7[%dma_start3A_644, %dma_start3A_645] : memref<8x512xi32, #tpu.memory_space<vmem>> -> memref<1x512xi32, #tpu.memory_space<vmem>>
    %dma_start3A_647 = tpu.memref_squeeze %dma_start3A_646 : memref<1x512xi32, #tpu.memory_space<vmem>> -> memref<512xi32, #tpu.memory_space<vmem>>
    %dma_start3A_648 = arith.constant 0 : i32
    %dma_start3A_649 = arith.constant 0 : i32
    %dma_start3A_650 = tpu.memref_slice %arg12[%dma_start3A_648, %dma_start3A_649] : memref<10240x64xf32, #tpu.memory_space<vmem_shared>> -> memref<10240x64xf32, #tpu.memory_space<vmem_shared>>
    tpu.enqueue_indirect_dma source(%arg9 : memref<512x64xf32, #tpu.memory_space<vmem>>) target(%dma_start3A_650 : memref<10240x64xf32, #tpu.memory_space<vmem_shared>>) offsets(%dma_start3A_647 : memref<512xi32, #tpu.memory_space<vmem>>) semaphore(%arg14 : memref<!tpu.dma_semaphore, #tpu.memory_space<semaphore_mem>>) {add = true}
    %dma_wait3A_651 = arith.constant 2 : i32
    %dma_wait3A_652 = arith.constant 0 : i32
    %dma_wait3A_653 = tpu.memref_slice %arg7[%dma_wait3A_651, %dma_wait3A_652] : memref<8x512xi32, #tpu.memory_space<vmem>> -> memref<1x512xi32, #tpu.memory_space<vmem>>
    %dma_wait3A_654 = tpu.memref_squeeze %dma_wait3A_653 : memref<1x512xi32, #tpu.memory_space<vmem>> -> memref<512xi32, #tpu.memory_space<vmem>>
    %dma_wait3A_655 = arith.constant 0 : i32
    %dma_wait3A_656 = arith.constant 0 : i32
    %dma_wait3A_657 = tpu.memref_slice %arg12[%dma_wait3A_655, %dma_wait3A_656] : memref<10240x64xf32, #tpu.memory_space<vmem_shared>> -> memref<10240x64xf32, #tpu.memory_space<vmem_shared>>
    tpu.wait_indirect_dma semaphore(%arg13 : memref<!tpu.dma_semaphore, #tpu.memory_space<semaphore_mem>>) src(%arg8 : memref<512x64xf32, #tpu.memory_space<vmem>>) dst(%dma_wait3A_657 : memref<10240x64xf32, #tpu.memory_space<vmem_shared>>)
    %dma_start3A_658 = arith.constant 4 : i32
    %dma_start3A_659 = arith.constant 0 : i32
    %dma_start3A_660 = tpu.memref_slice %arg6[%dma_start3A_658, %dma_start3A_659] : memref<8x512xi32, #tpu.memory_space<vmem>> -> memref<1x512xi32, #tpu.memory_space<vmem>>
    %dma_start3A_661 = tpu.memref_squeeze %dma_start3A_660 : memref<1x512xi32, #tpu.memory_space<vmem>> -> memref<512xi32, #tpu.memory_space<vmem>>
    %dma_start3A_662 = arith.constant 0 : i32
    %dma_start3A_663 = arith.constant 0 : i32
    %dma_start3A_664 = tpu.memref_slice %arg2[%dma_start3A_662, %dma_start3A_663] : memref<50000x64xf32, #tpu.memory_space<hbm>> -> memref<50000x64xf32, #tpu.memory_space<hbm>>
    tpu.enqueue_indirect_dma source(%dma_start3A_664 : memref<50000x64xf32, #tpu.memory_space<hbm>>) target(%arg8 : memref<512x64xf32, #tpu.memory_space<vmem>>) offsets(%dma_start3A_661 : memref<512xi32, #tpu.memory_space<vmem>>) semaphore(%arg15 : memref<!tpu.dma_semaphore, #tpu.memory_space<semaphore_mem>>)
    %dma_wait3A_665 = arith.constant 4 : i32
    %dma_wait3A_666 = arith.constant 0 : i32
    %dma_wait3A_667 = tpu.memref_slice %arg6[%dma_wait3A_665, %dma_wait3A_666] : memref<8x512xi32, #tpu.memory_space<vmem>> -> memref<1x512xi32, #tpu.memory_space<vmem>>
    %dma_wait3A_668 = tpu.memref_squeeze %dma_wait3A_667 : memref<1x512xi32, #tpu.memory_space<vmem>> -> memref<512xi32, #tpu.memory_space<vmem>>
    %dma_wait3A_669 = arith.constant 0 : i32
    %dma_wait3A_670 = arith.constant 0 : i32
    %dma_wait3A_671 = tpu.memref_slice %arg2[%dma_wait3A_669, %dma_wait3A_670] : memref<50000x64xf32, #tpu.memory_space<hbm>> -> memref<50000x64xf32, #tpu.memory_space<hbm>>
    tpu.wait_indirect_dma semaphore(%arg15 : memref<!tpu.dma_semaphore, #tpu.memory_space<semaphore_mem>>) src(%dma_wait3A_671 : memref<50000x64xf32, #tpu.memory_space<hbm>>) dst(%arg8 : memref<512x64xf32, #tpu.memory_space<vmem>>)
    %dma_start3A_672 = arith.constant 4 : i32
    %dma_start3A_673 = arith.constant 0 : i32
    %dma_start3A_674 = tpu.memref_slice %arg7[%dma_start3A_672, %dma_start3A_673] : memref<8x512xi32, #tpu.memory_space<vmem>> -> memref<1x512xi32, #tpu.memory_space<vmem>>
    %dma_start3A_675 = tpu.memref_squeeze %dma_start3A_674 : memref<1x512xi32, #tpu.memory_space<vmem>> -> memref<512xi32, #tpu.memory_space<vmem>>
    %dma_start3A_676 = arith.constant 0 : i32
    %dma_start3A_677 = arith.constant 0 : i32
    %dma_start3A_678 = tpu.memref_slice %arg12[%dma_start3A_676, %dma_start3A_677] : memref<10240x64xf32, #tpu.memory_space<vmem_shared>> -> memref<10240x64xf32, #tpu.memory_space<vmem_shared>>
    tpu.enqueue_indirect_dma source(%arg8 : memref<512x64xf32, #tpu.memory_space<vmem>>) target(%dma_start3A_678 : memref<10240x64xf32, #tpu.memory_space<vmem_shared>>) offsets(%dma_start3A_675 : memref<512xi32, #tpu.memory_space<vmem>>) semaphore(%arg13 : memref<!tpu.dma_semaphore, #tpu.memory_space<semaphore_mem>>) {add = true}
    %dma_wait3A_679 = arith.constant 3 : i32
    %dma_wait3A_680 = arith.constant 0 : i32
    %dma_wait3A_681 = tpu.memref_slice %arg7[%dma_wait3A_679, %dma_wait3A_680] : memref<8x512xi32, #tpu.memory_space<vmem>> -> memref<1x512xi32, #tpu.memory_space<vmem>>
    %dma_wait3A_682 = tpu.memref_squeeze %dma_wait3A_681 : memref<1x512xi32, #tpu.memory_space<vmem>> -> memref<512xi32, #tpu.memory_space<vmem>>
    %dma_wait3A_683 = arith.constant 0 : i32
    %dma_wait3A_684 = arith.constant 0 : i32
    %dma_wait3A_685 = tpu.memref_slice %arg12[%dma_wait3A_683, %dma_wait3A_684] : memref<10240x64xf32, #tpu.memory_space<vmem_shared>> -> memref<10240x64xf32, #tpu.memory_space<vmem_shared>>
    tpu.wait_indirect_dma semaphore(%arg14 : memref<!tpu.dma_semaphore, #tpu.memory_space<semaphore_mem>>) src(%arg9 : memref<512x64xf32, #tpu.memory_space<vmem>>) dst(%dma_wait3A_685 : memref<10240x64xf32, #tpu.memory_space<vmem_shared>>)
    %dma_start3A_686 = arith.constant 5 : i32
    %dma_start3A_687 = arith.constant 0 : i32
    %dma_start3A_688 = tpu.memref_slice %arg6[%dma_start3A_686, %dma_start3A_687] : memref<8x512xi32, #tpu.memory_space<vmem>> -> memref<1x512xi32, #tpu.memory_space<vmem>>
    %dma_start3A_689 = tpu.memref_squeeze %dma_start3A_688 : memref<1x512xi32, #tpu.memory_space<vmem>> -> memref<512xi32, #tpu.memory_space<vmem>>
    %dma_start3A_690 = arith.constant 0 : i32
    %dma_start3A_691 = arith.constant 0 : i32
    %dma_start3A_692 = tpu.memref_slice %arg2[%dma_start3A_690, %dma_start3A_691] : memref<50000x64xf32, #tpu.memory_space<hbm>> -> memref<50000x64xf32, #tpu.memory_space<hbm>>
    tpu.enqueue_indirect_dma source(%dma_start3A_692 : memref<50000x64xf32, #tpu.memory_space<hbm>>) target(%arg9 : memref<512x64xf32, #tpu.memory_space<vmem>>) offsets(%dma_start3A_689 : memref<512xi32, #tpu.memory_space<vmem>>) semaphore(%arg15 : memref<!tpu.dma_semaphore, #tpu.memory_space<semaphore_mem>>)
    %dma_wait3A_693 = arith.constant 5 : i32
    %dma_wait3A_694 = arith.constant 0 : i32
    %dma_wait3A_695 = tpu.memref_slice %arg6[%dma_wait3A_693, %dma_wait3A_694] : memref<8x512xi32, #tpu.memory_space<vmem>> -> memref<1x512xi32, #tpu.memory_space<vmem>>
    %dma_wait3A_696 = tpu.memref_squeeze %dma_wait3A_695 : memref<1x512xi32, #tpu.memory_space<vmem>> -> memref<512xi32, #tpu.memory_space<vmem>>
    %dma_wait3A_697 = arith.constant 0 : i32
    %dma_wait3A_698 = arith.constant 0 : i32
    %dma_wait3A_699 = tpu.memref_slice %arg2[%dma_wait3A_697, %dma_wait3A_698] : memref<50000x64xf32, #tpu.memory_space<hbm>> -> memref<50000x64xf32, #tpu.memory_space<hbm>>
    tpu.wait_indirect_dma semaphore(%arg15 : memref<!tpu.dma_semaphore, #tpu.memory_space<semaphore_mem>>) src(%dma_wait3A_699 : memref<50000x64xf32, #tpu.memory_space<hbm>>) dst(%arg9 : memref<512x64xf32, #tpu.memory_space<vmem>>)
    %dma_start3A_700 = arith.constant 5 : i32
    %dma_start3A_701 = arith.constant 0 : i32
    %dma_start3A_702 = tpu.memref_slice %arg7[%dma_start3A_700, %dma_start3A_701] : memref<8x512xi32, #tpu.memory_space<vmem>> -> memref<1x512xi32, #tpu.memory_space<vmem>>
    %dma_start3A_703 = tpu.memref_squeeze %dma_start3A_702 : memref<1x512xi32, #tpu.memory_space<vmem>> -> memref<512xi32, #tpu.memory_space<vmem>>
    %dma_start3A_704 = arith.constant 0 : i32
    %dma_start3A_705 = arith.constant 0 : i32
    %dma_start3A_706 = tpu.memref_slice %arg12[%dma_start3A_704, %dma_start3A_705] : memref<10240x64xf32, #tpu.memory_space<vmem_shared>> -> memref<10240x64xf32, #tpu.memory_space<vmem_shared>>
    tpu.enqueue_indirect_dma source(%arg9 : memref<512x64xf32, #tpu.memory_space<vmem>>) target(%dma_start3A_706 : memref<10240x64xf32, #tpu.memory_space<vmem_shared>>) offsets(%dma_start3A_703 : memref<512xi32, #tpu.memory_space<vmem>>) semaphore(%arg14 : memref<!tpu.dma_semaphore, #tpu.memory_space<semaphore_mem>>) {add = true}
    %dma_wait3A_707 = arith.constant 4 : i32
    %dma_wait3A_708 = arith.constant 0 : i32
    %dma_wait3A_709 = tpu.memref_slice %arg7[%dma_wait3A_707, %dma_wait3A_708] : memref<8x512xi32, #tpu.memory_space<vmem>> -> memref<1x512xi32, #tpu.memory_space<vmem>>
    %dma_wait3A_710 = tpu.memref_squeeze %dma_wait3A_709 : memref<1x512xi32, #tpu.memory_space<vmem>> -> memref<512xi32, #tpu.memory_space<vmem>>
    %dma_wait3A_711 = arith.constant 0 : i32
    %dma_wait3A_712 = arith.constant 0 : i32
    %dma_wait3A_713 = tpu.memref_slice %arg12[%dma_wait3A_711, %dma_wait3A_712] : memref<10240x64xf32, #tpu.memory_space<vmem_shared>> -> memref<10240x64xf32, #tpu.memory_space<vmem_shared>>
    tpu.wait_indirect_dma semaphore(%arg13 : memref<!tpu.dma_semaphore, #tpu.memory_space<semaphore_mem>>) src(%arg8 : memref<512x64xf32, #tpu.memory_space<vmem>>) dst(%dma_wait3A_713 : memref<10240x64xf32, #tpu.memory_space<vmem_shared>>)
    %dma_start3A_714 = arith.constant 6 : i32
    %dma_start3A_715 = arith.constant 0 : i32
    %dma_start3A_716 = tpu.memref_slice %arg6[%dma_start3A_714, %dma_start3A_715] : memref<8x512xi32, #tpu.memory_space<vmem>> -> memref<1x512xi32, #tpu.memory_space<vmem>>
    %dma_start3A_717 = tpu.memref_squeeze %dma_start3A_716 : memref<1x512xi32, #tpu.memory_space<vmem>> -> memref<512xi32, #tpu.memory_space<vmem>>
    %dma_start3A_718 = arith.constant 0 : i32
    %dma_start3A_719 = arith.constant 0 : i32
    %dma_start3A_720 = tpu.memref_slice %arg2[%dma_start3A_718, %dma_start3A_719] : memref<50000x64xf32, #tpu.memory_space<hbm>> -> memref<50000x64xf32, #tpu.memory_space<hbm>>
    tpu.enqueue_indirect_dma source(%dma_start3A_720 : memref<50000x64xf32, #tpu.memory_space<hbm>>) target(%arg8 : memref<512x64xf32, #tpu.memory_space<vmem>>) offsets(%dma_start3A_717 : memref<512xi32, #tpu.memory_space<vmem>>) semaphore(%arg15 : memref<!tpu.dma_semaphore, #tpu.memory_space<semaphore_mem>>)
    %dma_wait3A_721 = arith.constant 6 : i32
    %dma_wait3A_722 = arith.constant 0 : i32
    %dma_wait3A_723 = tpu.memref_slice %arg6[%dma_wait3A_721, %dma_wait3A_722] : memref<8x512xi32, #tpu.memory_space<vmem>> -> memref<1x512xi32, #tpu.memory_space<vmem>>
    %dma_wait3A_724 = tpu.memref_squeeze %dma_wait3A_723 : memref<1x512xi32, #tpu.memory_space<vmem>> -> memref<512xi32, #tpu.memory_space<vmem>>
    %dma_wait3A_725 = arith.constant 0 : i32
    %dma_wait3A_726 = arith.constant 0 : i32
    %dma_wait3A_727 = tpu.memref_slice %arg2[%dma_wait3A_725, %dma_wait3A_726] : memref<50000x64xf32, #tpu.memory_space<hbm>> -> memref<50000x64xf32, #tpu.memory_space<hbm>>
    tpu.wait_indirect_dma semaphore(%arg15 : memref<!tpu.dma_semaphore, #tpu.memory_space<semaphore_mem>>) src(%dma_wait3A_727 : memref<50000x64xf32, #tpu.memory_space<hbm>>) dst(%arg8 : memref<512x64xf32, #tpu.memory_space<vmem>>)
    %dma_start3A_728 = arith.constant 6 : i32
    %dma_start3A_729 = arith.constant 0 : i32
    %dma_start3A_730 = tpu.memref_slice %arg7[%dma_start3A_728, %dma_start3A_729] : memref<8x512xi32, #tpu.memory_space<vmem>> -> memref<1x512xi32, #tpu.memory_space<vmem>>
    %dma_start3A_731 = tpu.memref_squeeze %dma_start3A_730 : memref<1x512xi32, #tpu.memory_space<vmem>> -> memref<512xi32, #tpu.memory_space<vmem>>
    %dma_start3A_732 = arith.constant 0 : i32
    %dma_start3A_733 = arith.constant 0 : i32
    %dma_start3A_734 = tpu.memref_slice %arg12[%dma_start3A_732, %dma_start3A_733] : memref<10240x64xf32, #tpu.memory_space<vmem_shared>> -> memref<10240x64xf32, #tpu.memory_space<vmem_shared>>
    tpu.enqueue_indirect_dma source(%arg8 : memref<512x64xf32, #tpu.memory_space<vmem>>) target(%dma_start3A_734 : memref<10240x64xf32, #tpu.memory_space<vmem_shared>>) offsets(%dma_start3A_731 : memref<512xi32, #tpu.memory_space<vmem>>) semaphore(%arg13 : memref<!tpu.dma_semaphore, #tpu.memory_space<semaphore_mem>>) {add = true}
    %dma_wait3A_735 = arith.constant 5 : i32
    %dma_wait3A_736 = arith.constant 0 : i32
    %dma_wait3A_737 = tpu.memref_slice %arg7[%dma_wait3A_735, %dma_wait3A_736] : memref<8x512xi32, #tpu.memory_space<vmem>> -> memref<1x512xi32, #tpu.memory_space<vmem>>
    %dma_wait3A_738 = tpu.memref_squeeze %dma_wait3A_737 : memref<1x512xi32, #tpu.memory_space<vmem>> -> memref<512xi32, #tpu.memory_space<vmem>>
    %dma_wait3A_739 = arith.constant 0 : i32
    %dma_wait3A_740 = arith.constant 0 : i32
    %dma_wait3A_741 = tpu.memref_slice %arg12[%dma_wait3A_739, %dma_wait3A_740] : memref<10240x64xf32, #tpu.memory_space<vmem_shared>> -> memref<10240x64xf32, #tpu.memory_space<vmem_shared>>
    tpu.wait_indirect_dma semaphore(%arg14 : memref<!tpu.dma_semaphore, #tpu.memory_space<semaphore_mem>>) src(%arg9 : memref<512x64xf32, #tpu.memory_space<vmem>>) dst(%dma_wait3A_741 : memref<10240x64xf32, #tpu.memory_space<vmem_shared>>)
    %dma_start3A_742 = arith.constant 7 : i32
    %dma_start3A_743 = arith.constant 0 : i32
    %dma_start3A_744 = tpu.memref_slice %arg6[%dma_start3A_742, %dma_start3A_743] : memref<8x512xi32, #tpu.memory_space<vmem>> -> memref<1x512xi32, #tpu.memory_space<vmem>>
    %dma_start3A_745 = tpu.memref_squeeze %dma_start3A_744 : memref<1x512xi32, #tpu.memory_space<vmem>> -> memref<512xi32, #tpu.memory_space<vmem>>
    %dma_start3A_746 = arith.constant 0 : i32
    %dma_start3A_747 = arith.constant 0 : i32
    %dma_start3A_748 = tpu.memref_slice %arg2[%dma_start3A_746, %dma_start3A_747] : memref<50000x64xf32, #tpu.memory_space<hbm>> -> memref<50000x64xf32, #tpu.memory_space<hbm>>
    tpu.enqueue_indirect_dma source(%dma_start3A_748 : memref<50000x64xf32, #tpu.memory_space<hbm>>) target(%arg9 : memref<512x64xf32, #tpu.memory_space<vmem>>) offsets(%dma_start3A_745 : memref<512xi32, #tpu.memory_space<vmem>>) semaphore(%arg15 : memref<!tpu.dma_semaphore, #tpu.memory_space<semaphore_mem>>)
    %dma_wait3A_749 = arith.constant 7 : i32
    %dma_wait3A_750 = arith.constant 0 : i32
    %dma_wait3A_751 = tpu.memref_slice %arg6[%dma_wait3A_749, %dma_wait3A_750] : memref<8x512xi32, #tpu.memory_space<vmem>> -> memref<1x512xi32, #tpu.memory_space<vmem>>
    %dma_wait3A_752 = tpu.memref_squeeze %dma_wait3A_751 : memref<1x512xi32, #tpu.memory_space<vmem>> -> memref<512xi32, #tpu.memory_space<vmem>>
    %dma_wait3A_753 = arith.constant 0 : i32
    %dma_wait3A_754 = arith.constant 0 : i32
    %dma_wait3A_755 = tpu.memref_slice %arg2[%dma_wait3A_753, %dma_wait3A_754] : memref<50000x64xf32, #tpu.memory_space<hbm>> -> memref<50000x64xf32, #tpu.memory_space<hbm>>
    tpu.wait_indirect_dma semaphore(%arg15 : memref<!tpu.dma_semaphore, #tpu.memory_space<semaphore_mem>>) src(%dma_wait3A_755 : memref<50000x64xf32, #tpu.memory_space<hbm>>) dst(%arg9 : memref<512x64xf32, #tpu.memory_space<vmem>>)
    %dma_start3A_756 = arith.constant 7 : i32
    %dma_start3A_757 = arith.constant 0 : i32
    %dma_start3A_758 = tpu.memref_slice %arg7[%dma_start3A_756, %dma_start3A_757] : memref<8x512xi32, #tpu.memory_space<vmem>> -> memref<1x512xi32, #tpu.memory_space<vmem>>
    %dma_start3A_759 = tpu.memref_squeeze %dma_start3A_758 : memref<1x512xi32, #tpu.memory_space<vmem>> -> memref<512xi32, #tpu.memory_space<vmem>>
    %dma_start3A_760 = arith.constant 0 : i32
    %dma_start3A_761 = arith.constant 0 : i32
    %dma_start3A_762 = tpu.memref_slice %arg12[%dma_start3A_760, %dma_start3A_761] : memref<10240x64xf32, #tpu.memory_space<vmem_shared>> -> memref<10240x64xf32, #tpu.memory_space<vmem_shared>>
    tpu.enqueue_indirect_dma source(%arg9 : memref<512x64xf32, #tpu.memory_space<vmem>>) target(%dma_start3A_762 : memref<10240x64xf32, #tpu.memory_space<vmem_shared>>) offsets(%dma_start3A_759 : memref<512xi32, #tpu.memory_space<vmem>>) semaphore(%arg14 : memref<!tpu.dma_semaphore, #tpu.memory_space<semaphore_mem>>) {add = true}
    %dma_wait3A_763 = arith.constant 6 : i32
    %dma_wait3A_764 = arith.constant 0 : i32
    %dma_wait3A_765 = tpu.memref_slice %arg7[%dma_wait3A_763, %dma_wait3A_764] : memref<8x512xi32, #tpu.memory_space<vmem>> -> memref<1x512xi32, #tpu.memory_space<vmem>>
    %dma_wait3A_766 = tpu.memref_squeeze %dma_wait3A_765 : memref<1x512xi32, #tpu.memory_space<vmem>> -> memref<512xi32, #tpu.memory_space<vmem>>
    %dma_wait3A_767 = arith.constant 0 : i32
    %dma_wait3A_768 = arith.constant 0 : i32
    %dma_wait3A_769 = tpu.memref_slice %arg12[%dma_wait3A_767, %dma_wait3A_768] : memref<10240x64xf32, #tpu.memory_space<vmem_shared>> -> memref<10240x64xf32, #tpu.memory_space<vmem_shared>>
    tpu.wait_indirect_dma semaphore(%arg13 : memref<!tpu.dma_semaphore, #tpu.memory_space<semaphore_mem>>) src(%arg8 : memref<512x64xf32, #tpu.memory_space<vmem>>) dst(%dma_wait3A_769 : memref<10240x64xf32, #tpu.memory_space<vmem_shared>>)
    %dma_wait3A_770 = arith.constant 7 : i32
    %dma_wait3A_771 = arith.constant 0 : i32
    %dma_wait3A_772 = tpu.memref_slice %arg7[%dma_wait3A_770, %dma_wait3A_771] : memref<8x512xi32, #tpu.memory_space<vmem>> -> memref<1x512xi32, #tpu.memory_space<vmem>>
    %dma_wait3A_773 = tpu.memref_squeeze %dma_wait3A_772 : memref<1x512xi32, #tpu.memory_space<vmem>> -> memref<512xi32, #tpu.memory_space<vmem>>
    %dma_wait3A_774 = arith.constant 0 : i32
    %dma_wait3A_775 = arith.constant 0 : i32
    %dma_wait3A_776 = tpu.memref_slice %arg12[%dma_wait3A_774, %dma_wait3A_775] : memref<10240x64xf32, #tpu.memory_space<vmem_shared>> -> memref<10240x64xf32, #tpu.memory_space<vmem_shared>>
    tpu.wait_indirect_dma semaphore(%arg14 : memref<!tpu.dma_semaphore, #tpu.memory_space<semaphore_mem>>) src(%arg9 : memref<512x64xf32, #tpu.memory_space<vmem>>) dst(%dma_wait3A_776 : memref<10240x64xf32, #tpu.memory_space<vmem_shared>>)
    %run_scoped3A_777 = arith.constant 3 : i32
    "tpu.region"() ({
      %run_scoped3A_1363 = tpu.sem_alloc : memref<!tpu.dma_semaphore, #tpu.memory_space<semaphore_mem>>
      %dma_start3A_1364 = arith.constant 0 : i32
      %dma_start3A_1365 = arith.constant 0 : i32
      %dma_start3A_1366 = tpu.memref_slice %arg3[%arg0, %run_scoped3A_777, %arg1, %dma_start3A_1364, %dma_start3A_1365] : memref<2x5x16x8x512xi32, #tpu.memory_space<hbm>> -> memref<1x1x1x8x512xi32, #tpu.memory_space<hbm>>
      %dma_start3A_1367 = tpu.memref_squeeze %dma_start3A_1366 : memref<1x1x1x8x512xi32, #tpu.memory_space<hbm>> -> memref<8x512xi32, #tpu.memory_space<hbm>>
      %dma_start3A_1368 = arith.constant 0 : i32
      %dma_start3A_1369 = arith.constant 0 : i32
      %dma_start3A_1370 = tpu.memref_slice %arg3[%arg0, %run_scoped3A_777, %arg1, %dma_start3A_1368, %dma_start3A_1369] : memref<2x5x16x8x512xi32, #tpu.memory_space<hbm>> -> memref<1x1x1x8x512xi32, #tpu.memory_space<hbm>>
      %dma_start3A_1371 = tpu.memref_squeeze %dma_start3A_1370 : memref<1x1x1x8x512xi32, #tpu.memory_space<hbm>> -> memref<8x512xi32, #tpu.memory_space<hbm>>
      tpu.enqueue_dma source(%dma_start3A_1371 : memref<8x512xi32, #tpu.memory_space<hbm>>) target(%arg6 : memref<8x512xi32, #tpu.memory_space<vmem>>) target_semaphore(%run_scoped3A_1363 : memref<!tpu.dma_semaphore, #tpu.memory_space<semaphore_mem>>)
      %dma_wait3A_1372 = arith.constant 0 : i32
      %dma_wait3A_1373 = arith.constant 0 : i32
      %dma_wait3A_1374 = tpu.memref_slice %arg3[%arg0, %run_scoped3A_777, %arg1, %dma_wait3A_1372, %dma_wait3A_1373] : memref<2x5x16x8x512xi32, #tpu.memory_space<hbm>> -> memref<1x1x1x8x512xi32, #tpu.memory_space<hbm>>
      %dma_wait3A_1375 = tpu.memref_squeeze %dma_wait3A_1374 : memref<1x1x1x8x512xi32, #tpu.memory_space<hbm>> -> memref<8x512xi32, #tpu.memory_space<hbm>>
      %dma_wait3A_1376 = arith.constant 0 : i32
      %dma_wait3A_1377 = arith.constant 0 : i32
      %dma_wait3A_1378 = tpu.memref_slice %arg3[%arg0, %run_scoped3A_777, %arg1, %dma_wait3A_1376, %dma_wait3A_1377] : memref<2x5x16x8x512xi32, #tpu.memory_space<hbm>> -> memref<1x1x1x8x512xi32, #tpu.memory_space<hbm>>
      %dma_wait3A_1379 = tpu.memref_squeeze %dma_wait3A_1378 : memref<1x1x1x8x512xi32, #tpu.memory_space<hbm>> -> memref<8x512xi32, #tpu.memory_space<hbm>>
      tpu.wait_dma2 semaphore(%run_scoped3A_1363 : memref<!tpu.dma_semaphore, #tpu.memory_space<semaphore_mem>>) src(%dma_wait3A_1379 : memref<8x512xi32, #tpu.memory_space<hbm>>) dst(%arg6 : memref<8x512xi32, #tpu.memory_space<vmem>>)
      tpu.yield
    }) : () -> ()
    %run_scoped3A_778 = arith.constant 3 : i32
    "tpu.region"() ({
      %run_scoped3A_1363 = tpu.sem_alloc : memref<!tpu.dma_semaphore, #tpu.memory_space<semaphore_mem>>
      %dma_start3A_1364 = arith.constant 0 : i32
      %dma_start3A_1365 = arith.constant 0 : i32
      %dma_start3A_1366 = tpu.memref_slice %arg4[%arg0, %run_scoped3A_778, %arg1, %dma_start3A_1364, %dma_start3A_1365] : memref<2x5x16x8x512xi32, #tpu.memory_space<hbm>> -> memref<1x1x1x8x512xi32, #tpu.memory_space<hbm>>
      %dma_start3A_1367 = tpu.memref_squeeze %dma_start3A_1366 : memref<1x1x1x8x512xi32, #tpu.memory_space<hbm>> -> memref<8x512xi32, #tpu.memory_space<hbm>>
      %dma_start3A_1368 = arith.constant 0 : i32
      %dma_start3A_1369 = arith.constant 0 : i32
      %dma_start3A_1370 = tpu.memref_slice %arg4[%arg0, %run_scoped3A_778, %arg1, %dma_start3A_1368, %dma_start3A_1369] : memref<2x5x16x8x512xi32, #tpu.memory_space<hbm>> -> memref<1x1x1x8x512xi32, #tpu.memory_space<hbm>>
      %dma_start3A_1371 = tpu.memref_squeeze %dma_start3A_1370 : memref<1x1x1x8x512xi32, #tpu.memory_space<hbm>> -> memref<8x512xi32, #tpu.memory_space<hbm>>
      tpu.enqueue_dma source(%dma_start3A_1371 : memref<8x512xi32, #tpu.memory_space<hbm>>) target(%arg7 : memref<8x512xi32, #tpu.memory_space<vmem>>) target_semaphore(%run_scoped3A_1363 : memref<!tpu.dma_semaphore, #tpu.memory_space<semaphore_mem>>)
      %dma_wait3A_1372 = arith.constant 0 : i32
      %dma_wait3A_1373 = arith.constant 0 : i32
      %dma_wait3A_1374 = tpu.memref_slice %arg4[%arg0, %run_scoped3A_778, %arg1, %dma_wait3A_1372, %dma_wait3A_1373] : memref<2x5x16x8x512xi32, #tpu.memory_space<hbm>> -> memref<1x1x1x8x512xi32, #tpu.memory_space<hbm>>
      %dma_wait3A_1375 = tpu.memref_squeeze %dma_wait3A_1374 : memref<1x1x1x8x512xi32, #tpu.memory_space<hbm>> -> memref<8x512xi32, #tpu.memory_space<hbm>>
      %dma_wait3A_1376 = arith.constant 0 : i32
      %dma_wait3A_1377 = arith.constant 0 : i32
      %dma_wait3A_1378 = tpu.memref_slice %arg4[%arg0, %run_scoped3A_778, %arg1, %dma_wait3A_1376, %dma_wait3A_1377] : memref<2x5x16x8x512xi32, #tpu.memory_space<hbm>> -> memref<1x1x1x8x512xi32, #tpu.memory_space<hbm>>
      %dma_wait3A_1379 = tpu.memref_squeeze %dma_wait3A_1378 : memref<1x1x1x8x512xi32, #tpu.memory_space<hbm>> -> memref<8x512xi32, #tpu.memory_space<hbm>>
      tpu.wait_dma2 semaphore(%run_scoped3A_1363 : memref<!tpu.dma_semaphore, #tpu.memory_space<semaphore_mem>>) src(%dma_wait3A_1379 : memref<8x512xi32, #tpu.memory_space<hbm>>) dst(%arg7 : memref<8x512xi32, #tpu.memory_space<vmem>>)
      tpu.yield
    }) : () -> ()
    %dma_start3A_779 = arith.constant 0 : i32
    %dma_start3A_780 = arith.constant 0 : i32
    %dma_start3A_781 = tpu.memref_slice %arg6[%dma_start3A_779, %dma_start3A_780] : memref<8x512xi32, #tpu.memory_space<vmem>> -> memref<1x512xi32, #tpu.memory_space<vmem>>
    %dma_start3A_782 = tpu.memref_squeeze %dma_start3A_781 : memref<1x512xi32, #tpu.memory_space<vmem>> -> memref<512xi32, #tpu.memory_space<vmem>>
    %dma_start3A_783 = arith.constant 0 : i32
    %dma_start3A_784 = arith.constant 0 : i32
    %dma_start3A_785 = tpu.memref_slice %arg2[%dma_start3A_783, %dma_start3A_784] : memref<50000x64xf32, #tpu.memory_space<hbm>> -> memref<50000x64xf32, #tpu.memory_space<hbm>>
    tpu.enqueue_indirect_dma source(%dma_start3A_785 : memref<50000x64xf32, #tpu.memory_space<hbm>>) target(%arg8 : memref<512x64xf32, #tpu.memory_space<vmem>>) offsets(%dma_start3A_782 : memref<512xi32, #tpu.memory_space<vmem>>) semaphore(%arg15 : memref<!tpu.dma_semaphore, #tpu.memory_space<semaphore_mem>>)
    %dma_wait3A_786 = arith.constant 0 : i32
    %dma_wait3A_787 = arith.constant 0 : i32
    %dma_wait3A_788 = tpu.memref_slice %arg6[%dma_wait3A_786, %dma_wait3A_787] : memref<8x512xi32, #tpu.memory_space<vmem>> -> memref<1x512xi32, #tpu.memory_space<vmem>>
    %dma_wait3A_789 = tpu.memref_squeeze %dma_wait3A_788 : memref<1x512xi32, #tpu.memory_space<vmem>> -> memref<512xi32, #tpu.memory_space<vmem>>
    %dma_wait3A_790 = arith.constant 0 : i32
    %dma_wait3A_791 = arith.constant 0 : i32
    %dma_wait3A_792 = tpu.memref_slice %arg2[%dma_wait3A_790, %dma_wait3A_791] : memref<50000x64xf32, #tpu.memory_space<hbm>> -> memref<50000x64xf32, #tpu.memory_space<hbm>>
    tpu.wait_indirect_dma semaphore(%arg15 : memref<!tpu.dma_semaphore, #tpu.memory_space<semaphore_mem>>) src(%dma_wait3A_792 : memref<50000x64xf32, #tpu.memory_space<hbm>>) dst(%arg8 : memref<512x64xf32, #tpu.memory_space<vmem>>)
    %dma_start3A_793 = arith.constant 0 : i32
    %dma_start3A_794 = arith.constant 0 : i32
    %dma_start3A_795 = tpu.memref_slice %arg7[%dma_start3A_793, %dma_start3A_794] : memref<8x512xi32, #tpu.memory_space<vmem>> -> memref<1x512xi32, #tpu.memory_space<vmem>>
    %dma_start3A_796 = tpu.memref_squeeze %dma_start3A_795 : memref<1x512xi32, #tpu.memory_space<vmem>> -> memref<512xi32, #tpu.memory_space<vmem>>
    %dma_start3A_797 = arith.constant 0 : i32
    %dma_start3A_798 = arith.constant 0 : i32
    %dma_start3A_799 = tpu.memref_slice %arg12[%dma_start3A_797, %dma_start3A_798] : memref<10240x64xf32, #tpu.memory_space<vmem_shared>> -> memref<10240x64xf32, #tpu.memory_space<vmem_shared>>
    tpu.enqueue_indirect_dma source(%arg8 : memref<512x64xf32, #tpu.memory_space<vmem>>) target(%dma_start3A_799 : memref<10240x64xf32, #tpu.memory_space<vmem_shared>>) offsets(%dma_start3A_796 : memref<512xi32, #tpu.memory_space<vmem>>) semaphore(%arg13 : memref<!tpu.dma_semaphore, #tpu.memory_space<semaphore_mem>>) {add = true}
    %dma_start3A_800 = arith.constant 1 : i32
    %dma_start3A_801 = arith.constant 0 : i32
    %dma_start3A_802 = tpu.memref_slice %arg6[%dma_start3A_800, %dma_start3A_801] : memref<8x512xi32, #tpu.memory_space<vmem>> -> memref<1x512xi32, #tpu.memory_space<vmem>>
    %dma_start3A_803 = tpu.memref_squeeze %dma_start3A_802 : memref<1x512xi32, #tpu.memory_space<vmem>> -> memref<512xi32, #tpu.memory_space<vmem>>
    %dma_start3A_804 = arith.constant 0 : i32
    %dma_start3A_805 = arith.constant 0 : i32
    %dma_start3A_806 = tpu.memref_slice %arg2[%dma_start3A_804, %dma_start3A_805] : memref<50000x64xf32, #tpu.memory_space<hbm>> -> memref<50000x64xf32, #tpu.memory_space<hbm>>
    tpu.enqueue_indirect_dma source(%dma_start3A_806 : memref<50000x64xf32, #tpu.memory_space<hbm>>) target(%arg9 : memref<512x64xf32, #tpu.memory_space<vmem>>) offsets(%dma_start3A_803 : memref<512xi32, #tpu.memory_space<vmem>>) semaphore(%arg15 : memref<!tpu.dma_semaphore, #tpu.memory_space<semaphore_mem>>)
    %dma_wait3A_807 = arith.constant 1 : i32
    %dma_wait3A_808 = arith.constant 0 : i32
    %dma_wait3A_809 = tpu.memref_slice %arg6[%dma_wait3A_807, %dma_wait3A_808] : memref<8x512xi32, #tpu.memory_space<vmem>> -> memref<1x512xi32, #tpu.memory_space<vmem>>
    %dma_wait3A_810 = tpu.memref_squeeze %dma_wait3A_809 : memref<1x512xi32, #tpu.memory_space<vmem>> -> memref<512xi32, #tpu.memory_space<vmem>>
    %dma_wait3A_811 = arith.constant 0 : i32
    %dma_wait3A_812 = arith.constant 0 : i32
    %dma_wait3A_813 = tpu.memref_slice %arg2[%dma_wait3A_811, %dma_wait3A_812] : memref<50000x64xf32, #tpu.memory_space<hbm>> -> memref<50000x64xf32, #tpu.memory_space<hbm>>
    tpu.wait_indirect_dma semaphore(%arg15 : memref<!tpu.dma_semaphore, #tpu.memory_space<semaphore_mem>>) src(%dma_wait3A_813 : memref<50000x64xf32, #tpu.memory_space<hbm>>) dst(%arg9 : memref<512x64xf32, #tpu.memory_space<vmem>>)
    %dma_start3A_814 = arith.constant 1 : i32
    %dma_start3A_815 = arith.constant 0 : i32
    %dma_start3A_816 = tpu.memref_slice %arg7[%dma_start3A_814, %dma_start3A_815] : memref<8x512xi32, #tpu.memory_space<vmem>> -> memref<1x512xi32, #tpu.memory_space<vmem>>
    %dma_start3A_817 = tpu.memref_squeeze %dma_start3A_816 : memref<1x512xi32, #tpu.memory_space<vmem>> -> memref<512xi32, #tpu.memory_space<vmem>>
    %dma_start3A_818 = arith.constant 0 : i32
    %dma_start3A_819 = arith.constant 0 : i32
    %dma_start3A_820 = tpu.memref_slice %arg12[%dma_start3A_818, %dma_start3A_819] : memref<10240x64xf32, #tpu.memory_space<vmem_shared>> -> memref<10240x64xf32, #tpu.memory_space<vmem_shared>>
    tpu.enqueue_indirect_dma source(%arg9 : memref<512x64xf32, #tpu.memory_space<vmem>>) target(%dma_start3A_820 : memref<10240x64xf32, #tpu.memory_space<vmem_shared>>) offsets(%dma_start3A_817 : memref<512xi32, #tpu.memory_space<vmem>>) semaphore(%arg14 : memref<!tpu.dma_semaphore, #tpu.memory_space<semaphore_mem>>) {add = true}
    %dma_wait3A_821 = arith.constant 0 : i32
    %dma_wait3A_822 = arith.constant 0 : i32
    %dma_wait3A_823 = tpu.memref_slice %arg7[%dma_wait3A_821, %dma_wait3A_822] : memref<8x512xi32, #tpu.memory_space<vmem>> -> memref<1x512xi32, #tpu.memory_space<vmem>>
    %dma_wait3A_824 = tpu.memref_squeeze %dma_wait3A_823 : memref<1x512xi32, #tpu.memory_space<vmem>> -> memref<512xi32, #tpu.memory_space<vmem>>
    %dma_wait3A_825 = arith.constant 0 : i32
    %dma_wait3A_826 = arith.constant 0 : i32
    %dma_wait3A_827 = tpu.memref_slice %arg12[%dma_wait3A_825, %dma_wait3A_826] : memref<10240x64xf32, #tpu.memory_space<vmem_shared>> -> memref<10240x64xf32, #tpu.memory_space<vmem_shared>>
    tpu.wait_indirect_dma semaphore(%arg13 : memref<!tpu.dma_semaphore, #tpu.memory_space<semaphore_mem>>) src(%arg8 : memref<512x64xf32, #tpu.memory_space<vmem>>) dst(%dma_wait3A_827 : memref<10240x64xf32, #tpu.memory_space<vmem_shared>>)
    %dma_start3A_828 = arith.constant 2 : i32
    %dma_start3A_829 = arith.constant 0 : i32
    %dma_start3A_830 = tpu.memref_slice %arg6[%dma_start3A_828, %dma_start3A_829] : memref<8x512xi32, #tpu.memory_space<vmem>> -> memref<1x512xi32, #tpu.memory_space<vmem>>
    %dma_start3A_831 = tpu.memref_squeeze %dma_start3A_830 : memref<1x512xi32, #tpu.memory_space<vmem>> -> memref<512xi32, #tpu.memory_space<vmem>>
    %dma_start3A_832 = arith.constant 0 : i32
    %dma_start3A_833 = arith.constant 0 : i32
    %dma_start3A_834 = tpu.memref_slice %arg2[%dma_start3A_832, %dma_start3A_833] : memref<50000x64xf32, #tpu.memory_space<hbm>> -> memref<50000x64xf32, #tpu.memory_space<hbm>>
    tpu.enqueue_indirect_dma source(%dma_start3A_834 : memref<50000x64xf32, #tpu.memory_space<hbm>>) target(%arg8 : memref<512x64xf32, #tpu.memory_space<vmem>>) offsets(%dma_start3A_831 : memref<512xi32, #tpu.memory_space<vmem>>) semaphore(%arg15 : memref<!tpu.dma_semaphore, #tpu.memory_space<semaphore_mem>>)
    %dma_wait3A_835 = arith.constant 2 : i32
    %dma_wait3A_836 = arith.constant 0 : i32
    %dma_wait3A_837 = tpu.memref_slice %arg6[%dma_wait3A_835, %dma_wait3A_836] : memref<8x512xi32, #tpu.memory_space<vmem>> -> memref<1x512xi32, #tpu.memory_space<vmem>>
    %dma_wait3A_838 = tpu.memref_squeeze %dma_wait3A_837 : memref<1x512xi32, #tpu.memory_space<vmem>> -> memref<512xi32, #tpu.memory_space<vmem>>
    %dma_wait3A_839 = arith.constant 0 : i32
    %dma_wait3A_840 = arith.constant 0 : i32
    %dma_wait3A_841 = tpu.memref_slice %arg2[%dma_wait3A_839, %dma_wait3A_840] : memref<50000x64xf32, #tpu.memory_space<hbm>> -> memref<50000x64xf32, #tpu.memory_space<hbm>>
    tpu.wait_indirect_dma semaphore(%arg15 : memref<!tpu.dma_semaphore, #tpu.memory_space<semaphore_mem>>) src(%dma_wait3A_841 : memref<50000x64xf32, #tpu.memory_space<hbm>>) dst(%arg8 : memref<512x64xf32, #tpu.memory_space<vmem>>)
    %dma_start3A_842 = arith.constant 2 : i32
    %dma_start3A_843 = arith.constant 0 : i32
    %dma_start3A_844 = tpu.memref_slice %arg7[%dma_start3A_842, %dma_start3A_843] : memref<8x512xi32, #tpu.memory_space<vmem>> -> memref<1x512xi32, #tpu.memory_space<vmem>>
    %dma_start3A_845 = tpu.memref_squeeze %dma_start3A_844 : memref<1x512xi32, #tpu.memory_space<vmem>> -> memref<512xi32, #tpu.memory_space<vmem>>
    %dma_start3A_846 = arith.constant 0 : i32
    %dma_start3A_847 = arith.constant 0 : i32
    %dma_start3A_848 = tpu.memref_slice %arg12[%dma_start3A_846, %dma_start3A_847] : memref<10240x64xf32, #tpu.memory_space<vmem_shared>> -> memref<10240x64xf32, #tpu.memory_space<vmem_shared>>
    tpu.enqueue_indirect_dma source(%arg8 : memref<512x64xf32, #tpu.memory_space<vmem>>) target(%dma_start3A_848 : memref<10240x64xf32, #tpu.memory_space<vmem_shared>>) offsets(%dma_start3A_845 : memref<512xi32, #tpu.memory_space<vmem>>) semaphore(%arg13 : memref<!tpu.dma_semaphore, #tpu.memory_space<semaphore_mem>>) {add = true}
    %dma_wait3A_849 = arith.constant 1 : i32
    %dma_wait3A_850 = arith.constant 0 : i32
    %dma_wait3A_851 = tpu.memref_slice %arg7[%dma_wait3A_849, %dma_wait3A_850] : memref<8x512xi32, #tpu.memory_space<vmem>> -> memref<1x512xi32, #tpu.memory_space<vmem>>
    %dma_wait3A_852 = tpu.memref_squeeze %dma_wait3A_851 : memref<1x512xi32, #tpu.memory_space<vmem>> -> memref<512xi32, #tpu.memory_space<vmem>>
    %dma_wait3A_853 = arith.constant 0 : i32
    %dma_wait3A_854 = arith.constant 0 : i32
    %dma_wait3A_855 = tpu.memref_slice %arg12[%dma_wait3A_853, %dma_wait3A_854] : memref<10240x64xf32, #tpu.memory_space<vmem_shared>> -> memref<10240x64xf32, #tpu.memory_space<vmem_shared>>
    tpu.wait_indirect_dma semaphore(%arg14 : memref<!tpu.dma_semaphore, #tpu.memory_space<semaphore_mem>>) src(%arg9 : memref<512x64xf32, #tpu.memory_space<vmem>>) dst(%dma_wait3A_855 : memref<10240x64xf32, #tpu.memory_space<vmem_shared>>)
    %dma_start3A_856 = arith.constant 3 : i32
    %dma_start3A_857 = arith.constant 0 : i32
    %dma_start3A_858 = tpu.memref_slice %arg6[%dma_start3A_856, %dma_start3A_857] : memref<8x512xi32, #tpu.memory_space<vmem>> -> memref<1x512xi32, #tpu.memory_space<vmem>>
    %dma_start3A_859 = tpu.memref_squeeze %dma_start3A_858 : memref<1x512xi32, #tpu.memory_space<vmem>> -> memref<512xi32, #tpu.memory_space<vmem>>
    %dma_start3A_860 = arith.constant 0 : i32
    %dma_start3A_861 = arith.constant 0 : i32
    %dma_start3A_862 = tpu.memref_slice %arg2[%dma_start3A_860, %dma_start3A_861] : memref<50000x64xf32, #tpu.memory_space<hbm>> -> memref<50000x64xf32, #tpu.memory_space<hbm>>
    tpu.enqueue_indirect_dma source(%dma_start3A_862 : memref<50000x64xf32, #tpu.memory_space<hbm>>) target(%arg9 : memref<512x64xf32, #tpu.memory_space<vmem>>) offsets(%dma_start3A_859 : memref<512xi32, #tpu.memory_space<vmem>>) semaphore(%arg15 : memref<!tpu.dma_semaphore, #tpu.memory_space<semaphore_mem>>)
    %dma_wait3A_863 = arith.constant 3 : i32
    %dma_wait3A_864 = arith.constant 0 : i32
    %dma_wait3A_865 = tpu.memref_slice %arg6[%dma_wait3A_863, %dma_wait3A_864] : memref<8x512xi32, #tpu.memory_space<vmem>> -> memref<1x512xi32, #tpu.memory_space<vmem>>
    %dma_wait3A_866 = tpu.memref_squeeze %dma_wait3A_865 : memref<1x512xi32, #tpu.memory_space<vmem>> -> memref<512xi32, #tpu.memory_space<vmem>>
    %dma_wait3A_867 = arith.constant 0 : i32
    %dma_wait3A_868 = arith.constant 0 : i32
    %dma_wait3A_869 = tpu.memref_slice %arg2[%dma_wait3A_867, %dma_wait3A_868] : memref<50000x64xf32, #tpu.memory_space<hbm>> -> memref<50000x64xf32, #tpu.memory_space<hbm>>
    tpu.wait_indirect_dma semaphore(%arg15 : memref<!tpu.dma_semaphore, #tpu.memory_space<semaphore_mem>>) src(%dma_wait3A_869 : memref<50000x64xf32, #tpu.memory_space<hbm>>) dst(%arg9 : memref<512x64xf32, #tpu.memory_space<vmem>>)
    %dma_start3A_870 = arith.constant 3 : i32
    %dma_start3A_871 = arith.constant 0 : i32
    %dma_start3A_872 = tpu.memref_slice %arg7[%dma_start3A_870, %dma_start3A_871] : memref<8x512xi32, #tpu.memory_space<vmem>> -> memref<1x512xi32, #tpu.memory_space<vmem>>
    %dma_start3A_873 = tpu.memref_squeeze %dma_start3A_872 : memref<1x512xi32, #tpu.memory_space<vmem>> -> memref<512xi32, #tpu.memory_space<vmem>>
    %dma_start3A_874 = arith.constant 0 : i32
    %dma_start3A_875 = arith.constant 0 : i32
    %dma_start3A_876 = tpu.memref_slice %arg12[%dma_start3A_874, %dma_start3A_875] : memref<10240x64xf32, #tpu.memory_space<vmem_shared>> -> memref<10240x64xf32, #tpu.memory_space<vmem_shared>>
    tpu.enqueue_indirect_dma source(%arg9 : memref<512x64xf32, #tpu.memory_space<vmem>>) target(%dma_start3A_876 : memref<10240x64xf32, #tpu.memory_space<vmem_shared>>) offsets(%dma_start3A_873 : memref<512xi32, #tpu.memory_space<vmem>>) semaphore(%arg14 : memref<!tpu.dma_semaphore, #tpu.memory_space<semaphore_mem>>) {add = true}
    %dma_wait3A_877 = arith.constant 2 : i32
    %dma_wait3A_878 = arith.constant 0 : i32
    %dma_wait3A_879 = tpu.memref_slice %arg7[%dma_wait3A_877, %dma_wait3A_878] : memref<8x512xi32, #tpu.memory_space<vmem>> -> memref<1x512xi32, #tpu.memory_space<vmem>>
    %dma_wait3A_880 = tpu.memref_squeeze %dma_wait3A_879 : memref<1x512xi32, #tpu.memory_space<vmem>> -> memref<512xi32, #tpu.memory_space<vmem>>
    %dma_wait3A_881 = arith.constant 0 : i32
    %dma_wait3A_882 = arith.constant 0 : i32
    %dma_wait3A_883 = tpu.memref_slice %arg12[%dma_wait3A_881, %dma_wait3A_882] : memref<10240x64xf32, #tpu.memory_space<vmem_shared>> -> memref<10240x64xf32, #tpu.memory_space<vmem_shared>>
    tpu.wait_indirect_dma semaphore(%arg13 : memref<!tpu.dma_semaphore, #tpu.memory_space<semaphore_mem>>) src(%arg8 : memref<512x64xf32, #tpu.memory_space<vmem>>) dst(%dma_wait3A_883 : memref<10240x64xf32, #tpu.memory_space<vmem_shared>>)
    %dma_start3A_884 = arith.constant 4 : i32
    %dma_start3A_885 = arith.constant 0 : i32
    %dma_start3A_886 = tpu.memref_slice %arg6[%dma_start3A_884, %dma_start3A_885] : memref<8x512xi32, #tpu.memory_space<vmem>> -> memref<1x512xi32, #tpu.memory_space<vmem>>
    %dma_start3A_887 = tpu.memref_squeeze %dma_start3A_886 : memref<1x512xi32, #tpu.memory_space<vmem>> -> memref<512xi32, #tpu.memory_space<vmem>>
    %dma_start3A_888 = arith.constant 0 : i32
    %dma_start3A_889 = arith.constant 0 : i32
    %dma_start3A_890 = tpu.memref_slice %arg2[%dma_start3A_888, %dma_start3A_889] : memref<50000x64xf32, #tpu.memory_space<hbm>> -> memref<50000x64xf32, #tpu.memory_space<hbm>>
    tpu.enqueue_indirect_dma source(%dma_start3A_890 : memref<50000x64xf32, #tpu.memory_space<hbm>>) target(%arg8 : memref<512x64xf32, #tpu.memory_space<vmem>>) offsets(%dma_start3A_887 : memref<512xi32, #tpu.memory_space<vmem>>) semaphore(%arg15 : memref<!tpu.dma_semaphore, #tpu.memory_space<semaphore_mem>>)
    %dma_wait3A_891 = arith.constant 4 : i32
    %dma_wait3A_892 = arith.constant 0 : i32
    %dma_wait3A_893 = tpu.memref_slice %arg6[%dma_wait3A_891, %dma_wait3A_892] : memref<8x512xi32, #tpu.memory_space<vmem>> -> memref<1x512xi32, #tpu.memory_space<vmem>>
    %dma_wait3A_894 = tpu.memref_squeeze %dma_wait3A_893 : memref<1x512xi32, #tpu.memory_space<vmem>> -> memref<512xi32, #tpu.memory_space<vmem>>
    %dma_wait3A_895 = arith.constant 0 : i32
    %dma_wait3A_896 = arith.constant 0 : i32
    %dma_wait3A_897 = tpu.memref_slice %arg2[%dma_wait3A_895, %dma_wait3A_896] : memref<50000x64xf32, #tpu.memory_space<hbm>> -> memref<50000x64xf32, #tpu.memory_space<hbm>>
    tpu.wait_indirect_dma semaphore(%arg15 : memref<!tpu.dma_semaphore, #tpu.memory_space<semaphore_mem>>) src(%dma_wait3A_897 : memref<50000x64xf32, #tpu.memory_space<hbm>>) dst(%arg8 : memref<512x64xf32, #tpu.memory_space<vmem>>)
    %dma_start3A_898 = arith.constant 4 : i32
    %dma_start3A_899 = arith.constant 0 : i32
    %dma_start3A_900 = tpu.memref_slice %arg7[%dma_start3A_898, %dma_start3A_899] : memref<8x512xi32, #tpu.memory_space<vmem>> -> memref<1x512xi32, #tpu.memory_space<vmem>>
    %dma_start3A_901 = tpu.memref_squeeze %dma_start3A_900 : memref<1x512xi32, #tpu.memory_space<vmem>> -> memref<512xi32, #tpu.memory_space<vmem>>
    %dma_start3A_902 = arith.constant 0 : i32
    %dma_start3A_903 = arith.constant 0 : i32
    %dma_start3A_904 = tpu.memref_slice %arg12[%dma_start3A_902, %dma_start3A_903] : memref<10240x64xf32, #tpu.memory_space<vmem_shared>> -> memref<10240x64xf32, #tpu.memory_space<vmem_shared>>
    tpu.enqueue_indirect_dma source(%arg8 : memref<512x64xf32, #tpu.memory_space<vmem>>) target(%dma_start3A_904 : memref<10240x64xf32, #tpu.memory_space<vmem_shared>>) offsets(%dma_start3A_901 : memref<512xi32, #tpu.memory_space<vmem>>) semaphore(%arg13 : memref<!tpu.dma_semaphore, #tpu.memory_space<semaphore_mem>>) {add = true}
    %dma_wait3A_905 = arith.constant 3 : i32
    %dma_wait3A_906 = arith.constant 0 : i32
    %dma_wait3A_907 = tpu.memref_slice %arg7[%dma_wait3A_905, %dma_wait3A_906] : memref<8x512xi32, #tpu.memory_space<vmem>> -> memref<1x512xi32, #tpu.memory_space<vmem>>
    %dma_wait3A_908 = tpu.memref_squeeze %dma_wait3A_907 : memref<1x512xi32, #tpu.memory_space<vmem>> -> memref<512xi32, #tpu.memory_space<vmem>>
    %dma_wait3A_909 = arith.constant 0 : i32
    %dma_wait3A_910 = arith.constant 0 : i32
    %dma_wait3A_911 = tpu.memref_slice %arg12[%dma_wait3A_909, %dma_wait3A_910] : memref<10240x64xf32, #tpu.memory_space<vmem_shared>> -> memref<10240x64xf32, #tpu.memory_space<vmem_shared>>
    tpu.wait_indirect_dma semaphore(%arg14 : memref<!tpu.dma_semaphore, #tpu.memory_space<semaphore_mem>>) src(%arg9 : memref<512x64xf32, #tpu.memory_space<vmem>>) dst(%dma_wait3A_911 : memref<10240x64xf32, #tpu.memory_space<vmem_shared>>)
    %dma_start3A_912 = arith.constant 5 : i32
    %dma_start3A_913 = arith.constant 0 : i32
    %dma_start3A_914 = tpu.memref_slice %arg6[%dma_start3A_912, %dma_start3A_913] : memref<8x512xi32, #tpu.memory_space<vmem>> -> memref<1x512xi32, #tpu.memory_space<vmem>>
    %dma_start3A_915 = tpu.memref_squeeze %dma_start3A_914 : memref<1x512xi32, #tpu.memory_space<vmem>> -> memref<512xi32, #tpu.memory_space<vmem>>
    %dma_start3A_916 = arith.constant 0 : i32
    %dma_start3A_917 = arith.constant 0 : i32
    %dma_start3A_918 = tpu.memref_slice %arg2[%dma_start3A_916, %dma_start3A_917] : memref<50000x64xf32, #tpu.memory_space<hbm>> -> memref<50000x64xf32, #tpu.memory_space<hbm>>
    tpu.enqueue_indirect_dma source(%dma_start3A_918 : memref<50000x64xf32, #tpu.memory_space<hbm>>) target(%arg9 : memref<512x64xf32, #tpu.memory_space<vmem>>) offsets(%dma_start3A_915 : memref<512xi32, #tpu.memory_space<vmem>>) semaphore(%arg15 : memref<!tpu.dma_semaphore, #tpu.memory_space<semaphore_mem>>)
    %dma_wait3A_919 = arith.constant 5 : i32
    %dma_wait3A_920 = arith.constant 0 : i32
    %dma_wait3A_921 = tpu.memref_slice %arg6[%dma_wait3A_919, %dma_wait3A_920] : memref<8x512xi32, #tpu.memory_space<vmem>> -> memref<1x512xi32, #tpu.memory_space<vmem>>
    %dma_wait3A_922 = tpu.memref_squeeze %dma_wait3A_921 : memref<1x512xi32, #tpu.memory_space<vmem>> -> memref<512xi32, #tpu.memory_space<vmem>>
    %dma_wait3A_923 = arith.constant 0 : i32
    %dma_wait3A_924 = arith.constant 0 : i32
    %dma_wait3A_925 = tpu.memref_slice %arg2[%dma_wait3A_923, %dma_wait3A_924] : memref<50000x64xf32, #tpu.memory_space<hbm>> -> memref<50000x64xf32, #tpu.memory_space<hbm>>
    tpu.wait_indirect_dma semaphore(%arg15 : memref<!tpu.dma_semaphore, #tpu.memory_space<semaphore_mem>>) src(%dma_wait3A_925 : memref<50000x64xf32, #tpu.memory_space<hbm>>) dst(%arg9 : memref<512x64xf32, #tpu.memory_space<vmem>>)
    %dma_start3A_926 = arith.constant 5 : i32
    %dma_start3A_927 = arith.constant 0 : i32
    %dma_start3A_928 = tpu.memref_slice %arg7[%dma_start3A_926, %dma_start3A_927] : memref<8x512xi32, #tpu.memory_space<vmem>> -> memref<1x512xi32, #tpu.memory_space<vmem>>
    %dma_start3A_929 = tpu.memref_squeeze %dma_start3A_928 : memref<1x512xi32, #tpu.memory_space<vmem>> -> memref<512xi32, #tpu.memory_space<vmem>>
    %dma_start3A_930 = arith.constant 0 : i32
    %dma_start3A_931 = arith.constant 0 : i32
    %dma_start3A_932 = tpu.memref_slice %arg12[%dma_start3A_930, %dma_start3A_931] : memref<10240x64xf32, #tpu.memory_space<vmem_shared>> -> memref<10240x64xf32, #tpu.memory_space<vmem_shared>>
    tpu.enqueue_indirect_dma source(%arg9 : memref<512x64xf32, #tpu.memory_space<vmem>>) target(%dma_start3A_932 : memref<10240x64xf32, #tpu.memory_space<vmem_shared>>) offsets(%dma_start3A_929 : memref<512xi32, #tpu.memory_space<vmem>>) semaphore(%arg14 : memref<!tpu.dma_semaphore, #tpu.memory_space<semaphore_mem>>) {add = true}
    %dma_wait3A_933 = arith.constant 4 : i32
    %dma_wait3A_934 = arith.constant 0 : i32
    %dma_wait3A_935 = tpu.memref_slice %arg7[%dma_wait3A_933, %dma_wait3A_934] : memref<8x512xi32, #tpu.memory_space<vmem>> -> memref<1x512xi32, #tpu.memory_space<vmem>>
    %dma_wait3A_936 = tpu.memref_squeeze %dma_wait3A_935 : memref<1x512xi32, #tpu.memory_space<vmem>> -> memref<512xi32, #tpu.memory_space<vmem>>
    %dma_wait3A_937 = arith.constant 0 : i32
    %dma_wait3A_938 = arith.constant 0 : i32
    %dma_wait3A_939 = tpu.memref_slice %arg12[%dma_wait3A_937, %dma_wait3A_938] : memref<10240x64xf32, #tpu.memory_space<vmem_shared>> -> memref<10240x64xf32, #tpu.memory_space<vmem_shared>>
    tpu.wait_indirect_dma semaphore(%arg13 : memref<!tpu.dma_semaphore, #tpu.memory_space<semaphore_mem>>) src(%arg8 : memref<512x64xf32, #tpu.memory_space<vmem>>) dst(%dma_wait3A_939 : memref<10240x64xf32, #tpu.memory_space<vmem_shared>>)
    %dma_start3A_940 = arith.constant 6 : i32
    %dma_start3A_941 = arith.constant 0 : i32
    %dma_start3A_942 = tpu.memref_slice %arg6[%dma_start3A_940, %dma_start3A_941] : memref<8x512xi32, #tpu.memory_space<vmem>> -> memref<1x512xi32, #tpu.memory_space<vmem>>
    %dma_start3A_943 = tpu.memref_squeeze %dma_start3A_942 : memref<1x512xi32, #tpu.memory_space<vmem>> -> memref<512xi32, #tpu.memory_space<vmem>>
    %dma_start3A_944 = arith.constant 0 : i32
    %dma_start3A_945 = arith.constant 0 : i32
    %dma_start3A_946 = tpu.memref_slice %arg2[%dma_start3A_944, %dma_start3A_945] : memref<50000x64xf32, #tpu.memory_space<hbm>> -> memref<50000x64xf32, #tpu.memory_space<hbm>>
    tpu.enqueue_indirect_dma source(%dma_start3A_946 : memref<50000x64xf32, #tpu.memory_space<hbm>>) target(%arg8 : memref<512x64xf32, #tpu.memory_space<vmem>>) offsets(%dma_start3A_943 : memref<512xi32, #tpu.memory_space<vmem>>) semaphore(%arg15 : memref<!tpu.dma_semaphore, #tpu.memory_space<semaphore_mem>>)
    %dma_wait3A_947 = arith.constant 6 : i32
    %dma_wait3A_948 = arith.constant 0 : i32
    %dma_wait3A_949 = tpu.memref_slice %arg6[%dma_wait3A_947, %dma_wait3A_948] : memref<8x512xi32, #tpu.memory_space<vmem>> -> memref<1x512xi32, #tpu.memory_space<vmem>>
    %dma_wait3A_950 = tpu.memref_squeeze %dma_wait3A_949 : memref<1x512xi32, #tpu.memory_space<vmem>> -> memref<512xi32, #tpu.memory_space<vmem>>
    %dma_wait3A_951 = arith.constant 0 : i32
    %dma_wait3A_952 = arith.constant 0 : i32
    %dma_wait3A_953 = tpu.memref_slice %arg2[%dma_wait3A_951, %dma_wait3A_952] : memref<50000x64xf32, #tpu.memory_space<hbm>> -> memref<50000x64xf32, #tpu.memory_space<hbm>>
    tpu.wait_indirect_dma semaphore(%arg15 : memref<!tpu.dma_semaphore, #tpu.memory_space<semaphore_mem>>) src(%dma_wait3A_953 : memref<50000x64xf32, #tpu.memory_space<hbm>>) dst(%arg8 : memref<512x64xf32, #tpu.memory_space<vmem>>)
    %dma_start3A_954 = arith.constant 6 : i32
    %dma_start3A_955 = arith.constant 0 : i32
    %dma_start3A_956 = tpu.memref_slice %arg7[%dma_start3A_954, %dma_start3A_955] : memref<8x512xi32, #tpu.memory_space<vmem>> -> memref<1x512xi32, #tpu.memory_space<vmem>>
    %dma_start3A_957 = tpu.memref_squeeze %dma_start3A_956 : memref<1x512xi32, #tpu.memory_space<vmem>> -> memref<512xi32, #tpu.memory_space<vmem>>
    %dma_start3A_958 = arith.constant 0 : i32
    %dma_start3A_959 = arith.constant 0 : i32
    %dma_start3A_960 = tpu.memref_slice %arg12[%dma_start3A_958, %dma_start3A_959] : memref<10240x64xf32, #tpu.memory_space<vmem_shared>> -> memref<10240x64xf32, #tpu.memory_space<vmem_shared>>
    tpu.enqueue_indirect_dma source(%arg8 : memref<512x64xf32, #tpu.memory_space<vmem>>) target(%dma_start3A_960 : memref<10240x64xf32, #tpu.memory_space<vmem_shared>>) offsets(%dma_start3A_957 : memref<512xi32, #tpu.memory_space<vmem>>) semaphore(%arg13 : memref<!tpu.dma_semaphore, #tpu.memory_space<semaphore_mem>>) {add = true}
    %dma_wait3A_961 = arith.constant 5 : i32
    %dma_wait3A_962 = arith.constant 0 : i32
    %dma_wait3A_963 = tpu.memref_slice %arg7[%dma_wait3A_961, %dma_wait3A_962] : memref<8x512xi32, #tpu.memory_space<vmem>> -> memref<1x512xi32, #tpu.memory_space<vmem>>
    %dma_wait3A_964 = tpu.memref_squeeze %dma_wait3A_963 : memref<1x512xi32, #tpu.memory_space<vmem>> -> memref<512xi32, #tpu.memory_space<vmem>>
    %dma_wait3A_965 = arith.constant 0 : i32
    %dma_wait3A_966 = arith.constant 0 : i32
    %dma_wait3A_967 = tpu.memref_slice %arg12[%dma_wait3A_965, %dma_wait3A_966] : memref<10240x64xf32, #tpu.memory_space<vmem_shared>> -> memref<10240x64xf32, #tpu.memory_space<vmem_shared>>
    tpu.wait_indirect_dma semaphore(%arg14 : memref<!tpu.dma_semaphore, #tpu.memory_space<semaphore_mem>>) src(%arg9 : memref<512x64xf32, #tpu.memory_space<vmem>>) dst(%dma_wait3A_967 : memref<10240x64xf32, #tpu.memory_space<vmem_shared>>)
    %dma_start3A_968 = arith.constant 7 : i32
    %dma_start3A_969 = arith.constant 0 : i32
    %dma_start3A_970 = tpu.memref_slice %arg6[%dma_start3A_968, %dma_start3A_969] : memref<8x512xi32, #tpu.memory_space<vmem>> -> memref<1x512xi32, #tpu.memory_space<vmem>>
    %dma_start3A_971 = tpu.memref_squeeze %dma_start3A_970 : memref<1x512xi32, #tpu.memory_space<vmem>> -> memref<512xi32, #tpu.memory_space<vmem>>
    %dma_start3A_972 = arith.constant 0 : i32
    %dma_start3A_973 = arith.constant 0 : i32
    %dma_start3A_974 = tpu.memref_slice %arg2[%dma_start3A_972, %dma_start3A_973] : memref<50000x64xf32, #tpu.memory_space<hbm>> -> memref<50000x64xf32, #tpu.memory_space<hbm>>
    tpu.enqueue_indirect_dma source(%dma_start3A_974 : memref<50000x64xf32, #tpu.memory_space<hbm>>) target(%arg9 : memref<512x64xf32, #tpu.memory_space<vmem>>) offsets(%dma_start3A_971 : memref<512xi32, #tpu.memory_space<vmem>>) semaphore(%arg15 : memref<!tpu.dma_semaphore, #tpu.memory_space<semaphore_mem>>)
    %dma_wait3A_975 = arith.constant 7 : i32
    %dma_wait3A_976 = arith.constant 0 : i32
    %dma_wait3A_977 = tpu.memref_slice %arg6[%dma_wait3A_975, %dma_wait3A_976] : memref<8x512xi32, #tpu.memory_space<vmem>> -> memref<1x512xi32, #tpu.memory_space<vmem>>
    %dma_wait3A_978 = tpu.memref_squeeze %dma_wait3A_977 : memref<1x512xi32, #tpu.memory_space<vmem>> -> memref<512xi32, #tpu.memory_space<vmem>>
    %dma_wait3A_979 = arith.constant 0 : i32
    %dma_wait3A_980 = arith.constant 0 : i32
    %dma_wait3A_981 = tpu.memref_slice %arg2[%dma_wait3A_979, %dma_wait3A_980] : memref<50000x64xf32, #tpu.memory_space<hbm>> -> memref<50000x64xf32, #tpu.memory_space<hbm>>
    tpu.wait_indirect_dma semaphore(%arg15 : memref<!tpu.dma_semaphore, #tpu.memory_space<semaphore_mem>>) src(%dma_wait3A_981 : memref<50000x64xf32, #tpu.memory_space<hbm>>) dst(%arg9 : memref<512x64xf32, #tpu.memory_space<vmem>>)
    %dma_start3A_982 = arith.constant 7 : i32
    %dma_start3A_983 = arith.constant 0 : i32
    %dma_start3A_984 = tpu.memref_slice %arg7[%dma_start3A_982, %dma_start3A_983] : memref<8x512xi32, #tpu.memory_space<vmem>> -> memref<1x512xi32, #tpu.memory_space<vmem>>
    %dma_start3A_985 = tpu.memref_squeeze %dma_start3A_984 : memref<1x512xi32, #tpu.memory_space<vmem>> -> memref<512xi32, #tpu.memory_space<vmem>>
    %dma_start3A_986 = arith.constant 0 : i32
    %dma_start3A_987 = arith.constant 0 : i32
    %dma_start3A_988 = tpu.memref_slice %arg12[%dma_start3A_986, %dma_start3A_987] : memref<10240x64xf32, #tpu.memory_space<vmem_shared>> -> memref<10240x64xf32, #tpu.memory_space<vmem_shared>>
    tpu.enqueue_indirect_dma source(%arg9 : memref<512x64xf32, #tpu.memory_space<vmem>>) target(%dma_start3A_988 : memref<10240x64xf32, #tpu.memory_space<vmem_shared>>) offsets(%dma_start3A_985 : memref<512xi32, #tpu.memory_space<vmem>>) semaphore(%arg14 : memref<!tpu.dma_semaphore, #tpu.memory_space<semaphore_mem>>) {add = true}
    %dma_wait3A_989 = arith.constant 6 : i32
    %dma_wait3A_990 = arith.constant 0 : i32
    %dma_wait3A_991 = tpu.memref_slice %arg7[%dma_wait3A_989, %dma_wait3A_990] : memref<8x512xi32, #tpu.memory_space<vmem>> -> memref<1x512xi32, #tpu.memory_space<vmem>>
    %dma_wait3A_992 = tpu.memref_squeeze %dma_wait3A_991 : memref<1x512xi32, #tpu.memory_space<vmem>> -> memref<512xi32, #tpu.memory_space<vmem>>
    %dma_wait3A_993 = arith.constant 0 : i32
    %dma_wait3A_994 = arith.constant 0 : i32
    %dma_wait3A_995 = tpu.memref_slice %arg12[%dma_wait3A_993, %dma_wait3A_994] : memref<10240x64xf32, #tpu.memory_space<vmem_shared>> -> memref<10240x64xf32, #tpu.memory_space<vmem_shared>>
    tpu.wait_indirect_dma semaphore(%arg13 : memref<!tpu.dma_semaphore, #tpu.memory_space<semaphore_mem>>) src(%arg8 : memref<512x64xf32, #tpu.memory_space<vmem>>) dst(%dma_wait3A_995 : memref<10240x64xf32, #tpu.memory_space<vmem_shared>>)
    %dma_wait3A_996 = arith.constant 7 : i32
    %dma_wait3A_997 = arith.constant 0 : i32
    %dma_wait3A_998 = tpu.memref_slice %arg7[%dma_wait3A_996, %dma_wait3A_997] : memref<8x512xi32, #tpu.memory_space<vmem>> -> memref<1x512xi32, #tpu.memory_space<vmem>>
    %dma_wait3A_999 = tpu.memref_squeeze %dma_wait3A_998 : memref<1x512xi32, #tpu.memory_space<vmem>> -> memref<512xi32, #tpu.memory_space<vmem>>
    %dma_wait3A_1000 = arith.constant 0 : i32
    %dma_wait3A_1001 = arith.constant 0 : i32
    %dma_wait3A_1002 = tpu.memref_slice %arg12[%dma_wait3A_1000, %dma_wait3A_1001] : memref<10240x64xf32, #tpu.memory_space<vmem_shared>> -> memref<10240x64xf32, #tpu.memory_space<vmem_shared>>
    tpu.wait_indirect_dma semaphore(%arg14 : memref<!tpu.dma_semaphore, #tpu.memory_space<semaphore_mem>>) src(%arg9 : memref<512x64xf32, #tpu.memory_space<vmem>>) dst(%dma_wait3A_1002 : memref<10240x64xf32, #tpu.memory_space<vmem_shared>>)
    %barrier3A_1003 = arith.constant 0 : index
    tpu.barrier barrier_id(%barrier3A_1003)
    %mul3A_1004 = arith.constant 640 : i32
    %mul3A_1005 = arith.muli %arg1, %mul3A_1004 : i32
    %add3A_1006 = arith.constant 0 : i32
    %add3A_1007 = arith.addi %mul3A_1005, %add3A_1006 : i32
    "tpu.region"() ({
      %run_scoped3A_1363 = tpu.sem_alloc : memref<!tpu.dma_semaphore, #tpu.memory_space<semaphore_mem>>
      %dma_start3A_1364 = arith.constant 0 : i32
      %dma_start3A_1365 = tpu.memref_slice %arg12[%add3A_1007, %dma_start3A_1364] : memref<10240x64xf32, #tpu.memory_space<vmem_shared>> -> memref<128x64xf32, #tpu.memory_space<vmem_shared>>
      %dma_start3A_1366 = arith.constant 0 : i32
      %dma_start3A_1367 = tpu.memref_slice %arg12[%add3A_1007, %dma_start3A_1366] : memref<10240x64xf32, #tpu.memory_space<vmem_shared>> -> memref<128x64xf32, #tpu.memory_space<vmem_shared>>
      tpu.enqueue_dma source(%dma_start3A_1367 : memref<128x64xf32, #tpu.memory_space<vmem_shared>>) target(%arg11 : memref<128x64xf32, #tpu.memory_space<vmem>>) target_semaphore(%run_scoped3A_1363 : memref<!tpu.dma_semaphore, #tpu.memory_space<semaphore_mem>>)
      %dma_wait3A_1368 = arith.constant 0 : i32
      %dma_wait3A_1369 = tpu.memref_slice %arg12[%add3A_1007, %dma_wait3A_1368] : memref<10240x64xf32, #tpu.memory_space<vmem_shared>> -> memref<128x64xf32, #tpu.memory_space<vmem_shared>>
      %dma_wait3A_1370 = arith.constant 0 : i32
      %dma_wait3A_1371 = tpu.memref_slice %arg12[%add3A_1007, %dma_wait3A_1370] : memref<10240x64xf32, #tpu.memory_space<vmem_shared>> -> memref<128x64xf32, #tpu.memory_space<vmem_shared>>
      tpu.wait_dma2 semaphore(%run_scoped3A_1363 : memref<!tpu.dma_semaphore, #tpu.memory_space<semaphore_mem>>) src(%dma_wait3A_1371 : memref<128x64xf32, #tpu.memory_space<vmem_shared>>) dst(%arg11 : memref<128x64xf32, #tpu.memory_space<vmem>>)
      tpu.yield
    }) : () -> ()
    %mul3A_1008 = arith.constant 3 : i32
    %mul3A_1009 = arith.muli %arg0, %mul3A_1008 : i32
    %add3A_1010 = arith.constant 1 : i32
    %add3A_1011 = arith.addi %mul3A_1009, %add3A_1010 : i32
    %mul3A_1012 = arith.constant 10240 : i32
    %mul3A_1013 = arith.muli %add3A_1011, %mul3A_1012 : i32
    %add3A_1014 = arith.addi %mul3A_1013, %add3A_1007 : i32
    "tpu.region"() ({
      %run_scoped3A_1363 = tpu.sem_alloc : memref<!tpu.dma_semaphore, #tpu.memory_space<semaphore_mem>>
      %dma_start3A_1364 = arith.constant 0 : i32
      %dma_start3A_1365 = tpu.memref_slice %arg5[%add3A_1014, %dma_start3A_1364] : memref<61440x64xf32, #tpu.memory_space<hbm>> -> memref<128x64xf32, #tpu.memory_space<hbm>>
      %dma_start3A_1366 = arith.constant 0 : i32
      %dma_start3A_1367 = tpu.memref_slice %arg5[%add3A_1014, %dma_start3A_1366] : memref<61440x64xf32, #tpu.memory_space<hbm>> -> memref<128x64xf32, #tpu.memory_space<hbm>>
      tpu.enqueue_dma source(%arg11 : memref<128x64xf32, #tpu.memory_space<vmem>>) target(%dma_start3A_1367 : memref<128x64xf32, #tpu.memory_space<hbm>>) target_semaphore(%run_scoped3A_1363 : memref<!tpu.dma_semaphore, #tpu.memory_space<semaphore_mem>>)
      %dma_wait3A_1368 = arith.constant 0 : i32
      %dma_wait3A_1369 = tpu.memref_slice %arg5[%add3A_1014, %dma_wait3A_1368] : memref<61440x64xf32, #tpu.memory_space<hbm>> -> memref<128x64xf32, #tpu.memory_space<hbm>>
      %dma_wait3A_1370 = arith.constant 0 : i32
      %dma_wait3A_1371 = tpu.memref_slice %arg5[%add3A_1014, %dma_wait3A_1370] : memref<61440x64xf32, #tpu.memory_space<hbm>> -> memref<128x64xf32, #tpu.memory_space<hbm>>
      tpu.wait_dma2 semaphore(%run_scoped3A_1363 : memref<!tpu.dma_semaphore, #tpu.memory_space<semaphore_mem>>) src(%arg11 : memref<128x64xf32, #tpu.memory_space<vmem>>) dst(%dma_wait3A_1371 : memref<128x64xf32, #tpu.memory_space<hbm>>)
      tpu.yield
    }) : () -> ()
    %mul3A_1015 = arith.constant 640 : i32
    %mul3A_1016 = arith.muli %arg1, %mul3A_1015 : i32
    %add3A_1017 = arith.constant 128 : i32
    %add3A_1018 = arith.addi %mul3A_1016, %add3A_1017 : i32
    "tpu.region"() ({
      %run_scoped3A_1363 = tpu.sem_alloc : memref<!tpu.dma_semaphore, #tpu.memory_space<semaphore_mem>>
      %dma_start3A_1364 = arith.constant 0 : i32
      %dma_start3A_1365 = tpu.memref_slice %arg12[%add3A_1018, %dma_start3A_1364] : memref<10240x64xf32, #tpu.memory_space<vmem_shared>> -> memref<128x64xf32, #tpu.memory_space<vmem_shared>>
      %dma_start3A_1366 = arith.constant 0 : i32
      %dma_start3A_1367 = tpu.memref_slice %arg12[%add3A_1018, %dma_start3A_1366] : memref<10240x64xf32, #tpu.memory_space<vmem_shared>> -> memref<128x64xf32, #tpu.memory_space<vmem_shared>>
      tpu.enqueue_dma source(%dma_start3A_1367 : memref<128x64xf32, #tpu.memory_space<vmem_shared>>) target(%arg11 : memref<128x64xf32, #tpu.memory_space<vmem>>) target_semaphore(%run_scoped3A_1363 : memref<!tpu.dma_semaphore, #tpu.memory_space<semaphore_mem>>)
      %dma_wait3A_1368 = arith.constant 0 : i32
      %dma_wait3A_1369 = tpu.memref_slice %arg12[%add3A_1018, %dma_wait3A_1368] : memref<10240x64xf32, #tpu.memory_space<vmem_shared>> -> memref<128x64xf32, #tpu.memory_space<vmem_shared>>
      %dma_wait3A_1370 = arith.constant 0 : i32
      %dma_wait3A_1371 = tpu.memref_slice %arg12[%add3A_1018, %dma_wait3A_1370] : memref<10240x64xf32, #tpu.memory_space<vmem_shared>> -> memref<128x64xf32, #tpu.memory_space<vmem_shared>>
      tpu.wait_dma2 semaphore(%run_scoped3A_1363 : memref<!tpu.dma_semaphore, #tpu.memory_space<semaphore_mem>>) src(%dma_wait3A_1371 : memref<128x64xf32, #tpu.memory_space<vmem_shared>>) dst(%arg11 : memref<128x64xf32, #tpu.memory_space<vmem>>)
      tpu.yield
    }) : () -> ()
    %mul3A_1019 = arith.constant 3 : i32
    %mul3A_1020 = arith.muli %arg0, %mul3A_1019 : i32
    %add3A_1021 = arith.constant 1 : i32
    %add3A_1022 = arith.addi %mul3A_1020, %add3A_1021 : i32
    %mul3A_1023 = arith.constant 10240 : i32
    %mul3A_1024 = arith.muli %add3A_1022, %mul3A_1023 : i32
    %add3A_1025 = arith.addi %mul3A_1024, %add3A_1018 : i32
    "tpu.region"() ({
      %run_scoped3A_1363 = tpu.sem_alloc : memref<!tpu.dma_semaphore, #tpu.memory_space<semaphore_mem>>
      %dma_start3A_1364 = arith.constant 0 : i32
      %dma_start3A_1365 = tpu.memref_slice %arg5[%add3A_1025, %dma_start3A_1364] : memref<61440x64xf32, #tpu.memory_space<hbm>> -> memref<128x64xf32, #tpu.memory_space<hbm>>
      %dma_start3A_1366 = arith.constant 0 : i32
      %dma_start3A_1367 = tpu.memref_slice %arg5[%add3A_1025, %dma_start3A_1366] : memref<61440x64xf32, #tpu.memory_space<hbm>> -> memref<128x64xf32, #tpu.memory_space<hbm>>
      tpu.enqueue_dma source(%arg11 : memref<128x64xf32, #tpu.memory_space<vmem>>) target(%dma_start3A_1367 : memref<128x64xf32, #tpu.memory_space<hbm>>) target_semaphore(%run_scoped3A_1363 : memref<!tpu.dma_semaphore, #tpu.memory_space<semaphore_mem>>)
      %dma_wait3A_1368 = arith.constant 0 : i32
      %dma_wait3A_1369 = tpu.memref_slice %arg5[%add3A_1025, %dma_wait3A_1368] : memref<61440x64xf32, #tpu.memory_space<hbm>> -> memref<128x64xf32, #tpu.memory_space<hbm>>
      %dma_wait3A_1370 = arith.constant 0 : i32
      %dma_wait3A_1371 = tpu.memref_slice %arg5[%add3A_1025, %dma_wait3A_1370] : memref<61440x64xf32, #tpu.memory_space<hbm>> -> memref<128x64xf32, #tpu.memory_space<hbm>>
      tpu.wait_dma2 semaphore(%run_scoped3A_1363 : memref<!tpu.dma_semaphore, #tpu.memory_space<semaphore_mem>>) src(%arg11 : memref<128x64xf32, #tpu.memory_space<vmem>>) dst(%dma_wait3A_1371 : memref<128x64xf32, #tpu.memory_space<hbm>>)
      tpu.yield
    }) : () -> ()
    %mul3A_1026 = arith.constant 640 : i32
    %mul3A_1027 = arith.muli %arg1, %mul3A_1026 : i32
    %add3A_1028 = arith.constant 256 : i32
    %add3A_1029 = arith.addi %mul3A_1027, %add3A_1028 : i32
    "tpu.region"() ({
      %run_scoped3A_1363 = tpu.sem_alloc : memref<!tpu.dma_semaphore, #tpu.memory_space<semaphore_mem>>
      %dma_start3A_1364 = arith.constant 0 : i32
      %dma_start3A_1365 = tpu.memref_slice %arg12[%add3A_1029, %dma_start3A_1364] : memref<10240x64xf32, #tpu.memory_space<vmem_shared>> -> memref<128x64xf32, #tpu.memory_space<vmem_shared>>
      %dma_start3A_1366 = arith.constant 0 : i32
      %dma_start3A_1367 = tpu.memref_slice %arg12[%add3A_1029, %dma_start3A_1366] : memref<10240x64xf32, #tpu.memory_space<vmem_shared>> -> memref<128x64xf32, #tpu.memory_space<vmem_shared>>
      tpu.enqueue_dma source(%dma_start3A_1367 : memref<128x64xf32, #tpu.memory_space<vmem_shared>>) target(%arg11 : memref<128x64xf32, #tpu.memory_space<vmem>>) target_semaphore(%run_scoped3A_1363 : memref<!tpu.dma_semaphore, #tpu.memory_space<semaphore_mem>>)
      %dma_wait3A_1368 = arith.constant 0 : i32
      %dma_wait3A_1369 = tpu.memref_slice %arg12[%add3A_1029, %dma_wait3A_1368] : memref<10240x64xf32, #tpu.memory_space<vmem_shared>> -> memref<128x64xf32, #tpu.memory_space<vmem_shared>>
      %dma_wait3A_1370 = arith.constant 0 : i32
      %dma_wait3A_1371 = tpu.memref_slice %arg12[%add3A_1029, %dma_wait3A_1370] : memref<10240x64xf32, #tpu.memory_space<vmem_shared>> -> memref<128x64xf32, #tpu.memory_space<vmem_shared>>
      tpu.wait_dma2 semaphore(%run_scoped3A_1363 : memref<!tpu.dma_semaphore, #tpu.memory_space<semaphore_mem>>) src(%dma_wait3A_1371 : memref<128x64xf32, #tpu.memory_space<vmem_shared>>) dst(%arg11 : memref<128x64xf32, #tpu.memory_space<vmem>>)
      tpu.yield
    }) : () -> ()
    %mul3A_1030 = arith.constant 3 : i32
    %mul3A_1031 = arith.muli %arg0, %mul3A_1030 : i32
    %add3A_1032 = arith.constant 1 : i32
    %add3A_1033 = arith.addi %mul3A_1031, %add3A_1032 : i32
    %mul3A_1034 = arith.constant 10240 : i32
    %mul3A_1035 = arith.muli %add3A_1033, %mul3A_1034 : i32
    %add3A_1036 = arith.addi %mul3A_1035, %add3A_1029 : i32
    "tpu.region"() ({
      %run_scoped3A_1363 = tpu.sem_alloc : memref<!tpu.dma_semaphore, #tpu.memory_space<semaphore_mem>>
      %dma_start3A_1364 = arith.constant 0 : i32
      %dma_start3A_1365 = tpu.memref_slice %arg5[%add3A_1036, %dma_start3A_1364] : memref<61440x64xf32, #tpu.memory_space<hbm>> -> memref<128x64xf32, #tpu.memory_space<hbm>>
      %dma_start3A_1366 = arith.constant 0 : i32
      %dma_start3A_1367 = tpu.memref_slice %arg5[%add3A_1036, %dma_start3A_1366] : memref<61440x64xf32, #tpu.memory_space<hbm>> -> memref<128x64xf32, #tpu.memory_space<hbm>>
      tpu.enqueue_dma source(%arg11 : memref<128x64xf32, #tpu.memory_space<vmem>>) target(%dma_start3A_1367 : memref<128x64xf32, #tpu.memory_space<hbm>>) target_semaphore(%run_scoped3A_1363 : memref<!tpu.dma_semaphore, #tpu.memory_space<semaphore_mem>>)
      %dma_wait3A_1368 = arith.constant 0 : i32
      %dma_wait3A_1369 = tpu.memref_slice %arg5[%add3A_1036, %dma_wait3A_1368] : memref<61440x64xf32, #tpu.memory_space<hbm>> -> memref<128x64xf32, #tpu.memory_space<hbm>>
      %dma_wait3A_1370 = arith.constant 0 : i32
      %dma_wait3A_1371 = tpu.memref_slice %arg5[%add3A_1036, %dma_wait3A_1370] : memref<61440x64xf32, #tpu.memory_space<hbm>> -> memref<128x64xf32, #tpu.memory_space<hbm>>
      tpu.wait_dma2 semaphore(%run_scoped3A_1363 : memref<!tpu.dma_semaphore, #tpu.memory_space<semaphore_mem>>) src(%arg11 : memref<128x64xf32, #tpu.memory_space<vmem>>) dst(%dma_wait3A_1371 : memref<128x64xf32, #tpu.memory_space<hbm>>)
      tpu.yield
    }) : () -> ()
    %mul3A_1037 = arith.constant 640 : i32
    %mul3A_1038 = arith.muli %arg1, %mul3A_1037 : i32
    %add3A_1039 = arith.constant 384 : i32
    %add3A_1040 = arith.addi %mul3A_1038, %add3A_1039 : i32
    "tpu.region"() ({
      %run_scoped3A_1363 = tpu.sem_alloc : memref<!tpu.dma_semaphore, #tpu.memory_space<semaphore_mem>>
      %dma_start3A_1364 = arith.constant 0 : i32
      %dma_start3A_1365 = tpu.memref_slice %arg12[%add3A_1040, %dma_start3A_1364] : memref<10240x64xf32, #tpu.memory_space<vmem_shared>> -> memref<128x64xf32, #tpu.memory_space<vmem_shared>>
      %dma_start3A_1366 = arith.constant 0 : i32
      %dma_start3A_1367 = tpu.memref_slice %arg12[%add3A_1040, %dma_start3A_1366] : memref<10240x64xf32, #tpu.memory_space<vmem_shared>> -> memref<128x64xf32, #tpu.memory_space<vmem_shared>>
      tpu.enqueue_dma source(%dma_start3A_1367 : memref<128x64xf32, #tpu.memory_space<vmem_shared>>) target(%arg11 : memref<128x64xf32, #tpu.memory_space<vmem>>) target_semaphore(%run_scoped3A_1363 : memref<!tpu.dma_semaphore, #tpu.memory_space<semaphore_mem>>)
      %dma_wait3A_1368 = arith.constant 0 : i32
      %dma_wait3A_1369 = tpu.memref_slice %arg12[%add3A_1040, %dma_wait3A_1368] : memref<10240x64xf32, #tpu.memory_space<vmem_shared>> -> memref<128x64xf32, #tpu.memory_space<vmem_shared>>
      %dma_wait3A_1370 = arith.constant 0 : i32
      %dma_wait3A_1371 = tpu.memref_slice %arg12[%add3A_1040, %dma_wait3A_1370] : memref<10240x64xf32, #tpu.memory_space<vmem_shared>> -> memref<128x64xf32, #tpu.memory_space<vmem_shared>>
      tpu.wait_dma2 semaphore(%run_scoped3A_1363 : memref<!tpu.dma_semaphore, #tpu.memory_space<semaphore_mem>>) src(%dma_wait3A_1371 : memref<128x64xf32, #tpu.memory_space<vmem_shared>>) dst(%arg11 : memref<128x64xf32, #tpu.memory_space<vmem>>)
      tpu.yield
    }) : () -> ()
    %mul3A_1041 = arith.constant 3 : i32
    %mul3A_1042 = arith.muli %arg0, %mul3A_1041 : i32
    %add3A_1043 = arith.constant 1 : i32
    %add3A_1044 = arith.addi %mul3A_1042, %add3A_1043 : i32
    %mul3A_1045 = arith.constant 10240 : i32
    %mul3A_1046 = arith.muli %add3A_1044, %mul3A_1045 : i32
    %add3A_1047 = arith.addi %mul3A_1046, %add3A_1040 : i32
    "tpu.region"() ({
      %run_scoped3A_1363 = tpu.sem_alloc : memref<!tpu.dma_semaphore, #tpu.memory_space<semaphore_mem>>
      %dma_start3A_1364 = arith.constant 0 : i32
      %dma_start3A_1365 = tpu.memref_slice %arg5[%add3A_1047, %dma_start3A_1364] : memref<61440x64xf32, #tpu.memory_space<hbm>> -> memref<128x64xf32, #tpu.memory_space<hbm>>
      %dma_start3A_1366 = arith.constant 0 : i32
      %dma_start3A_1367 = tpu.memref_slice %arg5[%add3A_1047, %dma_start3A_1366] : memref<61440x64xf32, #tpu.memory_space<hbm>> -> memref<128x64xf32, #tpu.memory_space<hbm>>
      tpu.enqueue_dma source(%arg11 : memref<128x64xf32, #tpu.memory_space<vmem>>) target(%dma_start3A_1367 : memref<128x64xf32, #tpu.memory_space<hbm>>) target_semaphore(%run_scoped3A_1363 : memref<!tpu.dma_semaphore, #tpu.memory_space<semaphore_mem>>)
      %dma_wait3A_1368 = arith.constant 0 : i32
      %dma_wait3A_1369 = tpu.memref_slice %arg5[%add3A_1047, %dma_wait3A_1368] : memref<61440x64xf32, #tpu.memory_space<hbm>> -> memref<128x64xf32, #tpu.memory_space<hbm>>
      %dma_wait3A_1370 = arith.constant 0 : i32
      %dma_wait3A_1371 = tpu.memref_slice %arg5[%add3A_1047, %dma_wait3A_1370] : memref<61440x64xf32, #tpu.memory_space<hbm>> -> memref<128x64xf32, #tpu.memory_space<hbm>>
      tpu.wait_dma2 semaphore(%run_scoped3A_1363 : memref<!tpu.dma_semaphore, #tpu.memory_space<semaphore_mem>>) src(%arg11 : memref<128x64xf32, #tpu.memory_space<vmem>>) dst(%dma_wait3A_1371 : memref<128x64xf32, #tpu.memory_space<hbm>>)
      tpu.yield
    }) : () -> ()
    %mul3A_1048 = arith.constant 640 : i32
    %mul3A_1049 = arith.muli %arg1, %mul3A_1048 : i32
    %add3A_1050 = arith.constant 512 : i32
    %add3A_1051 = arith.addi %mul3A_1049, %add3A_1050 : i32
    "tpu.region"() ({
      %run_scoped3A_1363 = tpu.sem_alloc : memref<!tpu.dma_semaphore, #tpu.memory_space<semaphore_mem>>
      %dma_start3A_1364 = arith.constant 0 : i32
      %dma_start3A_1365 = tpu.memref_slice %arg12[%add3A_1051, %dma_start3A_1364] : memref<10240x64xf32, #tpu.memory_space<vmem_shared>> -> memref<128x64xf32, #tpu.memory_space<vmem_shared>>
      %dma_start3A_1366 = arith.constant 0 : i32
      %dma_start3A_1367 = tpu.memref_slice %arg12[%add3A_1051, %dma_start3A_1366] : memref<10240x64xf32, #tpu.memory_space<vmem_shared>> -> memref<128x64xf32, #tpu.memory_space<vmem_shared>>
      tpu.enqueue_dma source(%dma_start3A_1367 : memref<128x64xf32, #tpu.memory_space<vmem_shared>>) target(%arg11 : memref<128x64xf32, #tpu.memory_space<vmem>>) target_semaphore(%run_scoped3A_1363 : memref<!tpu.dma_semaphore, #tpu.memory_space<semaphore_mem>>)
      %dma_wait3A_1368 = arith.constant 0 : i32
      %dma_wait3A_1369 = tpu.memref_slice %arg12[%add3A_1051, %dma_wait3A_1368] : memref<10240x64xf32, #tpu.memory_space<vmem_shared>> -> memref<128x64xf32, #tpu.memory_space<vmem_shared>>
      %dma_wait3A_1370 = arith.constant 0 : i32
      %dma_wait3A_1371 = tpu.memref_slice %arg12[%add3A_1051, %dma_wait3A_1370] : memref<10240x64xf32, #tpu.memory_space<vmem_shared>> -> memref<128x64xf32, #tpu.memory_space<vmem_shared>>
      tpu.wait_dma2 semaphore(%run_scoped3A_1363 : memref<!tpu.dma_semaphore, #tpu.memory_space<semaphore_mem>>) src(%dma_wait3A_1371 : memref<128x64xf32, #tpu.memory_space<vmem_shared>>) dst(%arg11 : memref<128x64xf32, #tpu.memory_space<vmem>>)
      tpu.yield
    }) : () -> ()
    %mul3A_1052 = arith.constant 3 : i32
    %mul3A_1053 = arith.muli %arg0, %mul3A_1052 : i32
    %add3A_1054 = arith.constant 1 : i32
    %add3A_1055 = arith.addi %mul3A_1053, %add3A_1054 : i32
    %mul3A_1056 = arith.constant 10240 : i32
    %mul3A_1057 = arith.muli %add3A_1055, %mul3A_1056 : i32
    %add3A_1058 = arith.addi %mul3A_1057, %add3A_1051 : i32
    "tpu.region"() ({
      %run_scoped3A_1363 = tpu.sem_alloc : memref<!tpu.dma_semaphore, #tpu.memory_space<semaphore_mem>>
      %dma_start3A_1364 = arith.constant 0 : i32
      %dma_start3A_1365 = tpu.memref_slice %arg5[%add3A_1058, %dma_start3A_1364] : memref<61440x64xf32, #tpu.memory_space<hbm>> -> memref<128x64xf32, #tpu.memory_space<hbm>>
      %dma_start3A_1366 = arith.constant 0 : i32
      %dma_start3A_1367 = tpu.memref_slice %arg5[%add3A_1058, %dma_start3A_1366] : memref<61440x64xf32, #tpu.memory_space<hbm>> -> memref<128x64xf32, #tpu.memory_space<hbm>>
      tpu.enqueue_dma source(%arg11 : memref<128x64xf32, #tpu.memory_space<vmem>>) target(%dma_start3A_1367 : memref<128x64xf32, #tpu.memory_space<hbm>>) target_semaphore(%run_scoped3A_1363 : memref<!tpu.dma_semaphore, #tpu.memory_space<semaphore_mem>>)
      %dma_wait3A_1368 = arith.constant 0 : i32
      %dma_wait3A_1369 = tpu.memref_slice %arg5[%add3A_1058, %dma_wait3A_1368] : memref<61440x64xf32, #tpu.memory_space<hbm>> -> memref<128x64xf32, #tpu.memory_space<hbm>>
      %dma_wait3A_1370 = arith.constant 0 : i32
      %dma_wait3A_1371 = tpu.memref_slice %arg5[%add3A_1058, %dma_wait3A_1370] : memref<61440x64xf32, #tpu.memory_space<hbm>> -> memref<128x64xf32, #tpu.memory_space<hbm>>
      tpu.wait_dma2 semaphore(%run_scoped3A_1363 : memref<!tpu.dma_semaphore, #tpu.memory_space<semaphore_mem>>) src(%arg11 : memref<128x64xf32, #tpu.memory_space<vmem>>) dst(%dma_wait3A_1371 : memref<128x64xf32, #tpu.memory_space<hbm>>)
      tpu.yield
    }) : () -> ()
    %barrier3A_1059 = arith.constant 0 : index
    tpu.barrier barrier_id(%barrier3A_1059)
    %mul3A_1060 = arith.constant 640 : i32
    %mul3A_1061 = arith.muli %arg1, %mul3A_1060 : i32
    %add3A_1062 = arith.constant 0 : i32
    %add3A_1063 = arith.addi %mul3A_1061, %add3A_1062 : i32
    "tpu.region"() ({
      %run_scoped3A_1363 = tpu.sem_alloc : memref<!tpu.dma_semaphore, #tpu.memory_space<semaphore_mem>>
      %dma_start3A_1364 = arith.constant 0 : i32
      %dma_start3A_1365 = tpu.memref_slice %arg12[%add3A_1063, %dma_start3A_1364] : memref<10240x64xf32, #tpu.memory_space<vmem_shared>> -> memref<128x64xf32, #tpu.memory_space<vmem_shared>>
      %dma_start3A_1366 = arith.constant 0 : i32
      %dma_start3A_1367 = tpu.memref_slice %arg12[%add3A_1063, %dma_start3A_1366] : memref<10240x64xf32, #tpu.memory_space<vmem_shared>> -> memref<128x64xf32, #tpu.memory_space<vmem_shared>>
      tpu.enqueue_dma source(%arg10 : memref<128x64xf32, #tpu.memory_space<vmem>>) target(%dma_start3A_1367 : memref<128x64xf32, #tpu.memory_space<vmem_shared>>) target_semaphore(%run_scoped3A_1363 : memref<!tpu.dma_semaphore, #tpu.memory_space<semaphore_mem>>)
      %dma_wait3A_1368 = arith.constant 0 : i32
      %dma_wait3A_1369 = tpu.memref_slice %arg12[%add3A_1063, %dma_wait3A_1368] : memref<10240x64xf32, #tpu.memory_space<vmem_shared>> -> memref<128x64xf32, #tpu.memory_space<vmem_shared>>
      %dma_wait3A_1370 = arith.constant 0 : i32
      %dma_wait3A_1371 = tpu.memref_slice %arg12[%add3A_1063, %dma_wait3A_1370] : memref<10240x64xf32, #tpu.memory_space<vmem_shared>> -> memref<128x64xf32, #tpu.memory_space<vmem_shared>>
      tpu.wait_dma2 semaphore(%run_scoped3A_1363 : memref<!tpu.dma_semaphore, #tpu.memory_space<semaphore_mem>>) src(%arg10 : memref<128x64xf32, #tpu.memory_space<vmem>>) dst(%dma_wait3A_1371 : memref<128x64xf32, #tpu.memory_space<vmem_shared>>)
      tpu.yield
    }) : () -> ()
    %mul3A_1064 = arith.constant 640 : i32
    %mul3A_1065 = arith.muli %arg1, %mul3A_1064 : i32
    %add3A_1066 = arith.constant 128 : i32
    %add3A_1067 = arith.addi %mul3A_1065, %add3A_1066 : i32
    "tpu.region"() ({
      %run_scoped3A_1363 = tpu.sem_alloc : memref<!tpu.dma_semaphore, #tpu.memory_space<semaphore_mem>>
      %dma_start3A_1364 = arith.constant 0 : i32
      %dma_start3A_1365 = tpu.memref_slice %arg12[%add3A_1067, %dma_start3A_1364] : memref<10240x64xf32, #tpu.memory_space<vmem_shared>> -> memref<128x64xf32, #tpu.memory_space<vmem_shared>>
      %dma_start3A_1366 = arith.constant 0 : i32
      %dma_start3A_1367 = tpu.memref_slice %arg12[%add3A_1067, %dma_start3A_1366] : memref<10240x64xf32, #tpu.memory_space<vmem_shared>> -> memref<128x64xf32, #tpu.memory_space<vmem_shared>>
      tpu.enqueue_dma source(%arg10 : memref<128x64xf32, #tpu.memory_space<vmem>>) target(%dma_start3A_1367 : memref<128x64xf32, #tpu.memory_space<vmem_shared>>) target_semaphore(%run_scoped3A_1363 : memref<!tpu.dma_semaphore, #tpu.memory_space<semaphore_mem>>)
      %dma_wait3A_1368 = arith.constant 0 : i32
      %dma_wait3A_1369 = tpu.memref_slice %arg12[%add3A_1067, %dma_wait3A_1368] : memref<10240x64xf32, #tpu.memory_space<vmem_shared>> -> memref<128x64xf32, #tpu.memory_space<vmem_shared>>
      %dma_wait3A_1370 = arith.constant 0 : i32
      %dma_wait3A_1371 = tpu.memref_slice %arg12[%add3A_1067, %dma_wait3A_1370] : memref<10240x64xf32, #tpu.memory_space<vmem_shared>> -> memref<128x64xf32, #tpu.memory_space<vmem_shared>>
      tpu.wait_dma2 semaphore(%run_scoped3A_1363 : memref<!tpu.dma_semaphore, #tpu.memory_space<semaphore_mem>>) src(%arg10 : memref<128x64xf32, #tpu.memory_space<vmem>>) dst(%dma_wait3A_1371 : memref<128x64xf32, #tpu.memory_space<vmem_shared>>)
      tpu.yield
    }) : () -> ()
    %mul3A_1068 = arith.constant 640 : i32
    %mul3A_1069 = arith.muli %arg1, %mul3A_1068 : i32
    %add3A_1070 = arith.constant 256 : i32
    %add3A_1071 = arith.addi %mul3A_1069, %add3A_1070 : i32
    "tpu.region"() ({
      %run_scoped3A_1363 = tpu.sem_alloc : memref<!tpu.dma_semaphore, #tpu.memory_space<semaphore_mem>>
      %dma_start3A_1364 = arith.constant 0 : i32
      %dma_start3A_1365 = tpu.memref_slice %arg12[%add3A_1071, %dma_start3A_1364] : memref<10240x64xf32, #tpu.memory_space<vmem_shared>> -> memref<128x64xf32, #tpu.memory_space<vmem_shared>>
      %dma_start3A_1366 = arith.constant 0 : i32
      %dma_start3A_1367 = tpu.memref_slice %arg12[%add3A_1071, %dma_start3A_1366] : memref<10240x64xf32, #tpu.memory_space<vmem_shared>> -> memref<128x64xf32, #tpu.memory_space<vmem_shared>>
      tpu.enqueue_dma source(%arg10 : memref<128x64xf32, #tpu.memory_space<vmem>>) target(%dma_start3A_1367 : memref<128x64xf32, #tpu.memory_space<vmem_shared>>) target_semaphore(%run_scoped3A_1363 : memref<!tpu.dma_semaphore, #tpu.memory_space<semaphore_mem>>)
      %dma_wait3A_1368 = arith.constant 0 : i32
      %dma_wait3A_1369 = tpu.memref_slice %arg12[%add3A_1071, %dma_wait3A_1368] : memref<10240x64xf32, #tpu.memory_space<vmem_shared>> -> memref<128x64xf32, #tpu.memory_space<vmem_shared>>
      %dma_wait3A_1370 = arith.constant 0 : i32
      %dma_wait3A_1371 = tpu.memref_slice %arg12[%add3A_1071, %dma_wait3A_1370] : memref<10240x64xf32, #tpu.memory_space<vmem_shared>> -> memref<128x64xf32, #tpu.memory_space<vmem_shared>>
      tpu.wait_dma2 semaphore(%run_scoped3A_1363 : memref<!tpu.dma_semaphore, #tpu.memory_space<semaphore_mem>>) src(%arg10 : memref<128x64xf32, #tpu.memory_space<vmem>>) dst(%dma_wait3A_1371 : memref<128x64xf32, #tpu.memory_space<vmem_shared>>)
      tpu.yield
    }) : () -> ()
    %mul3A_1072 = arith.constant 640 : i32
    %mul3A_1073 = arith.muli %arg1, %mul3A_1072 : i32
    %add3A_1074 = arith.constant 384 : i32
    %add3A_1075 = arith.addi %mul3A_1073, %add3A_1074 : i32
    "tpu.region"() ({
      %run_scoped3A_1363 = tpu.sem_alloc : memref<!tpu.dma_semaphore, #tpu.memory_space<semaphore_mem>>
      %dma_start3A_1364 = arith.constant 0 : i32
      %dma_start3A_1365 = tpu.memref_slice %arg12[%add3A_1075, %dma_start3A_1364] : memref<10240x64xf32, #tpu.memory_space<vmem_shared>> -> memref<128x64xf32, #tpu.memory_space<vmem_shared>>
      %dma_start3A_1366 = arith.constant 0 : i32
      %dma_start3A_1367 = tpu.memref_slice %arg12[%add3A_1075, %dma_start3A_1366] : memref<10240x64xf32, #tpu.memory_space<vmem_shared>> -> memref<128x64xf32, #tpu.memory_space<vmem_shared>>
      tpu.enqueue_dma source(%arg10 : memref<128x64xf32, #tpu.memory_space<vmem>>) target(%dma_start3A_1367 : memref<128x64xf32, #tpu.memory_space<vmem_shared>>) target_semaphore(%run_scoped3A_1363 : memref<!tpu.dma_semaphore, #tpu.memory_space<semaphore_mem>>)
      %dma_wait3A_1368 = arith.constant 0 : i32
      %dma_wait3A_1369 = tpu.memref_slice %arg12[%add3A_1075, %dma_wait3A_1368] : memref<10240x64xf32, #tpu.memory_space<vmem_shared>> -> memref<128x64xf32, #tpu.memory_space<vmem_shared>>
      %dma_wait3A_1370 = arith.constant 0 : i32
      %dma_wait3A_1371 = tpu.memref_slice %arg12[%add3A_1075, %dma_wait3A_1370] : memref<10240x64xf32, #tpu.memory_space<vmem_shared>> -> memref<128x64xf32, #tpu.memory_space<vmem_shared>>
      tpu.wait_dma2 semaphore(%run_scoped3A_1363 : memref<!tpu.dma_semaphore, #tpu.memory_space<semaphore_mem>>) src(%arg10 : memref<128x64xf32, #tpu.memory_space<vmem>>) dst(%dma_wait3A_1371 : memref<128x64xf32, #tpu.memory_space<vmem_shared>>)
      tpu.yield
    }) : () -> ()
    %mul3A_1076 = arith.constant 640 : i32
    %mul3A_1077 = arith.muli %arg1, %mul3A_1076 : i32
    %add3A_1078 = arith.constant 512 : i32
    %add3A_1079 = arith.addi %mul3A_1077, %add3A_1078 : i32
    "tpu.region"() ({
      %run_scoped3A_1363 = tpu.sem_alloc : memref<!tpu.dma_semaphore, #tpu.memory_space<semaphore_mem>>
      %dma_start3A_1364 = arith.constant 0 : i32
      %dma_start3A_1365 = tpu.memref_slice %arg12[%add3A_1079, %dma_start3A_1364] : memref<10240x64xf32, #tpu.memory_space<vmem_shared>> -> memref<128x64xf32, #tpu.memory_space<vmem_shared>>
      %dma_start3A_1366 = arith.constant 0 : i32
      %dma_start3A_1367 = tpu.memref_slice %arg12[%add3A_1079, %dma_start3A_1366] : memref<10240x64xf32, #tpu.memory_space<vmem_shared>> -> memref<128x64xf32, #tpu.memory_space<vmem_shared>>
      tpu.enqueue_dma source(%arg10 : memref<128x64xf32, #tpu.memory_space<vmem>>) target(%dma_start3A_1367 : memref<128x64xf32, #tpu.memory_space<vmem_shared>>) target_semaphore(%run_scoped3A_1363 : memref<!tpu.dma_semaphore, #tpu.memory_space<semaphore_mem>>)
      %dma_wait3A_1368 = arith.constant 0 : i32
      %dma_wait3A_1369 = tpu.memref_slice %arg12[%add3A_1079, %dma_wait3A_1368] : memref<10240x64xf32, #tpu.memory_space<vmem_shared>> -> memref<128x64xf32, #tpu.memory_space<vmem_shared>>
      %dma_wait3A_1370 = arith.constant 0 : i32
      %dma_wait3A_1371 = tpu.memref_slice %arg12[%add3A_1079, %dma_wait3A_1370] : memref<10240x64xf32, #tpu.memory_space<vmem_shared>> -> memref<128x64xf32, #tpu.memory_space<vmem_shared>>
      tpu.wait_dma2 semaphore(%run_scoped3A_1363 : memref<!tpu.dma_semaphore, #tpu.memory_space<semaphore_mem>>) src(%arg10 : memref<128x64xf32, #tpu.memory_space<vmem>>) dst(%dma_wait3A_1371 : memref<128x64xf32, #tpu.memory_space<vmem_shared>>)
      tpu.yield
    }) : () -> ()
    %barrier3A_1080 = arith.constant 0 : index
    tpu.barrier barrier_id(%barrier3A_1080)
    %run_scoped3A_1081 = arith.constant 4 : i32
    "tpu.region"() ({
      %run_scoped3A_1363 = tpu.sem_alloc : memref<!tpu.dma_semaphore, #tpu.memory_space<semaphore_mem>>
      %dma_start3A_1364 = arith.constant 0 : i32
      %dma_start3A_1365 = arith.constant 0 : i32
      %dma_start3A_1366 = tpu.memref_slice %arg3[%arg0, %run_scoped3A_1081, %arg1, %dma_start3A_1364, %dma_start3A_1365] : memref<2x5x16x8x512xi32, #tpu.memory_space<hbm>> -> memref<1x1x1x8x512xi32, #tpu.memory_space<hbm>>
      %dma_start3A_1367 = tpu.memref_squeeze %dma_start3A_1366 : memref<1x1x1x8x512xi32, #tpu.memory_space<hbm>> -> memref<8x512xi32, #tpu.memory_space<hbm>>
      %dma_start3A_1368 = arith.constant 0 : i32
      %dma_start3A_1369 = arith.constant 0 : i32
      %dma_start3A_1370 = tpu.memref_slice %arg3[%arg0, %run_scoped3A_1081, %arg1, %dma_start3A_1368, %dma_start3A_1369] : memref<2x5x16x8x512xi32, #tpu.memory_space<hbm>> -> memref<1x1x1x8x512xi32, #tpu.memory_space<hbm>>
      %dma_start3A_1371 = tpu.memref_squeeze %dma_start3A_1370 : memref<1x1x1x8x512xi32, #tpu.memory_space<hbm>> -> memref<8x512xi32, #tpu.memory_space<hbm>>
      tpu.enqueue_dma source(%dma_start3A_1371 : memref<8x512xi32, #tpu.memory_space<hbm>>) target(%arg6 : memref<8x512xi32, #tpu.memory_space<vmem>>) target_semaphore(%run_scoped3A_1363 : memref<!tpu.dma_semaphore, #tpu.memory_space<semaphore_mem>>)
      %dma_wait3A_1372 = arith.constant 0 : i32
      %dma_wait3A_1373 = arith.constant 0 : i32
      %dma_wait3A_1374 = tpu.memref_slice %arg3[%arg0, %run_scoped3A_1081, %arg1, %dma_wait3A_1372, %dma_wait3A_1373] : memref<2x5x16x8x512xi32, #tpu.memory_space<hbm>> -> memref<1x1x1x8x512xi32, #tpu.memory_space<hbm>>
      %dma_wait3A_1375 = tpu.memref_squeeze %dma_wait3A_1374 : memref<1x1x1x8x512xi32, #tpu.memory_space<hbm>> -> memref<8x512xi32, #tpu.memory_space<hbm>>
      %dma_wait3A_1376 = arith.constant 0 : i32
      %dma_wait3A_1377 = arith.constant 0 : i32
      %dma_wait3A_1378 = tpu.memref_slice %arg3[%arg0, %run_scoped3A_1081, %arg1, %dma_wait3A_1376, %dma_wait3A_1377] : memref<2x5x16x8x512xi32, #tpu.memory_space<hbm>> -> memref<1x1x1x8x512xi32, #tpu.memory_space<hbm>>
      %dma_wait3A_1379 = tpu.memref_squeeze %dma_wait3A_1378 : memref<1x1x1x8x512xi32, #tpu.memory_space<hbm>> -> memref<8x512xi32, #tpu.memory_space<hbm>>
      tpu.wait_dma2 semaphore(%run_scoped3A_1363 : memref<!tpu.dma_semaphore, #tpu.memory_space<semaphore_mem>>) src(%dma_wait3A_1379 : memref<8x512xi32, #tpu.memory_space<hbm>>) dst(%arg6 : memref<8x512xi32, #tpu.memory_space<vmem>>)
      tpu.yield
    }) : () -> ()
    %run_scoped3A_1082 = arith.constant 4 : i32
    "tpu.region"() ({
      %run_scoped3A_1363 = tpu.sem_alloc : memref<!tpu.dma_semaphore, #tpu.memory_space<semaphore_mem>>
      %dma_start3A_1364 = arith.constant 0 : i32
      %dma_start3A_1365 = arith.constant 0 : i32
      %dma_start3A_1366 = tpu.memref_slice %arg4[%arg0, %run_scoped3A_1082, %arg1, %dma_start3A_1364, %dma_start3A_1365] : memref<2x5x16x8x512xi32, #tpu.memory_space<hbm>> -> memref<1x1x1x8x512xi32, #tpu.memory_space<hbm>>
      %dma_start3A_1367 = tpu.memref_squeeze %dma_start3A_1366 : memref<1x1x1x8x512xi32, #tpu.memory_space<hbm>> -> memref<8x512xi32, #tpu.memory_space<hbm>>
      %dma_start3A_1368 = arith.constant 0 : i32
      %dma_start3A_1369 = arith.constant 0 : i32
      %dma_start3A_1370 = tpu.memref_slice %arg4[%arg0, %run_scoped3A_1082, %arg1, %dma_start3A_1368, %dma_start3A_1369] : memref<2x5x16x8x512xi32, #tpu.memory_space<hbm>> -> memref<1x1x1x8x512xi32, #tpu.memory_space<hbm>>
      %dma_start3A_1371 = tpu.memref_squeeze %dma_start3A_1370 : memref<1x1x1x8x512xi32, #tpu.memory_space<hbm>> -> memref<8x512xi32, #tpu.memory_space<hbm>>
      tpu.enqueue_dma source(%dma_start3A_1371 : memref<8x512xi32, #tpu.memory_space<hbm>>) target(%arg7 : memref<8x512xi32, #tpu.memory_space<vmem>>) target_semaphore(%run_scoped3A_1363 : memref<!tpu.dma_semaphore, #tpu.memory_space<semaphore_mem>>)
      %dma_wait3A_1372 = arith.constant 0 : i32
      %dma_wait3A_1373 = arith.constant 0 : i32
      %dma_wait3A_1374 = tpu.memref_slice %arg4[%arg0, %run_scoped3A_1082, %arg1, %dma_wait3A_1372, %dma_wait3A_1373] : memref<2x5x16x8x512xi32, #tpu.memory_space<hbm>> -> memref<1x1x1x8x512xi32, #tpu.memory_space<hbm>>
      %dma_wait3A_1375 = tpu.memref_squeeze %dma_wait3A_1374 : memref<1x1x1x8x512xi32, #tpu.memory_space<hbm>> -> memref<8x512xi32, #tpu.memory_space<hbm>>
      %dma_wait3A_1376 = arith.constant 0 : i32
      %dma_wait3A_1377 = arith.constant 0 : i32
      %dma_wait3A_1378 = tpu.memref_slice %arg4[%arg0, %run_scoped3A_1082, %arg1, %dma_wait3A_1376, %dma_wait3A_1377] : memref<2x5x16x8x512xi32, #tpu.memory_space<hbm>> -> memref<1x1x1x8x512xi32, #tpu.memory_space<hbm>>
      %dma_wait3A_1379 = tpu.memref_squeeze %dma_wait3A_1378 : memref<1x1x1x8x512xi32, #tpu.memory_space<hbm>> -> memref<8x512xi32, #tpu.memory_space<hbm>>
      tpu.wait_dma2 semaphore(%run_scoped3A_1363 : memref<!tpu.dma_semaphore, #tpu.memory_space<semaphore_mem>>) src(%dma_wait3A_1379 : memref<8x512xi32, #tpu.memory_space<hbm>>) dst(%arg7 : memref<8x512xi32, #tpu.memory_space<vmem>>)
      tpu.yield
    }) : () -> ()
    %dma_start3A_1083 = arith.constant 0 : i32
    %dma_start3A_1084 = arith.constant 0 : i32
    %dma_start3A_1085 = tpu.memref_slice %arg6[%dma_start3A_1083, %dma_start3A_1084] : memref<8x512xi32, #tpu.memory_space<vmem>> -> memref<1x512xi32, #tpu.memory_space<vmem>>
    %dma_start3A_1086 = tpu.memref_squeeze %dma_start3A_1085 : memref<1x512xi32, #tpu.memory_space<vmem>> -> memref<512xi32, #tpu.memory_space<vmem>>
    %dma_start3A_1087 = arith.constant 0 : i32
    %dma_start3A_1088 = arith.constant 0 : i32
    %dma_start3A_1089 = tpu.memref_slice %arg2[%dma_start3A_1087, %dma_start3A_1088] : memref<50000x64xf32, #tpu.memory_space<hbm>> -> memref<50000x64xf32, #tpu.memory_space<hbm>>
    tpu.enqueue_indirect_dma source(%dma_start3A_1089 : memref<50000x64xf32, #tpu.memory_space<hbm>>) target(%arg8 : memref<512x64xf32, #tpu.memory_space<vmem>>) offsets(%dma_start3A_1086 : memref<512xi32, #tpu.memory_space<vmem>>) semaphore(%arg15 : memref<!tpu.dma_semaphore, #tpu.memory_space<semaphore_mem>>)
    %dma_wait3A_1090 = arith.constant 0 : i32
    %dma_wait3A_1091 = arith.constant 0 : i32
    %dma_wait3A_1092 = tpu.memref_slice %arg6[%dma_wait3A_1090, %dma_wait3A_1091] : memref<8x512xi32, #tpu.memory_space<vmem>> -> memref<1x512xi32, #tpu.memory_space<vmem>>
    %dma_wait3A_1093 = tpu.memref_squeeze %dma_wait3A_1092 : memref<1x512xi32, #tpu.memory_space<vmem>> -> memref<512xi32, #tpu.memory_space<vmem>>
    %dma_wait3A_1094 = arith.constant 0 : i32
    %dma_wait3A_1095 = arith.constant 0 : i32
    %dma_wait3A_1096 = tpu.memref_slice %arg2[%dma_wait3A_1094, %dma_wait3A_1095] : memref<50000x64xf32, #tpu.memory_space<hbm>> -> memref<50000x64xf32, #tpu.memory_space<hbm>>
    tpu.wait_indirect_dma semaphore(%arg15 : memref<!tpu.dma_semaphore, #tpu.memory_space<semaphore_mem>>) src(%dma_wait3A_1096 : memref<50000x64xf32, #tpu.memory_space<hbm>>) dst(%arg8 : memref<512x64xf32, #tpu.memory_space<vmem>>)
    %dma_start3A_1097 = arith.constant 0 : i32
    %dma_start3A_1098 = arith.constant 0 : i32
    %dma_start3A_1099 = tpu.memref_slice %arg7[%dma_start3A_1097, %dma_start3A_1098] : memref<8x512xi32, #tpu.memory_space<vmem>> -> memref<1x512xi32, #tpu.memory_space<vmem>>
    %dma_start3A_1100 = tpu.memref_squeeze %dma_start3A_1099 : memref<1x512xi32, #tpu.memory_space<vmem>> -> memref<512xi32, #tpu.memory_space<vmem>>
    %dma_start3A_1101 = arith.constant 0 : i32
    %dma_start3A_1102 = arith.constant 0 : i32
    %dma_start3A_1103 = tpu.memref_slice %arg12[%dma_start3A_1101, %dma_start3A_1102] : memref<10240x64xf32, #tpu.memory_space<vmem_shared>> -> memref<10240x64xf32, #tpu.memory_space<vmem_shared>>
    tpu.enqueue_indirect_dma source(%arg8 : memref<512x64xf32, #tpu.memory_space<vmem>>) target(%dma_start3A_1103 : memref<10240x64xf32, #tpu.memory_space<vmem_shared>>) offsets(%dma_start3A_1100 : memref<512xi32, #tpu.memory_space<vmem>>) semaphore(%arg13 : memref<!tpu.dma_semaphore, #tpu.memory_space<semaphore_mem>>) {add = true}
    %dma_start3A_1104 = arith.constant 1 : i32
    %dma_start3A_1105 = arith.constant 0 : i32
    %dma_start3A_1106 = tpu.memref_slice %arg6[%dma_start3A_1104, %dma_start3A_1105] : memref<8x512xi32, #tpu.memory_space<vmem>> -> memref<1x512xi32, #tpu.memory_space<vmem>>
    %dma_start3A_1107 = tpu.memref_squeeze %dma_start3A_1106 : memref<1x512xi32, #tpu.memory_space<vmem>> -> memref<512xi32, #tpu.memory_space<vmem>>
    %dma_start3A_1108 = arith.constant 0 : i32
    %dma_start3A_1109 = arith.constant 0 : i32
    %dma_start3A_1110 = tpu.memref_slice %arg2[%dma_start3A_1108, %dma_start3A_1109] : memref<50000x64xf32, #tpu.memory_space<hbm>> -> memref<50000x64xf32, #tpu.memory_space<hbm>>
    tpu.enqueue_indirect_dma source(%dma_start3A_1110 : memref<50000x64xf32, #tpu.memory_space<hbm>>) target(%arg9 : memref<512x64xf32, #tpu.memory_space<vmem>>) offsets(%dma_start3A_1107 : memref<512xi32, #tpu.memory_space<vmem>>) semaphore(%arg15 : memref<!tpu.dma_semaphore, #tpu.memory_space<semaphore_mem>>)
    %dma_wait3A_1111 = arith.constant 1 : i32
    %dma_wait3A_1112 = arith.constant 0 : i32
    %dma_wait3A_1113 = tpu.memref_slice %arg6[%dma_wait3A_1111, %dma_wait3A_1112] : memref<8x512xi32, #tpu.memory_space<vmem>> -> memref<1x512xi32, #tpu.memory_space<vmem>>
    %dma_wait3A_1114 = tpu.memref_squeeze %dma_wait3A_1113 : memref<1x512xi32, #tpu.memory_space<vmem>> -> memref<512xi32, #tpu.memory_space<vmem>>
    %dma_wait3A_1115 = arith.constant 0 : i32
    %dma_wait3A_1116 = arith.constant 0 : i32
    %dma_wait3A_1117 = tpu.memref_slice %arg2[%dma_wait3A_1115, %dma_wait3A_1116] : memref<50000x64xf32, #tpu.memory_space<hbm>> -> memref<50000x64xf32, #tpu.memory_space<hbm>>
    tpu.wait_indirect_dma semaphore(%arg15 : memref<!tpu.dma_semaphore, #tpu.memory_space<semaphore_mem>>) src(%dma_wait3A_1117 : memref<50000x64xf32, #tpu.memory_space<hbm>>) dst(%arg9 : memref<512x64xf32, #tpu.memory_space<vmem>>)
    %dma_start3A_1118 = arith.constant 1 : i32
    %dma_start3A_1119 = arith.constant 0 : i32
    %dma_start3A_1120 = tpu.memref_slice %arg7[%dma_start3A_1118, %dma_start3A_1119] : memref<8x512xi32, #tpu.memory_space<vmem>> -> memref<1x512xi32, #tpu.memory_space<vmem>>
    %dma_start3A_1121 = tpu.memref_squeeze %dma_start3A_1120 : memref<1x512xi32, #tpu.memory_space<vmem>> -> memref<512xi32, #tpu.memory_space<vmem>>
    %dma_start3A_1122 = arith.constant 0 : i32
    %dma_start3A_1123 = arith.constant 0 : i32
    %dma_start3A_1124 = tpu.memref_slice %arg12[%dma_start3A_1122, %dma_start3A_1123] : memref<10240x64xf32, #tpu.memory_space<vmem_shared>> -> memref<10240x64xf32, #tpu.memory_space<vmem_shared>>
    tpu.enqueue_indirect_dma source(%arg9 : memref<512x64xf32, #tpu.memory_space<vmem>>) target(%dma_start3A_1124 : memref<10240x64xf32, #tpu.memory_space<vmem_shared>>) offsets(%dma_start3A_1121 : memref<512xi32, #tpu.memory_space<vmem>>) semaphore(%arg14 : memref<!tpu.dma_semaphore, #tpu.memory_space<semaphore_mem>>) {add = true}
    %dma_wait3A_1125 = arith.constant 0 : i32
    %dma_wait3A_1126 = arith.constant 0 : i32
    %dma_wait3A_1127 = tpu.memref_slice %arg7[%dma_wait3A_1125, %dma_wait3A_1126] : memref<8x512xi32, #tpu.memory_space<vmem>> -> memref<1x512xi32, #tpu.memory_space<vmem>>
    %dma_wait3A_1128 = tpu.memref_squeeze %dma_wait3A_1127 : memref<1x512xi32, #tpu.memory_space<vmem>> -> memref<512xi32, #tpu.memory_space<vmem>>
    %dma_wait3A_1129 = arith.constant 0 : i32
    %dma_wait3A_1130 = arith.constant 0 : i32
    %dma_wait3A_1131 = tpu.memref_slice %arg12[%dma_wait3A_1129, %dma_wait3A_1130] : memref<10240x64xf32, #tpu.memory_space<vmem_shared>> -> memref<10240x64xf32, #tpu.memory_space<vmem_shared>>
    tpu.wait_indirect_dma semaphore(%arg13 : memref<!tpu.dma_semaphore, #tpu.memory_space<semaphore_mem>>) src(%arg8 : memref<512x64xf32, #tpu.memory_space<vmem>>) dst(%dma_wait3A_1131 : memref<10240x64xf32, #tpu.memory_space<vmem_shared>>)
    %dma_start3A_1132 = arith.constant 2 : i32
    %dma_start3A_1133 = arith.constant 0 : i32
    %dma_start3A_1134 = tpu.memref_slice %arg6[%dma_start3A_1132, %dma_start3A_1133] : memref<8x512xi32, #tpu.memory_space<vmem>> -> memref<1x512xi32, #tpu.memory_space<vmem>>
    %dma_start3A_1135 = tpu.memref_squeeze %dma_start3A_1134 : memref<1x512xi32, #tpu.memory_space<vmem>> -> memref<512xi32, #tpu.memory_space<vmem>>
    %dma_start3A_1136 = arith.constant 0 : i32
    %dma_start3A_1137 = arith.constant 0 : i32
    %dma_start3A_1138 = tpu.memref_slice %arg2[%dma_start3A_1136, %dma_start3A_1137] : memref<50000x64xf32, #tpu.memory_space<hbm>> -> memref<50000x64xf32, #tpu.memory_space<hbm>>
    tpu.enqueue_indirect_dma source(%dma_start3A_1138 : memref<50000x64xf32, #tpu.memory_space<hbm>>) target(%arg8 : memref<512x64xf32, #tpu.memory_space<vmem>>) offsets(%dma_start3A_1135 : memref<512xi32, #tpu.memory_space<vmem>>) semaphore(%arg15 : memref<!tpu.dma_semaphore, #tpu.memory_space<semaphore_mem>>)
    %dma_wait3A_1139 = arith.constant 2 : i32
    %dma_wait3A_1140 = arith.constant 0 : i32
    %dma_wait3A_1141 = tpu.memref_slice %arg6[%dma_wait3A_1139, %dma_wait3A_1140] : memref<8x512xi32, #tpu.memory_space<vmem>> -> memref<1x512xi32, #tpu.memory_space<vmem>>
    %dma_wait3A_1142 = tpu.memref_squeeze %dma_wait3A_1141 : memref<1x512xi32, #tpu.memory_space<vmem>> -> memref<512xi32, #tpu.memory_space<vmem>>
    %dma_wait3A_1143 = arith.constant 0 : i32
    %dma_wait3A_1144 = arith.constant 0 : i32
    %dma_wait3A_1145 = tpu.memref_slice %arg2[%dma_wait3A_1143, %dma_wait3A_1144] : memref<50000x64xf32, #tpu.memory_space<hbm>> -> memref<50000x64xf32, #tpu.memory_space<hbm>>
    tpu.wait_indirect_dma semaphore(%arg15 : memref<!tpu.dma_semaphore, #tpu.memory_space<semaphore_mem>>) src(%dma_wait3A_1145 : memref<50000x64xf32, #tpu.memory_space<hbm>>) dst(%arg8 : memref<512x64xf32, #tpu.memory_space<vmem>>)
    %dma_start3A_1146 = arith.constant 2 : i32
    %dma_start3A_1147 = arith.constant 0 : i32
    %dma_start3A_1148 = tpu.memref_slice %arg7[%dma_start3A_1146, %dma_start3A_1147] : memref<8x512xi32, #tpu.memory_space<vmem>> -> memref<1x512xi32, #tpu.memory_space<vmem>>
    %dma_start3A_1149 = tpu.memref_squeeze %dma_start3A_1148 : memref<1x512xi32, #tpu.memory_space<vmem>> -> memref<512xi32, #tpu.memory_space<vmem>>
    %dma_start3A_1150 = arith.constant 0 : i32
    %dma_start3A_1151 = arith.constant 0 : i32
    %dma_start3A_1152 = tpu.memref_slice %arg12[%dma_start3A_1150, %dma_start3A_1151] : memref<10240x64xf32, #tpu.memory_space<vmem_shared>> -> memref<10240x64xf32, #tpu.memory_space<vmem_shared>>
    tpu.enqueue_indirect_dma source(%arg8 : memref<512x64xf32, #tpu.memory_space<vmem>>) target(%dma_start3A_1152 : memref<10240x64xf32, #tpu.memory_space<vmem_shared>>) offsets(%dma_start3A_1149 : memref<512xi32, #tpu.memory_space<vmem>>) semaphore(%arg13 : memref<!tpu.dma_semaphore, #tpu.memory_space<semaphore_mem>>) {add = true}
    %dma_wait3A_1153 = arith.constant 1 : i32
    %dma_wait3A_1154 = arith.constant 0 : i32
    %dma_wait3A_1155 = tpu.memref_slice %arg7[%dma_wait3A_1153, %dma_wait3A_1154] : memref<8x512xi32, #tpu.memory_space<vmem>> -> memref<1x512xi32, #tpu.memory_space<vmem>>
    %dma_wait3A_1156 = tpu.memref_squeeze %dma_wait3A_1155 : memref<1x512xi32, #tpu.memory_space<vmem>> -> memref<512xi32, #tpu.memory_space<vmem>>
    %dma_wait3A_1157 = arith.constant 0 : i32
    %dma_wait3A_1158 = arith.constant 0 : i32
    %dma_wait3A_1159 = tpu.memref_slice %arg12[%dma_wait3A_1157, %dma_wait3A_1158] : memref<10240x64xf32, #tpu.memory_space<vmem_shared>> -> memref<10240x64xf32, #tpu.memory_space<vmem_shared>>
    tpu.wait_indirect_dma semaphore(%arg14 : memref<!tpu.dma_semaphore, #tpu.memory_space<semaphore_mem>>) src(%arg9 : memref<512x64xf32, #tpu.memory_space<vmem>>) dst(%dma_wait3A_1159 : memref<10240x64xf32, #tpu.memory_space<vmem_shared>>)
    %dma_start3A_1160 = arith.constant 3 : i32
    %dma_start3A_1161 = arith.constant 0 : i32
    %dma_start3A_1162 = tpu.memref_slice %arg6[%dma_start3A_1160, %dma_start3A_1161] : memref<8x512xi32, #tpu.memory_space<vmem>> -> memref<1x512xi32, #tpu.memory_space<vmem>>
    %dma_start3A_1163 = tpu.memref_squeeze %dma_start3A_1162 : memref<1x512xi32, #tpu.memory_space<vmem>> -> memref<512xi32, #tpu.memory_space<vmem>>
    %dma_start3A_1164 = arith.constant 0 : i32
    %dma_start3A_1165 = arith.constant 0 : i32
    %dma_start3A_1166 = tpu.memref_slice %arg2[%dma_start3A_1164, %dma_start3A_1165] : memref<50000x64xf32, #tpu.memory_space<hbm>> -> memref<50000x64xf32, #tpu.memory_space<hbm>>
    tpu.enqueue_indirect_dma source(%dma_start3A_1166 : memref<50000x64xf32, #tpu.memory_space<hbm>>) target(%arg9 : memref<512x64xf32, #tpu.memory_space<vmem>>) offsets(%dma_start3A_1163 : memref<512xi32, #tpu.memory_space<vmem>>) semaphore(%arg15 : memref<!tpu.dma_semaphore, #tpu.memory_space<semaphore_mem>>)
    %dma_wait3A_1167 = arith.constant 3 : i32
    %dma_wait3A_1168 = arith.constant 0 : i32
    %dma_wait3A_1169 = tpu.memref_slice %arg6[%dma_wait3A_1167, %dma_wait3A_1168] : memref<8x512xi32, #tpu.memory_space<vmem>> -> memref<1x512xi32, #tpu.memory_space<vmem>>
    %dma_wait3A_1170 = tpu.memref_squeeze %dma_wait3A_1169 : memref<1x512xi32, #tpu.memory_space<vmem>> -> memref<512xi32, #tpu.memory_space<vmem>>
    %dma_wait3A_1171 = arith.constant 0 : i32
    %dma_wait3A_1172 = arith.constant 0 : i32
    %dma_wait3A_1173 = tpu.memref_slice %arg2[%dma_wait3A_1171, %dma_wait3A_1172] : memref<50000x64xf32, #tpu.memory_space<hbm>> -> memref<50000x64xf32, #tpu.memory_space<hbm>>
    tpu.wait_indirect_dma semaphore(%arg15 : memref<!tpu.dma_semaphore, #tpu.memory_space<semaphore_mem>>) src(%dma_wait3A_1173 : memref<50000x64xf32, #tpu.memory_space<hbm>>) dst(%arg9 : memref<512x64xf32, #tpu.memory_space<vmem>>)
    %dma_start3A_1174 = arith.constant 3 : i32
    %dma_start3A_1175 = arith.constant 0 : i32
    %dma_start3A_1176 = tpu.memref_slice %arg7[%dma_start3A_1174, %dma_start3A_1175] : memref<8x512xi32, #tpu.memory_space<vmem>> -> memref<1x512xi32, #tpu.memory_space<vmem>>
    %dma_start3A_1177 = tpu.memref_squeeze %dma_start3A_1176 : memref<1x512xi32, #tpu.memory_space<vmem>> -> memref<512xi32, #tpu.memory_space<vmem>>
    %dma_start3A_1178 = arith.constant 0 : i32
    %dma_start3A_1179 = arith.constant 0 : i32
    %dma_start3A_1180 = tpu.memref_slice %arg12[%dma_start3A_1178, %dma_start3A_1179] : memref<10240x64xf32, #tpu.memory_space<vmem_shared>> -> memref<10240x64xf32, #tpu.memory_space<vmem_shared>>
    tpu.enqueue_indirect_dma source(%arg9 : memref<512x64xf32, #tpu.memory_space<vmem>>) target(%dma_start3A_1180 : memref<10240x64xf32, #tpu.memory_space<vmem_shared>>) offsets(%dma_start3A_1177 : memref<512xi32, #tpu.memory_space<vmem>>) semaphore(%arg14 : memref<!tpu.dma_semaphore, #tpu.memory_space<semaphore_mem>>) {add = true}
    %dma_wait3A_1181 = arith.constant 2 : i32
    %dma_wait3A_1182 = arith.constant 0 : i32
    %dma_wait3A_1183 = tpu.memref_slice %arg7[%dma_wait3A_1181, %dma_wait3A_1182] : memref<8x512xi32, #tpu.memory_space<vmem>> -> memref<1x512xi32, #tpu.memory_space<vmem>>
    %dma_wait3A_1184 = tpu.memref_squeeze %dma_wait3A_1183 : memref<1x512xi32, #tpu.memory_space<vmem>> -> memref<512xi32, #tpu.memory_space<vmem>>
    %dma_wait3A_1185 = arith.constant 0 : i32
    %dma_wait3A_1186 = arith.constant 0 : i32
    %dma_wait3A_1187 = tpu.memref_slice %arg12[%dma_wait3A_1185, %dma_wait3A_1186] : memref<10240x64xf32, #tpu.memory_space<vmem_shared>> -> memref<10240x64xf32, #tpu.memory_space<vmem_shared>>
    tpu.wait_indirect_dma semaphore(%arg13 : memref<!tpu.dma_semaphore, #tpu.memory_space<semaphore_mem>>) src(%arg8 : memref<512x64xf32, #tpu.memory_space<vmem>>) dst(%dma_wait3A_1187 : memref<10240x64xf32, #tpu.memory_space<vmem_shared>>)
    %dma_start3A_1188 = arith.constant 4 : i32
    %dma_start3A_1189 = arith.constant 0 : i32
    %dma_start3A_1190 = tpu.memref_slice %arg6[%dma_start3A_1188, %dma_start3A_1189] : memref<8x512xi32, #tpu.memory_space<vmem>> -> memref<1x512xi32, #tpu.memory_space<vmem>>
    %dma_start3A_1191 = tpu.memref_squeeze %dma_start3A_1190 : memref<1x512xi32, #tpu.memory_space<vmem>> -> memref<512xi32, #tpu.memory_space<vmem>>
    %dma_start3A_1192 = arith.constant 0 : i32
    %dma_start3A_1193 = arith.constant 0 : i32
    %dma_start3A_1194 = tpu.memref_slice %arg2[%dma_start3A_1192, %dma_start3A_1193] : memref<50000x64xf32, #tpu.memory_space<hbm>> -> memref<50000x64xf32, #tpu.memory_space<hbm>>
    tpu.enqueue_indirect_dma source(%dma_start3A_1194 : memref<50000x64xf32, #tpu.memory_space<hbm>>) target(%arg8 : memref<512x64xf32, #tpu.memory_space<vmem>>) offsets(%dma_start3A_1191 : memref<512xi32, #tpu.memory_space<vmem>>) semaphore(%arg15 : memref<!tpu.dma_semaphore, #tpu.memory_space<semaphore_mem>>)
    %dma_wait3A_1195 = arith.constant 4 : i32
    %dma_wait3A_1196 = arith.constant 0 : i32
    %dma_wait3A_1197 = tpu.memref_slice %arg6[%dma_wait3A_1195, %dma_wait3A_1196] : memref<8x512xi32, #tpu.memory_space<vmem>> -> memref<1x512xi32, #tpu.memory_space<vmem>>
    %dma_wait3A_1198 = tpu.memref_squeeze %dma_wait3A_1197 : memref<1x512xi32, #tpu.memory_space<vmem>> -> memref<512xi32, #tpu.memory_space<vmem>>
    %dma_wait3A_1199 = arith.constant 0 : i32
    %dma_wait3A_1200 = arith.constant 0 : i32
    %dma_wait3A_1201 = tpu.memref_slice %arg2[%dma_wait3A_1199, %dma_wait3A_1200] : memref<50000x64xf32, #tpu.memory_space<hbm>> -> memref<50000x64xf32, #tpu.memory_space<hbm>>
    tpu.wait_indirect_dma semaphore(%arg15 : memref<!tpu.dma_semaphore, #tpu.memory_space<semaphore_mem>>) src(%dma_wait3A_1201 : memref<50000x64xf32, #tpu.memory_space<hbm>>) dst(%arg8 : memref<512x64xf32, #tpu.memory_space<vmem>>)
    %dma_start3A_1202 = arith.constant 4 : i32
    %dma_start3A_1203 = arith.constant 0 : i32
    %dma_start3A_1204 = tpu.memref_slice %arg7[%dma_start3A_1202, %dma_start3A_1203] : memref<8x512xi32, #tpu.memory_space<vmem>> -> memref<1x512xi32, #tpu.memory_space<vmem>>
    %dma_start3A_1205 = tpu.memref_squeeze %dma_start3A_1204 : memref<1x512xi32, #tpu.memory_space<vmem>> -> memref<512xi32, #tpu.memory_space<vmem>>
    %dma_start3A_1206 = arith.constant 0 : i32
    %dma_start3A_1207 = arith.constant 0 : i32
    %dma_start3A_1208 = tpu.memref_slice %arg12[%dma_start3A_1206, %dma_start3A_1207] : memref<10240x64xf32, #tpu.memory_space<vmem_shared>> -> memref<10240x64xf32, #tpu.memory_space<vmem_shared>>
    tpu.enqueue_indirect_dma source(%arg8 : memref<512x64xf32, #tpu.memory_space<vmem>>) target(%dma_start3A_1208 : memref<10240x64xf32, #tpu.memory_space<vmem_shared>>) offsets(%dma_start3A_1205 : memref<512xi32, #tpu.memory_space<vmem>>) semaphore(%arg13 : memref<!tpu.dma_semaphore, #tpu.memory_space<semaphore_mem>>) {add = true}
    %dma_wait3A_1209 = arith.constant 3 : i32
    %dma_wait3A_1210 = arith.constant 0 : i32
    %dma_wait3A_1211 = tpu.memref_slice %arg7[%dma_wait3A_1209, %dma_wait3A_1210] : memref<8x512xi32, #tpu.memory_space<vmem>> -> memref<1x512xi32, #tpu.memory_space<vmem>>
    %dma_wait3A_1212 = tpu.memref_squeeze %dma_wait3A_1211 : memref<1x512xi32, #tpu.memory_space<vmem>> -> memref<512xi32, #tpu.memory_space<vmem>>
    %dma_wait3A_1213 = arith.constant 0 : i32
    %dma_wait3A_1214 = arith.constant 0 : i32
    %dma_wait3A_1215 = tpu.memref_slice %arg12[%dma_wait3A_1213, %dma_wait3A_1214] : memref<10240x64xf32, #tpu.memory_space<vmem_shared>> -> memref<10240x64xf32, #tpu.memory_space<vmem_shared>>
    tpu.wait_indirect_dma semaphore(%arg14 : memref<!tpu.dma_semaphore, #tpu.memory_space<semaphore_mem>>) src(%arg9 : memref<512x64xf32, #tpu.memory_space<vmem>>) dst(%dma_wait3A_1215 : memref<10240x64xf32, #tpu.memory_space<vmem_shared>>)
    %dma_start3A_1216 = arith.constant 5 : i32
    %dma_start3A_1217 = arith.constant 0 : i32
    %dma_start3A_1218 = tpu.memref_slice %arg6[%dma_start3A_1216, %dma_start3A_1217] : memref<8x512xi32, #tpu.memory_space<vmem>> -> memref<1x512xi32, #tpu.memory_space<vmem>>
    %dma_start3A_1219 = tpu.memref_squeeze %dma_start3A_1218 : memref<1x512xi32, #tpu.memory_space<vmem>> -> memref<512xi32, #tpu.memory_space<vmem>>
    %dma_start3A_1220 = arith.constant 0 : i32
    %dma_start3A_1221 = arith.constant 0 : i32
    %dma_start3A_1222 = tpu.memref_slice %arg2[%dma_start3A_1220, %dma_start3A_1221] : memref<50000x64xf32, #tpu.memory_space<hbm>> -> memref<50000x64xf32, #tpu.memory_space<hbm>>
    tpu.enqueue_indirect_dma source(%dma_start3A_1222 : memref<50000x64xf32, #tpu.memory_space<hbm>>) target(%arg9 : memref<512x64xf32, #tpu.memory_space<vmem>>) offsets(%dma_start3A_1219 : memref<512xi32, #tpu.memory_space<vmem>>) semaphore(%arg15 : memref<!tpu.dma_semaphore, #tpu.memory_space<semaphore_mem>>)
    %dma_wait3A_1223 = arith.constant 5 : i32
    %dma_wait3A_1224 = arith.constant 0 : i32
    %dma_wait3A_1225 = tpu.memref_slice %arg6[%dma_wait3A_1223, %dma_wait3A_1224] : memref<8x512xi32, #tpu.memory_space<vmem>> -> memref<1x512xi32, #tpu.memory_space<vmem>>
    %dma_wait3A_1226 = tpu.memref_squeeze %dma_wait3A_1225 : memref<1x512xi32, #tpu.memory_space<vmem>> -> memref<512xi32, #tpu.memory_space<vmem>>
    %dma_wait3A_1227 = arith.constant 0 : i32
    %dma_wait3A_1228 = arith.constant 0 : i32
    %dma_wait3A_1229 = tpu.memref_slice %arg2[%dma_wait3A_1227, %dma_wait3A_1228] : memref<50000x64xf32, #tpu.memory_space<hbm>> -> memref<50000x64xf32, #tpu.memory_space<hbm>>
    tpu.wait_indirect_dma semaphore(%arg15 : memref<!tpu.dma_semaphore, #tpu.memory_space<semaphore_mem>>) src(%dma_wait3A_1229 : memref<50000x64xf32, #tpu.memory_space<hbm>>) dst(%arg9 : memref<512x64xf32, #tpu.memory_space<vmem>>)
    %dma_start3A_1230 = arith.constant 5 : i32
    %dma_start3A_1231 = arith.constant 0 : i32
    %dma_start3A_1232 = tpu.memref_slice %arg7[%dma_start3A_1230, %dma_start3A_1231] : memref<8x512xi32, #tpu.memory_space<vmem>> -> memref<1x512xi32, #tpu.memory_space<vmem>>
    %dma_start3A_1233 = tpu.memref_squeeze %dma_start3A_1232 : memref<1x512xi32, #tpu.memory_space<vmem>> -> memref<512xi32, #tpu.memory_space<vmem>>
    %dma_start3A_1234 = arith.constant 0 : i32
    %dma_start3A_1235 = arith.constant 0 : i32
    %dma_start3A_1236 = tpu.memref_slice %arg12[%dma_start3A_1234, %dma_start3A_1235] : memref<10240x64xf32, #tpu.memory_space<vmem_shared>> -> memref<10240x64xf32, #tpu.memory_space<vmem_shared>>
    tpu.enqueue_indirect_dma source(%arg9 : memref<512x64xf32, #tpu.memory_space<vmem>>) target(%dma_start3A_1236 : memref<10240x64xf32, #tpu.memory_space<vmem_shared>>) offsets(%dma_start3A_1233 : memref<512xi32, #tpu.memory_space<vmem>>) semaphore(%arg14 : memref<!tpu.dma_semaphore, #tpu.memory_space<semaphore_mem>>) {add = true}
    %dma_wait3A_1237 = arith.constant 4 : i32
    %dma_wait3A_1238 = arith.constant 0 : i32
    %dma_wait3A_1239 = tpu.memref_slice %arg7[%dma_wait3A_1237, %dma_wait3A_1238] : memref<8x512xi32, #tpu.memory_space<vmem>> -> memref<1x512xi32, #tpu.memory_space<vmem>>
    %dma_wait3A_1240 = tpu.memref_squeeze %dma_wait3A_1239 : memref<1x512xi32, #tpu.memory_space<vmem>> -> memref<512xi32, #tpu.memory_space<vmem>>
    %dma_wait3A_1241 = arith.constant 0 : i32
    %dma_wait3A_1242 = arith.constant 0 : i32
    %dma_wait3A_1243 = tpu.memref_slice %arg12[%dma_wait3A_1241, %dma_wait3A_1242] : memref<10240x64xf32, #tpu.memory_space<vmem_shared>> -> memref<10240x64xf32, #tpu.memory_space<vmem_shared>>
    tpu.wait_indirect_dma semaphore(%arg13 : memref<!tpu.dma_semaphore, #tpu.memory_space<semaphore_mem>>) src(%arg8 : memref<512x64xf32, #tpu.memory_space<vmem>>) dst(%dma_wait3A_1243 : memref<10240x64xf32, #tpu.memory_space<vmem_shared>>)
    %dma_start3A_1244 = arith.constant 6 : i32
    %dma_start3A_1245 = arith.constant 0 : i32
    %dma_start3A_1246 = tpu.memref_slice %arg6[%dma_start3A_1244, %dma_start3A_1245] : memref<8x512xi32, #tpu.memory_space<vmem>> -> memref<1x512xi32, #tpu.memory_space<vmem>>
    %dma_start3A_1247 = tpu.memref_squeeze %dma_start3A_1246 : memref<1x512xi32, #tpu.memory_space<vmem>> -> memref<512xi32, #tpu.memory_space<vmem>>
    %dma_start3A_1248 = arith.constant 0 : i32
    %dma_start3A_1249 = arith.constant 0 : i32
    %dma_start3A_1250 = tpu.memref_slice %arg2[%dma_start3A_1248, %dma_start3A_1249] : memref<50000x64xf32, #tpu.memory_space<hbm>> -> memref<50000x64xf32, #tpu.memory_space<hbm>>
    tpu.enqueue_indirect_dma source(%dma_start3A_1250 : memref<50000x64xf32, #tpu.memory_space<hbm>>) target(%arg8 : memref<512x64xf32, #tpu.memory_space<vmem>>) offsets(%dma_start3A_1247 : memref<512xi32, #tpu.memory_space<vmem>>) semaphore(%arg15 : memref<!tpu.dma_semaphore, #tpu.memory_space<semaphore_mem>>)
    %dma_wait3A_1251 = arith.constant 6 : i32
    %dma_wait3A_1252 = arith.constant 0 : i32
    %dma_wait3A_1253 = tpu.memref_slice %arg6[%dma_wait3A_1251, %dma_wait3A_1252] : memref<8x512xi32, #tpu.memory_space<vmem>> -> memref<1x512xi32, #tpu.memory_space<vmem>>
    %dma_wait3A_1254 = tpu.memref_squeeze %dma_wait3A_1253 : memref<1x512xi32, #tpu.memory_space<vmem>> -> memref<512xi32, #tpu.memory_space<vmem>>
    %dma_wait3A_1255 = arith.constant 0 : i32
    %dma_wait3A_1256 = arith.constant 0 : i32
    %dma_wait3A_1257 = tpu.memref_slice %arg2[%dma_wait3A_1255, %dma_wait3A_1256] : memref<50000x64xf32, #tpu.memory_space<hbm>> -> memref<50000x64xf32, #tpu.memory_space<hbm>>
    tpu.wait_indirect_dma semaphore(%arg15 : memref<!tpu.dma_semaphore, #tpu.memory_space<semaphore_mem>>) src(%dma_wait3A_1257 : memref<50000x64xf32, #tpu.memory_space<hbm>>) dst(%arg8 : memref<512x64xf32, #tpu.memory_space<vmem>>)
    %dma_start3A_1258 = arith.constant 6 : i32
    %dma_start3A_1259 = arith.constant 0 : i32
    %dma_start3A_1260 = tpu.memref_slice %arg7[%dma_start3A_1258, %dma_start3A_1259] : memref<8x512xi32, #tpu.memory_space<vmem>> -> memref<1x512xi32, #tpu.memory_space<vmem>>
    %dma_start3A_1261 = tpu.memref_squeeze %dma_start3A_1260 : memref<1x512xi32, #tpu.memory_space<vmem>> -> memref<512xi32, #tpu.memory_space<vmem>>
    %dma_start3A_1262 = arith.constant 0 : i32
    %dma_start3A_1263 = arith.constant 0 : i32
    %dma_start3A_1264 = tpu.memref_slice %arg12[%dma_start3A_1262, %dma_start3A_1263] : memref<10240x64xf32, #tpu.memory_space<vmem_shared>> -> memref<10240x64xf32, #tpu.memory_space<vmem_shared>>
    tpu.enqueue_indirect_dma source(%arg8 : memref<512x64xf32, #tpu.memory_space<vmem>>) target(%dma_start3A_1264 : memref<10240x64xf32, #tpu.memory_space<vmem_shared>>) offsets(%dma_start3A_1261 : memref<512xi32, #tpu.memory_space<vmem>>) semaphore(%arg13 : memref<!tpu.dma_semaphore, #tpu.memory_space<semaphore_mem>>) {add = true}
    %dma_wait3A_1265 = arith.constant 5 : i32
    %dma_wait3A_1266 = arith.constant 0 : i32
    %dma_wait3A_1267 = tpu.memref_slice %arg7[%dma_wait3A_1265, %dma_wait3A_1266] : memref<8x512xi32, #tpu.memory_space<vmem>> -> memref<1x512xi32, #tpu.memory_space<vmem>>
    %dma_wait3A_1268 = tpu.memref_squeeze %dma_wait3A_1267 : memref<1x512xi32, #tpu.memory_space<vmem>> -> memref<512xi32, #tpu.memory_space<vmem>>
    %dma_wait3A_1269 = arith.constant 0 : i32
    %dma_wait3A_1270 = arith.constant 0 : i32
    %dma_wait3A_1271 = tpu.memref_slice %arg12[%dma_wait3A_1269, %dma_wait3A_1270] : memref<10240x64xf32, #tpu.memory_space<vmem_shared>> -> memref<10240x64xf32, #tpu.memory_space<vmem_shared>>
    tpu.wait_indirect_dma semaphore(%arg14 : memref<!tpu.dma_semaphore, #tpu.memory_space<semaphore_mem>>) src(%arg9 : memref<512x64xf32, #tpu.memory_space<vmem>>) dst(%dma_wait3A_1271 : memref<10240x64xf32, #tpu.memory_space<vmem_shared>>)
    %dma_start3A_1272 = arith.constant 7 : i32
    %dma_start3A_1273 = arith.constant 0 : i32
    %dma_start3A_1274 = tpu.memref_slice %arg6[%dma_start3A_1272, %dma_start3A_1273] : memref<8x512xi32, #tpu.memory_space<vmem>> -> memref<1x512xi32, #tpu.memory_space<vmem>>
    %dma_start3A_1275 = tpu.memref_squeeze %dma_start3A_1274 : memref<1x512xi32, #tpu.memory_space<vmem>> -> memref<512xi32, #tpu.memory_space<vmem>>
    %dma_start3A_1276 = arith.constant 0 : i32
    %dma_start3A_1277 = arith.constant 0 : i32
    %dma_start3A_1278 = tpu.memref_slice %arg2[%dma_start3A_1276, %dma_start3A_1277] : memref<50000x64xf32, #tpu.memory_space<hbm>> -> memref<50000x64xf32, #tpu.memory_space<hbm>>
    tpu.enqueue_indirect_dma source(%dma_start3A_1278 : memref<50000x64xf32, #tpu.memory_space<hbm>>) target(%arg9 : memref<512x64xf32, #tpu.memory_space<vmem>>) offsets(%dma_start3A_1275 : memref<512xi32, #tpu.memory_space<vmem>>) semaphore(%arg15 : memref<!tpu.dma_semaphore, #tpu.memory_space<semaphore_mem>>)
    %dma_wait3A_1279 = arith.constant 7 : i32
    %dma_wait3A_1280 = arith.constant 0 : i32
    %dma_wait3A_1281 = tpu.memref_slice %arg6[%dma_wait3A_1279, %dma_wait3A_1280] : memref<8x512xi32, #tpu.memory_space<vmem>> -> memref<1x512xi32, #tpu.memory_space<vmem>>
    %dma_wait3A_1282 = tpu.memref_squeeze %dma_wait3A_1281 : memref<1x512xi32, #tpu.memory_space<vmem>> -> memref<512xi32, #tpu.memory_space<vmem>>
    %dma_wait3A_1283 = arith.constant 0 : i32
    %dma_wait3A_1284 = arith.constant 0 : i32
    %dma_wait3A_1285 = tpu.memref_slice %arg2[%dma_wait3A_1283, %dma_wait3A_1284] : memref<50000x64xf32, #tpu.memory_space<hbm>> -> memref<50000x64xf32, #tpu.memory_space<hbm>>
    tpu.wait_indirect_dma semaphore(%arg15 : memref<!tpu.dma_semaphore, #tpu.memory_space<semaphore_mem>>) src(%dma_wait3A_1285 : memref<50000x64xf32, #tpu.memory_space<hbm>>) dst(%arg9 : memref<512x64xf32, #tpu.memory_space<vmem>>)
    %dma_start3A_1286 = arith.constant 7 : i32
    %dma_start3A_1287 = arith.constant 0 : i32
    %dma_start3A_1288 = tpu.memref_slice %arg7[%dma_start3A_1286, %dma_start3A_1287] : memref<8x512xi32, #tpu.memory_space<vmem>> -> memref<1x512xi32, #tpu.memory_space<vmem>>
    %dma_start3A_1289 = tpu.memref_squeeze %dma_start3A_1288 : memref<1x512xi32, #tpu.memory_space<vmem>> -> memref<512xi32, #tpu.memory_space<vmem>>
    %dma_start3A_1290 = arith.constant 0 : i32
    %dma_start3A_1291 = arith.constant 0 : i32
    %dma_start3A_1292 = tpu.memref_slice %arg12[%dma_start3A_1290, %dma_start3A_1291] : memref<10240x64xf32, #tpu.memory_space<vmem_shared>> -> memref<10240x64xf32, #tpu.memory_space<vmem_shared>>
    tpu.enqueue_indirect_dma source(%arg9 : memref<512x64xf32, #tpu.memory_space<vmem>>) target(%dma_start3A_1292 : memref<10240x64xf32, #tpu.memory_space<vmem_shared>>) offsets(%dma_start3A_1289 : memref<512xi32, #tpu.memory_space<vmem>>) semaphore(%arg14 : memref<!tpu.dma_semaphore, #tpu.memory_space<semaphore_mem>>) {add = true}
    %dma_wait3A_1293 = arith.constant 6 : i32
    %dma_wait3A_1294 = arith.constant 0 : i32
    %dma_wait3A_1295 = tpu.memref_slice %arg7[%dma_wait3A_1293, %dma_wait3A_1294] : memref<8x512xi32, #tpu.memory_space<vmem>> -> memref<1x512xi32, #tpu.memory_space<vmem>>
    %dma_wait3A_1296 = tpu.memref_squeeze %dma_wait3A_1295 : memref<1x512xi32, #tpu.memory_space<vmem>> -> memref<512xi32, #tpu.memory_space<vmem>>
    %dma_wait3A_1297 = arith.constant 0 : i32
    %dma_wait3A_1298 = arith.constant 0 : i32
    %dma_wait3A_1299 = tpu.memref_slice %arg12[%dma_wait3A_1297, %dma_wait3A_1298] : memref<10240x64xf32, #tpu.memory_space<vmem_shared>> -> memref<10240x64xf32, #tpu.memory_space<vmem_shared>>
    tpu.wait_indirect_dma semaphore(%arg13 : memref<!tpu.dma_semaphore, #tpu.memory_space<semaphore_mem>>) src(%arg8 : memref<512x64xf32, #tpu.memory_space<vmem>>) dst(%dma_wait3A_1299 : memref<10240x64xf32, #tpu.memory_space<vmem_shared>>)
    %dma_wait3A_1300 = arith.constant 7 : i32
    %dma_wait3A_1301 = arith.constant 0 : i32
    %dma_wait3A_1302 = tpu.memref_slice %arg7[%dma_wait3A_1300, %dma_wait3A_1301] : memref<8x512xi32, #tpu.memory_space<vmem>> -> memref<1x512xi32, #tpu.memory_space<vmem>>
    %dma_wait3A_1303 = tpu.memref_squeeze %dma_wait3A_1302 : memref<1x512xi32, #tpu.memory_space<vmem>> -> memref<512xi32, #tpu.memory_space<vmem>>
    %dma_wait3A_1304 = arith.constant 0 : i32
    %dma_wait3A_1305 = arith.constant 0 : i32
    %dma_wait3A_1306 = tpu.memref_slice %arg12[%dma_wait3A_1304, %dma_wait3A_1305] : memref<10240x64xf32, #tpu.memory_space<vmem_shared>> -> memref<10240x64xf32, #tpu.memory_space<vmem_shared>>
    tpu.wait_indirect_dma semaphore(%arg14 : memref<!tpu.dma_semaphore, #tpu.memory_space<semaphore_mem>>) src(%arg9 : memref<512x64xf32, #tpu.memory_space<vmem>>) dst(%dma_wait3A_1306 : memref<10240x64xf32, #tpu.memory_space<vmem_shared>>)
    %barrier3A_1307 = arith.constant 0 : index
    tpu.barrier barrier_id(%barrier3A_1307)
    %mul3A_1308 = arith.constant 640 : i32
    %mul3A_1309 = arith.muli %arg1, %mul3A_1308 : i32
    %add3A_1310 = arith.constant 0 : i32
    %add3A_1311 = arith.addi %mul3A_1309, %add3A_1310 : i32
    "tpu.region"() ({
      %run_scoped3A_1363 = tpu.sem_alloc : memref<!tpu.dma_semaphore, #tpu.memory_space<semaphore_mem>>
      %dma_start3A_1364 = arith.constant 0 : i32
      %dma_start3A_1365 = tpu.memref_slice %arg12[%add3A_1311, %dma_start3A_1364] : memref<10240x64xf32, #tpu.memory_space<vmem_shared>> -> memref<128x64xf32, #tpu.memory_space<vmem_shared>>
      %dma_start3A_1366 = arith.constant 0 : i32
      %dma_start3A_1367 = tpu.memref_slice %arg12[%add3A_1311, %dma_start3A_1366] : memref<10240x64xf32, #tpu.memory_space<vmem_shared>> -> memref<128x64xf32, #tpu.memory_space<vmem_shared>>
      tpu.enqueue_dma source(%dma_start3A_1367 : memref<128x64xf32, #tpu.memory_space<vmem_shared>>) target(%arg11 : memref<128x64xf32, #tpu.memory_space<vmem>>) target_semaphore(%run_scoped3A_1363 : memref<!tpu.dma_semaphore, #tpu.memory_space<semaphore_mem>>)
      %dma_wait3A_1368 = arith.constant 0 : i32
      %dma_wait3A_1369 = tpu.memref_slice %arg12[%add3A_1311, %dma_wait3A_1368] : memref<10240x64xf32, #tpu.memory_space<vmem_shared>> -> memref<128x64xf32, #tpu.memory_space<vmem_shared>>
      %dma_wait3A_1370 = arith.constant 0 : i32
      %dma_wait3A_1371 = tpu.memref_slice %arg12[%add3A_1311, %dma_wait3A_1370] : memref<10240x64xf32, #tpu.memory_space<vmem_shared>> -> memref<128x64xf32, #tpu.memory_space<vmem_shared>>
      tpu.wait_dma2 semaphore(%run_scoped3A_1363 : memref<!tpu.dma_semaphore, #tpu.memory_space<semaphore_mem>>) src(%dma_wait3A_1371 : memref<128x64xf32, #tpu.memory_space<vmem_shared>>) dst(%arg11 : memref<128x64xf32, #tpu.memory_space<vmem>>)
      tpu.yield
    }) : () -> ()
    %mul3A_1312 = arith.constant 3 : i32
    %mul3A_1313 = arith.muli %arg0, %mul3A_1312 : i32
    %add3A_1314 = arith.constant 2 : i32
    %add3A_1315 = arith.addi %mul3A_1313, %add3A_1314 : i32
    %mul3A_1316 = arith.constant 10240 : i32
    %mul3A_1317 = arith.muli %add3A_1315, %mul3A_1316 : i32
    %add3A_1318 = arith.addi %mul3A_1317, %add3A_1311 : i32
    "tpu.region"() ({
      %run_scoped3A_1363 = tpu.sem_alloc : memref<!tpu.dma_semaphore, #tpu.memory_space<semaphore_mem>>
      %dma_start3A_1364 = arith.constant 0 : i32
      %dma_start3A_1365 = tpu.memref_slice %arg5[%add3A_1318, %dma_start3A_1364] : memref<61440x64xf32, #tpu.memory_space<hbm>> -> memref<128x64xf32, #tpu.memory_space<hbm>>
      %dma_start3A_1366 = arith.constant 0 : i32
      %dma_start3A_1367 = tpu.memref_slice %arg5[%add3A_1318, %dma_start3A_1366] : memref<61440x64xf32, #tpu.memory_space<hbm>> -> memref<128x64xf32, #tpu.memory_space<hbm>>
      tpu.enqueue_dma source(%arg11 : memref<128x64xf32, #tpu.memory_space<vmem>>) target(%dma_start3A_1367 : memref<128x64xf32, #tpu.memory_space<hbm>>) target_semaphore(%run_scoped3A_1363 : memref<!tpu.dma_semaphore, #tpu.memory_space<semaphore_mem>>)
      %dma_wait3A_1368 = arith.constant 0 : i32
      %dma_wait3A_1369 = tpu.memref_slice %arg5[%add3A_1318, %dma_wait3A_1368] : memref<61440x64xf32, #tpu.memory_space<hbm>> -> memref<128x64xf32, #tpu.memory_space<hbm>>
      %dma_wait3A_1370 = arith.constant 0 : i32
      %dma_wait3A_1371 = tpu.memref_slice %arg5[%add3A_1318, %dma_wait3A_1370] : memref<61440x64xf32, #tpu.memory_space<hbm>> -> memref<128x64xf32, #tpu.memory_space<hbm>>
      tpu.wait_dma2 semaphore(%run_scoped3A_1363 : memref<!tpu.dma_semaphore, #tpu.memory_space<semaphore_mem>>) src(%arg11 : memref<128x64xf32, #tpu.memory_space<vmem>>) dst(%dma_wait3A_1371 : memref<128x64xf32, #tpu.memory_space<hbm>>)
      tpu.yield
    }) : () -> ()
    %mul3A_1319 = arith.constant 640 : i32
    %mul3A_1320 = arith.muli %arg1, %mul3A_1319 : i32
    %add3A_1321 = arith.constant 128 : i32
    %add3A_1322 = arith.addi %mul3A_1320, %add3A_1321 : i32
    "tpu.region"() ({
      %run_scoped3A_1363 = tpu.sem_alloc : memref<!tpu.dma_semaphore, #tpu.memory_space<semaphore_mem>>
      %dma_start3A_1364 = arith.constant 0 : i32
      %dma_start3A_1365 = tpu.memref_slice %arg12[%add3A_1322, %dma_start3A_1364] : memref<10240x64xf32, #tpu.memory_space<vmem_shared>> -> memref<128x64xf32, #tpu.memory_space<vmem_shared>>
      %dma_start3A_1366 = arith.constant 0 : i32
      %dma_start3A_1367 = tpu.memref_slice %arg12[%add3A_1322, %dma_start3A_1366] : memref<10240x64xf32, #tpu.memory_space<vmem_shared>> -> memref<128x64xf32, #tpu.memory_space<vmem_shared>>
      tpu.enqueue_dma source(%dma_start3A_1367 : memref<128x64xf32, #tpu.memory_space<vmem_shared>>) target(%arg11 : memref<128x64xf32, #tpu.memory_space<vmem>>) target_semaphore(%run_scoped3A_1363 : memref<!tpu.dma_semaphore, #tpu.memory_space<semaphore_mem>>)
      %dma_wait3A_1368 = arith.constant 0 : i32
      %dma_wait3A_1369 = tpu.memref_slice %arg12[%add3A_1322, %dma_wait3A_1368] : memref<10240x64xf32, #tpu.memory_space<vmem_shared>> -> memref<128x64xf32, #tpu.memory_space<vmem_shared>>
      %dma_wait3A_1370 = arith.constant 0 : i32
      %dma_wait3A_1371 = tpu.memref_slice %arg12[%add3A_1322, %dma_wait3A_1370] : memref<10240x64xf32, #tpu.memory_space<vmem_shared>> -> memref<128x64xf32, #tpu.memory_space<vmem_shared>>
      tpu.wait_dma2 semaphore(%run_scoped3A_1363 : memref<!tpu.dma_semaphore, #tpu.memory_space<semaphore_mem>>) src(%dma_wait3A_1371 : memref<128x64xf32, #tpu.memory_space<vmem_shared>>) dst(%arg11 : memref<128x64xf32, #tpu.memory_space<vmem>>)
      tpu.yield
    }) : () -> ()
    %mul3A_1323 = arith.constant 3 : i32
    %mul3A_1324 = arith.muli %arg0, %mul3A_1323 : i32
    %add3A_1325 = arith.constant 2 : i32
    %add3A_1326 = arith.addi %mul3A_1324, %add3A_1325 : i32
    %mul3A_1327 = arith.constant 10240 : i32
    %mul3A_1328 = arith.muli %add3A_1326, %mul3A_1327 : i32
    %add3A_1329 = arith.addi %mul3A_1328, %add3A_1322 : i32
    "tpu.region"() ({
      %run_scoped3A_1363 = tpu.sem_alloc : memref<!tpu.dma_semaphore, #tpu.memory_space<semaphore_mem>>
      %dma_start3A_1364 = arith.constant 0 : i32
      %dma_start3A_1365 = tpu.memref_slice %arg5[%add3A_1329, %dma_start3A_1364] : memref<61440x64xf32, #tpu.memory_space<hbm>> -> memref<128x64xf32, #tpu.memory_space<hbm>>
      %dma_start3A_1366 = arith.constant 0 : i32
      %dma_start3A_1367 = tpu.memref_slice %arg5[%add3A_1329, %dma_start3A_1366] : memref<61440x64xf32, #tpu.memory_space<hbm>> -> memref<128x64xf32, #tpu.memory_space<hbm>>
      tpu.enqueue_dma source(%arg11 : memref<128x64xf32, #tpu.memory_space<vmem>>) target(%dma_start3A_1367 : memref<128x64xf32, #tpu.memory_space<hbm>>) target_semaphore(%run_scoped3A_1363 : memref<!tpu.dma_semaphore, #tpu.memory_space<semaphore_mem>>)
      %dma_wait3A_1368 = arith.constant 0 : i32
      %dma_wait3A_1369 = tpu.memref_slice %arg5[%add3A_1329, %dma_wait3A_1368] : memref<61440x64xf32, #tpu.memory_space<hbm>> -> memref<128x64xf32, #tpu.memory_space<hbm>>
      %dma_wait3A_1370 = arith.constant 0 : i32
      %dma_wait3A_1371 = tpu.memref_slice %arg5[%add3A_1329, %dma_wait3A_1370] : memref<61440x64xf32, #tpu.memory_space<hbm>> -> memref<128x64xf32, #tpu.memory_space<hbm>>
      tpu.wait_dma2 semaphore(%run_scoped3A_1363 : memref<!tpu.dma_semaphore, #tpu.memory_space<semaphore_mem>>) src(%arg11 : memref<128x64xf32, #tpu.memory_space<vmem>>) dst(%dma_wait3A_1371 : memref<128x64xf32, #tpu.memory_space<hbm>>)
      tpu.yield
    }) : () -> ()
    %mul3A_1330 = arith.constant 640 : i32
    %mul3A_1331 = arith.muli %arg1, %mul3A_1330 : i32
    %add3A_1332 = arith.constant 256 : i32
    %add3A_1333 = arith.addi %mul3A_1331, %add3A_1332 : i32
    "tpu.region"() ({
      %run_scoped3A_1363 = tpu.sem_alloc : memref<!tpu.dma_semaphore, #tpu.memory_space<semaphore_mem>>
      %dma_start3A_1364 = arith.constant 0 : i32
      %dma_start3A_1365 = tpu.memref_slice %arg12[%add3A_1333, %dma_start3A_1364] : memref<10240x64xf32, #tpu.memory_space<vmem_shared>> -> memref<128x64xf32, #tpu.memory_space<vmem_shared>>
      %dma_start3A_1366 = arith.constant 0 : i32
      %dma_start3A_1367 = tpu.memref_slice %arg12[%add3A_1333, %dma_start3A_1366] : memref<10240x64xf32, #tpu.memory_space<vmem_shared>> -> memref<128x64xf32, #tpu.memory_space<vmem_shared>>
      tpu.enqueue_dma source(%dma_start3A_1367 : memref<128x64xf32, #tpu.memory_space<vmem_shared>>) target(%arg11 : memref<128x64xf32, #tpu.memory_space<vmem>>) target_semaphore(%run_scoped3A_1363 : memref<!tpu.dma_semaphore, #tpu.memory_space<semaphore_mem>>)
      %dma_wait3A_1368 = arith.constant 0 : i32
      %dma_wait3A_1369 = tpu.memref_slice %arg12[%add3A_1333, %dma_wait3A_1368] : memref<10240x64xf32, #tpu.memory_space<vmem_shared>> -> memref<128x64xf32, #tpu.memory_space<vmem_shared>>
      %dma_wait3A_1370 = arith.constant 0 : i32
      %dma_wait3A_1371 = tpu.memref_slice %arg12[%add3A_1333, %dma_wait3A_1370] : memref<10240x64xf32, #tpu.memory_space<vmem_shared>> -> memref<128x64xf32, #tpu.memory_space<vmem_shared>>
      tpu.wait_dma2 semaphore(%run_scoped3A_1363 : memref<!tpu.dma_semaphore, #tpu.memory_space<semaphore_mem>>) src(%dma_wait3A_1371 : memref<128x64xf32, #tpu.memory_space<vmem_shared>>) dst(%arg11 : memref<128x64xf32, #tpu.memory_space<vmem>>)
      tpu.yield
    }) : () -> ()
    %mul3A_1334 = arith.constant 3 : i32
    %mul3A_1335 = arith.muli %arg0, %mul3A_1334 : i32
    %add3A_1336 = arith.constant 2 : i32
    %add3A_1337 = arith.addi %mul3A_1335, %add3A_1336 : i32
    %mul3A_1338 = arith.constant 10240 : i32
    %mul3A_1339 = arith.muli %add3A_1337, %mul3A_1338 : i32
    %add3A_1340 = arith.addi %mul3A_1339, %add3A_1333 : i32
    "tpu.region"() ({
      %run_scoped3A_1363 = tpu.sem_alloc : memref<!tpu.dma_semaphore, #tpu.memory_space<semaphore_mem>>
      %dma_start3A_1364 = arith.constant 0 : i32
      %dma_start3A_1365 = tpu.memref_slice %arg5[%add3A_1340, %dma_start3A_1364] : memref<61440x64xf32, #tpu.memory_space<hbm>> -> memref<128x64xf32, #tpu.memory_space<hbm>>
      %dma_start3A_1366 = arith.constant 0 : i32
      %dma_start3A_1367 = tpu.memref_slice %arg5[%add3A_1340, %dma_start3A_1366] : memref<61440x64xf32, #tpu.memory_space<hbm>> -> memref<128x64xf32, #tpu.memory_space<hbm>>
      tpu.enqueue_dma source(%arg11 : memref<128x64xf32, #tpu.memory_space<vmem>>) target(%dma_start3A_1367 : memref<128x64xf32, #tpu.memory_space<hbm>>) target_semaphore(%run_scoped3A_1363 : memref<!tpu.dma_semaphore, #tpu.memory_space<semaphore_mem>>)
      %dma_wait3A_1368 = arith.constant 0 : i32
      %dma_wait3A_1369 = tpu.memref_slice %arg5[%add3A_1340, %dma_wait3A_1368] : memref<61440x64xf32, #tpu.memory_space<hbm>> -> memref<128x64xf32, #tpu.memory_space<hbm>>
      %dma_wait3A_1370 = arith.constant 0 : i32
      %dma_wait3A_1371 = tpu.memref_slice %arg5[%add3A_1340, %dma_wait3A_1370] : memref<61440x64xf32, #tpu.memory_space<hbm>> -> memref<128x64xf32, #tpu.memory_space<hbm>>
      tpu.wait_dma2 semaphore(%run_scoped3A_1363 : memref<!tpu.dma_semaphore, #tpu.memory_space<semaphore_mem>>) src(%arg11 : memref<128x64xf32, #tpu.memory_space<vmem>>) dst(%dma_wait3A_1371 : memref<128x64xf32, #tpu.memory_space<hbm>>)
      tpu.yield
    }) : () -> ()
    %mul3A_1341 = arith.constant 640 : i32
    %mul3A_1342 = arith.muli %arg1, %mul3A_1341 : i32
    %add3A_1343 = arith.constant 384 : i32
    %add3A_1344 = arith.addi %mul3A_1342, %add3A_1343 : i32
    "tpu.region"() ({
      %run_scoped3A_1363 = tpu.sem_alloc : memref<!tpu.dma_semaphore, #tpu.memory_space<semaphore_mem>>
      %dma_start3A_1364 = arith.constant 0 : i32
      %dma_start3A_1365 = tpu.memref_slice %arg12[%add3A_1344, %dma_start3A_1364] : memref<10240x64xf32, #tpu.memory_space<vmem_shared>> -> memref<128x64xf32, #tpu.memory_space<vmem_shared>>
      %dma_start3A_1366 = arith.constant 0 : i32
      %dma_start3A_1367 = tpu.memref_slice %arg12[%add3A_1344, %dma_start3A_1366] : memref<10240x64xf32, #tpu.memory_space<vmem_shared>> -> memref<128x64xf32, #tpu.memory_space<vmem_shared>>
      tpu.enqueue_dma source(%dma_start3A_1367 : memref<128x64xf32, #tpu.memory_space<vmem_shared>>) target(%arg11 : memref<128x64xf32, #tpu.memory_space<vmem>>) target_semaphore(%run_scoped3A_1363 : memref<!tpu.dma_semaphore, #tpu.memory_space<semaphore_mem>>)
      %dma_wait3A_1368 = arith.constant 0 : i32
      %dma_wait3A_1369 = tpu.memref_slice %arg12[%add3A_1344, %dma_wait3A_1368] : memref<10240x64xf32, #tpu.memory_space<vmem_shared>> -> memref<128x64xf32, #tpu.memory_space<vmem_shared>>
      %dma_wait3A_1370 = arith.constant 0 : i32
      %dma_wait3A_1371 = tpu.memref_slice %arg12[%add3A_1344, %dma_wait3A_1370] : memref<10240x64xf32, #tpu.memory_space<vmem_shared>> -> memref<128x64xf32, #tpu.memory_space<vmem_shared>>
      tpu.wait_dma2 semaphore(%run_scoped3A_1363 : memref<!tpu.dma_semaphore, #tpu.memory_space<semaphore_mem>>) src(%dma_wait3A_1371 : memref<128x64xf32, #tpu.memory_space<vmem_shared>>) dst(%arg11 : memref<128x64xf32, #tpu.memory_space<vmem>>)
      tpu.yield
    }) : () -> ()
    %mul3A_1345 = arith.constant 3 : i32
    %mul3A_1346 = arith.muli %arg0, %mul3A_1345 : i32
    %add3A_1347 = arith.constant 2 : i32
    %add3A_1348 = arith.addi %mul3A_1346, %add3A_1347 : i32
    %mul3A_1349 = arith.constant 10240 : i32
    %mul3A_1350 = arith.muli %add3A_1348, %mul3A_1349 : i32
    %add3A_1351 = arith.addi %mul3A_1350, %add3A_1344 : i32
    "tpu.region"() ({
      %run_scoped3A_1363 = tpu.sem_alloc : memref<!tpu.dma_semaphore, #tpu.memory_space<semaphore_mem>>
      %dma_start3A_1364 = arith.constant 0 : i32
      %dma_start3A_1365 = tpu.memref_slice %arg5[%add3A_1351, %dma_start3A_1364] : memref<61440x64xf32, #tpu.memory_space<hbm>> -> memref<128x64xf32, #tpu.memory_space<hbm>>
      %dma_start3A_1366 = arith.constant 0 : i32
      %dma_start3A_1367 = tpu.memref_slice %arg5[%add3A_1351, %dma_start3A_1366] : memref<61440x64xf32, #tpu.memory_space<hbm>> -> memref<128x64xf32, #tpu.memory_space<hbm>>
      tpu.enqueue_dma source(%arg11 : memref<128x64xf32, #tpu.memory_space<vmem>>) target(%dma_start3A_1367 : memref<128x64xf32, #tpu.memory_space<hbm>>) target_semaphore(%run_scoped3A_1363 : memref<!tpu.dma_semaphore, #tpu.memory_space<semaphore_mem>>)
      %dma_wait3A_1368 = arith.constant 0 : i32
      %dma_wait3A_1369 = tpu.memref_slice %arg5[%add3A_1351, %dma_wait3A_1368] : memref<61440x64xf32, #tpu.memory_space<hbm>> -> memref<128x64xf32, #tpu.memory_space<hbm>>
      %dma_wait3A_1370 = arith.constant 0 : i32
      %dma_wait3A_1371 = tpu.memref_slice %arg5[%add3A_1351, %dma_wait3A_1370] : memref<61440x64xf32, #tpu.memory_space<hbm>> -> memref<128x64xf32, #tpu.memory_space<hbm>>
      tpu.wait_dma2 semaphore(%run_scoped3A_1363 : memref<!tpu.dma_semaphore, #tpu.memory_space<semaphore_mem>>) src(%arg11 : memref<128x64xf32, #tpu.memory_space<vmem>>) dst(%dma_wait3A_1371 : memref<128x64xf32, #tpu.memory_space<hbm>>)
      tpu.yield
    }) : () -> ()
    %mul3A_1352 = arith.constant 640 : i32
    %mul3A_1353 = arith.muli %arg1, %mul3A_1352 : i32
    %add3A_1354 = arith.constant 512 : i32
    %add3A_1355 = arith.addi %mul3A_1353, %add3A_1354 : i32
    "tpu.region"() ({
      %run_scoped3A_1363 = tpu.sem_alloc : memref<!tpu.dma_semaphore, #tpu.memory_space<semaphore_mem>>
      %dma_start3A_1364 = arith.constant 0 : i32
      %dma_start3A_1365 = tpu.memref_slice %arg12[%add3A_1355, %dma_start3A_1364] : memref<10240x64xf32, #tpu.memory_space<vmem_shared>> -> memref<128x64xf32, #tpu.memory_space<vmem_shared>>
      %dma_start3A_1366 = arith.constant 0 : i32
      %dma_start3A_1367 = tpu.memref_slice %arg12[%add3A_1355, %dma_start3A_1366] : memref<10240x64xf32, #tpu.memory_space<vmem_shared>> -> memref<128x64xf32, #tpu.memory_space<vmem_shared>>
      tpu.enqueue_dma source(%dma_start3A_1367 : memref<128x64xf32, #tpu.memory_space<vmem_shared>>) target(%arg11 : memref<128x64xf32, #tpu.memory_space<vmem>>) target_semaphore(%run_scoped3A_1363 : memref<!tpu.dma_semaphore, #tpu.memory_space<semaphore_mem>>)
      %dma_wait3A_1368 = arith.constant 0 : i32
      %dma_wait3A_1369 = tpu.memref_slice %arg12[%add3A_1355, %dma_wait3A_1368] : memref<10240x64xf32, #tpu.memory_space<vmem_shared>> -> memref<128x64xf32, #tpu.memory_space<vmem_shared>>
      %dma_wait3A_1370 = arith.constant 0 : i32
      %dma_wait3A_1371 = tpu.memref_slice %arg12[%add3A_1355, %dma_wait3A_1370] : memref<10240x64xf32, #tpu.memory_space<vmem_shared>> -> memref<128x64xf32, #tpu.memory_space<vmem_shared>>
      tpu.wait_dma2 semaphore(%run_scoped3A_1363 : memref<!tpu.dma_semaphore, #tpu.memory_space<semaphore_mem>>) src(%dma_wait3A_1371 : memref<128x64xf32, #tpu.memory_space<vmem_shared>>) dst(%arg11 : memref<128x64xf32, #tpu.memory_space<vmem>>)
      tpu.yield
    }) : () -> ()
    %mul3A_1356 = arith.constant 3 : i32
    %mul3A_1357 = arith.muli %arg0, %mul3A_1356 : i32
    %add3A_1358 = arith.constant 2 : i32
    %add3A_1359 = arith.addi %mul3A_1357, %add3A_1358 : i32
    %mul3A_1360 = arith.constant 10240 : i32
    %mul3A_1361 = arith.muli %add3A_1359, %mul3A_1360 : i32
    %add3A_1362 = arith.addi %mul3A_1361, %add3A_1355 : i32
    "tpu.region"() ({
      %run_scoped3A_1363 = tpu.sem_alloc : memref<!tpu.dma_semaphore, #tpu.memory_space<semaphore_mem>>
      %dma_start3A_1364 = arith.constant 0 : i32
      %dma_start3A_1365 = tpu.memref_slice %arg5[%add3A_1362, %dma_start3A_1364] : memref<61440x64xf32, #tpu.memory_space<hbm>> -> memref<128x64xf32, #tpu.memory_space<hbm>>
      %dma_start3A_1366 = arith.constant 0 : i32
      %dma_start3A_1367 = tpu.memref_slice %arg5[%add3A_1362, %dma_start3A_1366] : memref<61440x64xf32, #tpu.memory_space<hbm>> -> memref<128x64xf32, #tpu.memory_space<hbm>>
      tpu.enqueue_dma source(%arg11 : memref<128x64xf32, #tpu.memory_space<vmem>>) target(%dma_start3A_1367 : memref<128x64xf32, #tpu.memory_space<hbm>>) target_semaphore(%run_scoped3A_1363 : memref<!tpu.dma_semaphore, #tpu.memory_space<semaphore_mem>>)
      %dma_wait3A_1368 = arith.constant 0 : i32
      %dma_wait3A_1369 = tpu.memref_slice %arg5[%add3A_1362, %dma_wait3A_1368] : memref<61440x64xf32, #tpu.memory_space<hbm>> -> memref<128x64xf32, #tpu.memory_space<hbm>>
      %dma_wait3A_1370 = arith.constant 0 : i32
      %dma_wait3A_1371 = tpu.memref_slice %arg5[%add3A_1362, %dma_wait3A_1370] : memref<61440x64xf32, #tpu.memory_space<hbm>> -> memref<128x64xf32, #tpu.memory_space<hbm>>
      tpu.wait_dma2 semaphore(%run_scoped3A_1363 : memref<!tpu.dma_semaphore, #tpu.memory_space<semaphore_mem>>) src(%arg11 : memref<128x64xf32, #tpu.memory_space<vmem>>) dst(%dma_wait3A_1371 : memref<128x64xf32, #tpu.memory_space<hbm>>)
      tpu.yield
    }) : () -> ()
    return
  }
}

module attributes {stable_mosaic.version = 14 : i64} {
  func.func @_proj_body(%arg0: i32, %arg1: i32, %arg2: memref<1x5000x128xf32, #tpu.memory_space<vmem>>, %arg3: memref<1x128x64xf32, #tpu.memory_space<vmem>>, %arg4: memref<1x1x10240xf32, #tpu.memory_space<vmem>>, %arg5: memref<1x5000x64xf32, #tpu.memory_space<vmem>>) attributes {dimension_semantics = [#tpu.dimension_semantics<arbitrary>, #tpu.dimension_semantics<arbitrary>], iteration_bounds = array<i64: 2, 5>, scalar_prefetch = 0 : i64, scratch_operands = 0 : i64, tpu.core_type = #tpu.core_type<tc>, window_params = [{transform_indices = @transform_0, window_bounds = array<i64: 1, 5000, 128>}, {transform_indices = @transform_1, window_bounds = array<i64: 1, 128, 64>}, {transform_indices = @transform_2, window_bounds = array<i64: 1, 1, 10240>}, {transform_indices = @transform_3, window_bounds = array<i64: 1, 5000, 64>}]} {
    %get3A = arith.constant 0 : index
    %get3A_0 = arith.constant 0 : index
    %get3A_1 = arith.constant 0 : index
    %get3A_2 = vector.load %arg4[%get3A, %get3A_0, %get3A_1] : memref<1x1x10240xf32, #tpu.memory_space<vmem>>, vector<1x1x5000xf32>
    %get3A_3 = vector.shape_cast %get3A_2 : vector<1x1x5000xf32> to vector<5000xf32>
    %get3A_4 = arith.constant 0 : index
    %get3A_5 = arith.constant 0 : index
    %get3A_6 = arith.constant 5000 : index
    %get3A_7 = vector.load %arg4[%get3A_4, %get3A_5, %get3A_6] : memref<1x1x10240xf32, #tpu.memory_space<vmem>>, vector<1x1x5000xf32>
    %get3A_8 = vector.shape_cast %get3A_7 : vector<1x1x5000xf32> to vector<5000xf32>
    %add3A = arith.addf %get3A_3, %get3A_8 : vector<5000xf32>
    %max3A = arith.constant 1.000000e+00 : f32
    %max3A_9 = vector.broadcast %max3A : f32 to vector<5000xf32>
    %max3A_10 = arith.maximumf %add3A, %max3A_9 : vector<5000xf32>
    %rsqrt3A = math.rsqrt %max3A_10 : vector<5000xf32>
    %get3A_11 = arith.constant 0 : index
    %get3A_12 = arith.constant 0 : index
    %get3A_13 = arith.constant 0 : index
    %get3A_14 = vector.load %arg2[%get3A_11, %get3A_12, %get3A_13] : memref<1x5000x128xf32, #tpu.memory_space<vmem>>, vector<1x5000x128xf32>
    %get3A_15 = vector.shape_cast %get3A_14 : vector<1x5000x128xf32> to vector<5000x128xf32>
    %get3A_16 = arith.constant 0 : index
    %get3A_17 = arith.constant 0 : index
    %get3A_18 = arith.constant 0 : index
    %get3A_19 = vector.load %arg3[%get3A_16, %get3A_17, %get3A_18] : memref<1x128x64xf32, #tpu.memory_space<vmem>>, vector<1x128x64xf32>
    %get3A_20 = vector.shape_cast %get3A_19 : vector<1x128x64xf32> to vector<128x64xf32>
    %dot_general3A = arith.constant dense<0.000000e+00> : vector<5000x64xf32>
    %dot_general3A_21 = tpu.matmul %get3A_15, %get3A_20, %dot_general3A {dimension_numbers = #tpu.dot_dimension_numbers<[1], [0], [0], [1], [0, 0, 1, 1], [], []>, transpose_lhs_hint = false} : vector<5000x128xf32>, vector<128x64xf32>, vector<5000x64xf32> -> vector<5000x64xf32>
    %broadcast_in_dim3A = vector.shape_cast %rsqrt3A : vector<5000xf32> to vector<5000x1xf32>
    %mul3A = vector.broadcast %broadcast_in_dim3A : vector<5000x1xf32> to vector<5000x64xf32>
    %mul3A_22 = arith.mulf %dot_general3A_21, %mul3A : vector<5000x64xf32>
    %swap3A = arith.constant 0 : index
    %swap3A_23 = arith.constant 0 : index
    %swap3A_24 = arith.constant 0 : index
    %swap3A_25 = vector.load %arg5[%swap3A, %swap3A_23, %swap3A_24] : memref<1x5000x64xf32, #tpu.memory_space<vmem>>, vector<1x5000x64xf32>
    %swap3A_26 = vector.shape_cast %swap3A_25 : vector<1x5000x64xf32> to vector<5000x64xf32>
    %swap3A_27 = vector.shape_cast %mul3A_22 : vector<5000x64xf32> to vector<1x5000x64xf32>
    tpu.vector_store %arg5[%swap3A, %swap3A_23, %swap3A_24], %swap3A_27 {strides = array<i32>} : memref<1x5000x64xf32, #tpu.memory_space<vmem>>, vector<1x5000x64xf32>,
    return
  }
  func.func @transform_0(%arg0: i32, %arg1: i32) -> (i32, i32, i32) {
    %c0_i32 = arith.constant 0 : i32
    %c0_i32_0 = arith.constant 0 : i32
    %c0_i32_1 = arith.constant 0 : i32
    return %arg0, %c0_i32, %c0_i32_0 : i32, i32, i32
  }
  func.func @transform_1(%arg0: i32, %arg1: i32) -> (i32, i32, i32) {
    %c0_i32 = arith.constant 0 : i32
    %c0_i32_0 = arith.constant 0 : i32
    %c0_i32_1 = arith.constant 0 : i32
    return %arg1, %c0_i32, %c0_i32_0 : i32, i32, i32
  }
  func.func @transform_2(%arg0: i32, %arg1: i32) -> (i32, i32, i32) {
    %c0_i32 = arith.constant 0 : i32
    %c0_i32_0 = arith.constant 0 : i32
    %c0_i32_1 = arith.constant 0 : i32
    return %arg0, %c0_i32, %c0_i32_0 : i32, i32, i32
  }
  func.func @transform_3(%arg0: i32, %arg1: i32) -> (i32, i32, i32) {
    %mul3A = arith.constant 5 : i32
    %mul3A_0 = arith.muli %arg0, %mul3A : i32
    %add3A = arith.addi %mul3A_0, %arg1 : i32
    %c0_i32 = arith.constant 0 : i32
    %c0_i32_1 = arith.constant 0 : i32
    %c0_i32_2 = arith.constant 0 : i32
    return %add3A, %c0_i32, %c0_i32_1 : i32, i32, i32
  }
}

module attributes {stable_mosaic.version = 14 : i64} {
  func.func @_out_body(%arg0: i32, %arg1: i32, %arg2: memref<1x1x5000x64xf32, #tpu.memory_space<vmem>>, %arg3: memref<1x1x10240xf32, #tpu.memory_space<vmem>>, %arg4: memref<64x128xf32, #tpu.memory_space<vmem>>, %arg5: memref<1x128xf32, #tpu.memory_space<vmem>>, %arg6: memref<1x5000x128xf32, #tpu.memory_space<vmem>>) attributes {dimension_semantics = [#tpu.dimension_semantics<arbitrary>, #tpu.dimension_semantics<arbitrary>], iteration_bounds = array<i64: 2, 5>, scalar_prefetch = 0 : i64, scratch_operands = 0 : i64, tpu.core_type = #tpu.core_type<tc>, window_params = [{transform_indices = @transform_0, window_bounds = array<i64: 1, 1, 5000, 64>}, {transform_indices = @transform_1, window_bounds = array<i64: 1, 1, 10240>}, {transform_indices = @transform_2, window_bounds = array<i64: 64, 128>}, {pipeline_mode = #tpu.pipeline_mode<synchronous>, transform_indices = @transform_3, window_bounds = array<i64: 1, 128>}, {transform_indices = @transform_4, window_bounds = array<i64: 1, 5000, 128>}]} {
    %get3A = arith.constant 0 : index
    %get3A_0 = arith.constant 0 : index
    %get3A_1 = arith.constant 0 : index
    %get3A_2 = vector.load %arg3[%get3A, %get3A_0, %get3A_1] : memref<1x1x10240xf32, #tpu.memory_space<vmem>>, vector<1x1x5000xf32>
    %get3A_3 = vector.shape_cast %get3A_2 : vector<1x1x5000xf32> to vector<5000xf32>
    %get3A_4 = arith.constant 0 : index
    %get3A_5 = arith.constant 0 : index
    %get3A_6 = arith.constant 5000 : index
    %get3A_7 = vector.load %arg3[%get3A_4, %get3A_5, %get3A_6] : memref<1x1x10240xf32, #tpu.memory_space<vmem>>, vector<1x1x5000xf32>
    %get3A_8 = vector.shape_cast %get3A_7 : vector<1x1x5000xf32> to vector<5000xf32>
    %add3A = arith.addf %get3A_3, %get3A_8 : vector<5000xf32>
    %max3A = arith.constant 1.000000e+00 : f32
    %max3A_9 = vector.broadcast %max3A : f32 to vector<5000xf32>
    %max3A_10 = arith.maximumf %add3A, %max3A_9 : vector<5000xf32>
    %rsqrt3A = math.rsqrt %max3A_10 : vector<5000xf32>
    %get3A_11 = arith.constant 0 : index
    %get3A_12 = arith.constant 0 : index
    %get3A_13 = arith.constant 0 : index
    %get3A_14 = arith.constant 0 : index
    %get3A_15 = vector.load %arg2[%get3A_11, %get3A_12, %get3A_13, %get3A_14] : memref<1x1x5000x64xf32, #tpu.memory_space<vmem>>, vector<1x1x5000x64xf32>
    %get3A_16 = vector.shape_cast %get3A_15 : vector<1x1x5000x64xf32> to vector<5000x64xf32>
    %broadcast_in_dim3A = vector.shape_cast %rsqrt3A : vector<5000xf32> to vector<5000x1xf32>
    %mul3A = vector.broadcast %broadcast_in_dim3A : vector<5000x1xf32> to vector<5000x64xf32>
    %mul3A_17 = arith.mulf %get3A_16, %mul3A : vector<5000x64xf32>
    %max3A_18 = arith.constant 0.000000e+00 : f32
    %max3A_19 = vector.broadcast %max3A_18 : f32 to vector<5000x64xf32>
    %max3A_20 = arith.maximumf %mul3A_17, %max3A_19 : vector<5000x64xf32>
    %get3A_21 = arith.constant 0 : index
    %get3A_22 = arith.constant 0 : index
    %get3A_23 = vector.load %arg4[%get3A_21, %get3A_22] : memref<64x128xf32, #tpu.memory_space<vmem>>, vector<64x128xf32>
    %dot_general3A = arith.constant dense<0.000000e+00> : vector<5000x128xf32>
    %dot_general3A_24 = tpu.matmul %max3A_20, %get3A_23, %dot_general3A {dimension_numbers = #tpu.dot_dimension_numbers<[1], [0], [0], [1], [0, 0, 1, 1], [], []>, transpose_lhs_hint = false} : vector<5000x64xf32>, vector<64x128xf32>, vector<5000x128xf32> -> vector<5000x128xf32>
    %eq3A = arith.constant 0 : i32
    %eq3A_25 = arith.cmpi eq, %arg1, %eq3A : i32
    %convert_element_type3A = arith.extui %eq3A_25 : i1 to i32
    %cond3A = arith.constant 0 : i32
    %cond3A_26 = arith.cmpi ne, %convert_element_type3A, %cond3A : i32
    scf.if %cond3A_26 {
      %get3A_31 = arith.constant 0 : index
      %get3A_32 = arith.constant 0 : index
      %get3A_33 = vector.load %arg5[%get3A_31, %get3A_32] : memref<1x128xf32, #tpu.memory_space<vmem>>, vector<1x128xf32>
      %add3A_34 = vector.broadcast %get3A_33 : vector<1x128xf32> to vector<5000x128xf32>
      %add3A_35 = arith.addf %dot_general3A_24, %add3A_34 : vector<5000x128xf32>
      %swap3A = arith.constant 0 : index
      %swap3A_36 = arith.constant 0 : index
      %swap3A_37 = arith.constant 0 : index
      %swap3A_38 = vector.load %arg6[%swap3A, %swap3A_36, %swap3A_37] : memref<1x5000x128xf32, #tpu.memory_space<vmem>>, vector<1x5000x128xf32>
      %swap3A_39 = vector.shape_cast %swap3A_38 : vector<1x5000x128xf32> to vector<5000x128xf32>
      %swap3A_40 = vector.shape_cast %add3A_35 : vector<5000x128xf32> to vector<1x5000x128xf32>
      tpu.vector_store %arg6[%swap3A, %swap3A_36, %swap3A_37], %swap3A_40 {strides = array<i32>} : memref<1x5000x128xf32, #tpu.memory_space<vmem>>, vector<1x5000x128xf32>,
    } else {
    }
    %gt3A = arith.constant 0 : i32
    %gt3A_27 = arith.cmpi sgt, %arg1, %gt3A : i32
    %convert_element_type3A_28 = arith.extui %gt3A_27 : i1 to i32
    %cond3A_29 = arith.constant 0 : i32
    %cond3A_30 = arith.cmpi ne, %convert_element_type3A_28, %cond3A_29 : i32
    scf.if %cond3A_30 {
      %get3A_31 = arith.constant 0 : index
      %get3A_32 = arith.constant 0 : index
      %get3A_33 = arith.constant 0 : index
      %get3A_34 = vector.load %arg6[%get3A_31, %get3A_32, %get3A_33] : memref<1x5000x128xf32, #tpu.memory_space<vmem>>, vector<1x5000x128xf32>
      %get3A_35 = vector.shape_cast %get3A_34 : vector<1x5000x128xf32> to vector<5000x128xf32>
      %add3A_36 = arith.addf %get3A_35, %dot_general3A_24 : vector<5000x128xf32>
      %swap3A = arith.constant 0 : index
      %swap3A_37 = arith.constant 0 : index
      %swap3A_38 = arith.constant 0 : index
      %swap3A_39 = vector.load %arg6[%swap3A, %swap3A_37, %swap3A_38] : memref<1x5000x128xf32, #tpu.memory_space<vmem>>, vector<1x5000x128xf32>
      %swap3A_40 = vector.shape_cast %swap3A_39 : vector<1x5000x128xf32> to vector<5000x128xf32>
      %swap3A_41 = vector.shape_cast %add3A_36 : vector<5000x128xf32> to vector<1x5000x128xf32>
      tpu.vector_store %arg6[%swap3A, %swap3A_37, %swap3A_38], %swap3A_41 {strides = array<i32>} : memref<1x5000x128xf32, #tpu.memory_space<vmem>>, vector<1x5000x128xf32>,
    } else {
    }
    return
  }
  func.func @transform_0(%arg0: i32, %arg1: i32) -> (i32, i32, i32, i32) {
    %jit3A = arith.constant 2 : i32
    %div3A = arith.divsi %arg1, %jit3A : i32
    %sign3A = arith.constant 0 : i32
    %sign3A_0 = arith.cmpi sgt, %arg1, %sign3A : i32
    %sign3A_1 = arith.extui %sign3A_0 : i1 to i32
    %sign3A_2 = arith.constant 0 : i32
    %sign3A_3 = arith.cmpi slt, %arg1, %sign3A_2 : i32
    %sign3A_4 = arith.extui %sign3A_3 : i1 to i32
    %sign3A_5 = arith.subi %sign3A_1, %sign3A_4 : i32
    %sign3A_6 = arith.constant 0 : i32
    %sign3A_7 = arith.cmpi sgt, %jit3A, %sign3A_6 : i32
    %sign3A_8 = arith.extui %sign3A_7 : i1 to i32
    %sign3A_9 = arith.constant 0 : i32
    %sign3A_10 = arith.cmpi slt, %jit3A, %sign3A_9 : i32
    %sign3A_11 = arith.extui %sign3A_10 : i1 to i32
    %sign3A_12 = arith.subi %sign3A_8, %sign3A_11 : i32
    %ne3A = arith.cmpi ne, %sign3A_5, %sign3A_12 : i32
    %rem3A = arith.remsi %arg1, %jit3A : i32
    %ne3A_13 = arith.constant 0 : i32
    %ne3A_14 = arith.cmpi ne, %rem3A, %ne3A_13 : i32
    %and3A = arith.andi %ne3A, %ne3A_14 : i1
    %sub3A = arith.constant 1 : i32
    %sub3A_15 = arith.subi %div3A, %sub3A : i32
    %select_n3A = arith.select %and3A, %sub3A_15, %div3A : i32
    %jit3A_16 = arith.constant 2 : i32
    %eq3A = arith.constant 0 : i32
    %eq3A_17 = arith.cmpi eq, %jit3A_16, %eq3A : i32
    %jit3A_18 = arith.constant 1 : i32
    %select_n3A_19 = arith.select %eq3A_17, %jit3A_18, %jit3A_16 : i32
    %rem3A_20 = arith.remsi %arg1, %select_n3A_19 : i32
    %ne3A_21 = arith.constant 0 : i32
    %ne3A_22 = arith.cmpi ne, %rem3A_20, %ne3A_21 : i32
    %lt3A = arith.constant 0 : i32
    %lt3A_23 = arith.cmpi slt, %rem3A_20, %lt3A : i32
    %lt3A_24 = arith.constant 0 : i32
    %lt3A_25 = arith.cmpi slt, %select_n3A_19, %lt3A_24 : i32
    %ne3A_26 = arith.xori %lt3A_23, %lt3A_25 : i1
    %and3A_27 = arith.andi %ne3A_26, %ne3A_22 : i1
    %add3A = arith.addi %rem3A_20, %select_n3A_19 : i32
    %select_n3A_28 = arith.select %and3A_27, %add3A, %rem3A_20 : i32
    %c0_i32 = arith.constant 0 : i32
    %c0_i32_29 = arith.constant 0 : i32
    return %arg0, %select_n3A, %select_n3A_28, %c0_i32 : i32, i32, i32, i32
  }
  func.func @transform_1(%arg0: i32, %arg1: i32) -> (i32, i32, i32) {
    %c0_i32 = arith.constant 0 : i32
    %c0_i32_0 = arith.constant 0 : i32
    %c0_i32_1 = arith.constant 0 : i32
    return %arg0, %c0_i32, %c0_i32_0 : i32, i32, i32
  }
  func.func @transform_2(%arg0: i32, %arg1: i32) -> (i32, i32) {
    %c0_i32 = arith.constant 0 : i32
    %c0_i32_0 = arith.constant 0 : i32
    return %arg1, %c0_i32 : i32, i32
  }
  func.func @transform_3(%arg0: i32, %arg1: i32) -> (i32, i32) {
    %c0_i32 = arith.constant 0 : i32
    %c0_i32_0 = arith.constant 0 : i32
    %c0_i32_1 = arith.constant 0 : i32
    return %c0_i32, %c0_i32_0 : i32, i32
  }
  func.func @transform_4(%arg0: i32, %arg1: i32) -> (i32, i32, i32) {
    %c0_i32 = arith.constant 0 : i32
    %c0_i32_0 = arith.constant 0 : i32
    %c0_i32_1 = arith.constant 0 : i32
    return %arg0, %c0_i32, %c0_i32_0 : i32, i32, i32
  }
}

</mosaic_0001>

<sc_bundles>
// kernel: kernel.6.cloned.1.call-start
scs
__scs_entry_jumppad:
0x0: {  	(pc) =	sbr.rel $0x88, $3  }
0x1: {  	(tag) =	ssettag $0x0;
	lr =	simm.s32 $0x1  }
0x2: {  	[smem:$0x3F9B] =	sst lr;
	_ =	strace $0xD0000000  }
0x3: {  	_ = 	snop  }
0x4: {  	_ = 	snop  }
0x5: {  	_ = 	snop  }
0x6: {  	_ = 	snop  }
0x7: {  	_ = 	snop  }
__scs_overlays_trampoline_lowered:
0x8: {  	[smem:$0x3FAA] =	sst s0  }
0x9: {  	[smem:$0x3FAB] =	sst s1  }
0xa: {  	[smem:$0x3FAC] =	sst s2  }
0xb: {  	[smem:$0x3FAD] =	sst s3  }
0xc: {  	[smem:$0x3FAE] =	sst s4  }
0xd: {  	[smem:$0x3FAF] =	sst s5  }
0xe: {  	[smem:$0x3FB0] =	sst s6  }
0xf: {  	[smem:$0x3FB1] =	sst s7  }
0x10: {  	[smem:$0x3FB2] =	sst s8  }
0x11: {  	[smem:$0x3FB3] =	sst s9;
	s0 =	simm.s32 @!p0 $0x0  }
0x12: {  	s1 =	sld [smem:$0x3F99];
	s0 =	simm.s32 @p0 $0x1  }
0x13: {  	[smem:$0x3FB4] =	sst s0;
	s0 =	simm.s32 @!p1 $0x0  }
0x14: {  	s2 =	sld [smem:$0x3F98];
	s0 =	simm.s32 @p1 $0x1  }
0x15: {  	[smem:$0x3FB5] =	sst s0;
	s0 =	simm.s32 @!p2 $0x0  }
0x16: {  	s3 =	sld [smem:$0x3FDB];
	s0 =	simm.s32 @p2 $0x1  }
0x17: {  	s4 =	simm.s32 $0x1BF5;
	[smem:$0x3FB7] =	sst s0  }
0x18: {  	s0 =	sld [smem:$0x3F9A];
	_ =	swait.ge [sflag:s4], $0x0  }
0x19: {  	s7 =	sld [smem:$0x3F9B]  }
0x1a: {  	s8 =	sadd.s32 $0xFFFFE003, lr  }
0x1b: {  	s9 =	sadd.s32 $0xFFFFFEF7, lr;
	s5 =	simm.s32 $0xFFFFFFFF;
	p2 =	slt.u32 s8, $0xFFFFF086  }
0x1c: {  	p1 =	slt.u32 s9, $0xF7A;
	s5 =	simm.s32 @!p2 $0x0  }
0x1d: {  	s5 =	simm.s32 @p1 $0x1;
	p0 =	seq.s32 s7, s2  }
0x1e: {  	s7 =	smul.u32 @!p0 $0xF7A, s2;
	p2 =	seq.s32 @!p0 s5, $0x0  }
0x1f: {  	s9 =	smul.u32 $0xF7A, s1;
	s8 =	simm.s32 @!p0 $0x1BF5;
	p2 =	por !p2, p0  }
0x20: {  	[sflag:s8] =	ssyncset.s32 @!p0 $0xFFFFF086;
	s6 =	sadd.s32 @!p0 s3, s7;
	s7 =	simm.s32 @!p0 $0x108  }
0x21: {  	s3 =	sadd.s32 s3, s9;
	s6 =	sadd.s32 @!p0 $0x88, s6;
	s7 =	simm.s32 @p2 $0x1082  }
0x22: {  	[simem:s7], [sflag:s8] =	dma.local @!p0 [hbm:s6], $0xF7A  }
0x23: {  	s9 =	sor.u32 $0xD0000000, s2;
	s6 =	simm.s32 $0x108;
	_ =	swait.ge @!p0 [sflag:s8], $0x0  }
0x24: {  	s3 =	sadd.s32 $0x88, s3;
	s6 =	simm.s32 @!p1 $0x1082;
	[sflag:s4] =	ssyncset.s32 $0xFFFFF086  }
0x25: {  	[simem:s6], [sflag:s4] =	dma.local [hbm:s3], $0xF7A  }
0x26: {  	[smem:$0x3F9B] =	sst s1;
	(tag) =	ssettag s2;
	_ =	strace s9  }
0x27: {  	s1 =	sld [smem:$0x3FAB]  }
0x28: {  	s2 =	sld [smem:$0x3FAC]  }
0x29: {  	s4 =	sld [smem:$0x3FAE]  }
0x2a: {  	p0 =	seq.s32 s5, $0x0;
	s5 =	sld [smem:$0x3FAF]  }
0x2b: {  	s6 =	sld [smem:$0x3FB0]  }
0x2c: {  	s7 =	sld [smem:$0x3FB1]  }
0x2d: {  	s3 =	simm.s32 $0x108;
	s8 =	sld [smem:$0x3FB2]  }
0x2e: {  	s3 =	simm.s32 @!p0 $0x1082;
	s9 =	sld [smem:$0x3FB3]  }
0x2f: {  	lr =	sadd.s32 s0, s3;
	s0 =	sld [smem:$0x3FAA]  }
0x30: {  	s3 =	sld [smem:$0x3FAD]  }
0x31: {  	[smem:$0x3FB6] =	sst s10  }
0x32: {  	s10 =	sld [smem:$0x3FB4];
	_ =	sdelay $0x3  }
0x33: {  	p0 =	seq.s32 s10, $0x1;
	s10 =	sld [smem:$0x3FB6];
	_ =	sdelay $0x3  }
0x34: {  	[smem:$0x3FB6] =	sst s10  }
0x35: {  	s10 =	sld [smem:$0x3FB5];
	_ =	sdelay $0x3  }
0x36: {  	p1 =	seq.s32 s10, $0x1;
	s10 =	sld [smem:$0x3FB6];
	_ =	sdelay $0x3  }
0x37: {  	[smem:$0x3FB6] =	sst s10  }
0x38: {  	s10 =	sld [smem:$0x3FB7]  }
0x39: {  	_ = 	snop;
	(pc) =	sbr.ind lr, $3  }
0x3a: {  	_ = 	snop  }
0x3b: {  	_ = 	snop  }
0x3c: {  	p2 =	seq.s32 s10, $0x1;
	s10 =	sld [smem:$0x3FB6]  }
0x3d: {  	_ =	shalt  }
0x3e: {  	_ =	shalt  }
0x3f: {  	_ =	shalt  }
0x40: {  	_ =	shalt  }
0x41: {  	_ =	shalt  }
0x42: {  	_ =	shalt  }
0x43: {  	_ =	shalt  }
0x44: {  	_ =	shalt  }
0x45: {  	_ =	shalt  }
0x46: {  	_ =	shalt  }
0x47: {  	_ =	shalt  }
0x48: {  	_ =	shalt  }
0x49: {  	_ =	shalt  }
0x4a: {  	_ =	shalt  }
0x4b: {  	_ =	shalt  }
0x4c: {  	_ =	shalt  }
0x4d: {  	_ =	shalt  }
0x4e: {  	_ =	shalt  }
0x4f: {  	_ =	shalt  }
0x50: {  	_ =	shalt  }
0x51: {  	_ =	shalt  }
0x52: {  	_ =	shalt  }
0x53: {  	_ =	shalt  }
0x54: {  	_ =	shalt  }
0x55: {  	_ =	shalt  }
0x56: {  	_ =	shalt  }
0x57: {  	_ =	shalt  }
0x58: {  	_ =	shalt  }
0x59: {  	_ =	shalt  }
0x5a: {  	_ =	shalt  }
0x5b: {  	_ =	shalt  }
0x5c: {  	_ =	shalt  }
0x5d: {  	_ =	shalt  }
0x5e: {  	_ =	shalt  }
0x5f: {  	_ =	shalt  }
0x60: {  	_ =	shalt  }
0x61: {  	_ =	shalt  }
0x62: {  	_ =	shalt  }
0x63: {  	_ =	shalt  }
0x64: {  	_ =	shalt  }
0x65: {  	_ =	shalt  }
0x66: {  	_ =	shalt  }
0x67: {  	_ =	shalt  }
0x68: {  	_ =	shalt  }
0x69: {  	_ =	shalt  }
0x6a: {  	_ =	shalt  }
0x6b: {  	_ =	shalt  }
0x6c: {  	_ =	shalt  }
0x6d: {  	_ =	shalt  }
0x6e: {  	_ =	shalt  }
0x6f: {  	_ =	shalt  }
0x70: {  	_ =	shalt  }
0x71: {  	_ =	shalt  }
0x72: {  	_ =	shalt  }
0x73: {  	_ =	shalt  }
0x74: {  	_ =	shalt  }
0x75: {  	_ =	shalt  }
0x76: {  	_ =	shalt  }
0x77: {  	_ =	shalt  }
0x78: {  	_ =	shalt  }
0x79: {  	_ =	shalt  }
0x7a: {  	_ =	shalt  }
0x7b: {  	_ =	shalt  }
0x7c: {  	_ =	shalt  }
0x7d: {  	_ =	shalt  }
0x7e: {  	_ =	shalt  }
0x7f: {  	_ =	shalt  }
0x80: {  	_ =	shalt  }
0x81: {  	_ =	shalt  }
0x82: {  	_ =	shalt  }
0x83: {  	_ =	shalt  }
0x84: {  	_ =	shalt  }
0x85: {  	_ =	shalt  }
0x86: {  	_ =	shalt  }
0x87: {  	_ =	shalt  }
.Lfunc_end0:
.L_simem_size_0:
called_computation_lowered:
.L_overlay_start_0:
0x88: {  	s2 =	sld [smem:$0x3FD9]  }
0x89: {  	s3 =	sld [smem:$0x3FFE];
	_ =	sdelay $0x1  }
0x8a: {  	s1 =	srdreg.scid  }
0x8b: {  	s0 =	sand.u32 $0x1, s1  }
0x8c: {  	s14 =	sshll.u32 s0, $0xA;
	s2 =	sadd.s32 s3, s2  }
0x8d: {  	s2 =	sadd.s32 s2, s14  }
0x8e: {  	[smem:$0x3FC2] =	sst s2  }
0x8f: {  	_ = 	snop  }
0x90: {  	s2 =	sld [smem:$0x3FD0];
	_ =	sdelay $0x2  }
0x91: {  	s15 =	simm.s32 $0xA;
	s4 =	simm.s32 $0x10  }
0x92: {  	[smem:s4], [sflag:s15] =	dma.local [hbm:s2], $0x1  }
0x93: {  	_ =	swait.eq [sflag:s15], $0x1  }
0x94: {  	[sflag:s15] =	ssyncset.done $0x0  }
0x95: {  	[sflag:s15] =	ssyncadd.s32 $0xFFFFFFFF  }
0x96: {  	s16 =	sld [smem:$0x10];
	(tm) =	ssettm $0x1  }
0x97: {  	s17 =	sld [smem:$0x3FFB];
	_ =	sdelay $0x3  }
0x98: {  	_ =	strace s17  }
0x99: {  	s3 =	sld [smem:$0x3FFC];
	_ =	sdelay $0x3  }
0x9a: {  	_ =	strace s3  }
0x9b: {  	s3 =	sld [smem:$0x3FFD];
	_ =	sdelay $0x3  }
0x9c: {  	_ =	strace s3  }
0x9d: {  	_ =	strace $0x8FFFFFFF  }
0x9e: {  	s18 =	sld [smem:$0x3FDB];
	_ =	sdelay $0x1  }
0x9f: {  	s19 =	simm.s32 $_scs_section_size  }
0xa0: {  	s5 =	simm.s32 $_size__tile_overlayer_lowered;
	s6 =	simm.s32 $_tile_overlayer_lowered  }
0xa1: {  	s22 =	simm.s32 $0x1BFF;
	s21 =	sshll.u32 s6, $0x1;
	s3 =	sadd.s32 s19, s18  }
0xa2: {  	s7 =	simm.s32 $0x0;
	s20 =	sshll.u32 s5, $0x1;
	s5 =	sadd.s32 s21, s3  }
0xa3: {  	[timem:s7], [sflag:s22] =	dma.local [hbm:s5], s20  }
0xa4: {  	_ =	swait.ge [sflag:s22], s20  }
0xa5: {  	s4 =	ssub.s32 $0x0, s20;
	[sflag:s22] =	ssyncset.done $0x0  }
0xa6: {  	[sflag:s22] =	ssyncadd.s32 s4;
	_ =	sdelay $0x1  }
0xa7: {  	s23 =	simm.s32 $0x1B8B  }
0xa8: {  	_ =	swait.ge [sflag:s23], $0x1  }
0xa9: {  	[sflag:s23] =	ssyncset.done $0x0  }
0xaa: {  	s25 =	simm.s32 $0x1B8E;
	s24 =	sld [smem:$0x3FFE];
	[sflag:s23] =	ssyncadd.s32 $0xFFFFFFFF  }
0xab: {  	s26 =	simm.s32 $execute0_lowered;
	[smem:$0x3FD2] =	sst s25  }
0xac: {  	s5 =	sshll.u32 s26, $0x1;
	_ =	strace $0x80000046;
	[dreg:$0x1] =	wrdreg $0xFFFFFFFF  }
0xad: {  	s28 =	simm.s32 $_size_execute0_lowered;
	s3 =	sadd.s32 s3, s5;
	[dreg:$0x0] =	wrdreg $0x0  }
0xae: {  	s5 =	sshll.u32 s28, $0x1;
	[dreg:$0x2] =	wrdreg s3  }
0xaf: {  	[dreg:$0x3] =	wrdreg s5  }
0xb0: {  	[dreg:$0x4] =	wrdreg $0xC0  }
0xb1: {  	_ =	task [dreg:s7], $0x5FFFF  }
0xb2: {  	[dreg:$0x1] =	wrdreg $0xFFFFFFFF  }
0xb3: {  	[dreg:$0x0] =	wrdreg $0x60  }
0xb4: {  	[dreg:$0x2] =	wrdreg s24  }
0xb5: {  	[dreg:$0x3] =	wrdreg s16  }
0xb6: {  	[dreg:$0x4] =	wrdreg $0x14800  }
0xb7: {  	[dreg:$0x5] =	wrdreg $0x9  }
0xb8: {  	_ =	task.clear_ibuf [dreg:s7], $0x6FFFF;
	_ =	strace $0x90000046  }
0xb9: {  	s29 =	simm.s32 $0x9;
	_ =	strace $0x80000048  }
0xba: {  	_ =	swait.ge [sflag:s29], $0x1  }
0xbb: {  	[sflag:s29] =	ssyncadd.s32 $0xFFFFFFFF  }
0xbc: {  	_ =	strace $0x90000048  }
0xbd: {  	_ =	sfence  }
0xbe: {  	s30 =	sld [smem:$0x0];
	_ =	sdelay $0x2  }
0xbf: {  	s31 =	sshll.u32 s1, $0xD;
	s1 =	sshrl.u32 s1, $0x2  }
0xc0: {  	s3 =	sand.u32 $0x4000, s31;
	s1 =	sadd.s32 s1, s30  }
0xc1: {  	s0 =	sor.u32 s3, s0;
	s1 =	sshll.u32 s1, $0x11  }
0xc2: {  	s0 =	sor.u32 s1, s0  }
0xc3: {  	s0 =	sadd.s32 $0x8F2B, s0  }
0xc4: {  	[sflag:s0] =	ssyncadd.remote.s32 $0x1  }
0xc5: {  	_ =	sfence.sel $0xFFFF  }
0xc6: {  	[dreg:$0x0] =	wrdreg $0xFFFFFFFF;
	(pc) =	sbr.abs _section_cstart, $3  }
0xc7: {  	[dreg:$0x1] =	wrdreg $0xFFFFFFFF  }
0xc8: {  	_ =	task.clear_ibuf [dreg:s7], $0x2FFFF;
	_ =	strace $0x9FFFFFFF  }
0xc9: {  	(tm) =	ssettm $0x7FFFFFFF  }
tec
execute0_lowered:
.L_overlay_start_1:
0x0: {  	(tag) =	ssettag $0x1  }
0x1: {  	s7 =	rddreg [dreg:$0x0]  }
0x2: {  	s20 =	rddreg [dreg:$0x1]  }
0x3: {  	s1 =	rddreg [dreg:$0x2];
	s2 =	simm.s32 $0x0  }
0x4: {  	v0 =	vimm.f32 $0.0e+00;
	[smem:$0x7FF] =	sst s2  }
0x5: {  	s0 =	rddreg [dreg:$0x3];
	_ =	strace $0x80000047;
	[tilespmem:$0x1220] =	vst v0  }
0x6: {  	[tilespmem:$0x1230] =	vst v0  }
0x7: {  	[tilespmem:$0x1240] =	vst v0  }
0x8: {  	[tilespmem:$0x1250] =	vst v0  }
0x9: {  	[tilespmem:$0x1260] =	vst v0  }
0xa: {  	[tilespmem:$0x1270] =	vst v0  }
0xb: {  	[tilespmem:$0x1280] =	vst v0  }
0xc: {  	[tilespmem:$0x1290] =	vst v0  }
0xd: {  	[tilespmem:$0x12A0] =	vst v0  }
0xe: {  	[tilespmem:$0x12B0] =	vst v0  }
0xf: {  	[tilespmem:$0x12C0] =	vst v0  }
0x10: {  	[tilespmem:$0x12D0] =	vst v0  }
0x11: {  	[tilespmem:$0x12E0] =	vst v0  }
0x12: {  	[tilespmem:$0x12F0] =	vst v0  }
0x13: {  	[tilespmem:$0x1300] =	vst v0  }
0x14: {  	[tilespmem:$0x1310] =	vst v0  }
0x15: {  	[tilespmem:$0x1320] =	vst v0  }
0x16: {  	[tilespmem:$0x1330] =	vst v0  }
0x17: {  	[tilespmem:$0x1340] =	vst v0  }
0x18: {  	[tilespmem:$0x1350] =	vst v0  }
0x19: {  	[tilespmem:$0x1360] =	vst v0  }
0x1a: {  	[tilespmem:$0x1370] =	vst v0  }
0x1b: {  	[tilespmem:$0x1380] =	vst v0  }
0x1c: {  	[tilespmem:$0x1390] =	vst v0  }
0x1d: {  	[tilespmem:$0x13A0] =	vst v0  }
0x1e: {  	[tilespmem:$0x13B0] =	vst v0  }
0x1f: {  	[tilespmem:$0x13C0] =	vst v0  }
0x20: {  	[tilespmem:$0x13D0] =	vst v0  }
0x21: {  	[tilespmem:$0x13E0] =	vst v0  }
0x22: {  	[tilespmem:$0x13F0] =	vst v0  }
0x23: {  	[tilespmem:$0x1400] =	vst v0  }
0x24: {  	[tilespmem:$0x1410] =	vst v0  }
0x25: {  	[tilespmem:$0x1420] =	vst v0  }
0x26: {  	[tilespmem:$0x1430] =	vst v0  }
0x27: {  	v1 =	vimm.f32 $1.000000000e+00;
	[tilespmem:$0x1200] =	vst v0  }
0x28: {  	[tilespmem:$0x11F0] =	vst v1  }
0x29: {  	[tilespmem:$0x11E0] =	vst v1  }
0x2a: {  	[tilespmem:$0x11D0] =	vst v1  }
0x2b: {  	[tilespmem:$0x11C0] =	vst v1  }
0x2c: {  	[tilespmem:$0x11B0] =	vst v1  }
0x2d: {  	[tilespmem:$0x11A0] =	vst v1  }
0x2e: {  	[tilespmem:$0x1190] =	vst v1  }
0x2f: {  	[tilespmem:$0x1180] =	vst v1  }
0x30: {  	[tilespmem:$0x1170] =	vst v1  }
0x31: {  	[tilespmem:$0x1160] =	vst v1  }
0x32: {  	[tilespmem:$0x1150] =	vst v1  }
0x33: {  	[tilespmem:$0x1140] =	vst v1  }
0x34: {  	[tilespmem:$0x1130] =	vst v1  }
0x35: {  	[tilespmem:$0x1120] =	vst v1  }
0x36: {  	[tilespmem:$0x1110] =	vst v1  }
0x37: {  	[tilespmem:$0x1100] =	vst v1  }
0x38: {  	[tilespmem:$0x10F0] =	vst v1  }
0x39: {  	[tilespmem:$0x10E0] =	vst v1  }
0x3a: {  	[tilespmem:$0x10D0] =	vst v1  }
0x3b: {  	[tilespmem:$0x10C0] =	vst v1  }
0x3c: {  	[tilespmem:$0x10B0] =	vst v1  }
0x3d: {  	[tilespmem:$0x10A0] =	vst v1  }
0x3e: {  	[tilespmem:$0x1090] =	vst v1  }
0x3f: {  	[tilespmem:$0x1080] =	vst v1  }
0x40: {  	[tilespmem:$0x1070] =	vst v1  }
0x41: {  	[tilespmem:$0x1060] =	vst v1  }
0x42: {  	[tilespmem:$0x1050] =	vst v1  }
0x43: {  	[tilespmem:$0x1040] =	vst v1  }
0x44: {  	[tilespmem:$0x1030] =	vst v1  }
0x45: {  	[tilespmem:$0x1020] =	vst v1  }
0x46: {  	[tilespmem:$0x1010] =	vst v1  }
0x47: {  	[tilespmem:$0x1000] =	vst v1  }
0x48: {  	[tilespmem:$0x1470] =	vst v0  }
0x49: {  	s3 =	stileid.u32;
	[tilespmem:$0x1460] =	vst v0  }
0x4a: {  	s4 =	srdreg.scid;
	s21 =	smul.u32 $0x280, s3;
	[tilespmem:$0x1450] =	vst v0  }
0x4b: {  	s6 =	simm.s32 $0x1200;
	s5 =	simm.s32 $0x1;
	s22 =	sand.u32 $0x1, s4;
	[tilespmem:$0x1440] =	vst v0  }
0x4c: {  	s9 =	sshll.u32 s3, $0xC;
	s8 =	smul.u32 $0x50000, s22;
	[tilespmem:$0x1210] =	vst v0;
	s4 =	sadd.s32 s21, s1  }
0x4d: {  	[spmem:s4] =	stream.linear.scatter [tilespmem:s6], [sflag:$0x1], $0x280, $0x38;
	[tilespmem:$0x1700] =	vst v63  }
0x4e: {  	s8 =	sor.u32 s9, s8;
	_ =	swait.ge [sflag:s5], $0x280  }
0x4f: {  	s8 =	sshrl.u32 s8, $0x3;
	[sflag:s5] =	ssyncset.done $0x0  }
0x50: {  	s19 =	sadd.s32 s8, s7;
	[sflag:s5] =	ssyncadd.s32 $0xFFFFFD80  }
0x51: {  	s7 =	sadd.s32 $0x1C00, s19;
	[bflag:$0x0] =	sbarrier.arrive $0xFFFF  }
0x52: {  	[tilespmem:s2], [sflag:$0x1] =	stream.linear.gather [hbm4b:s7+s2], $0x1000, $0x38;
	[tilespmem:$0x1700] =	vst v63  }
0x53: {  	_ =	swait.ge [sflag:s5], $0x1000  }
0x54: {  	[sflag:s5] =	ssyncset.done $0x0  }
0x55: {  	s9 =	simm.s32 $0x1000;
	s8 =	simm.s32 $0x200;
	[sflag:s5] =	ssyncadd.s32 $0xFFFFF000  }
0x56: {  	[spmem:s1] =	stream.indirect.scatter.add.f32 [tilespmem:s9], [sflag:$0x1], $0x1, s2, s8, $0xb8;
	[tilespmem:$0x1700] =	vst v63  }
0x57: {  	_ =	swait.ge [sflag:s5], $0x200  }
0x58: {  	[sflag:s5] =	ssyncset.done $0x0  }
0x59: {  	[sflag:s5] =	ssyncadd.s32 $0xFFFFFE00  }
0x5a: {  	[spmem:s1] =	stream.indirect.scatter.add.f32 [tilespmem:s9], [sflag:$0x1], $0x1, s8, s8, $0xb8;
	[tilespmem:$0x1700] =	vst v63  }
0x5b: {  	_ =	swait.ge [sflag:s5], $0x200  }
0x5c: {  	[sflag:s5] =	ssyncset.done $0x0  }
0x5d: {  	s10 =	simm.s32 $0x400;
	[sflag:s5] =	ssyncadd.s32 $0xFFFFFE00  }
0x5e: {  	[spmem:s1] =	stream.indirect.scatter.add.f32 [tilespmem:s9], [sflag:$0x1], $0x1, s10, s8, $0xb8;
	[tilespmem:$0x1700] =	vst v63  }
0x5f: {  	_ =	swait.ge [sflag:s5], $0x200  }
0x60: {  	[sflag:s5] =	ssyncset.done $0x0  }
0x61: {  	s11 =	simm.s32 $0x600;
	[sflag:s5] =	ssyncadd.s32 $0xFFFFFE00  }
0x62: {  	[spmem:s1] =	stream.indirect.scatter.add.f32 [tilespmem:s9], [sflag:$0x1], $0x1, s11, s8, $0xb8;
	[tilespmem:$0x1700] =	vst v63  }
0x63: {  	_ =	swait.ge [sflag:s5], $0x200  }
0x64: {  	[sflag:s5] =	ssyncset.done $0x0  }
0x65: {  	s12 =	simm.s32 $0x800;
	[sflag:s5] =	ssyncadd.s32 $0xFFFFFE00  }
0x66: {  	[spmem:s1] =	stream.indirect.scatter.add.f32 [tilespmem:s9], [sflag:$0x1], $0x1, s12, s8, $0xb8;
	[tilespmem:$0x1700] =	vst v63  }
0x67: {  	_ =	swait.ge [sflag:s5], $0x200  }
0x68: {  	[sflag:s5] =	ssyncset.done $0x0  }
0x69: {  	s13 =	simm.s32 $0xA00;
	[sflag:s5] =	ssyncadd.s32 $0xFFFFFE00  }
0x6a: {  	[spmem:s1] =	stream.indirect.scatter.add.f32 [tilespmem:s9], [sflag:$0x1], $0x1, s13, s8, $0xb8;
	[tilespmem:$0x1700] =	vst v63  }
0x6b: {  	_ =	swait.ge [sflag:s5], $0x200  }
0x6c: {  	[sflag:s5] =	ssyncset.done $0x0  }
0x6d: {  	s14 =	simm.s32 $0xC00;
	[sflag:s5] =	ssyncadd.s32 $0xFFFFFE00  }
0x6e: {  	[spmem:s1] =	stream.indirect.scatter.add.f32 [tilespmem:s9], [sflag:$0x1], $0x1, s14, s8, $0xb8;
	[tilespmem:$0x1700] =	vst v63  }
0x6f: {  	_ =	swait.ge [sflag:s5], $0x200  }
0x70: {  	[sflag:s5] =	ssyncset.done $0x0  }
0x71: {  	s15 =	simm.s32 $0xE00;
	[sflag:s5] =	ssyncadd.s32 $0xFFFFFE00  }
0x72: {  	[spmem:s1] =	stream.indirect.scatter.add.f32 [tilespmem:s9], [sflag:$0x1], $0x1, s15, s8, $0xb8;
	[tilespmem:$0x1700] =	vst v63  }
0x73: {  	_ =	swait.ge [sflag:s5], $0x200  }
0x74: {  	[sflag:s5] =	ssyncset.done $0x0  }
0x75: {  	s16 =	sadd.s32 $0x3C00, s19;
	[sflag:s5] =	ssyncadd.s32 $0xFFFFFE00  }
0x76: {  	[tilespmem:s2], [sflag:$0x1] =	stream.linear.gather [hbm4b:s16+s2], $0x1000, $0x38;
	[tilespmem:$0x1700] =	vst v63  }
0x77: {  	_ =	swait.ge [sflag:s5], $0x1000  }
0x78: {  	[sflag:s5] =	ssyncset.done $0x0  }
0x79: {  	[sflag:s5] =	ssyncadd.s32 $0xFFFFF000  }
0x7a: {  	[spmem:s1] =	stream.indirect.scatter.add.f32 [tilespmem:s9], [sflag:$0x1], $0x1, s2, s8, $0xb8;
	[tilespmem:$0x1700] =	vst v63  }
0x7b: {  	_ =	swait.ge [sflag:s5], $0x200  }
0x7c: {  	[sflag:s5] =	ssyncset.done $0x0  }
0x7d: {  	[sflag:s5] =	ssyncadd.s32 $0xFFFFFE00  }
0x7e: {  	[spmem:s1] =	stream.indirect.scatter.add.f32 [tilespmem:s9], [sflag:$0x1], $0x1, s8, s8, $0xb8;
	[tilespmem:$0x1700] =	vst v63  }
0x7f: {  	_ =	swait.ge [sflag:s5], $0x200  }
0x80: {  	[sflag:s5] =	ssyncset.done $0x0  }
0x81: {  	[sflag:s5] =	ssyncadd.s32 $0xFFFFFE00  }
0x82: {  	[spmem:s1] =	stream.indirect.scatter.add.f32 [tilespmem:s9], [sflag:$0x1], $0x1, s10, s8, $0xb8;
	[tilespmem:$0x1700] =	vst v63  }
0x83: {  	_ =	swait.ge [sflag:s5], $0x200  }
0x84: {  	[sflag:s5] =	ssyncset.done $0x0  }
0x85: {  	[sflag:s5] =	ssyncadd.s32 $0xFFFFFE00  }
0x86: {  	[spmem:s1] =	stream.indirect.scatter.add.f32 [tilespmem:s9], [sflag:$0x1], $0x1, s11, s8, $0xb8;
	[tilespmem:$0x1700] =	vst v63  }
0x87: {  	_ =	swait.ge [sflag:s5], $0x200  }
0x88: {  	[sflag:s5] =	ssyncset.done $0x0  }
0x89: {  	[sflag:s5] =	ssyncadd.s32 $0xFFFFFE00  }
0x8a: {  	[spmem:s1] =	stream.indirect.scatter.add.f32 [tilespmem:s9], [sflag:$0x1], $0x1, s12, s8, $0xb8;
	[tilespmem:$0x1700] =	vst v63  }
0x8b: {  	_ =	swait.ge [sflag:s5], $0x200  }
0x8c: {  	[sflag:s5] =	ssyncset.done $0x0  }
0x8d: {  	[sflag:s5] =	ssyncadd.s32 $0xFFFFFE00  }
0x8e: {  	[spmem:s1] =	stream.indirect.scatter.add.f32 [tilespmem:s9], [sflag:$0x1], $0x1, s13, s8, $0xb8;
	[tilespmem:$0x1700] =	vst v63  }
0x8f: {  	_ =	swait.ge [sflag:s5], $0x200  }
0x90: {  	[sflag:s5] =	ssyncset.done $0x0  }
0x91: {  	[sflag:s5] =	ssyncadd.s32 $0xFFFFFE00  }
0x92: {  	[spmem:s1] =	stream.indirect.scatter.add.f32 [tilespmem:s9], [sflag:$0x1], $0x1, s14, s8, $0xb8;
	[tilespmem:$0x1700] =	vst v63  }
0x93: {  	_ =	swait.ge [sflag:s5], $0x200  }
0x94: {  	[sflag:s5] =	ssyncset.done $0x0  }
0x95: {  	[sflag:s5] =	ssyncadd.s32 $0xFFFFFE00  }
0x96: {  	[spmem:s1] =	stream.indirect.scatter.add.f32 [tilespmem:s9], [sflag:$0x1], $0x1, s15, s8, $0xb8;
	[tilespmem:$0x1700] =	vst v63  }
0x97: {  	_ =	swait.ge [sflag:s5], $0x200  }
0x98: {  	[sflag:s5] =	ssyncset.done $0x0  }
0x99: {  	s17 =	sadd.s32 $0x5C00, s19;
	[sflag:s5] =	ssyncadd.s32 $0xFFFFFE00  }
0x9a: {  	[tilespmem:s2], [sflag:$0x1] =	stream.linear.gather [hbm4b:s17+s2], $0x1000, $0x38;
	[tilespmem:$0x1700] =	vst v63  }
0x9b: {  	_ =	swait.ge [sflag:s5], $0x1000  }
0x9c: {  	[sflag:s5] =	ssyncset.done $0x0  }
0x9d: {  	[sflag:s5] =	ssyncadd.s32 $0xFFFFF000  }
0x9e: {  	[spmem:s1] =	stream.indirect.scatter.add.f32 [tilespmem:s9], [sflag:$0x1], $0x1, s2, s8, $0xb8;
	[tilespmem:$0x1700] =	vst v63  }
0x9f: {  	_ =	swait.ge [sflag:s5], $0x200  }
0xa0: {  	[sflag:s5] =	ssyncset.done $0x0  }
0xa1: {  	[sflag:s5] =	ssyncadd.s32 $0xFFFFFE00  }
0xa2: {  	[spmem:s1] =	stream.indirect.scatter.add.f32 [tilespmem:s9], [sflag:$0x1], $0x1, s8, s8, $0xb8;
	[tilespmem:$0x1700] =	vst v63  }
0xa3: {  	_ =	swait.ge [sflag:s5], $0x200  }
0xa4: {  	[sflag:s5] =	ssyncset.done $0x0  }
0xa5: {  	[sflag:s5] =	ssyncadd.s32 $0xFFFFFE00  }
0xa6: {  	[spmem:s1] =	stream.indirect.scatter.add.f32 [tilespmem:s9], [sflag:$0x1], $0x1, s10, s8, $0xb8;
	[tilespmem:$0x1700] =	vst v63  }
0xa7: {  	_ =	swait.ge [sflag:s5], $0x200  }
0xa8: {  	[sflag:s5] =	ssyncset.done $0x0  }
0xa9: {  	[sflag:s5] =	ssyncadd.s32 $0xFFFFFE00  }
0xaa: {  	[spmem:s1] =	stream.indirect.scatter.add.f32 [tilespmem:s9], [sflag:$0x1], $0x1, s11, s8, $0xb8;
	[tilespmem:$0x1700] =	vst v63  }
0xab: {  	_ =	swait.ge [sflag:s5], $0x200  }
0xac: {  	[sflag:s5] =	ssyncset.done $0x0  }
0xad: {  	[sflag:s5] =	ssyncadd.s32 $0xFFFFFE00  }
0xae: {  	[spmem:s1] =	stream.indirect.scatter.add.f32 [tilespmem:s9], [sflag:$0x1], $0x1, s12, s8, $0xb8;
	[tilespmem:$0x1700] =	vst v63  }
0xaf: {  	_ =	swait.ge [sflag:s5], $0x200  }
0xb0: {  	[sflag:s5] =	ssyncset.done $0x0  }
0xb1: {  	[sflag:s5] =	ssyncadd.s32 $0xFFFFFE00  }
0xb2: {  	[spmem:s1] =	stream.indirect.scatter.add.f32 [tilespmem:s9], [sflag:$0x1], $0x1, s13, s8, $0xb8;
	[tilespmem:$0x1700] =	vst v63  }
0xb3: {  	_ =	swait.ge [sflag:s5], $0x200  }
0xb4: {  	[sflag:s5] =	ssyncset.done $0x0  }
0xb5: {  	[sflag:s5] =	ssyncadd.s32 $0xFFFFFE00  }
0xb6: {  	[spmem:s1] =	stream.indirect.scatter.add.f32 [tilespmem:s9], [sflag:$0x1], $0x1, s14, s8, $0xb8;
	[tilespmem:$0x1700] =	vst v63  }
0xb7: {  	_ =	swait.ge [sflag:s5], $0x200  }
0xb8: {  	[sflag:s5] =	ssyncset.done $0x0  }
0xb9: {  	[sflag:s5] =	ssyncadd.s32 $0xFFFFFE00  }
0xba: {  	[spmem:s1] =	stream.indirect.scatter.add.f32 [tilespmem:s9], [sflag:$0x1], $0x1, s15, s8, $0xb8;
	[tilespmem:$0x1700] =	vst v63  }
0xbb: {  	_ =	swait.ge [sflag:s5], $0x200  }
0xbc: {  	[sflag:s5] =	ssyncset.done $0x0  }
0xbd: {  	s18 =	sadd.s32 $0x7C00, s19;
	[sflag:s5] =	ssyncadd.s32 $0xFFFFFE00  }
0xbe: {  	[tilespmem:s2], [sflag:$0x1] =	stream.linear.gather [hbm4b:s18+s2], $0x1000, $0x38;
	[tilespmem:$0x1700] =	vst v63  }
0xbf: {  	_ =	swait.ge [sflag:s5], $0x1000  }
0xc0: {  	[sflag:s5] =	ssyncset.done $0x0  }
0xc1: {  	[sflag:s5] =	ssyncadd.s32 $0xFFFFF000  }
0xc2: {  	[spmem:s1] =	stream.indirect.scatter.add.f32 [tilespmem:s9], [sflag:$0x1], $0x1, s2, s8, $0xb8;
	[tilespmem:$0x1700] =	vst v63  }
0xc3: {  	_ =	swait.ge [sflag:s5], $0x200  }
0xc4: {  	[sflag:s5] =	ssyncset.done $0x0  }
0xc5: {  	[sflag:s5] =	ssyncadd.s32 $0xFFFFFE00  }
0xc6: {  	[spmem:s1] =	stream.indirect.scatter.add.f32 [tilespmem:s9], [sflag:$0x1], $0x1, s8, s8, $0xb8;
	[tilespmem:$0x1700] =	vst v63  }
0xc7: {  	_ =	swait.ge [sflag:s5], $0x200  }
0xc8: {  	[sflag:s5] =	ssyncset.done $0x0  }
0xc9: {  	[sflag:s5] =	ssyncadd.s32 $0xFFFFFE00  }
0xca: {  	[spmem:s1] =	stream.indirect.scatter.add.f32 [tilespmem:s9], [sflag:$0x1], $0x1, s10, s8, $0xb8;
	[tilespmem:$0x1700] =	vst v63  }
0xcb: {  	_ =	swait.ge [sflag:s5], $0x200  }
0xcc: {  	[sflag:s5] =	ssyncset.done $0x0  }
0xcd: {  	[sflag:s5] =	ssyncadd.s32 $0xFFFFFE00  }
0xce: {  	[spmem:s1] =	stream.indirect.scatter.add.f32 [tilespmem:s9], [sflag:$0x1], $0x1, s11, s8, $0xb8;
	[tilespmem:$0x1700] =	vst v63  }
0xcf: {  	_ =	swait.ge [sflag:s5], $0x200  }
0xd0: {  	[sflag:s5] =	ssyncset.done $0x0  }
0xd1: {  	[sflag:s5] =	ssyncadd.s32 $0xFFFFFE00  }
0xd2: {  	[spmem:s1] =	stream.indirect.scatter.add.f32 [tilespmem:s9], [sflag:$0x1], $0x1, s12, s8, $0xb8;
	[tilespmem:$0x1700] =	vst v63  }
0xd3: {  	_ =	swait.ge [sflag:s5], $0x200  }
0xd4: {  	[sflag:s5] =	ssyncset.done $0x0  }
0xd5: {  	[sflag:s5] =	ssyncadd.s32 $0xFFFFFE00  }
0xd6: {  	[spmem:s1] =	stream.indirect.scatter.add.f32 [tilespmem:s9], [sflag:$0x1], $0x1, s13, s8, $0xb8;
	[tilespmem:$0x1700] =	vst v63  }
0xd7: {  	_ =	swait.ge [sflag:s5], $0x200  }
0xd8: {  	[sflag:s5] =	ssyncset.done $0x0  }
0xd9: {  	[sflag:s5] =	ssyncadd.s32 $0xFFFFFE00  }
0xda: {  	[spmem:s1] =	stream.indirect.scatter.add.f32 [tilespmem:s9], [sflag:$0x1], $0x1, s14, s8, $0xb8;
	[tilespmem:$0x1700] =	vst v63  }
0xdb: {  	_ =	swait.ge [sflag:s5], $0x200  }
0xdc: {  	[sflag:s5] =	ssyncset.done $0x0  }
0xdd: {  	[sflag:s5] =	ssyncadd.s32 $0xFFFFFE00  }
0xde: {  	[spmem:s1] =	stream.indirect.scatter.add.f32 [tilespmem:s9], [sflag:$0x1], $0x1, s15, s8, $0xb8;
	[tilespmem:$0x1700] =	vst v63  }
0xdf: {  	_ =	swait.ge [sflag:s5], $0x200  }
0xe0: {  	[sflag:s5] =	ssyncset.done $0x0  }
0xe1: {  	s19 =	sadd.s32 $0x9C00, s19;
	[sflag:s5] =	ssyncadd.s32 $0xFFFFFE00  }
0xe2: {  	[tilespmem:s2], [sflag:$0x1] =	stream.linear.gather [hbm4b:s19+s2], $0x1000, $0x38;
	[tilespmem:$0x1700] =	vst v63  }
0xe3: {  	_ =	swait.ge [sflag:s5], $0x1000  }
0xe4: {  	[sflag:s5] =	ssyncset.done $0x0  }
0xe5: {  	[sflag:s5] =	ssyncadd.s32 $0xFFFFF000  }
0xe6: {  	[spmem:s1] =	stream.indirect.scatter.add.f32 [tilespmem:s9], [sflag:$0x1], $0x1, s2, s8, $0xb8;
	[tilespmem:$0x1700] =	vst v63  }
0xe7: {  	_ =	swait.ge [sflag:s5], $0x200  }
0xe8: {  	[sflag:s5] =	ssyncset.done $0x0  }
0xe9: {  	[sflag:s5] =	ssyncadd.s32 $0xFFFFFE00  }
0xea: {  	[spmem:s1] =	stream.indirect.scatter.add.f32 [tilespmem:s9], [sflag:$0x1], $0x1, s8, s8, $0xb8;
	[tilespmem:$0x1700] =	vst v63  }
0xeb: {  	_ =	swait.ge [sflag:s5], $0x200  }
0xec: {  	[sflag:s5] =	ssyncset.done $0x0  }
0xed: {  	[sflag:s5] =	ssyncadd.s32 $0xFFFFFE00  }
0xee: {  	[spmem:s1] =	stream.indirect.scatter.add.f32 [tilespmem:s9], [sflag:$0x1], $0x1, s10, s8, $0xb8;
	[tilespmem:$0x1700] =	vst v63  }
0xef: {  	_ =	swait.ge [sflag:s5], $0x200  }
0xf0: {  	[sflag:s5] =	ssyncset.done $0x0  }
0xf1: {  	[sflag:s5] =	ssyncadd.s32 $0xFFFFFE00  }
0xf2: {  	[spmem:s1] =	stream.indirect.scatter.add.f32 [tilespmem:s9], [sflag:$0x1], $0x1, s11, s8, $0xb8;
	[tilespmem:$0x1700] =	vst v63  }
0xf3: {  	_ =	swait.ge [sflag:s5], $0x200  }
0xf4: {  	[sflag:s5] =	ssyncset.done $0x0  }
0xf5: {  	[sflag:s5] =	ssyncadd.s32 $0xFFFFFE00  }
0xf6: {  	[spmem:s1] =	stream.indirect.scatter.add.f32 [tilespmem:s9], [sflag:$0x1], $0x1, s12, s8, $0xb8;
	[tilespmem:$0x1700] =	vst v63  }
0xf7: {  	_ =	swait.ge [sflag:s5], $0x200  }
0xf8: {  	[sflag:s5] =	ssyncset.done $0x0  }
0xf9: {  	[sflag:s5] =	ssyncadd.s32 $0xFFFFFE00  }
0xfa: {  	[spmem:s1] =	stream.indirect.scatter.add.f32 [tilespmem:s9], [sflag:$0x1], $0x1, s13, s8, $0xb8;
	[tilespmem:$0x1700] =	vst v63  }
0xfb: {  	_ =	swait.ge [sflag:s5], $0x200  }
0xfc: {  	[sflag:s5] =	ssyncset.done $0x0  }
0xfd: {  	[sflag:s5] =	ssyncadd.s32 $0xFFFFFE00  }
0xfe: {  	[spmem:s1] =	stream.indirect.scatter.add.f32 [tilespmem:s9], [sflag:$0x1], $0x1, s14, s8, $0xb8;
	[tilespmem:$0x1700] =	vst v63  }
0xff: {  	_ =	swait.ge [sflag:s5], $0x200  }
0x100: {  	[sflag:s5] =	ssyncset.done $0x0  }
0x101: {  	[sflag:s5] =	ssyncadd.s32 $0xFFFFFE00  }
0x102: {  	[spmem:s1] =	stream.indirect.scatter.add.f32 [tilespmem:s9], [sflag:$0x1], $0x1, s15, s8, $0xb8;
	[tilespmem:$0x1700] =	vst v63  }
0x103: {  	s23 =	ssub.s32 $0x2, s22;
	s22 =	smul.u32 $0x2800, s22;
	_ =	swait.ge [sflag:s5], $0x200  }
0x104: {  	s30 =	sshrl.u32 s23, $0x1;
	[sflag:s5] =	ssyncset.done $0x0  }
0x105: {  	s21 =	sadd.s32 s21, s22;
	s22 =	ssub.s32 s23, s30;
	[sflag:s5] =	ssyncadd.s32 $0xFFFFFE00  }
0x106: {  	s31 =	smax.u32 s22, $0x1;
	[bflag:$0x0] =	sbarrier.arrive $0xFFFF  }
0x107: {  	[tilespmem:s6], [sflag:$0x1] =	stream.linear.gather [spmem:s4], $0x280, $0x38;
	[tilespmem:$0x1700] =	vst v63  }
0x108: {  	p0 =	sne.s32 s31, $0x1;
	_ =	swait.ge [sflag:s5], $0x280  }
.Ltmp0:
0x109: {  	s21 =	sshrl.u32 s21, $0x3;
	[sflag:s5] =	ssyncset.done $0x0;
	(pc) =	sbr.rel @!p0 .LBB2_2-.Ltmp0, $4  }
0x10a: {  	s20 =	sadd.s32 s20, s21;
	[sflag:s5] =	ssyncadd.s32 $0xFFFFFD80  }
0x10b: {  	[hbm4b:s20+s2] =	stream.linear.scatter [tilespmem:s6], [sflag:$0x1], $0x280, $0x38;
	[tilespmem:$0x1700] =	vst v63  }
0x10c: {  	_ =	swait.ge [sflag:s5], $0x280  }
0x10d: {  	s21 =	sadd.s32 $0xFFFFFFFF, s31;
	[sflag:s5] =	ssyncset.done $0x0  }
.LBB2_1:
0x10e: {  	p0 =	sne.s32 s21, $0x1;
	s21 =	sadd.s32 $0xFFFFFFFF, s21;
	[sflag:s5] =	ssyncadd.s32 $0xFFFFFD80  }
0x10f: {  	[tilespmem:$0x1220] =	vst v0  }
0x110: {  	[tilespmem:$0x1230] =	vst v0  }
0x111: {  	[tilespmem:$0x1240] =	vst v0  }
0x112: {  	[tilespmem:$0x1250] =	vst v0  }
0x113: {  	[tilespmem:$0x1260] =	vst v0  }
0x114: {  	[tilespmem:$0x1270] =	vst v0  }
0x115: {  	[tilespmem:$0x1280] =	vst v0  }
0x116: {  	[tilespmem:$0x1290] =	vst v0  }
0x117: {  	[tilespmem:$0x12A0] =	vst v0  }
0x118: {  	[tilespmem:$0x12B0] =	vst v0  }
0x119: {  	[tilespmem:$0x12C0] =	vst v0  }
0x11a: {  	[tilespmem:$0x12D0] =	vst v0  }
0x11b: {  	[tilespmem:$0x12E0] =	vst v0  }
0x11c: {  	[tilespmem:$0x12F0] =	vst v0  }
0x11d: {  	[tilespmem:$0x1300] =	vst v0  }
0x11e: {  	[tilespmem:$0x1310] =	vst v0  }
0x11f: {  	[tilespmem:$0x1320] =	vst v0  }
0x120: {  	[tilespmem:$0x1330] =	vst v0  }
0x121: {  	[tilespmem:$0x1340] =	vst v0  }
0x122: {  	[tilespmem:$0x1350] =	vst v0  }
0x123: {  	[tilespmem:$0x1360] =	vst v0  }
0x124: {  	[tilespmem:$0x1370] =	vst v0  }
0x125: {  	[tilespmem:$0x1380] =	vst v0  }
0x126: {  	[tilespmem:$0x1390] =	vst v0  }
0x127: {  	[tilespmem:$0x13A0] =	vst v0  }
0x128: {  	[tilespmem:$0x13B0] =	vst v0  }
0x129: {  	[tilespmem:$0x13C0] =	vst v0  }
0x12a: {  	[tilespmem:$0x13D0] =	vst v0  }
0x12b: {  	[tilespmem:$0x13E0] =	vst v0  }
0x12c: {  	[tilespmem:$0x13F0] =	vst v0  }
0x12d: {  	[tilespmem:$0x1400] =	vst v0  }
0x12e: {  	[tilespmem:$0x1410] =	vst v0  }
0x12f: {  	[tilespmem:$0x1420] =	vst v0  }
0x130: {  	[tilespmem:$0x1430] =	vst v0  }
0x131: {  	[tilespmem:$0x1200] =	vst v0  }
0x132: {  	[tilespmem:$0x11F0] =	vst v1  }
0x133: {  	[tilespmem:$0x11E0] =	vst v1  }
0x134: {  	[tilespmem:$0x11D0] =	vst v1  }
0x135: {  	[tilespmem:$0x11C0] =	vst v1  }
0x136: {  	[tilespmem:$0x11B0] =	vst v1  }
0x137: {  	[tilespmem:$0x11A0] =	vst v1  }
0x138: {  	[tilespmem:$0x1190] =	vst v1  }
0x139: {  	[tilespmem:$0x1180] =	vst v1  }
0x13a: {  	[tilespmem:$0x1170] =	vst v1  }
0x13b: {  	[tilespmem:$0x1160] =	vst v1  }
0x13c: {  	[tilespmem:$0x1150] =	vst v1  }
0x13d: {  	[tilespmem:$0x1140] =	vst v1  }
0x13e: {  	[tilespmem:$0x1130] =	vst v1  }
0x13f: {  	[tilespmem:$0x1120] =	vst v1  }
0x140: {  	[tilespmem:$0x1110] =	vst v1  }
0x141: {  	[tilespmem:$0x1100] =	vst v1  }
0x142: {  	[tilespmem:$0x10F0] =	vst v1  }
0x143: {  	[tilespmem:$0x10E0] =	vst v1  }
0x144: {  	[tilespmem:$0x10D0] =	vst v1  }
0x145: {  	[tilespmem:$0x10C0] =	vst v1  }
0x146: {  	[tilespmem:$0x10B0] =	vst v1  }
0x147: {  	[tilespmem:$0x10A0] =	vst v1  }
0x148: {  	[tilespmem:$0x1090] =	vst v1  }
0x149: {  	[tilespmem:$0x1080] =	vst v1  }
0x14a: {  	[tilespmem:$0x1070] =	vst v1  }
0x14b: {  	[tilespmem:$0x1060] =	vst v1  }
0x14c: {  	[tilespmem:$0x1050] =	vst v1  }
0x14d: {  	[tilespmem:$0x1040] =	vst v1  }
0x14e: {  	[tilespmem:$0x1030] =	vst v1  }
0x14f: {  	[tilespmem:$0x1020] =	vst v1  }
0x150: {  	[tilespmem:$0x1010] =	vst v1  }
0x151: {  	[tilespmem:$0x1000] =	vst v1  }
0x152: {  	[tilespmem:$0x1470] =	vst v0  }
0x153: {  	[tilespmem:$0x1460] =	vst v0  }
0x154: {  	[tilespmem:$0x1450] =	vst v0  }
0x155: {  	[tilespmem:$0x1440] =	vst v0  }
0x156: {  	[tilespmem:$0x1210] =	vst v0  }
0x157: {  	[spmem:s4] =	stream.linear.scatter [tilespmem:s6], [sflag:$0x1], $0x280, $0x38;
	[tilespmem:$0x1700] =	vst v63  }
0x158: {  	_ =	swait.ge [sflag:s5], $0x280  }
0x159: {  	[sflag:s5] =	ssyncset.done $0x0  }
0x15a: {  	[sflag:s5] =	ssyncadd.s32 $0xFFFFFD80  }
0x15b: {  	[bflag:$0x0] =	sbarrier.arrive $0xFFFF  }
0x15c: {  	[tilespmem:s2], [sflag:$0x1] =	stream.linear.gather [hbm4b:s7+s2], $0x1000, $0x38;
	[tilespmem:$0x1700] =	vst v63  }
0x15d: {  	_ =	swait.ge [sflag:s5], $0x1000  }
0x15e: {  	[sflag:s5] =	ssyncset.done $0x0  }
0x15f: {  	[sflag:s5] =	ssyncadd.s32 $0xFFFFF000  }
0x160: {  	[spmem:s1] =	stream.indirect.scatter.add.f32 [tilespmem:s9], [sflag:$0x1], $0x1, s2, s8, $0xb8;
	[tilespmem:$0x1700] =	vst v63  }
0x161: {  	_ =	swait.ge [sflag:s5], $0x200  }
0x162: {  	[sflag:s5] =	ssyncset.done $0x0  }
0x163: {  	[sflag:s5] =	ssyncadd.s32 $0xFFFFFE00  }
0x164: {  	[spmem:s1] =	stream.indirect.scatter.add.f32 [tilespmem:s9], [sflag:$0x1], $0x1, s8, s8, $0xb8;
	[tilespmem:$0x1700] =	vst v63  }
0x165: {  	_ =	swait.ge [sflag:s5], $0x200  }
0x166: {  	[sflag:s5] =	ssyncset.done $0x0  }
0x167: {  	[sflag:s5] =	ssyncadd.s32 $0xFFFFFE00  }
0x168: {  	[spmem:s1] =	stream.indirect.scatter.add.f32 [tilespmem:s9], [sflag:$0x1], $0x1, s10, s8, $0xb8;
	[tilespmem:$0x1700] =	vst v63  }
0x169: {  	_ =	swait.ge [sflag:s5], $0x200  }
0x16a: {  	[sflag:s5] =	ssyncset.done $0x0  }
0x16b: {  	[sflag:s5] =	ssyncadd.s32 $0xFFFFFE00  }
0x16c: {  	[spmem:s1] =	stream.indirect.scatter.add.f32 [tilespmem:s9], [sflag:$0x1], $0x1, s11, s8, $0xb8;
	[tilespmem:$0x1700] =	vst v63  }
0x16d: {  	_ =	swait.ge [sflag:s5], $0x200  }
0x16e: {  	[sflag:s5] =	ssyncset.done $0x0  }
0x16f: {  	[sflag:s5] =	ssyncadd.s32 $0xFFFFFE00  }
0x170: {  	[spmem:s1] =	stream.indirect.scatter.add.f32 [tilespmem:s9], [sflag:$0x1], $0x1, s12, s8, $0xb8;
	[tilespmem:$0x1700] =	vst v63  }
0x171: {  	_ =	swait.ge [sflag:s5], $0x200  }
0x172: {  	[sflag:s5] =	ssyncset.done $0x0  }
0x173: {  	[sflag:s5] =	ssyncadd.s32 $0xFFFFFE00  }
0x174: {  	[spmem:s1] =	stream.indirect.scatter.add.f32 [tilespmem:s9], [sflag:$0x1], $0x1, s13, s8, $0xb8;
	[tilespmem:$0x1700] =	vst v63  }
0x175: {  	_ =	swait.ge [sflag:s5], $0x200  }
0x176: {  	[sflag:s5] =	ssyncset.done $0x0  }
0x177: {  	[sflag:s5] =	ssyncadd.s32 $0xFFFFFE00  }
0x178: {  	[spmem:s1] =	stream.indirect.scatter.add.f32 [tilespmem:s9], [sflag:$0x1], $0x1, s14, s8, $0xb8;
	[tilespmem:$0x1700] =	vst v63  }
0x179: {  	_ =	swait.ge [sflag:s5], $0x200  }
0x17a: {  	[sflag:s5] =	ssyncset.done $0x0  }
0x17b: {  	[sflag:s5] =	ssyncadd.s32 $0xFFFFFE00  }
0x17c: {  	[spmem:s1] =	stream.indirect.scatter.add.f32 [tilespmem:s9], [sflag:$0x1], $0x1, s15, s8, $0xb8;
	[tilespmem:$0x1700] =	vst v63  }
0x17d: {  	_ =	swait.ge [sflag:s5], $0x200  }
0x17e: {  	[sflag:s5] =	ssyncset.done $0x0  }
0x17f: {  	[sflag:s5] =	ssyncadd.s32 $0xFFFFFE00  }
0x180: {  	[tilespmem:s2], [sflag:$0x1] =	stream.linear.gather [hbm4b:s16+s2], $0x1000, $0x38;
	[tilespmem:$0x1700] =	vst v63  }
0x181: {  	_ =	swait.ge [sflag:s5], $0x1000  }
0x182: {  	[sflag:s5] =	ssyncset.done $0x0  }
0x183: {  	[sflag:s5] =	ssyncadd.s32 $0xFFFFF000  }
0x184: {  	[spmem:s1] =	stream.indirect.scatter.add.f32 [tilespmem:s9], [sflag:$0x1], $0x1, s2, s8, $0xb8;
	[tilespmem:$0x1700] =	vst v63  }
0x185: {  	_ =	swait.ge [sflag:s5], $0x200  }
0x186: {  	[sflag:s5] =	ssyncset.done $0x0  }
0x187: {  	[sflag:s5] =	ssyncadd.s32 $0xFFFFFE00  }
0x188: {  	[spmem:s1] =	stream.indirect.scatter.add.f32 [tilespmem:s9], [sflag:$0x1], $0x1, s8, s8, $0xb8;
	[tilespmem:$0x1700] =	vst v63  }
0x189: {  	_ =	swait.ge [sflag:s5], $0x200  }
0x18a: {  	[sflag:s5] =	ssyncset.done $0x0  }
0x18b: {  	[sflag:s5] =	ssyncadd.s32 $0xFFFFFE00  }
0x18c: {  	[spmem:s1] =	stream.indirect.scatter.add.f32 [tilespmem:s9], [sflag:$0x1], $0x1, s10, s8, $0xb8;
	[tilespmem:$0x1700] =	vst v63  }
0x18d: {  	_ =	swait.ge [sflag:s5], $0x200  }
0x18e: {  	[sflag:s5] =	ssyncset.done $0x0  }
0x18f: {  	[sflag:s5] =	ssyncadd.s32 $0xFFFFFE00  }
0x190: {  	[spmem:s1] =	stream.indirect.scatter.add.f32 [tilespmem:s9], [sflag:$0x1], $0x1, s11, s8, $0xb8;
	[tilespmem:$0x1700] =	vst v63  }
0x191: {  	_ =	swait.ge [sflag:s5], $0x200  }
0x192: {  	[sflag:s5] =	ssyncset.done $0x0  }
0x193: {  	[sflag:s5] =	ssyncadd.s32 $0xFFFFFE00  }
0x194: {  	[spmem:s1] =	stream.indirect.scatter.add.f32 [tilespmem:s9], [sflag:$0x1], $0x1, s12, s8, $0xb8;
	[tilespmem:$0x1700] =	vst v63  }
0x195: {  	_ =	swait.ge [sflag:s5], $0x200  }
0x196: {  	[sflag:s5] =	ssyncset.done $0x0  }
0x197: {  	[sflag:s5] =	ssyncadd.s32 $0xFFFFFE00  }
0x198: {  	[spmem:s1] =	stream.indirect.scatter.add.f32 [tilespmem:s9], [sflag:$0x1], $0x1, s13, s8, $0xb8;
	[tilespmem:$0x1700] =	vst v63  }
0x199: {  	_ =	swait.ge [sflag:s5], $0x200  }
0x19a: {  	[sflag:s5] =	ssyncset.done $0x0  }
0x19b: {  	[sflag:s5] =	ssyncadd.s32 $0xFFFFFE00  }
0x19c: {  	[spmem:s1] =	stream.indirect.scatter.add.f32 [tilespmem:s9], [sflag:$0x1], $0x1, s14, s8, $0xb8;
	[tilespmem:$0x1700] =	vst v63  }
0x19d: {  	_ =	swait.ge [sflag:s5], $0x200  }
0x19e: {  	[sflag:s5] =	ssyncset.done $0x0  }
0x19f: {  	[sflag:s5] =	ssyncadd.s32 $0xFFFFFE00  }
0x1a0: {  	[spmem:s1] =	stream.indirect.scatter.add.f32 [tilespmem:s9], [sflag:$0x1], $0x1, s15, s8, $0xb8;
	[tilespmem:$0x1700] =	vst v63  }
0x1a1: {  	_ =	swait.ge [sflag:s5], $0x200  }
0x1a2: {  	[sflag:s5] =	ssyncset.done $0x0  }
0x1a3: {  	[sflag:s5] =	ssyncadd.s32 $0xFFFFFE00  }
0x1a4: {  	[tilespmem:s2], [sflag:$0x1] =	stream.linear.gather [hbm4b:s17+s2], $0x1000, $0x38;
	[tilespmem:$0x1700] =	vst v63  }
0x1a5: {  	_ =	swait.ge [sflag:s5], $0x1000  }
0x1a6: {  	[sflag:s5] =	ssyncset.done $0x0  }
0x1a7: {  	[sflag:s5] =	ssyncadd.s32 $0xFFFFF000  }
0x1a8: {  	[spmem:s1] =	stream.indirect.scatter.add.f32 [tilespmem:s9], [sflag:$0x1], $0x1, s2, s8, $0xb8;
	[tilespmem:$0x1700] =	vst v63  }
0x1a9: {  	_ =	swait.ge [sflag:s5], $0x200  }
0x1aa: {  	[sflag:s5] =	ssyncset.done $0x0  }
0x1ab: {  	[sflag:s5] =	ssyncadd.s32 $0xFFFFFE00  }
0x1ac: {  	[spmem:s1] =	stream.indirect.scatter.add.f32 [tilespmem:s9], [sflag:$0x1], $0x1, s8, s8, $0xb8;
	[tilespmem:$0x1700] =	vst v63  }
0x1ad: {  	_ =	swait.ge [sflag:s5], $0x200  }
0x1ae: {  	[sflag:s5] =	ssyncset.done $0x0  }
0x1af: {  	[sflag:s5] =	ssyncadd.s32 $0xFFFFFE00  }
0x1b0: {  	[spmem:s1] =	stream.indirect.scatter.add.f32 [tilespmem:s9], [sflag:$0x1], $0x1, s10, s8, $0xb8;
	[tilespmem:$0x1700] =	vst v63  }
0x1b1: {  	_ =	swait.ge [sflag:s5], $0x200  }
0x1b2: {  	[sflag:s5] =	ssyncset.done $0x0  }
0x1b3: {  	[sflag:s5] =	ssyncadd.s32 $0xFFFFFE00  }
0x1b4: {  	[spmem:s1] =	stream.indirect.scatter.add.f32 [tilespmem:s9], [sflag:$0x1], $0x1, s11, s8, $0xb8;
	[tilespmem:$0x1700] =	vst v63  }
0x1b5: {  	_ =	swait.ge [sflag:s5], $0x200  }
0x1b6: {  	[sflag:s5] =	ssyncset.done $0x0  }
0x1b7: {  	[sflag:s5] =	ssyncadd.s32 $0xFFFFFE00  }
0x1b8: {  	[spmem:s1] =	stream.indirect.scatter.add.f32 [tilespmem:s9], [sflag:$0x1], $0x1, s12, s8, $0xb8;
	[tilespmem:$0x1700] =	vst v63  }
0x1b9: {  	_ =	swait.ge [sflag:s5], $0x200  }
0x1ba: {  	[sflag:s5] =	ssyncset.done $0x0  }
0x1bb: {  	[sflag:s5] =	ssyncadd.s32 $0xFFFFFE00  }
0x1bc: {  	[spmem:s1] =	stream.indirect.scatter.add.f32 [tilespmem:s9], [sflag:$0x1], $0x1, s13, s8, $0xb8;
	[tilespmem:$0x1700] =	vst v63  }
0x1bd: {  	_ =	swait.ge [sflag:s5], $0x200  }
0x1be: {  	[sflag:s5] =	ssyncset.done $0x0  }
0x1bf: {  	[sflag:s5] =	ssyncadd.s32 $0xFFFFFE00  }
0x1c0: {  	[spmem:s1] =	stream.indirect.scatter.add.f32 [tilespmem:s9], [sflag:$0x1], $0x1, s14, s8, $0xb8;
	[tilespmem:$0x1700] =	vst v63  }
0x1c1: {  	_ =	swait.ge [sflag:s5], $0x200  }
0x1c2: {  	[sflag:s5] =	ssyncset.done $0x0  }
0x1c3: {  	[sflag:s5] =	ssyncadd.s32 $0xFFFFFE00  }
0x1c4: {  	[spmem:s1] =	stream.indirect.scatter.add.f32 [tilespmem:s9], [sflag:$0x1], $0x1, s15, s8, $0xb8;
	[tilespmem:$0x1700] =	vst v63  }
0x1c5: {  	_ =	swait.ge [sflag:s5], $0x200  }
0x1c6: {  	[sflag:s5] =	ssyncset.done $0x0  }
0x1c7: {  	[sflag:s5] =	ssyncadd.s32 $0xFFFFFE00  }
0x1c8: {  	[tilespmem:s2], [sflag:$0x1] =	stream.linear.gather [hbm4b:s18+s2], $0x1000, $0x38;
	[tilespmem:$0x1700] =	vst v63  }
0x1c9: {  	_ =	swait.ge [sflag:s5], $0x1000  }
0x1ca: {  	[sflag:s5] =	ssyncset.done $0x0  }
0x1cb: {  	[sflag:s5] =	ssyncadd.s32 $0xFFFFF000  }
0x1cc: {  	[spmem:s1] =	stream.indirect.scatter.add.f32 [tilespmem:s9], [sflag:$0x1], $0x1, s2, s8, $0xb8;
	[tilespmem:$0x1700] =	vst v63  }
0x1cd: {  	_ =	swait.ge [sflag:s5], $0x200  }
0x1ce: {  	[sflag:s5] =	ssyncset.done $0x0  }
0x1cf: {  	[sflag:s5] =	ssyncadd.s32 $0xFFFFFE00  }
0x1d0: {  	[spmem:s1] =	stream.indirect.scatter.add.f32 [tilespmem:s9], [sflag:$0x1], $0x1, s8, s8, $0xb8;
	[tilespmem:$0x1700] =	vst v63  }
0x1d1: {  	_ =	swait.ge [sflag:s5], $0x200  }
0x1d2: {  	[sflag:s5] =	ssyncset.done $0x0  }
0x1d3: {  	[sflag:s5] =	ssyncadd.s32 $0xFFFFFE00  }
0x1d4: {  	[spmem:s1] =	stream.indirect.scatter.add.f32 [tilespmem:s9], [sflag:$0x1], $0x1, s10, s8, $0xb8;
	[tilespmem:$0x1700] =	vst v63  }
0x1d5: {  	_ =	swait.ge [sflag:s5], $0x200  }
0x1d6: {  	[sflag:s5] =	ssyncset.done $0x0  }
0x1d7: {  	[sflag:s5] =	ssyncadd.s32 $0xFFFFFE00  }
0x1d8: {  	[spmem:s1] =	stream.indirect.scatter.add.f32 [tilespmem:s9], [sflag:$0x1], $0x1, s11, s8, $0xb8;
	[tilespmem:$0x1700] =	vst v63  }
0x1d9: {  	_ =	swait.ge [sflag:s5], $0x200  }
0x1da: {  	[sflag:s5] =	ssyncset.done $0x0  }
0x1db: {  	[sflag:s5] =	ssyncadd.s32 $0xFFFFFE00  }
0x1dc: {  	[spmem:s1] =	stream.indirect.scatter.add.f32 [tilespmem:s9], [sflag:$0x1], $0x1, s12, s8, $0xb8;
	[tilespmem:$0x1700] =	vst v63  }
0x1dd: {  	_ =	swait.ge [sflag:s5], $0x200  }
0x1de: {  	[sflag:s5] =	ssyncset.done $0x0  }
0x1df: {  	[sflag:s5] =	ssyncadd.s32 $0xFFFFFE00  }
0x1e0: {  	[spmem:s1] =	stream.indirect.scatter.add.f32 [tilespmem:s9], [sflag:$0x1], $0x1, s13, s8, $0xb8;
	[tilespmem:$0x1700] =	vst v63  }
0x1e1: {  	_ =	swait.ge [sflag:s5], $0x200  }
0x1e2: {  	[sflag:s5] =	ssyncset.done $0x0  }
0x1e3: {  	[sflag:s5] =	ssyncadd.s32 $0xFFFFFE00  }
0x1e4: {  	[spmem:s1] =	stream.indirect.scatter.add.f32 [tilespmem:s9], [sflag:$0x1], $0x1, s14, s8, $0xb8;
	[tilespmem:$0x1700] =	vst v63  }
0x1e5: {  	_ =	swait.ge [sflag:s5], $0x200  }
0x1e6: {  	[sflag:s5] =	ssyncset.done $0x0  }
0x1e7: {  	[sflag:s5] =	ssyncadd.s32 $0xFFFFFE00  }
0x1e8: {  	[spmem:s1] =	stream.indirect.scatter.add.f32 [tilespmem:s9], [sflag:$0x1], $0x1, s15, s8, $0xb8;
	[tilespmem:$0x1700] =	vst v63  }
0x1e9: {  	_ =	swait.ge [sflag:s5], $0x200  }
0x1ea: {  	[sflag:s5] =	ssyncset.done $0x0  }
0x1eb: {  	[sflag:s5] =	ssyncadd.s32 $0xFFFFFE00  }
0x1ec: {  	[tilespmem:s2], [sflag:$0x1] =	stream.linear.gather [hbm4b:s19+s2], $0x1000, $0x38;
	[tilespmem:$0x1700] =	vst v63  }
0x1ed: {  	_ =	swait.ge [sflag:s5], $0x1000  }
0x1ee: {  	[sflag:s5] =	ssyncset.done $0x0  }
0x1ef: {  	[sflag:s5] =	ssyncadd.s32 $0xFFFFF000  }
0x1f0: {  	[spmem:s1] =	stream.indirect.scatter.add.f32 [tilespmem:s9], [sflag:$0x1], $0x1, s2, s8, $0xb8;
	[tilespmem:$0x1700] =	vst v63  }
0x1f1: {  	_ =	swait.ge [sflag:s5], $0x200  }
0x1f2: {  	[sflag:s5] =	ssyncset.done $0x0  }
0x1f3: {  	[sflag:s5] =	ssyncadd.s32 $0xFFFFFE00  }
0x1f4: {  	[spmem:s1] =	stream.indirect.scatter.add.f32 [tilespmem:s9], [sflag:$0x1], $0x1, s8, s8, $0xb8;
	[tilespmem:$0x1700] =	vst v63  }
0x1f5: {  	_ =	swait.ge [sflag:s5], $0x200  }
0x1f6: {  	[sflag:s5] =	ssyncset.done $0x0  }
0x1f7: {  	[sflag:s5] =	ssyncadd.s32 $0xFFFFFE00  }
0x1f8: {  	[spmem:s1] =	stream.indirect.scatter.add.f32 [tilespmem:s9], [sflag:$0x1], $0x1, s10, s8, $0xb8;
	[tilespmem:$0x1700] =	vst v63  }
0x1f9: {  	_ =	swait.ge [sflag:s5], $0x200  }
0x1fa: {  	[sflag:s5] =	ssyncset.done $0x0  }
0x1fb: {  	[sflag:s5] =	ssyncadd.s32 $0xFFFFFE00  }
0x1fc: {  	[spmem:s1] =	stream.indirect.scatter.add.f32 [tilespmem:s9], [sflag:$0x1], $0x1, s11, s8, $0xb8;
	[tilespmem:$0x1700] =	vst v63  }
0x1fd: {  	_ =	swait.ge [sflag:s5], $0x200  }
0x1fe: {  	[sflag:s5] =	ssyncset.done $0x0  }
0x1ff: {  	[sflag:s5] =	ssyncadd.s32 $0xFFFFFE00  }
0x200: {  	[spmem:s1] =	stream.indirect.scatter.add.f32 [tilespmem:s9], [sflag:$0x1], $0x1, s12, s8, $0xb8;
	[tilespmem:$0x1700] =	vst v63  }
0x201: {  	_ =	swait.ge [sflag:s5], $0x200  }
0x202: {  	[sflag:s5] =	ssyncset.done $0x0  }
0x203: {  	[sflag:s5] =	ssyncadd.s32 $0xFFFFFE00  }
0x204: {  	[spmem:s1] =	stream.indirect.scatter.add.f32 [tilespmem:s9], [sflag:$0x1], $0x1, s13, s8, $0xb8;
	[tilespmem:$0x1700] =	vst v63  }
0x205: {  	_ =	swait.ge [sflag:s5], $0x200  }
0x206: {  	[sflag:s5] =	ssyncset.done $0x0  }
0x207: {  	[sflag:s5] =	ssyncadd.s32 $0xFFFFFE00  }
0x208: {  	[spmem:s1] =	stream.indirect.scatter.add.f32 [tilespmem:s9], [sflag:$0x1], $0x1, s14, s8, $0xb8;
	[tilespmem:$0x1700] =	vst v63  }
0x209: {  	_ =	swait.ge [sflag:s5], $0x200  }
0x20a: {  	[sflag:s5] =	ssyncset.done $0x0  }
0x20b: {  	[sflag:s5] =	ssyncadd.s32 $0xFFFFFE00  }
0x20c: {  	[spmem:s1] =	stream.indirect.scatter.add.f32 [tilespmem:s9], [sflag:$0x1], $0x1, s15, s8, $0xb8;
	[tilespmem:$0x1700] =	vst v63  }
0x20d: {  	_ =	swait.ge [sflag:s5], $0x200  }
0x20e: {  	[sflag:s5] =	ssyncset.done $0x0  }
0x20f: {  	[sflag:s5] =	ssyncadd.s32 $0xFFFFFE00  }
0x210: {  	[bflag:$0x0] =	sbarrier.arrive $0xFFFF  }
0x211: {  	[tilespmem:s6], [sflag:$0x1] =	stream.linear.gather [spmem:s4], $0x280, $0x38;
	[tilespmem:$0x1700] =	vst v63  }
0x212: {  	_ =	swait.ge [sflag:s5], $0x280  }
.Ltmp1:
0x213: {  	[sflag:s5] =	ssyncset.done $0x0;
	(pc) =	sbr.rel @p0 .LBB2_1-.Ltmp1, $4  }
0x214: {  	[sflag:s5] =	ssyncadd.s32 $0xFFFFFD80  }
0x215: {  	[hbm4b:s20+s2] =	stream.linear.scatter [tilespmem:s6], [sflag:$0x1], $0x280, $0x38;
	[tilespmem:$0x1700] =	vst v63  }
0x216: {  	_ =	swait.ge [sflag:s5], $0x280  }
0x217: {  	[sflag:s5] =	ssyncset.done $0x0  }
.LBB2_2:
0x218: {  	[sflag:s5] =	ssyncadd.s32 $0xFFFFFD80  }
0x219: {  	_ =	sfence.sel $0x180000  }
0x21a: {  	[bflag:$0x0] =	sbarrier.arrive $0xFFFF  }
0x21b: {  	p0 =	sne.s32 s3, $0x0;
	_ =	strace $0x90000047  }
0x21c: {  	s0 =	sadd.s32 @!p0 $0x100000, s0;
	[bflag:$0x2] =	sbarrier.arrive $0xFFFF  }
0x21d: {  	[sflag:s0] =	ssyncadd.tile.s32 @!p0 $0x1;
	_ =	shalt  }
.Lfunc_end2:
_tile_overlayer_lowered:
.L_overlay_start_2:
0x21e: {  	(tag) =	ssettag $0x2  }
0x21f: {  	s0 =	rddreg [dreg:$0x0];
	s2 =	stileid.u32  }
0x220: {  	s1 =	rddreg [dreg:$0x1];
	p0 =	sne.s32 s2, $0x0  }
0x221: {  	s3 =	rddreg [dreg:$0x2];
	[bflag:$0x3] =	sbarrier.arrive $0xFFFF;
	s2 =	simm.s32 @!p0 $0x1C01  }
0x222: {  	[timem:s3], [sflag:s2] =	dma.local @!p0 [hbm:s0], s1  }
0x223: {  	s0 =	simm.s32 @!p0 $0x1  }
0x224: {  	_ =	swait.ge @!p0 [sflag:s0], s1  }
0x225: {  	s1 =	ssub.s32 @!p0 $0x0, s1;
	[sflag:s0] =	ssyncset.done @!p0 $0x0  }
0x226: {  	[sflag:s0] =	ssyncadd.s32 @!p0 s1  }
0x227: {  	[bflag:$0x3] =	sbarrier.arrive $0xFFFF  }
0x228: {  	_ =	shalt  }

// kernel: kernel.9.cloned.1.call-start
scs
__scs_entry_jumppad:
0x0: {  	(pc) =	sbr.rel $0x88, $3  }
0x1: {  	(tag) =	ssettag $0x0;
	lr =	simm.s32 $0x1  }
0x2: {  	[smem:$0x3F9B] =	sst lr;
	_ =	strace $0xD0000000  }
0x3: {  	_ = 	snop  }
0x4: {  	_ = 	snop  }
0x5: {  	_ = 	snop  }
0x6: {  	_ = 	snop  }
0x7: {  	_ = 	snop  }
__scs_overlays_trampoline_lowered:
0x8: {  	[smem:$0x3FAA] =	sst s0  }
0x9: {  	[smem:$0x3FAB] =	sst s1  }
0xa: {  	[smem:$0x3FAC] =	sst s2  }
0xb: {  	[smem:$0x3FAD] =	sst s3  }
0xc: {  	[smem:$0x3FAE] =	sst s4  }
0xd: {  	[smem:$0x3FAF] =	sst s5  }
0xe: {  	[smem:$0x3FB0] =	sst s6  }
0xf: {  	[smem:$0x3FB1] =	sst s7  }
0x10: {  	[smem:$0x3FB2] =	sst s8  }
0x11: {  	[smem:$0x3FB3] =	sst s9;
	s0 =	simm.s32 @!p0 $0x0  }
0x12: {  	s1 =	sld [smem:$0x3F99];
	s0 =	simm.s32 @p0 $0x1  }
0x13: {  	[smem:$0x3FB4] =	sst s0;
	s0 =	simm.s32 @!p1 $0x0  }
0x14: {  	s2 =	sld [smem:$0x3F98];
	s0 =	simm.s32 @p1 $0x1  }
0x15: {  	[smem:$0x3FB5] =	sst s0;
	s0 =	simm.s32 @!p2 $0x0  }
0x16: {  	s3 =	sld [smem:$0x3FDB];
	s0 =	simm.s32 @p2 $0x1  }
0x17: {  	s4 =	simm.s32 $0x1BF5;
	[smem:$0x3FB7] =	sst s0  }
0x18: {  	s0 =	sld [smem:$0x3F9A];
	_ =	swait.ge [sflag:s4], $0x0  }
0x19: {  	s7 =	sld [smem:$0x3F9B]  }
0x1a: {  	s8 =	sadd.s32 $0xFFFFE003, lr  }
0x1b: {  	s9 =	sadd.s32 $0xFFFFFEF7, lr;
	s5 =	simm.s32 $0xFFFFFFFF;
	p2 =	slt.u32 s8, $0xFFFFF086  }
0x1c: {  	p1 =	slt.u32 s9, $0xF7A;
	s5 =	simm.s32 @!p2 $0x0  }
0x1d: {  	s5 =	simm.s32 @p1 $0x1;
	p0 =	seq.s32 s7, s2  }
0x1e: {  	s7 =	smul.u32 @!p0 $0xF7A, s2;
	p2 =	seq.s32 @!p0 s5, $0x0  }
0x1f: {  	s9 =	smul.u32 $0xF7A, s1;
	s8 =	simm.s32 @!p0 $0x1BF5;
	p2 =	por !p2, p0  }
0x20: {  	[sflag:s8] =	ssyncset.s32 @!p0 $0xFFFFF086;
	s6 =	sadd.s32 @!p0 s3, s7;
	s7 =	simm.s32 @!p0 $0x108  }
0x21: {  	s3 =	sadd.s32 s3, s9;
	s6 =	sadd.s32 @!p0 $0x88, s6;
	s7 =	simm.s32 @p2 $0x1082  }
0x22: {  	[simem:s7], [sflag:s8] =	dma.local @!p0 [hbm:s6], $0xF7A  }
0x23: {  	s9 =	sor.u32 $0xD0000000, s2;
	s6 =	simm.s32 $0x108;
	_ =	swait.ge @!p0 [sflag:s8], $0x0  }
0x24: {  	s3 =	sadd.s32 $0x88, s3;
	s6 =	simm.s32 @!p1 $0x1082;
	[sflag:s4] =	ssyncset.s32 $0xFFFFF086  }
0x25: {  	[simem:s6], [sflag:s4] =	dma.local [hbm:s3], $0xF7A  }
0x26: {  	[smem:$0x3F9B] =	sst s1;
	(tag) =	ssettag s2;
	_ =	strace s9  }
0x27: {  	s1 =	sld [smem:$0x3FAB]  }
0x28: {  	s2 =	sld [smem:$0x3FAC]  }
0x29: {  	s4 =	sld [smem:$0x3FAE]  }
0x2a: {  	p0 =	seq.s32 s5, $0x0;
	s5 =	sld [smem:$0x3FAF]  }
0x2b: {  	s6 =	sld [smem:$0x3FB0]  }
0x2c: {  	s7 =	sld [smem:$0x3FB1]  }
0x2d: {  	s3 =	simm.s32 $0x108;
	s8 =	sld [smem:$0x3FB2]  }
0x2e: {  	s3 =	simm.s32 @!p0 $0x1082;
	s9 =	sld [smem:$0x3FB3]  }
0x2f: {  	lr =	sadd.s32 s0, s3;
	s0 =	sld [smem:$0x3FAA]  }
0x30: {  	s3 =	sld [smem:$0x3FAD]  }
0x31: {  	[smem:$0x3FB6] =	sst s10  }
0x32: {  	s10 =	sld [smem:$0x3FB4];
	_ =	sdelay $0x3  }
0x33: {  	p0 =	seq.s32 s10, $0x1;
	s10 =	sld [smem:$0x3FB6];
	_ =	sdelay $0x3  }
0x34: {  	[smem:$0x3FB6] =	sst s10  }
0x35: {  	s10 =	sld [smem:$0x3FB5];
	_ =	sdelay $0x3  }
0x36: {  	p1 =	seq.s32 s10, $0x1;
	s10 =	sld [smem:$0x3FB6];
	_ =	sdelay $0x3  }
0x37: {  	[smem:$0x3FB6] =	sst s10  }
0x38: {  	s10 =	sld [smem:$0x3FB7]  }
0x39: {  	_ = 	snop;
	(pc) =	sbr.ind lr, $3  }
0x3a: {  	_ = 	snop  }
0x3b: {  	_ = 	snop  }
0x3c: {  	p2 =	seq.s32 s10, $0x1;
	s10 =	sld [smem:$0x3FB6]  }
0x3d: {  	_ =	shalt  }
0x3e: {  	_ =	shalt  }
0x3f: {  	_ =	shalt  }
0x40: {  	_ =	shalt  }
0x41: {  	_ =	shalt  }
0x42: {  	_ =	shalt  }
0x43: {  	_ =	shalt  }
0x44: {  	_ =	shalt  }
0x45: {  	_ =	shalt  }
0x46: {  	_ =	shalt  }
0x47: {  	_ =	shalt  }
0x48: {  	_ =	shalt  }
0x49: {  	_ =	shalt  }
0x4a: {  	_ =	shalt  }
0x4b: {  	_ =	shalt  }
0x4c: {  	_ =	shalt  }
0x4d: {  	_ =	shalt  }
0x4e: {  	_ =	shalt  }
0x4f: {  	_ =	shalt  }
0x50: {  	_ =	shalt  }
0x51: {  	_ =	shalt  }
0x52: {  	_ =	shalt  }
0x53: {  	_ =	shalt  }
0x54: {  	_ =	shalt  }
0x55: {  	_ =	shalt  }
0x56: {  	_ =	shalt  }
0x57: {  	_ =	shalt  }
0x58: {  	_ =	shalt  }
0x59: {  	_ =	shalt  }
0x5a: {  	_ =	shalt  }
0x5b: {  	_ =	shalt  }
0x5c: {  	_ =	shalt  }
0x5d: {  	_ =	shalt  }
0x5e: {  	_ =	shalt  }
0x5f: {  	_ =	shalt  }
0x60: {  	_ =	shalt  }
0x61: {  	_ =	shalt  }
0x62: {  	_ =	shalt  }
0x63: {  	_ =	shalt  }
0x64: {  	_ =	shalt  }
0x65: {  	_ =	shalt  }
0x66: {  	_ =	shalt  }
0x67: {  	_ =	shalt  }
0x68: {  	_ =	shalt  }
0x69: {  	_ =	shalt  }
0x6a: {  	_ =	shalt  }
0x6b: {  	_ =	shalt  }
0x6c: {  	_ =	shalt  }
0x6d: {  	_ =	shalt  }
0x6e: {  	_ =	shalt  }
0x6f: {  	_ =	shalt  }
0x70: {  	_ =	shalt  }
0x71: {  	_ =	shalt  }
0x72: {  	_ =	shalt  }
0x73: {  	_ =	shalt  }
0x74: {  	_ =	shalt  }
0x75: {  	_ =	shalt  }
0x76: {  	_ =	shalt  }
0x77: {  	_ =	shalt  }
0x78: {  	_ =	shalt  }
0x79: {  	_ =	shalt  }
0x7a: {  	_ =	shalt  }
0x7b: {  	_ =	shalt  }
0x7c: {  	_ =	shalt  }
0x7d: {  	_ =	shalt  }
0x7e: {  	_ =	shalt  }
0x7f: {  	_ =	shalt  }
0x80: {  	_ =	shalt  }
0x81: {  	_ =	shalt  }
0x82: {  	_ =	shalt  }
0x83: {  	_ =	shalt  }
0x84: {  	_ =	shalt  }
0x85: {  	_ =	shalt  }
0x86: {  	_ =	shalt  }
0x87: {  	_ =	shalt  }
.Lfunc_end0:
.L_simem_size_0:
called_computation.1_lowered:
.L_overlay_start_0:
0x88: {  	s2 =	sld [smem:$0x3FD9]  }
0x89: {  	s3 =	sld [smem:$0x3FFE];
	_ =	sdelay $0x1  }
0x8a: {  	s1 =	srdreg.scid  }
0x8b: {  	s0 =	sand.u32 $0x1, s1  }
0x8c: {  	s16 =	sshll.u32 s0, $0xA;
	s2 =	sadd.s32 s3, s2  }
0x8d: {  	s2 =	sadd.s32 s2, s16  }
0x8e: {  	[smem:$0x3FC2] =	sst s2  }
0x8f: {  	_ = 	snop  }
0x90: {  	(tm) =	ssettm $0x1  }
0x91: {  	s17 =	sld [smem:$0x3FFB];
	_ =	sdelay $0x3  }
0x92: {  	_ =	strace s17  }
0x93: {  	s2 =	sld [smem:$0x3FFC];
	_ =	sdelay $0x3  }
0x94: {  	_ =	strace s2  }
0x95: {  	s2 =	sld [smem:$0x3FFD];
	_ =	sdelay $0x3  }
0x96: {  	_ =	strace s2  }
0x97: {  	_ =	strace $0x8FFFFFFF  }
0x98: {  	s18 =	sld [smem:$0x3FDB];
	_ =	sdelay $0x1  }
0x99: {  	s19 =	simm.s32 $_scs_section_size  }
0x9a: {  	s4 =	simm.s32 $_size__tile_overlayer_lowered;
	s5 =	simm.s32 $_tile_overlayer_lowered  }
0x9b: {  	s22 =	simm.s32 $0x1BFF;
	s21 =	sshll.u32 s5, $0x1;
	s2 =	sadd.s32 s19, s18  }
0x9c: {  	s6 =	simm.s32 $0x0;
	s20 =	sshll.u32 s4, $0x1;
	s4 =	sadd.s32 s21, s2  }
0x9d: {  	[timem:s6], [sflag:s22] =	dma.local [hbm:s4], s20  }
0x9e: {  	_ =	swait.ge [sflag:s22], s20  }
0x9f: {  	s3 =	ssub.s32 $0x0, s20;
	[sflag:s22] =	ssyncset.done $0x0  }
0xa0: {  	[sflag:s22] =	ssyncadd.s32 s3;
	_ =	sdelay $0x1  }
0xa1: {  	s23 =	simm.s32 $0x1B8B  }
0xa2: {  	_ =	swait.ge [sflag:s23], $0x1  }
0xa3: {  	[sflag:s23] =	ssyncset.done $0x0  }
0xa4: {  	s25 =	simm.s32 $0x1B8E;
	s24 =	sld [smem:$0x3FFE];
	[sflag:s23] =	ssyncadd.s32 $0xFFFFFFFF  }
0xa5: {  	s26 =	simm.s32 $execute0_lowered;
	[smem:$0x3FD2] =	sst s25  }
0xa6: {  	s4 =	sshll.u32 s26, $0x1;
	_ =	strace $0x80000049;
	[dreg:$0x1] =	wrdreg $0xFFFFFFFF  }
0xa7: {  	s28 =	simm.s32 $_size_execute0_lowered;
	s2 =	sadd.s32 s2, s4;
	[dreg:$0x0] =	wrdreg $0x0  }
0xa8: {  	s4 =	sshll.u32 s28, $0x1;
	[dreg:$0x2] =	wrdreg s2  }
0xa9: {  	[dreg:$0x3] =	wrdreg s4  }
0xaa: {  	[dreg:$0x4] =	wrdreg $0xC0  }
0xab: {  	_ =	task [dreg:s6], $0x5FFFF  }
0xac: {  	[dreg:$0x1] =	wrdreg $0xFFFFFFFF  }
0xad: {  	[dreg:$0x0] =	wrdreg $0x60  }
0xae: {  	[dreg:$0x2] =	wrdreg s24  }
0xaf: {  	[dreg:$0x3] =	wrdreg $0x160000  }
0xb0: {  	[dreg:$0x4] =	wrdreg $0x9  }
0xb1: {  	_ =	task.clear_ibuf [dreg:s6], $0x5FFFF;
	_ =	strace $0x90000049  }
0xb2: {  	s29 =	simm.s32 $0x9;
	_ =	strace $0x8000004B  }
0xb3: {  	_ =	swait.ge [sflag:s29], $0x1  }
0xb4: {  	[sflag:s29] =	ssyncadd.s32 $0xFFFFFFFF  }
0xb5: {  	_ =	strace $0x9000004B  }
0xb6: {  	_ =	sfence  }
0xb7: {  	s30 =	sld [smem:$0x0];
	_ =	sdelay $0x2  }
0xb8: {  	s31 =	sshll.u32 s1, $0xD;
	s1 =	sshrl.u32 s1, $0x2  }
0xb9: {  	s3 =	sand.u32 $0x4000, s31;
	s1 =	sadd.s32 s1, s30  }
0xba: {  	s0 =	sor.u32 s3, s0;
	s1 =	sshll.u32 s1, $0x11  }
0xbb: {  	s0 =	sor.u32 s1, s0  }
0xbc: {  	s0 =	sadd.s32 $0x8F2B, s0  }
0xbd: {  	[sflag:s0] =	ssyncadd.remote.s32 $0x1  }
0xbe: {  	_ =	sfence.sel $0xFFFF  }
0xbf: {  	[dreg:$0x0] =	wrdreg $0xFFFFFFFF;
	(pc) =	sbr.abs _section_cstart, $3  }
0xc0: {  	[dreg:$0x1] =	wrdreg $0xFFFFFFFF  }
0xc1: {  	_ =	task.clear_ibuf [dreg:s6], $0x2FFFF;
	_ =	strace $0x9FFFFFFF  }
0xc2: {  	(tm) =	ssettm $0x7FFFFFFF  }
0xc3: {  	_ =	shalt  }
tec
execute0_lowered:
.L_overlay_start_1:
0x0: {  	(tag) =	ssettag $0x1  }
0x1: {  	s0 =	rddreg [dreg:$0x0];
	s1 =	simm.s32 $0x0  }
0x2: {  	s2 =	srdreg.scid;
	s15 =	stileid.u32;
	s31 =	simm.s32 $0x1000  }
0x3: {  	[smem:$0x7FF] =	sst s1;
	s6 =	sand.u32 $0x1, s2;
	s8 =	sadd.s32 $0x15C00, s0  }
0x4: {  	s9 =	smul.u32 $0x280, s15;
	s10 =	sadd.s32 $0x1C00, s0;
	s7 =	sadd.s32 $0x29C00, s0  }
0x5: {  	s14 =	sshll.u32 s15, $0xC;
	s2 =	ssub.s32 $0x2, s6;
	s11 =	smul.u32 $0x50000, s6  }
0x6: {  	s30 =	sadd.s32 $0xED200, s0;
	s12 =	smul.u32 $0x7800, s6;
	s3 =	sshrl.u32 s2, $0x1  }
0x7: {  	s5 =	sadd.s32 $0x80, s9;
	s6 =	sadd.s32 $0x200, s9;
	s4 =	ssub.s32 s2, s3  }
0x8: {  	s2 =	sadd.s32 $0x100, s9;
	s11 =	sor.u32 s14, s11;
	s3 =	sadd.s32 $0x180, s9  }
0x9: {  	s18 =	sadd.s32 s9, s12;
	s20 =	sadd.s32 s12, s5;
	s11 =	sshrl.u32 s11, $0x3  }
0xa: {  	s19 =	sshll.u32 s18, $0x3;
	s21 =	sshll.u32 s20, $0x3;
	s22 =	sadd.s32 s12, s2  }
0xb: {  	s24 =	sadd.s32 s12, s3;
	s18 =	sadd.s32 s12, s6;
	s20 =	sadd.s32 $0x2800, s12  }
0xc: {  	s4 =	smax.u32 s4, $0x1;
	s13 =	sadd.s32 s8, s11;
	s16 =	sadd.s32 $0x2000, s11  }
0xd: {  	s14 =	sadd.s32 s10, s11;
	s23 =	sshll.u32 s22, $0x3;
	[dreg:$0x3] =	wrdreg s13  }
0xe: {  	s25 =	sshll.u32 s24, $0x3;
	[dreg:$0x4] =	wrdreg s14;
	s17 =	sadd.s32 s8, s16  }
0xf: {  	s26 =	sadd.s32 $0x4000, s11;
	s13 =	sadd.s32 s10, s16;
	[dreg:$0x5] =	wrdreg s17  }
0x10: {  	s28 =	sadd.s32 $0x6000, s11;
	s16 =	sadd.s32 s8, s26;
	[dreg:$0x6] =	wrdreg s13  }
0x11: {  	s11 =	sadd.s32 $0x8000, s11;
	s14 =	sadd.s32 s10, s26;
	[dreg:$0xa] =	wrdreg s16  }
0x12: {  	s22 =	sadd.s32 s5, s20;
	s29 =	sadd.s32 s8, s28;
	[dreg:$0xb] =	wrdreg s14  }
0x13: {  	s8 =	sadd.s32 s8, s11;
	s26 =	sadd.s32 s3, s20;
	[dreg:$0xc] =	wrdreg s29  }
0x14: {  	s13 =	sadd.s32 s7, s19;
	s14 =	sadd.s32 s10, s28;
	[dreg:$0xe] =	wrdreg s8  }
0x15: {  	s17 =	sadd.s32 s10, s11;
	s19 =	sadd.s32 s7, s25;
	[dreg:$0x7] =	wrdreg s13  }
0x16: {  	s8 =	sshll.u32 s18, $0x3;
	s11 =	sshll.u32 s22, $0x3;
	[dreg:$0xd] =	wrdreg s14  }
0x17: {  	s10 =	sadd.s32 s6, s20;
	s28 =	sadd.s32 $0x5000, s12;
	[dreg:$0xf] =	wrdreg s17  }
0x18: {  	s13 =	sadd.s32 s7, s21;
	[dreg:$0x10] =	wrdreg s19;
	s8 =	sadd.s32 s7, s8  }
0x19: {  	s21 =	sadd.s32 s9, s20;
	s24 =	sadd.s32 s7, s11;
	s10 =	sshll.u32 s10, $0x3  }
0x1a: {  	s12 =	sadd.s32 s5, s28;
	s18 =	sadd.s32 s3, s28;
	s19 =	sadd.s32 s6, s28  }
0x1b: {  	s5 =	sshll.u32 s5, $0x6;
	s11 =	simm.s32 $0xA000;
	[dreg:$0x8] =	wrdreg s13  }
0x1c: {  	s13 =	sadd.s32 s7, s23;
	[dreg:$0x11] =	wrdreg s8;
	s8 =	sshll.u32 s21, $0x3  }
0x1d: {  	s23 =	sadd.s32 s2, s20;
	[dreg:$0x13] =	wrdreg s24;
	s29 =	sadd.s32 s7, s10  }
0x1e: {  	s10 =	sadd.s32 s9, s28;
	s14 =	sshll.u32 s12, $0x3;
	s9 =	sshll.u32 s19, $0x3  }
0x1f: {  	[dreg:$0x9] =	wrdreg s13;
	s8 =	sadd.s32 s7, s8;
	s25 =	sshll.u32 s23, $0x3  }
0x20: {  	s20 =	smul.u32 $0x28000, s15;
	[dreg:$0x12] =	wrdreg s8;
	s8 =	sadd.s32 s7, s25  }
0x21: {  	s24 =	sshll.u32 s3, $0x6;
	[dreg:$0x14] =	wrdreg s8;
	s8 =	sshll.u32 s26, $0x3  }
0x22: {  	[dreg:$0x16] =	wrdreg s29;
	s13 =	sadd.s32 s2, s28;
	s8 =	sadd.s32 s7, s8  }
0x23: {  	s23 =	sshll.u32 s2, $0x6;
	[dreg:$0x15] =	wrdreg s8;
	s8 =	sshll.u32 s10, $0x3  }
0x24: {  	s16 =	sshll.u32 s13, $0x3;
	s26 =	rddreg [dreg:$0x1];
	s8 =	sadd.s32 s7, s8  }
0x25: {  	s21 =	sshrl.u32 s20, $0x2;
	[dreg:$0x17] =	wrdreg s8;
	s8 =	sadd.s32 s7, s14  }
0x26: {  	s17 =	sadd.s32 s7, s16;
	[dreg:$0x18] =	wrdreg s8;
	s8 =	sshll.u32 s18, $0x3  }
0x27: {  	s25 =	sshll.u32 s6, $0x6;
	[dreg:$0x19] =	wrdreg s17;
	s8 =	sadd.s32 s7, s8  }
0x28: {  	s6 =	simm.s32 $0x4;
	s7 =	sadd.s32 s7, s9;
	[dreg:$0x1a] =	wrdreg s8  }
0x29: {  	s13 =	simm.s32 $0x1;
	s0 =	sadd.s32 s21, s26;
	[dreg:$0x1b] =	wrdreg s7  }
0x2a: {  	s22 =	sadd.s32 s5, s26;
	_ =	strace $0x8000004A;
	[dreg:$0x1d] =	wrdreg s0  }
0x2b: {  	s16 =	simm.s32 $0x2;
	s28 =	sadd.s32 s24, s26;
	[dreg:$0x1e] =	wrdreg s22  }
0x2c: {  	s29 =	sadd.s32 s25, s26;
	s5 =	simm.s32 $0x12000;
	[smem:$0x7FC] =	sst s28  }
0x2d: {  	s10 =	simm.s32 $0x3;
	s9 =	simm.s32 $0x2000;
	[smem:$0x7FD] =	sst s29  }
0x2e: {  	s8 =	simm.s32 $0x200;
	s0 =	sadd.s32 s23, s26;
	[dreg:$0x1c] =	wrdreg s4  }
0x2f: {  	v0 =	vimm.f32 $0.0e+00;
	s4 =	simm.s32 $0x14000;
	[dreg:$0x1f] =	wrdreg s0;
	s0 =	simm.s32 $0x0  }
.LBB2_1:
0x30: {  	s14 =	sand.u32 $0x7F00, s1  }
0x31: {  	[smem:$0x7FB] =	sst s0;
	s15 =	sand.u32 $0x30, s1;
	s17 =	sshrl.u32 s14, $0x2  }
0x32: {  	s14 =	simm.s32 $0x40;
	s17 =	sor.u32 s15, s17;
	s15 =	simm.s32 $0x0  }
.LBB2_2:
0x33: {  	p0 =	sne.s32 s14, $0x7FC0  }
0x34: {  	[tilespmem:s17+$0x12000] =	vst v0;
	s15 =	sadd.s32 $0x10, s15;
	s17 =	smov.u32 s14;
	s14 =	sadd.s32 $0x40, s14  }
.Ltmp0:
0x35: {  	(pc) =	sbr.rel @p0 .LBB2_2-.Ltmp0, $4  }
0x36: {  	_ = 	snop  }
0x37: {  	s17 =	sand.u32 $0x7F00, s17  }
0x38: {  	s18 =	sand.u32 $0x30, s15;
	s17 =	sshrl.u32 s17, $0x2  }
0x39: {  	s17 =	sor.u32 s18, s17  }
0x3a: {  	[tilespmem:s17+$0x12000] =	vst v0;
	s24 =	rddreg [dreg:$0x1d]  }
0x3b: {  	[spmem:s24] =	stream.linear.scatter [tilespmem:s5], [sflag:$0x4], $0x2000, $0x38;
	v63 =	vld [tilespmem:$0x0]  }
0x3c: {  	_ =	swait.ge [sflag:s6], $0x2000  }
0x3d: {  	[sflag:s6] =	ssyncset.done $0x0  }
0x3e: {  	s0 =	rddreg [dreg:$0x1e];
	[sflag:s6] =	ssyncadd.s32 $0xFFFFE000  }
0x3f: {  	[spmem:s0] =	stream.linear.scatter [tilespmem:s5], [sflag:$0x4], $0x2000, $0x38;
	v63 =	vld [tilespmem:$0x0]  }
0x40: {  	_ =	swait.ge [sflag:s6], $0x2000  }
0x41: {  	[sflag:s6] =	ssyncset.done $0x0  }
0x42: {  	s2 =	rddreg [dreg:$0x1f];
	[sflag:s6] =	ssyncadd.s32 $0xFFFFE000  }
0x43: {  	[spmem:s2] =	stream.linear.scatter [tilespmem:s5], [sflag:$0x4], $0x2000, $0x38;
	v63 =	vld [tilespmem:$0x0]  }
0x44: {  	_ =	swait.ge [sflag:s6], $0x2000  }
0x45: {  	s3 =	sld [smem:$0x7FC]  }
0x46: {  	[sflag:s6] =	ssyncset.done $0x0  }
0x47: {  	[sflag:s6] =	ssyncadd.s32 $0xFFFFE000  }
0x48: {  	[spmem:s3] =	stream.linear.scatter [tilespmem:s5], [sflag:$0x4], $0x2000, $0x38;
	v63 =	vld [tilespmem:$0x0]  }
0x49: {  	_ =	swait.ge [sflag:s6], $0x2000  }
0x4a: {  	s12 =	sld [smem:$0x7FD]  }
0x4b: {  	[sflag:s6] =	ssyncset.done $0x0  }
0x4c: {  	[sflag:s6] =	ssyncadd.s32 $0xFFFFE000  }
0x4d: {  	[spmem:s12] =	stream.linear.scatter [tilespmem:s5], [sflag:$0x4], $0x2000, $0x38;
	v63 =	vld [tilespmem:$0x0]  }
0x4e: {  	_ =	swait.ge [sflag:s6], $0x2000  }
0x4f: {  	[sflag:s6] =	ssyncset.done $0x0  }
0x50: {  	[sflag:s6] =	ssyncadd.s32 $0xFFFFE000  }
0x51: {  	[bflag:$0x0] =	sbarrier.arrive $0xFFFF  }
0x52: {  	s14 =	rddreg [dreg:$0x3]  }
0x53: {  	[tilespmem:s1], [sflag:$0x4] =	stream.linear.gather [hbm4b:s14+s1], $0x1000, $0x38;
	v63 =	vld [tilespmem:$0x0]  }
0x54: {  	_ =	swait.ge [sflag:s6], $0x1000  }
0x55: {  	[sflag:s6] =	ssyncset.done $0x0  }
0x56: {  	s19 =	rddreg [dreg:$0x4];
	[sflag:s6] =	ssyncadd.s32 $0xFFFFF000  }
0x57: {  	[tilespmem:s31], [sflag:$0x4] =	stream.linear.gather [hbm4b:s19+s1], $0x1000, $0x38;
	v63 =	vld [tilespmem:$0x0]  }
0x58: {  	_ =	swait.ge [sflag:s6], $0x1000  }
0x59: {  	[sflag:s6] =	ssyncset.done $0x0  }
0x5a: {  	[sflag:s6] =	ssyncadd.s32 $0xFFFFF000  }
0x5b: {  	[tilespmem:s9], [sflag:$0x3] =	stream.indirect.gather [hbm4b:s30+s8], $0x40, s1, s8, $0xb8;
	v63 =	vld [tilespmem:$0x0]  }
0x5c: {  	_ =	swait.ge [sflag:s10], $0x8000  }
0x5d: {  	[sflag:s10] =	ssyncset.done $0x0  }
0x5e: {  	[sflag:s10] =	ssyncadd.s32 $0xFFFF8000  }
0x5f: {  	[spmem:s26] =	stream.indirect.scatter.add.f32 [tilespmem:s9], [sflag:$0x1], $0x40, s31, s8, $0xb8;
	v63 =	vld [tilespmem:$0x0]  }
0x60: {  	_ = 	snop  }
0x61: {  	[tilespmem:s11], [sflag:$0x3] =	stream.indirect.gather [hbm4b:s30+s8], $0x40, s8, s8, $0xb8;
	v63 =	vld [tilespmem:$0x0]  }
0x62: {  	_ =	swait.ge [sflag:s10], $0x8000  }
0x63: {  	[sflag:s10] =	ssyncset.done $0x0  }
0x64: {  	s7 =	simm.s32 $0x1200;
	[sflag:s10] =	ssyncadd.s32 $0xFFFF8000  }
0x65: {  	[spmem:s26] =	stream.indirect.scatter.add.f32 [tilespmem:s11], [sflag:$0x2], $0x40, s7, s8, $0xb8;
	v63 =	vld [tilespmem:$0x0]  }
0x66: {  	_ =	swait.ge [sflag:s13], $0x8000  }
0x67: {  	[sflag:s13] =	ssyncset.done $0x0  }
0x68: {  	s20 =	simm.s32 $0x400;
	[sflag:s13] =	ssyncadd.s32 $0xFFFF8000  }
0x69: {  	[tilespmem:s9], [sflag:$0x3] =	stream.indirect.gather [hbm4b:s30+s8], $0x40, s20, s8, $0xb8;
	v63 =	vld [tilespmem:$0x0]  }
0x6a: {  	_ =	swait.ge [sflag:s10], $0x8000  }
0x6b: {  	[sflag:s10] =	ssyncset.done $0x0  }
0x6c: {  	s21 =	simm.s32 $0x1400;
	[sflag:s10] =	ssyncadd.s32 $0xFFFF8000  }
0x6d: {  	[spmem:s26] =	stream.indirect.scatter.add.f32 [tilespmem:s9], [sflag:$0x1], $0x40, s21, s8, $0xb8;
	v63 =	vld [tilespmem:$0x0]  }
0x6e: {  	_ =	swait.ge [sflag:s16], $0x8000  }
0x6f: {  	[sflag:s16] =	ssyncset.done $0x0  }
0x70: {  	s22 =	simm.s32 $0x600;
	[sflag:s16] =	ssyncadd.s32 $0xFFFF8000  }
0x71: {  	[tilespmem:s11], [sflag:$0x3] =	stream.indirect.gather [hbm4b:s30+s8], $0x40, s22, s8, $0xb8;
	v63 =	vld [tilespmem:$0x0]  }
0x72: {  	_ =	swait.ge [sflag:s10], $0x8000  }
0x73: {  	[sflag:s10] =	ssyncset.done $0x0  }
0x74: {  	s23 =	simm.s32 $0x1600;
	[sflag:s10] =	ssyncadd.s32 $0xFFFF8000  }
0x75: {  	[spmem:s26] =	stream.indirect.scatter.add.f32 [tilespmem:s11], [sflag:$0x2], $0x40, s23, s8, $0xb8;
	v63 =	vld [tilespmem:$0x0]  }
0x76: {  	_ =	swait.ge [sflag:s13], $0x8000  }
0x77: {  	[sflag:s13] =	ssyncset.done $0x0  }
0x78: {  	s25 =	simm.s32 $0x800;
	[sflag:s13] =	ssyncadd.s32 $0xFFFF8000  }
0x79: {  	[tilespmem:s9], [sflag:$0x3] =	stream.indirect.gather [hbm4b:s30+s8], $0x40, s25, s8, $0xb8;
	v63 =	vld [tilespmem:$0x0]  }
0x7a: {  	_ =	swait.ge [sflag:s10], $0x8000  }
0x7b: {  	[sflag:s10] =	ssyncset.done $0x0  }
0x7c: {  	s28 =	simm.s32 $0x1800;
	[sflag:s10] =	ssyncadd.s32 $0xFFFF8000  }
0x7d: {  	[spmem:s26] =	stream.indirect.scatter.add.f32 [tilespmem:s9], [sflag:$0x1], $0x40, s28, s8, $0xb8;
	v63 =	vld [tilespmem:$0x0]  }
0x7e: {  	_ =	swait.ge [sflag:s16], $0x8000  }
0x7f: {  	[sflag:s16] =	ssyncset.done $0x0  }
0x80: {  	s29 =	simm.s32 $0xA00;
	[sflag:s16] =	ssyncadd.s32 $0xFFFF8000  }
0x81: {  	[tilespmem:s11], [sflag:$0x3] =	stream.indirect.gather [hbm4b:s30+s8], $0x40, s29, s8, $0xb8;
	v63 =	vld [tilespmem:$0x0]  }
0x82: {  	_ =	swait.ge [sflag:s10], $0x8000  }
0x83: {  	[sflag:s10] =	ssyncset.done $0x0  }
0x84: {  	s14 =	simm.s32 $0x1A00;
	[sflag:s10] =	ssyncadd.s32 $0xFFFF8000  }
0x85: {  	[spmem:s26] =	stream.indirect.scatter.add.f32 [tilespmem:s11], [sflag:$0x2], $0x40, s14, s8, $0xb8;
	v63 =	vld [tilespmem:$0x0]  }
0x86: {  	_ =	swait.ge [sflag:s13], $0x8000  }
0x87: {  	[sflag:s13] =	ssyncset.done $0x0  }
0x88: {  	s15 =	simm.s32 $0xC00;
	[sflag:s13] =	ssyncadd.s32 $0xFFFF8000  }
0x89: {  	[tilespmem:s9], [sflag:$0x3] =	stream.indirect.gather [hbm4b:s30+s8], $0x40, s15, s8, $0xb8;
	v63 =	vld [tilespmem:$0x0]  }
0x8a: {  	_ =	swait.ge [sflag:s10], $0x8000  }
0x8b: {  	[sflag:s10] =	ssyncset.done $0x0  }
0x8c: {  	s17 =	simm.s32 $0x1C00;
	[sflag:s10] =	ssyncadd.s32 $0xFFFF8000  }
0x8d: {  	[spmem:s26] =	stream.indirect.scatter.add.f32 [tilespmem:s9], [sflag:$0x1], $0x40, s17, s8, $0xb8;
	v63 =	vld [tilespmem:$0x0]  }
0x8e: {  	_ =	swait.ge [sflag:s16], $0x8000  }
0x8f: {  	[sflag:s16] =	ssyncset.done $0x0  }
0x90: {  	s7 =	simm.s32 $0xE00;
	[sflag:s16] =	ssyncadd.s32 $0xFFFF8000  }
0x91: {  	[tilespmem:s11], [sflag:$0x3] =	stream.indirect.gather [hbm4b:s30+s8], $0x40, s7, s8, $0xb8;
	v63 =	vld [tilespmem:$0x0]  }
0x92: {  	_ =	swait.ge [sflag:s10], $0x8000  }
0x93: {  	[sflag:s10] =	ssyncset.done $0x0  }
0x94: {  	s15 =	simm.s32 $0x1E00;
	[sflag:s10] =	ssyncadd.s32 $0xFFFF8000  }
0x95: {  	[spmem:s26] =	stream.indirect.scatter.add.f32 [tilespmem:s11], [sflag:$0x2], $0x40, s15, s8, $0xb8;
	v63 =	vld [tilespmem:$0x0]  }
0x96: {  	_ =	swait.ge [sflag:s13], $0x8000  }
0x97: {  	[sflag:s13] =	ssyncset.done $0x0  }
0x98: {  	[sflag:s13] =	ssyncadd.s32 $0xFFFF8000  }
0x99: {  	_ =	swait.ge [sflag:s16], $0x8000  }
0x9a: {  	[sflag:s16] =	ssyncset.done $0x0  }
0x9b: {  	s14 =	rddreg [dreg:$0x5];
	[sflag:s16] =	ssyncadd.s32 $0xFFFF8000  }
0x9c: {  	[tilespmem:s1], [sflag:$0x4] =	stream.linear.gather [hbm4b:s14+s1], $0x1000, $0x38;
	v63 =	vld [tilespmem:$0x0]  }
0x9d: {  	_ =	swait.ge [sflag:s6], $0x1000  }
0x9e: {  	[sflag:s6] =	ssyncset.done $0x0  }
0x9f: {  	s14 =	rddreg [dreg:$0x6];
	[sflag:s6] =	ssyncadd.s32 $0xFFFFF000  }
0xa0: {  	[tilespmem:s31], [sflag:$0x4] =	stream.linear.gather [hbm4b:s14+s1], $0x1000, $0x38;
	v63 =	vld [tilespmem:$0x0]  }
0xa1: {  	_ =	swait.ge [sflag:s6], $0x1000  }
0xa2: {  	[sflag:s6] =	ssyncset.done $0x0  }
0xa3: {  	[sflag:s6] =	ssyncadd.s32 $0xFFFFF000  }
0xa4: {  	[tilespmem:s9], [sflag:$0x3] =	stream.indirect.gather [hbm4b:s30+s8], $0x40, s1, s8, $0xb8;
	v63 =	vld [tilespmem:$0x0]  }
0xa5: {  	_ =	swait.ge [sflag:s10], $0x8000  }
0xa6: {  	[sflag:s10] =	ssyncset.done $0x0  }
0xa7: {  	[sflag:s10] =	ssyncadd.s32 $0xFFFF8000  }
0xa8: {  	[spmem:s26] =	stream.indirect.scatter.add.f32 [tilespmem:s9], [sflag:$0x1], $0x40, s31, s8, $0xb8;
	v63 =	vld [tilespmem:$0x0]  }
0xa9: {  	_ = 	snop  }
0xaa: {  	[tilespmem:s11], [sflag:$0x3] =	stream.indirect.gather [hbm4b:s30+s8], $0x40, s8, s8, $0xb8;
	v63 =	vld [tilespmem:$0x0]  }
0xab: {  	_ =	swait.ge [sflag:s10], $0x8000  }
0xac: {  	[sflag:s10] =	ssyncset.done $0x0  }
0xad: {  	s18 =	simm.s32 $0x1200;
	[sflag:s10] =	ssyncadd.s32 $0xFFFF8000  }
0xae: {  	[spmem:s26] =	stream.indirect.scatter.add.f32 [tilespmem:s11], [sflag:$0x2], $0x40, s18, s8, $0xb8;
	v63 =	vld [tilespmem:$0x0]  }
0xaf: {  	_ =	swait.ge [sflag:s13], $0x8000  }
0xb0: {  	[sflag:s13] =	ssyncset.done $0x0  }
0xb1: {  	s20 =	simm.s32 $0x400;
	[sflag:s13] =	ssyncadd.s32 $0xFFFF8000  }
0xb2: {  	[tilespmem:s9], [sflag:$0x3] =	stream.indirect.gather [hbm4b:s30+s8], $0x40, s20, s8, $0xb8;
	v63 =	vld [tilespmem:$0x0]  }
0xb3: {  	_ =	swait.ge [sflag:s10], $0x8000  }
0xb4: {  	[sflag:s10] =	ssyncset.done $0x0  }
0xb5: {  	s20 =	simm.s32 $0x1400;
	[sflag:s10] =	ssyncadd.s32 $0xFFFF8000  }
0xb6: {  	[spmem:s26] =	stream.indirect.scatter.add.f32 [tilespmem:s9], [sflag:$0x1], $0x40, s20, s8, $0xb8;
	v63 =	vld [tilespmem:$0x0]  }
0xb7: {  	_ =	swait.ge [sflag:s16], $0x8000  }
0xb8: {  	[sflag:s16] =	ssyncset.done $0x0  }
0xb9: {  	s19 =	simm.s32 $0x600;
	[sflag:s16] =	ssyncadd.s32 $0xFFFF8000  }
0xba: {  	[tilespmem:s11], [sflag:$0x3] =	stream.indirect.gather [hbm4b:s30+s8], $0x40, s19, s8, $0xb8;
	v63 =	vld [tilespmem:$0x0]  }
0xbb: {  	_ =	swait.ge [sflag:s10], $0x8000  }
0xbc: {  	[sflag:s10] =	ssyncset.done $0x0  }
0xbd: {  	s21 =	simm.s32 $0x1600;
	[sflag:s10] =	ssyncadd.s32 $0xFFFF8000  }
0xbe: {  	[spmem:s26] =	stream.indirect.scatter.add.f32 [tilespmem:s11], [sflag:$0x2], $0x40, s21, s8, $0xb8;
	v63 =	vld [tilespmem:$0x0]  }
0xbf: {  	_ =	swait.ge [sflag:s13], $0x8000  }
0xc0: {  	[sflag:s13] =	ssyncset.done $0x0  }
0xc1: {  	s22 =	simm.s32 $0x800;
	[sflag:s13] =	ssyncadd.s32 $0xFFFF8000  }
0xc2: {  	[tilespmem:s9], [sflag:$0x3] =	stream.indirect.gather [hbm4b:s30+s8], $0x40, s22, s8, $0xb8;
	v63 =	vld [tilespmem:$0x0]  }
0xc3: {  	_ =	swait.ge [sflag:s10], $0x8000  }
0xc4: {  	[sflag:s10] =	ssyncset.done $0x0  }
0xc5: {  	s23 =	simm.s32 $0x1800;
	[sflag:s10] =	ssyncadd.s32 $0xFFFF8000  }
0xc6: {  	[spmem:s26] =	stream.indirect.scatter.add.f32 [tilespmem:s9], [sflag:$0x1], $0x40, s23, s8, $0xb8;
	v63 =	vld [tilespmem:$0x0]  }
0xc7: {  	_ =	swait.ge [sflag:s16], $0x8000  }
0xc8: {  	[sflag:s16] =	ssyncset.done $0x0  }
0xc9: {  	s25 =	simm.s32 $0xA00;
	[sflag:s16] =	ssyncadd.s32 $0xFFFF8000  }
0xca: {  	[tilespmem:s11], [sflag:$0x3] =	stream.indirect.gather [hbm4b:s30+s8], $0x40, s25, s8, $0xb8;
	v63 =	vld [tilespmem:$0x0]  }
0xcb: {  	_ =	swait.ge [sflag:s10], $0x8000  }
0xcc: {  	[sflag:s10] =	ssyncset.done $0x0  }
0xcd: {  	s28 =	simm.s32 $0x1A00;
	[sflag:s10] =	ssyncadd.s32 $0xFFFF8000  }
0xce: {  	[spmem:s26] =	stream.indirect.scatter.add.f32 [tilespmem:s11], [sflag:$0x2], $0x40, s28, s8, $0xb8;
	v63 =	vld [tilespmem:$0x0]  }
0xcf: {  	_ =	swait.ge [sflag:s13], $0x8000  }
0xd0: {  	[sflag:s13] =	ssyncset.done $0x0  }
0xd1: {  	s29 =	simm.s32 $0xC00;
	[sflag:s13] =	ssyncadd.s32 $0xFFFF8000  }
0xd2: {  	[tilespmem:s9], [sflag:$0x3] =	stream.indirect.gather [hbm4b:s30+s8], $0x40, s29, s8, $0xb8;
	v63 =	vld [tilespmem:$0x0]  }
0xd3: {  	_ =	swait.ge [sflag:s10], $0x8000  }
0xd4: {  	[sflag:s10] =	ssyncset.done $0x0  }
0xd5: {  	s17 =	simm.s32 $0x1C00;
	[sflag:s10] =	ssyncadd.s32 $0xFFFF8000  }
0xd6: {  	[spmem:s26] =	stream.indirect.scatter.add.f32 [tilespmem:s9], [sflag:$0x1], $0x40, s17, s8, $0xb8;
	v63 =	vld [tilespmem:$0x0]  }
0xd7: {  	_ =	swait.ge [sflag:s16], $0x8000  }
0xd8: {  	[sflag:s16] =	ssyncset.done $0x0  }
0xd9: {  	s7 =	simm.s32 $0xE00;
	[sflag:s16] =	ssyncadd.s32 $0xFFFF8000  }
0xda: {  	[tilespmem:s11], [sflag:$0x3] =	stream.indirect.gather [hbm4b:s30+s8], $0x40, s7, s8, $0xb8;
	v63 =	vld [tilespmem:$0x0]  }
0xdb: {  	_ =	swait.ge [sflag:s10], $0x8000  }
0xdc: {  	[sflag:s10] =	ssyncset.done $0x0  }
0xdd: {  	s15 =	simm.s32 $0x1E00;
	[sflag:s10] =	ssyncadd.s32 $0xFFFF8000  }
0xde: {  	[spmem:s26] =	stream.indirect.scatter.add.f32 [tilespmem:s11], [sflag:$0x2], $0x40, s15, s8, $0xb8;
	v63 =	vld [tilespmem:$0x0]  }
0xdf: {  	_ =	swait.ge [sflag:s13], $0x8000  }
0xe0: {  	[sflag:s13] =	ssyncset.done $0x0  }
0xe1: {  	[sflag:s13] =	ssyncadd.s32 $0xFFFF8000  }
0xe2: {  	_ =	swait.ge [sflag:s16], $0x8000  }
0xe3: {  	[sflag:s16] =	ssyncset.done $0x0  }
0xe4: {  	[sflag:s16] =	ssyncadd.s32 $0xFFFF8000  }
0xe5: {  	[bflag:$0x0] =	sbarrier.arrive $0xFFFF  }
0xe6: {  	[tilespmem:s4], [sflag:$0x4] =	stream.linear.gather [spmem:s24], $0x2000, $0x38;
	v63 =	vld [tilespmem:$0x0]  }
0xe7: {  	_ =	swait.ge [sflag:s6], $0x2000  }
0xe8: {  	[sflag:s6] =	ssyncset.done $0x0  }
0xe9: {  	s22 =	rddreg [dreg:$0x7];
	[sflag:s6] =	ssyncadd.s32 $0xFFFFE000  }
0xea: {  	[hbm4b:s22+s1] =	stream.linear.scatter [tilespmem:s4], [sflag:$0x4], $0x2000, $0x38;
	v63 =	vld [tilespmem:$0x0]  }
0xeb: {  	_ =	swait.ge [sflag:s6], $0x2000  }
0xec: {  	[sflag:s6] =	ssyncset.done $0x0  }
0xed: {  	[sflag:s6] =	ssyncadd.s32 $0xFFFFE000  }
0xee: {  	[tilespmem:s4], [sflag:$0x4] =	stream.linear.gather [spmem:s0], $0x2000, $0x38;
	v63 =	vld [tilespmem:$0x0]  }
0xef: {  	_ =	swait.ge [sflag:s6], $0x2000  }
0xf0: {  	[sflag:s6] =	ssyncset.done $0x0  }
0xf1: {  	s23 =	rddreg [dreg:$0x8];
	[sflag:s6] =	ssyncadd.s32 $0xFFFFE000  }
0xf2: {  	[hbm4b:s23+s1] =	stream.linear.scatter [tilespmem:s4], [sflag:$0x4], $0x2000, $0x38;
	v63 =	vld [tilespmem:$0x0]  }
0xf3: {  	_ =	swait.ge [sflag:s6], $0x2000  }
0xf4: {  	[sflag:s6] =	ssyncset.done $0x0  }
0xf5: {  	[sflag:s6] =	ssyncadd.s32 $0xFFFFE000  }
0xf6: {  	[tilespmem:s4], [sflag:$0x4] =	stream.linear.gather [spmem:s2], $0x2000, $0x38;
	v63 =	vld [tilespmem:$0x0]  }
0xf7: {  	_ =	swait.ge [sflag:s6], $0x2000  }
0xf8: {  	[sflag:s6] =	ssyncset.done $0x0  }
0xf9: {  	s25 =	rddreg [dreg:$0x9];
	[sflag:s6] =	ssyncadd.s32 $0xFFFFE000  }
0xfa: {  	[hbm4b:s25+s1] =	stream.linear.scatter [tilespmem:s4], [sflag:$0x4], $0x2000, $0x38;
	v63 =	vld [tilespmem:$0x0]  }
0xfb: {  	_ =	swait.ge [sflag:s6], $0x2000  }
0xfc: {  	[sflag:s6] =	ssyncset.done $0x0  }
0xfd: {  	[sflag:s6] =	ssyncadd.s32 $0xFFFFE000  }
0xfe: {  	[tilespmem:s4], [sflag:$0x4] =	stream.linear.gather [spmem:s3], $0x2000, $0x38;
	v63 =	vld [tilespmem:$0x0]  }
0xff: {  	_ =	swait.ge [sflag:s6], $0x2000  }
0x100: {  	[sflag:s6] =	ssyncset.done $0x0  }
0x101: {  	s28 =	rddreg [dreg:$0x10];
	[sflag:s6] =	ssyncadd.s32 $0xFFFFE000  }
0x102: {  	[hbm4b:s28+s1] =	stream.linear.scatter [tilespmem:s4], [sflag:$0x4], $0x2000, $0x38;
	v63 =	vld [tilespmem:$0x0]  }
0x103: {  	_ =	swait.ge [sflag:s6], $0x2000  }
0x104: {  	[sflag:s6] =	ssyncset.done $0x0  }
0x105: {  	[sflag:s6] =	ssyncadd.s32 $0xFFFFE000  }
0x106: {  	[tilespmem:s4], [sflag:$0x4] =	stream.linear.gather [spmem:s12], $0x2000, $0x38;
	v63 =	vld [tilespmem:$0x0]  }
0x107: {  	_ =	swait.ge [sflag:s6], $0x2000  }
0x108: {  	[sflag:s6] =	ssyncset.done $0x0  }
0x109: {  	s29 =	rddreg [dreg:$0x11];
	[sflag:s6] =	ssyncadd.s32 $0xFFFFE000  }
0x10a: {  	[hbm4b:s29+s1] =	stream.linear.scatter [tilespmem:s4], [sflag:$0x4], $0x2000, $0x38;
	v63 =	vld [tilespmem:$0x0]  }
0x10b: {  	_ =	swait.ge [sflag:s6], $0x2000  }
0x10c: {  	[sflag:s6] =	ssyncset.done $0x0  }
0x10d: {  	[sflag:s6] =	ssyncadd.s32 $0xFFFFE000  }
0x10e: {  	[bflag:$0x0] =	sbarrier.arrive $0xFFFF  }
0x10f: {  	[spmem:s24] =	stream.linear.scatter [tilespmem:s5], [sflag:$0x4], $0x2000, $0x38;
	v63 =	vld [tilespmem:$0x0]  }
0x110: {  	_ =	swait.ge [sflag:s6], $0x2000  }
0x111: {  	[sflag:s6] =	ssyncset.done $0x0  }
0x112: {  	[sflag:s6] =	ssyncadd.s32 $0xFFFFE000  }
0x113: {  	[spmem:s0] =	stream.linear.scatter [tilespmem:s5], [sflag:$0x4], $0x2000, $0x38;
	v63 =	vld [tilespmem:$0x0]  }
0x114: {  	_ =	swait.ge [sflag:s6], $0x2000  }
0x115: {  	[sflag:s6] =	ssyncset.done $0x0  }
0x116: {  	[sflag:s6] =	ssyncadd.s32 $0xFFFFE000  }
0x117: {  	[spmem:s2] =	stream.linear.scatter [tilespmem:s5], [sflag:$0x4], $0x2000, $0x38;
	v63 =	vld [tilespmem:$0x0]  }
0x118: {  	_ =	swait.ge [sflag:s6], $0x2000  }
0x119: {  	[sflag:s6] =	ssyncset.done $0x0  }
0x11a: {  	[sflag:s6] =	ssyncadd.s32 $0xFFFFE000  }
0x11b: {  	[spmem:s3] =	stream.linear.scatter [tilespmem:s5], [sflag:$0x4], $0x2000, $0x38;
	v63 =	vld [tilespmem:$0x0]  }
0x11c: {  	_ =	swait.ge [sflag:s6], $0x2000  }
0x11d: {  	[sflag:s6] =	ssyncset.done $0x0  }
0x11e: {  	[sflag:s6] =	ssyncadd.s32 $0xFFFFE000  }
0x11f: {  	[spmem:s12] =	stream.linear.scatter [tilespmem:s5], [sflag:$0x4], $0x2000, $0x38;
	v63 =	vld [tilespmem:$0x0]  }
0x120: {  	_ =	swait.ge [sflag:s6], $0x2000  }
0x121: {  	[sflag:s6] =	ssyncset.done $0x0  }
0x122: {  	[sflag:s6] =	ssyncadd.s32 $0xFFFFE000  }
0x123: {  	[bflag:$0x0] =	sbarrier.arrive $0xFFFF  }
0x124: {  	s7 =	rddreg [dreg:$0xa]  }
0x125: {  	[tilespmem:s1], [sflag:$0x4] =	stream.linear.gather [hbm4b:s7+s1], $0x1000, $0x38;
	v63 =	vld [tilespmem:$0x0]  }
0x126: {  	_ =	swait.ge [sflag:s6], $0x1000  }
0x127: {  	[sflag:s6] =	ssyncset.done $0x0  }
0x128: {  	s15 =	rddreg [dreg:$0xb];
	[sflag:s6] =	ssyncadd.s32 $0xFFFFF000  }
0x129: {  	[tilespmem:s31], [sflag:$0x4] =	stream.linear.gather [hbm4b:s15+s1], $0x1000, $0x38;
	v63 =	vld [tilespmem:$0x0]  }
0x12a: {  	_ =	swait.ge [sflag:s6], $0x1000  }
0x12b: {  	[sflag:s6] =	ssyncset.done $0x0  }
0x12c: {  	[sflag:s6] =	ssyncadd.s32 $0xFFFFF000  }
0x12d: {  	[tilespmem:s9], [sflag:$0x3] =	stream.indirect.gather [hbm4b:s30+s8], $0x40, s1, s8, $0xb8;
	v63 =	vld [tilespmem:$0x0]  }
0x12e: {  	_ =	swait.ge [sflag:s10], $0x8000  }
0x12f: {  	[sflag:s10] =	ssyncset.done $0x0  }
0x130: {  	[sflag:s10] =	ssyncadd.s32 $0xFFFF8000  }
0x131: {  	[spmem:s26] =	stream.indirect.scatter.add.f32 [tilespmem:s9], [sflag:$0x1], $0x40, s31, s8, $0xb8;
	v63 =	vld [tilespmem:$0x0]  }
0x132: {  	_ = 	snop  }
0x133: {  	[tilespmem:s11], [sflag:$0x3] =	stream.indirect.gather [hbm4b:s30+s8], $0x40, s8, s8, $0xb8;
	v63 =	vld [tilespmem:$0x0]  }
0x134: {  	_ =	swait.ge [sflag:s10], $0x8000  }
0x135: {  	[sflag:s10] =	ssyncset.done $0x0  }
0x136: {  	s7 =	simm.s32 $0x1200;
	[sflag:s10] =	ssyncadd.s32 $0xFFFF8000  }
0x137: {  	[spmem:s26] =	stream.indirect.scatter.add.f32 [tilespmem:s11], [sflag:$0x2], $0x40, s7, s8, $0xb8;
	v63 =	vld [tilespmem:$0x0]  }
0x138: {  	_ =	swait.ge [sflag:s13], $0x8000  }
0x139: {  	[sflag:s13] =	ssyncset.done $0x0  }
0x13a: {  	s18 =	simm.s32 $0x400;
	[sflag:s13] =	ssyncadd.s32 $0xFFFF8000  }
0x13b: {  	[tilespmem:s9], [sflag:$0x3] =	stream.indirect.gather [hbm4b:s30+s8], $0x40, s18, s8, $0xb8;
	v63 =	vld [tilespmem:$0x0]  }
0x13c: {  	_ =	swait.ge [sflag:s10], $0x8000  }
0x13d: {  	[sflag:s10] =	ssyncset.done $0x0  }
0x13e: {  	s20 =	simm.s32 $0x1400;
	[sflag:s10] =	ssyncadd.s32 $0xFFFF8000  }
0x13f: {  	[spmem:s26] =	stream.indirect.scatter.add.f32 [tilespmem:s9], [sflag:$0x1], $0x40, s20, s8, $0xb8;
	v63 =	vld [tilespmem:$0x0]  }
0x140: {  	_ =	swait.ge [sflag:s16], $0x8000  }
0x141: {  	[sflag:s16] =	ssyncset.done $0x0  }
0x142: {  	s15 =	simm.s32 $0x600;
	[sflag:s16] =	ssyncadd.s32 $0xFFFF8000  }
0x143: {  	[tilespmem:s11], [sflag:$0x3] =	stream.indirect.gather [hbm4b:s30+s8], $0x40, s15, s8, $0xb8;
	v63 =	vld [tilespmem:$0x0]  }
0x144: {  	_ =	swait.ge [sflag:s10], $0x8000  }
0x145: {  	[sflag:s10] =	ssyncset.done $0x0  }
0x146: {  	s21 =	simm.s32 $0x1600;
	[sflag:s10] =	ssyncadd.s32 $0xFFFF8000  }
0x147: {  	[spmem:s26] =	stream.indirect.scatter.add.f32 [tilespmem:s11], [sflag:$0x2], $0x40, s21, s8, $0xb8;
	v63 =	vld [tilespmem:$0x0]  }
0x148: {  	_ =	swait.ge [sflag:s13], $0x8000  }
0x149: {  	[sflag:s13] =	ssyncset.done $0x0  }
0x14a: {  	s22 =	simm.s32 $0x800;
	[sflag:s13] =	ssyncadd.s32 $0xFFFF8000  }
0x14b: {  	[tilespmem:s9], [sflag:$0x3] =	stream.indirect.gather [hbm4b:s30+s8], $0x40, s22, s8, $0xb8;
	v63 =	vld [tilespmem:$0x0]  }
0x14c: {  	_ =	swait.ge [sflag:s10], $0x8000  }
0x14d: {  	[sflag:s10] =	ssyncset.done $0x0  }
0x14e: {  	s23 =	simm.s32 $0x1800;
	[sflag:s10] =	ssyncadd.s32 $0xFFFF8000  }
0x14f: {  	[spmem:s26] =	stream.indirect.scatter.add.f32 [tilespmem:s9], [sflag:$0x1], $0x40, s23, s8, $0xb8;
	v63 =	vld [tilespmem:$0x0]  }
0x150: {  	_ =	swait.ge [sflag:s16], $0x8000  }
0x151: {  	[sflag:s16] =	ssyncset.done $0x0  }
0x152: {  	s25 =	simm.s32 $0xA00;
	[sflag:s16] =	ssyncadd.s32 $0xFFFF8000  }
0x153: {  	[tilespmem:s11], [sflag:$0x3] =	stream.indirect.gather [hbm4b:s30+s8], $0x40, s25, s8, $0xb8;
	v63 =	vld [tilespmem:$0x0]  }
0x154: {  	_ =	swait.ge [sflag:s10], $0x8000  }
0x155: {  	[sflag:s10] =	ssyncset.done $0x0  }
0x156: {  	s28 =	simm.s32 $0x1A00;
	[sflag:s10] =	ssyncadd.s32 $0xFFFF8000  }
0x157: {  	[spmem:s26] =	stream.indirect.scatter.add.f32 [tilespmem:s11], [sflag:$0x2], $0x40, s28, s8, $0xb8;
	v63 =	vld [tilespmem:$0x0]  }
0x158: {  	_ =	swait.ge [sflag:s13], $0x8000  }
0x159: {  	[sflag:s13] =	ssyncset.done $0x0  }
0x15a: {  	s29 =	simm.s32 $0xC00;
	[sflag:s13] =	ssyncadd.s32 $0xFFFF8000  }
0x15b: {  	[tilespmem:s9], [sflag:$0x3] =	stream.indirect.gather [hbm4b:s30+s8], $0x40, s29, s8, $0xb8;
	v63 =	vld [tilespmem:$0x0]  }
0x15c: {  	_ =	swait.ge [sflag:s10], $0x8000  }
0x15d: {  	[sflag:s10] =	ssyncset.done $0x0  }
0x15e: {  	s19 =	simm.s32 $0x1C00;
	[sflag:s10] =	ssyncadd.s32 $0xFFFF8000  }
0x15f: {  	[spmem:s26] =	stream.indirect.scatter.add.f32 [tilespmem:s9], [sflag:$0x1], $0x40, s19, s8, $0xb8;
	v63 =	vld [tilespmem:$0x0]  }
0x160: {  	_ =	swait.ge [sflag:s16], $0x8000  }
0x161: {  	[sflag:s16] =	ssyncset.done $0x0  }
0x162: {  	s17 =	simm.s32 $0xE00;
	[sflag:s16] =	ssyncadd.s32 $0xFFFF8000  }
0x163: {  	[tilespmem:s11], [sflag:$0x3] =	stream.indirect.gather [hbm4b:s30+s8], $0x40, s17, s8, $0xb8;
	v63 =	vld [tilespmem:$0x0]  }
0x164: {  	_ =	swait.ge [sflag:s10], $0x8000  }
0x165: {  	[sflag:s10] =	ssyncset.done $0x0  }
0x166: {  	s17 =	simm.s32 $0x1E00;
	[sflag:s10] =	ssyncadd.s32 $0xFFFF8000  }
0x167: {  	[spmem:s26] =	stream.indirect.scatter.add.f32 [tilespmem:s11], [sflag:$0x2], $0x40, s17, s8, $0xb8;
	v63 =	vld [tilespmem:$0x0]  }
0x168: {  	_ =	swait.ge [sflag:s13], $0x8000  }
0x169: {  	[sflag:s13] =	ssyncset.done $0x0  }
0x16a: {  	[sflag:s13] =	ssyncadd.s32 $0xFFFF8000  }
0x16b: {  	_ =	swait.ge [sflag:s16], $0x8000  }
0x16c: {  	[sflag:s16] =	ssyncset.done $0x0  }
0x16d: {  	s14 =	rddreg [dreg:$0xc];
	[sflag:s16] =	ssyncadd.s32 $0xFFFF8000  }
0x16e: {  	[tilespmem:s1], [sflag:$0x4] =	stream.linear.gather [hbm4b:s14+s1], $0x1000, $0x38;
	v63 =	vld [tilespmem:$0x0]  }
0x16f: {  	_ =	swait.ge [sflag:s6], $0x1000  }
0x170: {  	[sflag:s6] =	ssyncset.done $0x0  }
0x171: {  	s14 =	rddreg [dreg:$0xd];
	[sflag:s6] =	ssyncadd.s32 $0xFFFFF000  }
0x172: {  	[tilespmem:s31], [sflag:$0x4] =	stream.linear.gather [hbm4b:s14+s1], $0x1000, $0x38;
	v63 =	vld [tilespmem:$0x0]  }
0x173: {  	_ =	swait.ge [sflag:s6], $0x1000  }
0x174: {  	[sflag:s6] =	ssyncset.done $0x0  }
0x175: {  	[sflag:s6] =	ssyncadd.s32 $0xFFFFF000  }
0x176: {  	[tilespmem:s9], [sflag:$0x3] =	stream.indirect.gather [hbm4b:s30+s8], $0x40, s1, s8, $0xb8;
	v63 =	vld [tilespmem:$0x0]  }
0x177: {  	_ =	swait.ge [sflag:s10], $0x8000  }
0x178: {  	[sflag:s10] =	ssyncset.done $0x0  }
0x179: {  	[sflag:s10] =	ssyncadd.s32 $0xFFFF8000  }
0x17a: {  	[spmem:s26] =	stream.indirect.scatter.add.f32 [tilespmem:s9], [sflag:$0x1], $0x40, s31, s8, $0xb8;
	v63 =	vld [tilespmem:$0x0]  }
0x17b: {  	_ = 	snop  }
0x17c: {  	[tilespmem:s11], [sflag:$0x3] =	stream.indirect.gather [hbm4b:s30+s8], $0x40, s8, s8, $0xb8;
	v63 =	vld [tilespmem:$0x0]  }
0x17d: {  	_ =	swait.ge [sflag:s10], $0x8000  }
0x17e: {  	[sflag:s10] =	ssyncset.done $0x0  }
0x17f: {  	[sflag:s10] =	ssyncadd.s32 $0xFFFF8000  }
0x180: {  	[spmem:s26] =	stream.indirect.scatter.add.f32 [tilespmem:s11], [sflag:$0x2], $0x40, s7, s8, $0xb8;
	v63 =	vld [tilespmem:$0x0]  }
0x181: {  	_ =	swait.ge [sflag:s13], $0x8000  }
0x182: {  	[sflag:s13] =	ssyncset.done $0x0  }
0x183: {  	s18 =	simm.s32 $0x400;
	[sflag:s13] =	ssyncadd.s32 $0xFFFF8000  }
0x184: {  	[tilespmem:s9], [sflag:$0x3] =	stream.indirect.gather [hbm4b:s30+s8], $0x40, s18, s8, $0xb8;
	v63 =	vld [tilespmem:$0x0]  }
0x185: {  	_ =	swait.ge [sflag:s10], $0x8000  }
0x186: {  	[sflag:s10] =	ssyncset.done $0x0  }
0x187: {  	[sflag:s10] =	ssyncadd.s32 $0xFFFF8000  }
0x188: {  	[spmem:s26] =	stream.indirect.scatter.add.f32 [tilespmem:s9], [sflag:$0x1], $0x40, s20, s8, $0xb8;
	v63 =	vld [tilespmem:$0x0]  }
0x189: {  	_ =	swait.ge [sflag:s16], $0x8000  }
0x18a: {  	[sflag:s16] =	ssyncset.done $0x0  }
0x18b: {  	[sflag:s16] =	ssyncadd.s32 $0xFFFF8000  }
0x18c: {  	[tilespmem:s11], [sflag:$0x3] =	stream.indirect.gather [hbm4b:s30+s8], $0x40, s15, s8, $0xb8;
	v63 =	vld [tilespmem:$0x0]  }
0x18d: {  	_ =	swait.ge [sflag:s10], $0x8000  }
0x18e: {  	[sflag:s10] =	ssyncset.done $0x0  }
0x18f: {  	[sflag:s10] =	ssyncadd.s32 $0xFFFF8000  }
0x190: {  	[spmem:s26] =	stream.indirect.scatter.add.f32 [tilespmem:s11], [sflag:$0x2], $0x40, s21, s8, $0xb8;
	v63 =	vld [tilespmem:$0x0]  }
0x191: {  	_ =	swait.ge [sflag:s13], $0x8000  }
0x192: {  	[sflag:s13] =	ssyncset.done $0x0  }
0x193: {  	[sflag:s13] =	ssyncadd.s32 $0xFFFF8000  }
0x194: {  	[tilespmem:s9], [sflag:$0x3] =	stream.indirect.gather [hbm4b:s30+s8], $0x40, s22, s8, $0xb8;
	v63 =	vld [tilespmem:$0x0]  }
0x195: {  	_ =	swait.ge [sflag:s10], $0x8000  }
0x196: {  	[sflag:s10] =	ssyncset.done $0x0  }
0x197: {  	[sflag:s10] =	ssyncadd.s32 $0xFFFF8000  }
0x198: {  	[spmem:s26] =	stream.indirect.scatter.add.f32 [tilespmem:s9], [sflag:$0x1], $0x40, s23, s8, $0xb8;
	v63 =	vld [tilespmem:$0x0]  }
0x199: {  	_ =	swait.ge [sflag:s16], $0x8000  }
0x19a: {  	[sflag:s16] =	ssyncset.done $0x0  }
0x19b: {  	[sflag:s16] =	ssyncadd.s32 $0xFFFF8000  }
0x19c: {  	[tilespmem:s11], [sflag:$0x3] =	stream.indirect.gather [hbm4b:s30+s8], $0x40, s25, s8, $0xb8;
	v63 =	vld [tilespmem:$0x0]  }
0x19d: {  	_ =	swait.ge [sflag:s10], $0x8000  }
0x19e: {  	[sflag:s10] =	ssyncset.done $0x0  }
0x19f: {  	[sflag:s10] =	ssyncadd.s32 $0xFFFF8000  }
0x1a0: {  	[spmem:s26] =	stream.indirect.scatter.add.f32 [tilespmem:s11], [sflag:$0x2], $0x40, s28, s8, $0xb8;
	v63 =	vld [tilespmem:$0x0]  }
0x1a1: {  	_ =	swait.ge [sflag:s13], $0x8000  }
0x1a2: {  	[sflag:s13] =	ssyncset.done $0x0  }
0x1a3: {  	[sflag:s13] =	ssyncadd.s32 $0xFFFF8000  }
0x1a4: {  	[tilespmem:s9], [sflag:$0x3] =	stream.indirect.gather [hbm4b:s30+s8], $0x40, s29, s8, $0xb8;
	v63 =	vld [tilespmem:$0x0]  }
0x1a5: {  	_ =	swait.ge [sflag:s10], $0x8000  }
0x1a6: {  	[sflag:s10] =	ssyncset.done $0x0  }
0x1a7: {  	[sflag:s10] =	ssyncadd.s32 $0xFFFF8000  }
0x1a8: {  	[spmem:s26] =	stream.indirect.scatter.add.f32 [tilespmem:s9], [sflag:$0x1], $0x40, s19, s8, $0xb8;
	v63 =	vld [tilespmem:$0x0]  }
0x1a9: {  	_ =	swait.ge [sflag:s16], $0x8000  }
0x1aa: {  	[sflag:s16] =	ssyncset.done $0x0  }
0x1ab: {  	s18 =	simm.s32 $0xE00;
	[sflag:s16] =	ssyncadd.s32 $0xFFFF8000  }
0x1ac: {  	[tilespmem:s11], [sflag:$0x3] =	stream.indirect.gather [hbm4b:s30+s8], $0x40, s18, s8, $0xb8;
	v63 =	vld [tilespmem:$0x0]  }
0x1ad: {  	_ =	swait.ge [sflag:s10], $0x8000  }
0x1ae: {  	[sflag:s10] =	ssyncset.done $0x0  }
0x1af: {  	[sflag:s10] =	ssyncadd.s32 $0xFFFF8000  }
0x1b0: {  	[spmem:s26] =	stream.indirect.scatter.add.f32 [tilespmem:s11], [sflag:$0x2], $0x40, s17, s8, $0xb8;
	v63 =	vld [tilespmem:$0x0]  }
0x1b1: {  	_ =	swait.ge [sflag:s13], $0x8000  }
0x1b2: {  	[sflag:s13] =	ssyncset.done $0x0  }
0x1b3: {  	[sflag:s13] =	ssyncadd.s32 $0xFFFF8000  }
0x1b4: {  	_ =	swait.ge [sflag:s16], $0x8000  }
0x1b5: {  	[sflag:s16] =	ssyncset.done $0x0  }
0x1b6: {  	[sflag:s16] =	ssyncadd.s32 $0xFFFF8000  }
0x1b7: {  	[bflag:$0x0] =	sbarrier.arrive $0xFFFF  }
0x1b8: {  	[tilespmem:s4], [sflag:$0x4] =	stream.linear.gather [spmem:s24], $0x2000, $0x38;
	v63 =	vld [tilespmem:$0x0]  }
0x1b9: {  	_ =	swait.ge [sflag:s6], $0x2000  }
0x1ba: {  	[sflag:s6] =	ssyncset.done $0x0  }
0x1bb: {  	s14 =	rddreg [dreg:$0x12];
	[sflag:s6] =	ssyncadd.s32 $0xFFFFE000  }
0x1bc: {  	[hbm4b:s14+s1] =	stream.linear.scatter [tilespmem:s4], [sflag:$0x4], $0x2000, $0x38;
	v63 =	vld [tilespmem:$0x0]  }
0x1bd: {  	_ =	swait.ge [sflag:s6], $0x2000  }
0x1be: {  	[sflag:s6] =	ssyncset.done $0x0  }
0x1bf: {  	[sflag:s6] =	ssyncadd.s32 $0xFFFFE000  }
0x1c0: {  	[tilespmem:s4], [sflag:$0x4] =	stream.linear.gather [spmem:s0], $0x2000, $0x38;
	v63 =	vld [tilespmem:$0x0]  }
0x1c1: {  	_ =	swait.ge [sflag:s6], $0x2000  }
0x1c2: {  	[sflag:s6] =	ssyncset.done $0x0  }
0x1c3: {  	s14 =	rddreg [dreg:$0x13];
	[sflag:s6] =	ssyncadd.s32 $0xFFFFE000  }
0x1c4: {  	[hbm4b:s14+s1] =	stream.linear.scatter [tilespmem:s4], [sflag:$0x4], $0x2000, $0x38;
	v63 =	vld [tilespmem:$0x0]  }
0x1c5: {  	_ =	swait.ge [sflag:s6], $0x2000  }
0x1c6: {  	[sflag:s6] =	ssyncset.done $0x0  }
0x1c7: {  	[sflag:s6] =	ssyncadd.s32 $0xFFFFE000  }
0x1c8: {  	[tilespmem:s4], [sflag:$0x4] =	stream.linear.gather [spmem:s2], $0x2000, $0x38;
	v63 =	vld [tilespmem:$0x0]  }
0x1c9: {  	_ =	swait.ge [sflag:s6], $0x2000  }
0x1ca: {  	[sflag:s6] =	ssyncset.done $0x0  }
0x1cb: {  	s14 =	rddreg [dreg:$0x14];
	[sflag:s6] =	ssyncadd.s32 $0xFFFFE000  }
0x1cc: {  	[hbm4b:s14+s1] =	stream.linear.scatter [tilespmem:s4], [sflag:$0x4], $0x2000, $0x38;
	v63 =	vld [tilespmem:$0x0]  }
0x1cd: {  	_ =	swait.ge [sflag:s6], $0x2000  }
0x1ce: {  	[sflag:s6] =	ssyncset.done $0x0  }
0x1cf: {  	[sflag:s6] =	ssyncadd.s32 $0xFFFFE000  }
0x1d0: {  	[tilespmem:s4], [sflag:$0x4] =	stream.linear.gather [spmem:s3], $0x2000, $0x38;
	v63 =	vld [tilespmem:$0x0]  }
0x1d1: {  	_ =	swait.ge [sflag:s6], $0x2000  }
0x1d2: {  	[sflag:s6] =	ssyncset.done $0x0  }
0x1d3: {  	s14 =	rddreg [dreg:$0x15];
	[sflag:s6] =	ssyncadd.s32 $0xFFFFE000  }
0x1d4: {  	[hbm4b:s14+s1] =	stream.linear.scatter [tilespmem:s4], [sflag:$0x4], $0x2000, $0x38;
	v63 =	vld [tilespmem:$0x0]  }
0x1d5: {  	_ =	swait.ge [sflag:s6], $0x2000  }
0x1d6: {  	[sflag:s6] =	ssyncset.done $0x0  }
0x1d7: {  	[sflag:s6] =	ssyncadd.s32 $0xFFFFE000  }
0x1d8: {  	[tilespmem:s4], [sflag:$0x4] =	stream.linear.gather [spmem:s12], $0x2000, $0x38;
	v63 =	vld [tilespmem:$0x0]  }
0x1d9: {  	_ =	swait.ge [sflag:s6], $0x2000  }
0x1da: {  	[sflag:s6] =	ssyncset.done $0x0  }
0x1db: {  	s14 =	rddreg [dreg:$0x16];
	[sflag:s6] =	ssyncadd.s32 $0xFFFFE000  }
0x1dc: {  	[hbm4b:s14+s1] =	stream.linear.scatter [tilespmem:s4], [sflag:$0x4], $0x2000, $0x38;
	v63 =	vld [tilespmem:$0x0]  }
0x1dd: {  	_ =	swait.ge [sflag:s6], $0x2000  }
0x1de: {  	[sflag:s6] =	ssyncset.done $0x0  }
0x1df: {  	[sflag:s6] =	ssyncadd.s32 $0xFFFFE000  }
0x1e0: {  	[bflag:$0x0] =	sbarrier.arrive $0xFFFF  }
0x1e1: {  	[spmem:s24] =	stream.linear.scatter [tilespmem:s5], [sflag:$0x4], $0x2000, $0x38;
	v63 =	vld [tilespmem:$0x0]  }
0x1e2: {  	_ =	swait.ge [sflag:s6], $0x2000  }
0x1e3: {  	[sflag:s6] =	ssyncset.done $0x0  }
0x1e4: {  	[sflag:s6] =	ssyncadd.s32 $0xFFFFE000  }
0x1e5: {  	[spmem:s0] =	stream.linear.scatter [tilespmem:s5], [sflag:$0x4], $0x2000, $0x38;
	v63 =	vld [tilespmem:$0x0]  }
0x1e6: {  	_ =	swait.ge [sflag:s6], $0x2000  }
0x1e7: {  	[sflag:s6] =	ssyncset.done $0x0  }
0x1e8: {  	[sflag:s6] =	ssyncadd.s32 $0xFFFFE000  }
0x1e9: {  	[spmem:s2] =	stream.linear.scatter [tilespmem:s5], [sflag:$0x4], $0x2000, $0x38;
	v63 =	vld [tilespmem:$0x0]  }
0x1ea: {  	_ =	swait.ge [sflag:s6], $0x2000  }
0x1eb: {  	[sflag:s6] =	ssyncset.done $0x0  }
0x1ec: {  	[sflag:s6] =	ssyncadd.s32 $0xFFFFE000  }
0x1ed: {  	[spmem:s3] =	stream.linear.scatter [tilespmem:s5], [sflag:$0x4], $0x2000, $0x38;
	v63 =	vld [tilespmem:$0x0]  }
0x1ee: {  	_ =	swait.ge [sflag:s6], $0x2000  }
0x1ef: {  	[sflag:s6] =	ssyncset.done $0x0  }
0x1f0: {  	[sflag:s6] =	ssyncadd.s32 $0xFFFFE000  }
0x1f1: {  	[spmem:s12] =	stream.linear.scatter [tilespmem:s5], [sflag:$0x4], $0x2000, $0x38;
	v63 =	vld [tilespmem:$0x0]  }
0x1f2: {  	_ =	swait.ge [sflag:s6], $0x2000  }
0x1f3: {  	[sflag:s6] =	ssyncset.done $0x0  }
0x1f4: {  	[sflag:s6] =	ssyncadd.s32 $0xFFFFE000  }
0x1f5: {  	[bflag:$0x0] =	sbarrier.arrive $0xFFFF  }
0x1f6: {  	s14 =	rddreg [dreg:$0xe]  }
0x1f7: {  	[tilespmem:s1], [sflag:$0x4] =	stream.linear.gather [hbm4b:s14+s1], $0x1000, $0x38;
	v63 =	vld [tilespmem:$0x0]  }
0x1f8: {  	_ =	swait.ge [sflag:s6], $0x1000  }
0x1f9: {  	[sflag:s6] =	ssyncset.done $0x0  }
0x1fa: {  	s14 =	rddreg [dreg:$0xf];
	[sflag:s6] =	ssyncadd.s32 $0xFFFFF000  }
0x1fb: {  	[tilespmem:s31], [sflag:$0x4] =	stream.linear.gather [hbm4b:s14+s1], $0x1000, $0x38;
	v63 =	vld [tilespmem:$0x0]  }
0x1fc: {  	_ =	swait.ge [sflag:s6], $0x1000  }
0x1fd: {  	[sflag:s6] =	ssyncset.done $0x0  }
0x1fe: {  	[sflag:s6] =	ssyncadd.s32 $0xFFFFF000  }
0x1ff: {  	[tilespmem:s9], [sflag:$0x3] =	stream.indirect.gather [hbm4b:s30+s8], $0x40, s1, s8, $0xb8;
	v63 =	vld [tilespmem:$0x0]  }
0x200: {  	_ =	swait.ge [sflag:s10], $0x8000  }
0x201: {  	[sflag:s10] =	ssyncset.done $0x0  }
0x202: {  	[sflag:s10] =	ssyncadd.s32 $0xFFFF8000  }
0x203: {  	[spmem:s26] =	stream.indirect.scatter.add.f32 [tilespmem:s9], [sflag:$0x1], $0x40, s31, s8, $0xb8;
	v63 =	vld [tilespmem:$0x0]  }
0x204: {  	_ = 	snop  }
0x205: {  	[tilespmem:s11], [sflag:$0x3] =	stream.indirect.gather [hbm4b:s30+s8], $0x40, s8, s8, $0xb8;
	v63 =	vld [tilespmem:$0x0]  }
0x206: {  	_ =	swait.ge [sflag:s10], $0x8000  }
0x207: {  	[sflag:s10] =	ssyncset.done $0x0  }
0x208: {  	s7 =	simm.s32 $0x1200;
	[sflag:s10] =	ssyncadd.s32 $0xFFFF8000  }
0x209: {  	[spmem:s26] =	stream.indirect.scatter.add.f32 [tilespmem:s11], [sflag:$0x2], $0x40, s7, s8, $0xb8;
	v63 =	vld [tilespmem:$0x0]  }
0x20a: {  	_ =	swait.ge [sflag:s13], $0x8000  }
0x20b: {  	[sflag:s13] =	ssyncset.done $0x0  }
0x20c: {  	s14 =	simm.s32 $0x400;
	[sflag:s13] =	ssyncadd.s32 $0xFFFF8000  }
0x20d: {  	[tilespmem:s9], [sflag:$0x3] =	stream.indirect.gather [hbm4b:s30+s8], $0x40, s14, s8, $0xb8;
	v63 =	vld [tilespmem:$0x0]  }
0x20e: {  	_ =	swait.ge [sflag:s10], $0x8000  }
0x20f: {  	[sflag:s10] =	ssyncset.done $0x0  }
0x210: {  	s20 =	simm.s32 $0x1400;
	[sflag:s10] =	ssyncadd.s32 $0xFFFF8000  }
0x211: {  	[spmem:s26] =	stream.indirect.scatter.add.f32 [tilespmem:s9], [sflag:$0x1], $0x40, s20, s8, $0xb8;
	v63 =	vld [tilespmem:$0x0]  }
0x212: {  	_ =	swait.ge [sflag:s16], $0x8000  }
0x213: {  	[sflag:s16] =	ssyncset.done $0x0  }
0x214: {  	s15 =	simm.s32 $0x600;
	[sflag:s16] =	ssyncadd.s32 $0xFFFF8000  }
0x215: {  	[tilespmem:s11], [sflag:$0x3] =	stream.indirect.gather [hbm4b:s30+s8], $0x40, s15, s8, $0xb8;
	v63 =	vld [tilespmem:$0x0]  }
0x216: {  	_ =	swait.ge [sflag:s10], $0x8000  }
0x217: {  	[sflag:s10] =	ssyncset.done $0x0  }
0x218: {  	s21 =	simm.s32 $0x1600;
	[sflag:s10] =	ssyncadd.s32 $0xFFFF8000  }
0x219: {  	[spmem:s26] =	stream.indirect.scatter.add.f32 [tilespmem:s11], [sflag:$0x2], $0x40, s21, s8, $0xb8;
	v63 =	vld [tilespmem:$0x0]  }
0x21a: {  	_ =	swait.ge [sflag:s13], $0x8000  }
0x21b: {  	[sflag:s13] =	ssyncset.done $0x0  }
0x21c: {  	s22 =	simm.s32 $0x800;
	[sflag:s13] =	ssyncadd.s32 $0xFFFF8000  }
0x21d: {  	[tilespmem:s9], [sflag:$0x3] =	stream.indirect.gather [hbm4b:s30+s8], $0x40, s22, s8, $0xb8;
	v63 =	vld [tilespmem:$0x0]  }
0x21e: {  	_ =	swait.ge [sflag:s10], $0x8000  }
0x21f: {  	[sflag:s10] =	ssyncset.done $0x0  }
0x220: {  	s23 =	simm.s32 $0x1800;
	[sflag:s10] =	ssyncadd.s32 $0xFFFF8000  }
0x221: {  	[spmem:s26] =	stream.indirect.scatter.add.f32 [tilespmem:s9], [sflag:$0x1], $0x40, s23, s8, $0xb8;
	v63 =	vld [tilespmem:$0x0]  }
0x222: {  	_ =	swait.ge [sflag:s16], $0x8000  }
0x223: {  	[sflag:s16] =	ssyncset.done $0x0  }
0x224: {  	s25 =	simm.s32 $0xA00;
	[sflag:s16] =	ssyncadd.s32 $0xFFFF8000  }
0x225: {  	[tilespmem:s11], [sflag:$0x3] =	stream.indirect.gather [hbm4b:s30+s8], $0x40, s25, s8, $0xb8;
	v63 =	vld [tilespmem:$0x0]  }
0x226: {  	_ =	swait.ge [sflag:s10], $0x8000  }
0x227: {  	[sflag:s10] =	ssyncset.done $0x0  }
0x228: {  	s28 =	simm.s32 $0x1A00;
	[sflag:s10] =	ssyncadd.s32 $0xFFFF8000  }
0x229: {  	[spmem:s26] =	stream.indirect.scatter.add.f32 [tilespmem:s11], [sflag:$0x2], $0x40, s28, s8, $0xb8;
	v63 =	vld [tilespmem:$0x0]  }
0x22a: {  	_ =	swait.ge [sflag:s13], $0x8000  }
0x22b: {  	[sflag:s13] =	ssyncset.done $0x0  }
0x22c: {  	s29 =	simm.s32 $0xC00;
	[sflag:s13] =	ssyncadd.s32 $0xFFFF8000  }
0x22d: {  	[tilespmem:s9], [sflag:$0x3] =	stream.indirect.gather [hbm4b:s30+s8], $0x40, s29, s8, $0xb8;
	v63 =	vld [tilespmem:$0x0]  }
0x22e: {  	_ =	swait.ge [sflag:s10], $0x8000  }
0x22f: {  	[sflag:s10] =	ssyncset.done $0x0  }
0x230: {  	s19 =	simm.s32 $0x1C00;
	[sflag:s10] =	ssyncadd.s32 $0xFFFF8000  }
0x231: {  	[spmem:s26] =	stream.indirect.scatter.add.f32 [tilespmem:s9], [sflag:$0x1], $0x40, s19, s8, $0xb8;
	v63 =	vld [tilespmem:$0x0]  }
0x232: {  	_ =	swait.ge [sflag:s16], $0x8000  }
0x233: {  	[sflag:s16] =	ssyncset.done $0x0  }
0x234: {  	s18 =	simm.s32 $0xE00;
	[sflag:s16] =	ssyncadd.s32 $0xFFFF8000  }
0x235: {  	[tilespmem:s11], [sflag:$0x3] =	stream.indirect.gather [hbm4b:s30+s8], $0x40, s18, s8, $0xb8;
	v63 =	vld [tilespmem:$0x0]  }
0x236: {  	_ =	swait.ge [sflag:s10], $0x8000  }
0x237: {  	[sflag:s10] =	ssyncset.done $0x0  }
0x238: {  	s17 =	simm.s32 $0x1E00;
	[sflag:s10] =	ssyncadd.s32 $0xFFFF8000  }
0x239: {  	[spmem:s26] =	stream.indirect.scatter.add.f32 [tilespmem:s11], [sflag:$0x2], $0x40, s17, s8, $0xb8;
	v63 =	vld [tilespmem:$0x0]  }
0x23a: {  	_ =	swait.ge [sflag:s13], $0x8000  }
0x23b: {  	[sflag:s13] =	ssyncset.done $0x0  }
0x23c: {  	[sflag:s13] =	ssyncadd.s32 $0xFFFF8000  }
0x23d: {  	_ =	swait.ge [sflag:s16], $0x8000  }
0x23e: {  	[sflag:s16] =	ssyncset.done $0x0  }
0x23f: {  	[sflag:s16] =	ssyncadd.s32 $0xFFFF8000  }
0x240: {  	[bflag:$0x0] =	sbarrier.arrive $0xFFFF  }
0x241: {  	[tilespmem:s4], [sflag:$0x4] =	stream.linear.gather [spmem:s24], $0x2000, $0x38;
	v63 =	vld [tilespmem:$0x0]  }
0x242: {  	_ =	swait.ge [sflag:s6], $0x2000  }
0x243: {  	[sflag:s6] =	ssyncset.done $0x0  }
0x244: {  	s21 =	rddreg [dreg:$0x17];
	[sflag:s6] =	ssyncadd.s32 $0xFFFFE000  }
0x245: {  	[hbm4b:s21+s1] =	stream.linear.scatter [tilespmem:s4], [sflag:$0x4], $0x2000, $0x38;
	v63 =	vld [tilespmem:$0x0]  }
0x246: {  	_ =	swait.ge [sflag:s6], $0x2000  }
0x247: {  	[sflag:s6] =	ssyncset.done $0x0  }
0x248: {  	[sflag:s6] =	ssyncadd.s32 $0xFFFFE000  }
0x249: {  	[tilespmem:s4], [sflag:$0x4] =	stream.linear.gather [spmem:s0], $0x2000, $0x38;
	v63 =	vld [tilespmem:$0x0]  }
0x24a: {  	_ =	swait.ge [sflag:s6], $0x2000  }
0x24b: {  	[sflag:s6] =	ssyncset.done $0x0  }
0x24c: {  	s22 =	rddreg [dreg:$0x18];
	[sflag:s6] =	ssyncadd.s32 $0xFFFFE000  }
0x24d: {  	[hbm4b:s22+s1] =	stream.linear.scatter [tilespmem:s4], [sflag:$0x4], $0x2000, $0x38;
	v63 =	vld [tilespmem:$0x0]  }
0x24e: {  	_ =	swait.ge [sflag:s6], $0x2000  }
0x24f: {  	[sflag:s6] =	ssyncset.done $0x0  }
0x250: {  	[sflag:s6] =	ssyncadd.s32 $0xFFFFE000  }
0x251: {  	[tilespmem:s4], [sflag:$0x4] =	stream.linear.gather [spmem:s2], $0x2000, $0x38;
	v63 =	vld [tilespmem:$0x0]  }
0x252: {  	_ =	swait.ge [sflag:s6], $0x2000  }
0x253: {  	[sflag:s6] =	ssyncset.done $0x0  }
0x254: {  	s23 =	rddreg [dreg:$0x19];
	[sflag:s6] =	ssyncadd.s32 $0xFFFFE000  }
0x255: {  	[hbm4b:s23+s1] =	stream.linear.scatter [tilespmem:s4], [sflag:$0x4], $0x2000, $0x38;
	v63 =	vld [tilespmem:$0x0]  }
0x256: {  	_ =	swait.ge [sflag:s6], $0x2000  }
0x257: {  	[sflag:s6] =	ssyncset.done $0x0  }
0x258: {  	[sflag:s6] =	ssyncadd.s32 $0xFFFFE000  }
0x259: {  	[tilespmem:s4], [sflag:$0x4] =	stream.linear.gather [spmem:s3], $0x2000, $0x38;
	v63 =	vld [tilespmem:$0x0]  }
0x25a: {  	_ =	swait.ge [sflag:s6], $0x2000  }
0x25b: {  	[sflag:s6] =	ssyncset.done $0x0  }
0x25c: {  	s24 =	rddreg [dreg:$0x1a];
	[sflag:s6] =	ssyncadd.s32 $0xFFFFE000  }
0x25d: {  	[hbm4b:s24+s1] =	stream.linear.scatter [tilespmem:s4], [sflag:$0x4], $0x2000, $0x38;
	v63 =	vld [tilespmem:$0x0]  }
0x25e: {  	_ =	swait.ge [sflag:s6], $0x2000  }
0x25f: {  	[sflag:s6] =	ssyncset.done $0x0  }
0x260: {  	[sflag:s6] =	ssyncadd.s32 $0xFFFFE000  }
0x261: {  	[tilespmem:s4], [sflag:$0x4] =	stream.linear.gather [spmem:s12], $0x2000, $0x38;
	v63 =	vld [tilespmem:$0x0]  }
0x262: {  	_ =	swait.ge [sflag:s6], $0x2000  }
0x263: {  	[sflag:s6] =	ssyncset.done $0x0  }
0x264: {  	s25 =	rddreg [dreg:$0x1b];
	[sflag:s6] =	ssyncadd.s32 $0xFFFFE000  }
0x265: {  	[hbm4b:s25+s1] =	stream.linear.scatter [tilespmem:s4], [sflag:$0x4], $0x2000, $0x38;
	v63 =	vld [tilespmem:$0x0]  }
0x266: {  	_ =	swait.ge [sflag:s6], $0x2000  }
0x267: {  	s28 =	sld [smem:$0x7FB];
	_ =	sdelay $0x2  }
0x268: {  	s29 =	rddreg [dreg:$0x1c];
	s0 =	sadd.s32 $0x1, s28  }
0x269: {  	p0 =	sne.s32 s0, s29  }
.Ltmp1:
0x26a: {  	_ = 	snop;
	(pc) =	sbr.rel @p0 .LBB2_1-.Ltmp1, $3  }
0x26b: {  	_ =	sdelay $0x1  }
0x26c: {  	[sflag:s6] =	ssyncset.done $0x0  }
0x26d: {  	[sflag:s6] =	ssyncadd.s32 $0xFFFFE000  }
0x26e: {  	_ =	sfence.sel $0x180000  }
0x26f: {  	[bflag:$0x0] =	sbarrier.arrive $0xFFFF  }
0x270: {  	_ =	strace $0x9000004A  }
0x271: {  	s0 =	stileid.u32;
	[bflag:$0x2] =	sbarrier.arrive $0xFFFF  }
0x272: {  	p0 =	sne.s32 s0, $0x0;
	s0 =	rddreg [dreg:$0x2]  }
0x273: {  	s0 =	sadd.s32 @!p0 $0x100000, s0  }
0x274: {  	[sflag:s0] =	ssyncadd.tile.s32 @!p0 $0x1;
	_ =	shalt  }
.Lfunc_end2:
_tile_overlayer_lowered:
.L_overlay_start_2:
0x275: {  	(tag) =	ssettag $0x2  }
0x276: {  	s0 =	rddreg [dreg:$0x0];
	s2 =	stileid.u32  }
0x277: {  	s1 =	rddreg [dreg:$0x1];
	p0 =	sne.s32 s2, $0x0  }
0x278: {  	s3 =	rddreg [dreg:$0x2];
	[bflag:$0x3] =	sbarrier.arrive $0xFFFF;
	s2 =	simm.s32 @!p0 $0x1C04  }
0x279: {  	[timem:s3], [sflag:s2] =	dma.local @!p0 [hbm:s0], s1  }
0x27a: {  	s0 =	simm.s32 @!p0 $0x4  }
0x27b: {  	_ =	swait.ge @!p0 [sflag:s0], s1  }
0x27c: {  	s1 =	ssub.s32 @!p0 $0x0, s1;
	[sflag:s0] =	ssyncset.done @!p0 $0x0  }
0x27d: {  	[sflag:s0] =	ssyncadd.s32 @!p0 s1  }
0x27e: {  	[bflag:$0x3] =	sbarrier.arrive $0xFFFF  }
0x27f: {  	_ =	shalt  }

</sc_bundles>
